<compile_context>
chip_gen: v7x
topology: tpu7x:2x2x1
jax: 0.10.2.dev20260603
libtpu: 0.0.44.dev20260713+nightly
codegen_flags: <defaults>
</compile_context>

<pallas_src>
import jax
import jax.numpy as jnp
from jax import lax
from jax.experimental import pallas as pl
from jax.experimental.pallas import tpu as pltpu
from jax.experimental.pallas import tpu_sc as plsc

B, H, W, Q, E = 16, 48, 48, 20, 32
N = B * H * W
HW = H * W
NBINS = 20
NW = 32
CELLS_PER_W = N // NW
CHUNK = 384
NCHUNK = CELLS_PER_W // CHUNK
GROUPS = CHUNK // 16


def _sc_coef_body(type_h, dir_h, res_h, rep_h, amt_h, n_h, w1_h, coef_h,
                  type_v, dir_v, res_v, rep_v, amt_v, n_v, w1_v, hist_v):
    wid = lax.axis_index("c") * 16 + lax.axis_index("s")
    lane = lax.iota(jnp.int32, 16)
    lane_q = lane * Q
    c18 = jnp.full((16,), 18, jnp.int32)
    c19 = jnp.full((16,), 19, jnp.int32)
    zeros16 = jnp.zeros((16,), jnp.float32)
    pltpu.sync_copy(w1_h, w1_v)
    w1qs = [plsc.load_gather(w1_v, [jnp.full((16,), q + 1, jnp.int32)])
            for q in range(Q)]
    for chunk in range(NCHUNK):
        cell_base = wid * CELLS_PER_W + chunk * CHUNK
        eb = cell_base * Q
        pltpu.sync_copy(type_h.at[pl.ds(eb, CHUNK * Q)], type_v)
        pltpu.sync_copy(dir_h.at[pl.ds(eb, CHUNK * Q)], dir_v)
        pltpu.sync_copy(res_h.at[pl.ds(eb, CHUNK * Q)], res_v)
        pltpu.sync_copy(rep_h.at[pl.ds(eb, CHUNK * Q)], rep_v)
        pltpu.sync_copy(amt_h.at[pl.ds(eb, CHUNK * Q)], amt_v)
        pltpu.sync_copy(n_h.at[pl.ds(eb, CHUNK * Q)], n_v)

        def zero_body(i, _):
            for r in range(NBINS):
                hist_v[r, pl.ds(i * 16, 16)] = zeros16
            return 0
        lax.fori_loop(0, GROUPS, zero_body, 0)

        def g_body(g, _):
            cell_vec = g * 16 + lane
            idx0 = g * (16 * Q) + lane_q
            for q in range(Q):
                idx = idx0 + q
                w1q = w1qs[q]
                tv = plsc.load_gather(type_v, [idx])
                plsc.addupdate_scatter(hist_v, [tv, cell_vec], w1q)
                dv = plsc.load_gather(dir_v, [idx])
                plsc.addupdate_scatter(hist_v, [dv + 6, cell_vec], w1q)
                rv = plsc.load_gather(res_v, [idx])
                plsc.addupdate_scatter(hist_v, [rv + 11, cell_vec], w1q)
                pv = plsc.load_gather(rep_v, [idx])
                plsc.addupdate_scatter(hist_v, [16 + (pv != 0).astype(jnp.int32),
                                                cell_vec], w1q)
                av = plsc.load_gather(amt_v, [idx])
                plsc.addupdate_scatter(hist_v, [c18, cell_vec], av * w1q)
                nv = plsc.load_gather(n_v, [idx])
                plsc.addupdate_scatter(hist_v, [c19, cell_vec], nv * w1q)
            return 0
        lax.fori_loop(0, GROUPS, g_body, 0)

        pltpu.sync_copy(hist_v, coef_h.at[:, pl.ds(cell_base, CHUNK)])


def _bf(x):
    return x.astype(jnp.bfloat16).astype(jnp.float32)


def _tc_body(ms_ref, coef_ref, mask_ref, par_ref, out_ref):
    b1 = par_ref[0]
    b2 = par_ref[1]
    hall = lax.dot_general(ms_ref[...], coef_ref[...], (((1,), (0,)), ((), ())),
                           preferred_element_type=jnp.float32,
                           precision=lax.Precision.HIGHEST)
    h = _bf(hall[0:E, :] + b1) * par_ref[2]
    h = h + _bf(hall[E:2 * E, :] + b1) * par_ref[3]
    h = h + _bf(hall[2 * E:3 * E, :] + b1) * par_ref[4]
    h = h + _bf(coef_ref[18:19, :] + b1) * par_ref[5]
    h = h + _bf(hall[3 * E:4 * E, :] + b1) * par_ref[6]
    h = h + _bf(coef_ref[19:20, :] + b1) * par_ref[7]
    h = h + b2
    h = jnp.where(h >= 0, h, 0.01 * h)
    out_ref[0] = h * mask_ref[0]


def kernel(unit_indicator, type, direction, resource, repeat, amount, n,
           type_table, dir_table, res_table, rep_table,
           conv1_w, conv1_b, conv2_w, conv2_b):
    type_f = type.reshape(-1)
    dir_f = direction.reshape(-1)
    res_f = resource.reshape(-1)
    rep_f = repeat.reshape(-1)
    amt_f = _bf(amount).reshape(-1)
    n_f = _bf(n).reshape(-1)
    w1_pad = jnp.pad(_bf(conv1_w), (1, 11))

    mesh = plsc.VectorSubcoreMesh(core_axis_name="c", subcore_axis_name="s")
    coef = pl.kernel(
        _sc_coef_body,
        out_type=jax.ShapeDtypeStruct((NBINS, N), jnp.float32),
        mesh=mesh,
        compiler_params=pltpu.CompilerParams(needs_layout_passes=False),
        scratch_types=[
            pltpu.VMEM((CHUNK * Q,), jnp.int32),
            pltpu.VMEM((CHUNK * Q,), jnp.int32),
            pltpu.VMEM((CHUNK * Q,), jnp.int32),
            pltpu.VMEM((CHUNK * Q,), jnp.int32),
            pltpu.VMEM((CHUNK * Q,), jnp.float32),
            pltpu.VMEM((CHUNK * Q,), jnp.float32),
            pltpu.VMEM((32,), jnp.float32),
            pltpu.VMEM((NBINS, CHUNK), jnp.float32),
        ],
    )(type_f, dir_f, res_f, rep_f, amt_f, n_f, w1_pad)

    ms = jnp.zeros((4 * E, NBINS), jnp.float32)
    ms = ms.at[0:E, 0:6].set(_bf(type_table).T)
    ms = ms.at[E:2 * E, 6:11].set(_bf(dir_table).T)
    ms = ms.at[2 * E:3 * E, 11:16].set(_bf(res_table).T)
    ms = ms.at[3 * E:4 * E, 16:18].set(_bf(rep_table).T)
    w2b = _bf(conv2_w)
    par = jnp.stack([conv1_b, conv2_b, w2b[0], w2b[1], w2b[2], w2b[3],
                     w2b[4], w2b[5]])
    mask_f = unit_indicator.reshape(B, 1, HW).astype(jnp.float32)

    out = pl.pallas_call(
        _tc_body,
        grid=(B,),
        in_specs=[
            pl.BlockSpec((4 * E, NBINS), lambda b: (0, 0)),
            pl.BlockSpec((NBINS, HW), lambda b: (0, b)),
            pl.BlockSpec((1, 1, HW), lambda b: (b, 0, 0)),
            pl.BlockSpec(memory_space=pltpu.SMEM),
        ],
        out_specs=pl.BlockSpec((1, E, HW), lambda b: (b, 0, 0)),
        out_shape=jax.ShapeDtypeStruct((B, E, HW), jnp.float32),
    )(ms, coef, mask_f, par)
    return out.reshape(B, E, H, W)

# --- scband reference (transcript-rebuilt; emitter-appended) ---
"""Pipeline reference for scband-action-preprocess-62423054680471 (READ-ONLY COPY).

The authoritative reference and input builder live on the scoring server;
editing this copy changes nothing except your own understanding.
"""

import jax, jax.numpy as jnp
import numpy as np

B, H, W, Q, E = 16, 48, 48, 20, 32
N_TYPE, N_DIR, N_RES, N_REP = 6, 5, 5, 2


def setup_inputs(seed: int = 0):
    key = jax.random.key(seed)
    ks = jax.random.split(key, 16)
    unit_indicator = jax.random.randint(ks[0], (B, H, W), 0, 2).astype(bool)
    type_ = jax.random.randint(ks[1], (B, H, W, Q), 0, N_TYPE)
    direction = jax.random.randint(ks[2], (B, H, W, Q), 0, N_DIR)
    resource = jax.random.randint(ks[3], (B, H, W, Q), 0, N_RES)
    repeat = jax.random.randint(ks[4], (B, H, W, Q), 0, 5)
    amount = jax.random.uniform(ks[5], (B, H, W, Q), dtype=jnp.float32)
    n = jax.random.uniform(ks[6], (B, H, W, Q), dtype=jnp.float32)
    type_table = jax.random.normal(ks[7], (N_TYPE, E), dtype=jnp.float32) * 0.02
    dir_table = jax.random.normal(ks[8], (N_DIR, E), dtype=jnp.float32) * 0.02
    res_table = jax.random.normal(ks[9], (N_RES, E), dtype=jnp.float32) * 0.02
    rep_table = jax.random.normal(ks[10], (N_REP, E), dtype=jnp.float32) * 0.02
    conv1_w = jax.random.normal(ks[11], (Q,), dtype=jnp.float32) * 0.1
    conv1_b = jax.random.normal(ks[12], (), dtype=jnp.float32) * 0.1
    conv2_w = jax.random.normal(ks[13], (6,), dtype=jnp.float32) * 0.1
    conv2_b = jax.random.normal(ks[14], (), dtype=jnp.float32) * 0.1
    return {
        'unit_indicator': unit_indicator, 'type': type_, 'direction': direction,
        'resource': resource, 'repeat': repeat, 'amount': amount, 'n': n,
        'type_table': type_table, 'dir_table': dir_table, 'res_table': res_table,
        'rep_table': rep_table, 'conv1_w': conv1_w, 'conv1_b': conv1_b,
        'conv2_w': conv2_w, 'conv2_b': conv2_b,
    }


def reference(unit_indicator, type, direction, resource, repeat, amount, n,
              type_table, dir_table, res_table, rep_table,
              conv1_w, conv1_b, conv2_w, conv2_b):
    # gather per-cell action queues and embed (SparseCore-style gathers), dense over grid
    t_emb = jnp.take(type_table, type, axis=0)                   # [B, H, W, Q, E]
    d_emb = jnp.take(dir_table, direction, axis=0)               # [B, H, W, Q, E]
    r_emb = jnp.take(res_table, resource, axis=0)                # [B, H, W, Q, E]
    rep_emb = jnp.take(rep_table, (repeat != 0).astype(jnp.int32), axis=0)  # [B, H, W, Q, E]
    amt_b = jnp.broadcast_to(amount[..., None], t_emb.shape)
    n_b = jnp.broadcast_to(n[..., None], t_emb.shape)
    emb = jnp.stack([t_emb, d_emb, r_emb, amt_b, rep_emb, n_b], axis=-1)  # [B, H, W, Q, E, 6]
    # Conv3d(1,1,(Q,1,1)): weighted sum over queue dim (cross-correlation, full window)
    h = jnp.einsum('bxyqek,q->bxyek', emb, conv1_w) + conv1_b    # [B, H, W, E, 6]
    # Conv3d(1,1,(1,1,6)): weighted sum over last dim
    h2 = jnp.einsum('bxyek,k->bxye', h, conv2_w) + conv2_b       # [B, H, W, E]
    out = jnp.where(h2 >= 0, h2, 0.01 * h2)                      # LeakyReLU(0.01)
    # mask-overwrite into the spatial map (zeros where no unit present)
    masked = jnp.where(unit_indicator[..., None], out,
                       jnp.zeros((), dtype=out.dtype))           # [B, H, W, E]
    map_emb = jnp.transpose(masked, (0, 3, 1, 2))                # [B, E, H, W]
    return map_emb

if __name__ == "__main__":
    import jax
    _d = setup_inputs()
    print(jax.jit(kernel)(*tuple(_d.values())))

</pallas_src>

<mosaic_0001>
#map = affine_map<(d0, d1) -> (0)>
#map1 = affine_map<(d0, d1) -> (0, 0)>
module attributes {stable_mosaic.version = 14 : i64} {
  func.func @_sc_coef_body(%arg0: i32, %arg1: i32, %arg2: memref<737280xi32, #tpu.memory_space<hbm>>, %arg3: memref<737280xi32, #tpu.memory_space<hbm>>, %arg4: memref<737280xi32, #tpu.memory_space<hbm>>, %arg5: memref<737280xi32, #tpu.memory_space<hbm>>, %arg6: memref<737280xf32, #tpu.memory_space<hbm>>, %arg7: memref<737280xf32, #tpu.memory_space<hbm>>, %arg8: memref<32xf32, #tpu.memory_space<hbm>>, %arg9: memref<20x36864xf32, #tpu.memory_space<hbm>>, %arg10: memref<7680xi32, #tpu.memory_space<vmem>>, %arg11: memref<7680xi32, #tpu.memory_space<vmem>>, %arg12: memref<7680xi32, #tpu.memory_space<vmem>>, %arg13: memref<7680xi32, #tpu.memory_space<vmem>>, %arg14: memref<7680xf32, #tpu.memory_space<vmem>>, %arg15: memref<7680xf32, #tpu.memory_space<vmem>>, %arg16: memref<32xf32, #tpu.memory_space<vmem>>, %arg17: memref<20x384xf32, #tpu.memory_space<vmem>>) attributes {dimension_semantics = [#tpu.dimension_semantics<core_parallel>, #tpu.dimension_semantics<subcore_parallel>], iteration_bounds = array<i64: 2, 16>, scalar_prefetch = 0 : i64, scratch_operands = 8 : i64, tpu.core_type = #tpu.core_type<sc_vector_subcore>, window_params = [{transform_indices = #map}, {transform_indices = #map}, {transform_indices = #map}, {transform_indices = #map}, {transform_indices = #map}, {transform_indices = #map}, {transform_indices = #map}, {transform_indices = #map1}]} {
    %mul3A = arith.constant 16 : i32
    %mul3A_0 = arith.muli %arg0, %mul3A : i32
    %add3A = arith.addi %mul3A_0, %arg1 : i32
    %iota3A = tpu.iota {dimensions = array<i32: 0>} : vector<16xi32>
    %mul3A_1 = arith.constant 20 : i32
    %mul3A_2 = vector.broadcast %mul3A_1 : i32 to vector<16xi32>
    %mul3A_3 = arith.muli %iota3A, %mul3A_2 : vector<16xi32>
    %broadcast_in_dim3A = arith.constant 18 : i32
    %broadcast_in_dim3A_4 = vector.broadcast %broadcast_in_dim3A : i32 to vector<16xi32>
    %broadcast_in_dim3A_5 = arith.constant 19 : i32
    %broadcast_in_dim3A_6 = vector.broadcast %broadcast_in_dim3A_5 : i32 to vector<16xi32>
    %broadcast_in_dim3A_7 = arith.constant 0.000000e+00 : f32
    %broadcast_in_dim3A_8 = vector.broadcast %broadcast_in_dim3A_7 : f32 to vector<16xf32>
    "tpu.region"() ({
      %run_scoped3A = tpu.sem_alloc : memref<!tpu.dma_semaphore, #tpu.memory_space<semaphore_mem>>
      tpu.enqueue_dma source(%arg8 : memref<32xf32, #tpu.memory_space<hbm>>) target(%arg16 : memref<32xf32, #tpu.memory_space<vmem>>) target_semaphore(%run_scoped3A : memref<!tpu.dma_semaphore, #tpu.memory_space<semaphore_mem>>)
      tpu.wait_dma2 semaphore(%run_scoped3A : memref<!tpu.dma_semaphore, #tpu.memory_space<semaphore_mem>>) src(%arg8 : memref<32xf32, #tpu.memory_space<hbm>>) dst(%arg16 : memref<32xf32, #tpu.memory_space<vmem>>)
      tpu.yield
    }) : () -> ()
    %broadcast_in_dim3A_9 = arith.constant 1 : i32
    %broadcast_in_dim3A_10 = vector.broadcast %broadcast_in_dim3A_9 : i32 to vector<16xi32>
    %gather3A = tpu.vector_load_idx %arg16[%broadcast_in_dim3A_10] : memref<32xf32, #tpu.memory_space<vmem>>[vector<16xi32>], vector<16xf32>,
    %broadcast_in_dim3A_11 = arith.constant 2 : i32
    %broadcast_in_dim3A_12 = vector.broadcast %broadcast_in_dim3A_11 : i32 to vector<16xi32>
    %gather3A_13 = tpu.vector_load_idx %arg16[%broadcast_in_dim3A_12] : memref<32xf32, #tpu.memory_space<vmem>>[vector<16xi32>], vector<16xf32>,
    %broadcast_in_dim3A_14 = arith.constant 3 : i32
    %broadcast_in_dim3A_15 = vector.broadcast %broadcast_in_dim3A_14 : i32 to vector<16xi32>
    %gather3A_16 = tpu.vector_load_idx %arg16[%broadcast_in_dim3A_15] : memref<32xf32, #tpu.memory_space<vmem>>[vector<16xi32>], vector<16xf32>,
    %broadcast_in_dim3A_17 = arith.constant 4 : i32
    %broadcast_in_dim3A_18 = vector.broadcast %broadcast_in_dim3A_17 : i32 to vector<16xi32>
    %gather3A_19 = tpu.vector_load_idx %arg16[%broadcast_in_dim3A_18] : memref<32xf32, #tpu.memory_space<vmem>>[vector<16xi32>], vector<16xf32>,
    %broadcast_in_dim3A_20 = arith.constant 5 : i32
    %broadcast_in_dim3A_21 = vector.broadcast %broadcast_in_dim3A_20 : i32 to vector<16xi32>
    %gather3A_22 = tpu.vector_load_idx %arg16[%broadcast_in_dim3A_21] : memref<32xf32, #tpu.memory_space<vmem>>[vector<16xi32>], vector<16xf32>,
    %broadcast_in_dim3A_23 = arith.constant 6 : i32
    %broadcast_in_dim3A_24 = vector.broadcast %broadcast_in_dim3A_23 : i32 to vector<16xi32>
    %gather3A_25 = tpu.vector_load_idx %arg16[%broadcast_in_dim3A_24] : memref<32xf32, #tpu.memory_space<vmem>>[vector<16xi32>], vector<16xf32>,
    %broadcast_in_dim3A_26 = arith.constant 7 : i32
    %broadcast_in_dim3A_27 = vector.broadcast %broadcast_in_dim3A_26 : i32 to vector<16xi32>
    %gather3A_28 = tpu.vector_load_idx %arg16[%broadcast_in_dim3A_27] : memref<32xf32, #tpu.memory_space<vmem>>[vector<16xi32>], vector<16xf32>,
    %broadcast_in_dim3A_29 = arith.constant 8 : i32
    %broadcast_in_dim3A_30 = vector.broadcast %broadcast_in_dim3A_29 : i32 to vector<16xi32>
    %gather3A_31 = tpu.vector_load_idx %arg16[%broadcast_in_dim3A_30] : memref<32xf32, #tpu.memory_space<vmem>>[vector<16xi32>], vector<16xf32>,
    %broadcast_in_dim3A_32 = arith.constant 9 : i32
    %broadcast_in_dim3A_33 = vector.broadcast %broadcast_in_dim3A_32 : i32 to vector<16xi32>
    %gather3A_34 = tpu.vector_load_idx %arg16[%broadcast_in_dim3A_33] : memref<32xf32, #tpu.memory_space<vmem>>[vector<16xi32>], vector<16xf32>,
    %broadcast_in_dim3A_35 = arith.constant 10 : i32
    %broadcast_in_dim3A_36 = vector.broadcast %broadcast_in_dim3A_35 : i32 to vector<16xi32>
    %gather3A_37 = tpu.vector_load_idx %arg16[%broadcast_in_dim3A_36] : memref<32xf32, #tpu.memory_space<vmem>>[vector<16xi32>], vector<16xf32>,
    %broadcast_in_dim3A_38 = arith.constant 11 : i32
    %broadcast_in_dim3A_39 = vector.broadcast %broadcast_in_dim3A_38 : i32 to vector<16xi32>
    %gather3A_40 = tpu.vector_load_idx %arg16[%broadcast_in_dim3A_39] : memref<32xf32, #tpu.memory_space<vmem>>[vector<16xi32>], vector<16xf32>,
    %broadcast_in_dim3A_41 = arith.constant 12 : i32
    %broadcast_in_dim3A_42 = vector.broadcast %broadcast_in_dim3A_41 : i32 to vector<16xi32>
    %gather3A_43 = tpu.vector_load_idx %arg16[%broadcast_in_dim3A_42] : memref<32xf32, #tpu.memory_space<vmem>>[vector<16xi32>], vector<16xf32>,
    %broadcast_in_dim3A_44 = arith.constant 13 : i32
    %broadcast_in_dim3A_45 = vector.broadcast %broadcast_in_dim3A_44 : i32 to vector<16xi32>
    %gather3A_46 = tpu.vector_load_idx %arg16[%broadcast_in_dim3A_45] : memref<32xf32, #tpu.memory_space<vmem>>[vector<16xi32>], vector<16xf32>,
    %broadcast_in_dim3A_47 = arith.constant 14 : i32
    %broadcast_in_dim3A_48 = vector.broadcast %broadcast_in_dim3A_47 : i32 to vector<16xi32>
    %gather3A_49 = tpu.vector_load_idx %arg16[%broadcast_in_dim3A_48] : memref<32xf32, #tpu.memory_space<vmem>>[vector<16xi32>], vector<16xf32>,
    %broadcast_in_dim3A_50 = arith.constant 15 : i32
    %broadcast_in_dim3A_51 = vector.broadcast %broadcast_in_dim3A_50 : i32 to vector<16xi32>
    %gather3A_52 = tpu.vector_load_idx %arg16[%broadcast_in_dim3A_51] : memref<32xf32, #tpu.memory_space<vmem>>[vector<16xi32>], vector<16xf32>,
    %broadcast_in_dim3A_53 = arith.constant 16 : i32
    %broadcast_in_dim3A_54 = vector.broadcast %broadcast_in_dim3A_53 : i32 to vector<16xi32>
    %gather3A_55 = tpu.vector_load_idx %arg16[%broadcast_in_dim3A_54] : memref<32xf32, #tpu.memory_space<vmem>>[vector<16xi32>], vector<16xf32>,
    %broadcast_in_dim3A_56 = arith.constant 17 : i32
    %broadcast_in_dim3A_57 = vector.broadcast %broadcast_in_dim3A_56 : i32 to vector<16xi32>
    %gather3A_58 = tpu.vector_load_idx %arg16[%broadcast_in_dim3A_57] : memref<32xf32, #tpu.memory_space<vmem>>[vector<16xi32>], vector<16xf32>,
    %broadcast_in_dim3A_59 = arith.constant 18 : i32
    %broadcast_in_dim3A_60 = vector.broadcast %broadcast_in_dim3A_59 : i32 to vector<16xi32>
    %gather3A_61 = tpu.vector_load_idx %arg16[%broadcast_in_dim3A_60] : memref<32xf32, #tpu.memory_space<vmem>>[vector<16xi32>], vector<16xf32>,
    %broadcast_in_dim3A_62 = arith.constant 19 : i32
    %broadcast_in_dim3A_63 = vector.broadcast %broadcast_in_dim3A_62 : i32 to vector<16xi32>
    %gather3A_64 = tpu.vector_load_idx %arg16[%broadcast_in_dim3A_63] : memref<32xf32, #tpu.memory_space<vmem>>[vector<16xi32>], vector<16xf32>,
    %broadcast_in_dim3A_65 = arith.constant 20 : i32
    %broadcast_in_dim3A_66 = vector.broadcast %broadcast_in_dim3A_65 : i32 to vector<16xi32>
    %gather3A_67 = tpu.vector_load_idx %arg16[%broadcast_in_dim3A_66] : memref<32xf32, #tpu.memory_space<vmem>>[vector<16xi32>], vector<16xf32>,
    %mul3A_68 = arith.constant 1152 : i32
    %mul3A_69 = arith.muli %add3A, %mul3A_68 : i32
    %add3A_70 = arith.constant 0 : i32
    %add3A_71 = arith.addi %mul3A_69, %add3A_70 : i32
    %mul3A_72 = arith.constant 20 : i32
    %mul3A_73 = arith.muli %add3A_71, %mul3A_72 : i32
    "tpu.region"() ({
      %run_scoped3A = tpu.sem_alloc : memref<!tpu.dma_semaphore, #tpu.memory_space<semaphore_mem>>
      %dma_start3A = tpu.memref_slice %arg2[%mul3A_73] : memref<737280xi32, #tpu.memory_space<hbm>> -> memref<7680xi32, #tpu.memory_space<hbm>>
      %dma_start3A_127 = tpu.memref_slice %arg2[%mul3A_73] : memref<737280xi32, #tpu.memory_space<hbm>> -> memref<7680xi32, #tpu.memory_space<hbm>>
      tpu.enqueue_dma source(%dma_start3A_127 : memref<7680xi32, #tpu.memory_space<hbm>>) target(%arg10 : memref<7680xi32, #tpu.memory_space<vmem>>) target_semaphore(%run_scoped3A : memref<!tpu.dma_semaphore, #tpu.memory_space<semaphore_mem>>)
      %dma_wait3A = tpu.memref_slice %arg2[%mul3A_73] : memref<737280xi32, #tpu.memory_space<hbm>> -> memref<7680xi32, #tpu.memory_space<hbm>>
      %dma_wait3A_128 = tpu.memref_slice %arg2[%mul3A_73] : memref<737280xi32, #tpu.memory_space<hbm>> -> memref<7680xi32, #tpu.memory_space<hbm>>
      tpu.wait_dma2 semaphore(%run_scoped3A : memref<!tpu.dma_semaphore, #tpu.memory_space<semaphore_mem>>) src(%dma_wait3A_128 : memref<7680xi32, #tpu.memory_space<hbm>>) dst(%arg10 : memref<7680xi32, #tpu.memory_space<vmem>>)
      tpu.yield
    }) : () -> ()
    "tpu.region"() ({
      %run_scoped3A = tpu.sem_alloc : memref<!tpu.dma_semaphore, #tpu.memory_space<semaphore_mem>>
      %dma_start3A = tpu.memref_slice %arg3[%mul3A_73] : memref<737280xi32, #tpu.memory_space<hbm>> -> memref<7680xi32, #tpu.memory_space<hbm>>
      %dma_start3A_127 = tpu.memref_slice %arg3[%mul3A_73] : memref<737280xi32, #tpu.memory_space<hbm>> -> memref<7680xi32, #tpu.memory_space<hbm>>
      tpu.enqueue_dma source(%dma_start3A_127 : memref<7680xi32, #tpu.memory_space<hbm>>) target(%arg11 : memref<7680xi32, #tpu.memory_space<vmem>>) target_semaphore(%run_scoped3A : memref<!tpu.dma_semaphore, #tpu.memory_space<semaphore_mem>>)
      %dma_wait3A = tpu.memref_slice %arg3[%mul3A_73] : memref<737280xi32, #tpu.memory_space<hbm>> -> memref<7680xi32, #tpu.memory_space<hbm>>
      %dma_wait3A_128 = tpu.memref_slice %arg3[%mul3A_73] : memref<737280xi32, #tpu.memory_space<hbm>> -> memref<7680xi32, #tpu.memory_space<hbm>>
      tpu.wait_dma2 semaphore(%run_scoped3A : memref<!tpu.dma_semaphore, #tpu.memory_space<semaphore_mem>>) src(%dma_wait3A_128 : memref<7680xi32, #tpu.memory_space<hbm>>) dst(%arg11 : memref<7680xi32, #tpu.memory_space<vmem>>)
      tpu.yield
    }) : () -> ()
    "tpu.region"() ({
      %run_scoped3A = tpu.sem_alloc : memref<!tpu.dma_semaphore, #tpu.memory_space<semaphore_mem>>
      %dma_start3A = tpu.memref_slice %arg4[%mul3A_73] : memref<737280xi32, #tpu.memory_space<hbm>> -> memref<7680xi32, #tpu.memory_space<hbm>>
      %dma_start3A_127 = tpu.memref_slice %arg4[%mul3A_73] : memref<737280xi32, #tpu.memory_space<hbm>> -> memref<7680xi32, #tpu.memory_space<hbm>>
      tpu.enqueue_dma source(%dma_start3A_127 : memref<7680xi32, #tpu.memory_space<hbm>>) target(%arg12 : memref<7680xi32, #tpu.memory_space<vmem>>) target_semaphore(%run_scoped3A : memref<!tpu.dma_semaphore, #tpu.memory_space<semaphore_mem>>)
      %dma_wait3A = tpu.memref_slice %arg4[%mul3A_73] : memref<737280xi32, #tpu.memory_space<hbm>> -> memref<7680xi32, #tpu.memory_space<hbm>>
      %dma_wait3A_128 = tpu.memref_slice %arg4[%mul3A_73] : memref<737280xi32, #tpu.memory_space<hbm>> -> memref<7680xi32, #tpu.memory_space<hbm>>
      tpu.wait_dma2 semaphore(%run_scoped3A : memref<!tpu.dma_semaphore, #tpu.memory_space<semaphore_mem>>) src(%dma_wait3A_128 : memref<7680xi32, #tpu.memory_space<hbm>>) dst(%arg12 : memref<7680xi32, #tpu.memory_space<vmem>>)
      tpu.yield
    }) : () -> ()
    "tpu.region"() ({
      %run_scoped3A = tpu.sem_alloc : memref<!tpu.dma_semaphore, #tpu.memory_space<semaphore_mem>>
      %dma_start3A = tpu.memref_slice %arg5[%mul3A_73] : memref<737280xi32, #tpu.memory_space<hbm>> -> memref<7680xi32, #tpu.memory_space<hbm>>
      %dma_start3A_127 = tpu.memref_slice %arg5[%mul3A_73] : memref<737280xi32, #tpu.memory_space<hbm>> -> memref<7680xi32, #tpu.memory_space<hbm>>
      tpu.enqueue_dma source(%dma_start3A_127 : memref<7680xi32, #tpu.memory_space<hbm>>) target(%arg13 : memref<7680xi32, #tpu.memory_space<vmem>>) target_semaphore(%run_scoped3A : memref<!tpu.dma_semaphore, #tpu.memory_space<semaphore_mem>>)
      %dma_wait3A = tpu.memref_slice %arg5[%mul3A_73] : memref<737280xi32, #tpu.memory_space<hbm>> -> memref<7680xi32, #tpu.memory_space<hbm>>
      %dma_wait3A_128 = tpu.memref_slice %arg5[%mul3A_73] : memref<737280xi32, #tpu.memory_space<hbm>> -> memref<7680xi32, #tpu.memory_space<hbm>>
      tpu.wait_dma2 semaphore(%run_scoped3A : memref<!tpu.dma_semaphore, #tpu.memory_space<semaphore_mem>>) src(%dma_wait3A_128 : memref<7680xi32, #tpu.memory_space<hbm>>) dst(%arg13 : memref<7680xi32, #tpu.memory_space<vmem>>)
      tpu.yield
    }) : () -> ()
    "tpu.region"() ({
      %run_scoped3A = tpu.sem_alloc : memref<!tpu.dma_semaphore, #tpu.memory_space<semaphore_mem>>
      %dma_start3A = tpu.memref_slice %arg6[%mul3A_73] : memref<737280xf32, #tpu.memory_space<hbm>> -> memref<7680xf32, #tpu.memory_space<hbm>>
      %dma_start3A_127 = tpu.memref_slice %arg6[%mul3A_73] : memref<737280xf32, #tpu.memory_space<hbm>> -> memref<7680xf32, #tpu.memory_space<hbm>>
      tpu.enqueue_dma source(%dma_start3A_127 : memref<7680xf32, #tpu.memory_space<hbm>>) target(%arg14 : memref<7680xf32, #tpu.memory_space<vmem>>) target_semaphore(%run_scoped3A : memref<!tpu.dma_semaphore, #tpu.memory_space<semaphore_mem>>)
      %dma_wait3A = tpu.memref_slice %arg6[%mul3A_73] : memref<737280xf32, #tpu.memory_space<hbm>> -> memref<7680xf32, #tpu.memory_space<hbm>>
      %dma_wait3A_128 = tpu.memref_slice %arg6[%mul3A_73] : memref<737280xf32, #tpu.memory_space<hbm>> -> memref<7680xf32, #tpu.memory_space<hbm>>
      tpu.wait_dma2 semaphore(%run_scoped3A : memref<!tpu.dma_semaphore, #tpu.memory_space<semaphore_mem>>) src(%dma_wait3A_128 : memref<7680xf32, #tpu.memory_space<hbm>>) dst(%arg14 : memref<7680xf32, #tpu.memory_space<vmem>>)
      tpu.yield
    }) : () -> ()
    "tpu.region"() ({
      %run_scoped3A = tpu.sem_alloc : memref<!tpu.dma_semaphore, #tpu.memory_space<semaphore_mem>>
      %dma_start3A = tpu.memref_slice %arg7[%mul3A_73] : memref<737280xf32, #tpu.memory_space<hbm>> -> memref<7680xf32, #tpu.memory_space<hbm>>
      %dma_start3A_127 = tpu.memref_slice %arg7[%mul3A_73] : memref<737280xf32, #tpu.memory_space<hbm>> -> memref<7680xf32, #tpu.memory_space<hbm>>
      tpu.enqueue_dma source(%dma_start3A_127 : memref<7680xf32, #tpu.memory_space<hbm>>) target(%arg15 : memref<7680xf32, #tpu.memory_space<vmem>>) target_semaphore(%run_scoped3A : memref<!tpu.dma_semaphore, #tpu.memory_space<semaphore_mem>>)
      %dma_wait3A = tpu.memref_slice %arg7[%mul3A_73] : memref<737280xf32, #tpu.memory_space<hbm>> -> memref<7680xf32, #tpu.memory_space<hbm>>
      %dma_wait3A_128 = tpu.memref_slice %arg7[%mul3A_73] : memref<737280xf32, #tpu.memory_space<hbm>> -> memref<7680xf32, #tpu.memory_space<hbm>>
      tpu.wait_dma2 semaphore(%run_scoped3A : memref<!tpu.dma_semaphore, #tpu.memory_space<semaphore_mem>>) src(%dma_wait3A_128 : memref<7680xf32, #tpu.memory_space<hbm>>) dst(%arg15 : memref<7680xf32, #tpu.memory_space<vmem>>)
      tpu.yield
    }) : () -> ()
    %scan3A = arith.constant 0 : i32
    %scan3A_74 = arith.constant 0 : i32
    %scan3A_75 = arith.constant 24 : i32
    %scan3A_76 = arith.addi %scan3A_74, %scan3A_75 : i32
    %scan3A_77 = arith.constant 1 : i32
    %scan3A_78 = scf.for %scan3A_127 = %scan3A_74 to %scan3A_76 step %scan3A_77 iter_args(%scan3A_128 = %scan3A) -> (i32)  : i32 {
      %mul3A_129 = arith.constant 16 : i32
      %mul3A_130 = arith.muli %scan3A_127, %mul3A_129 : i32
      %swap3A = arith.constant 0 : i32
      %swap3A_131 = arith.index_cast %swap3A : i32 to index
      %swap3A_132 = arith.index_cast %mul3A_130 : i32 to index
      %swap3A_133 = tpu.vector_load %arg17[%swap3A_131, %swap3A_132] {strides = array<i32>} : memref<20x384xf32, #tpu.memory_space<vmem>>, vector<16xf32>,
      tpu.vector_store %arg17[%swap3A_131, %swap3A_132], %broadcast_in_dim3A_8 {strides = array<i32>} : memref<20x384xf32, #tpu.memory_space<vmem>>, vector<16xf32>,
      %mul3A_134 = arith.constant 16 : i32
      %mul3A_135 = arith.muli %scan3A_127, %mul3A_134 : i32
      %swap3A_136 = arith.constant 1 : i32
      %swap3A_137 = arith.index_cast %swap3A_136 : i32 to index
      %swap3A_138 = arith.index_cast %mul3A_135 : i32 to index
      %swap3A_139 = tpu.vector_load %arg17[%swap3A_137, %swap3A_138] {strides = array<i32>} : memref<20x384xf32, #tpu.memory_space<vmem>>, vector<16xf32>,
      tpu.vector_store %arg17[%swap3A_137, %swap3A_138], %broadcast_in_dim3A_8 {strides = array<i32>} : memref<20x384xf32, #tpu.memory_space<vmem>>, vector<16xf32>,
      %mul3A_140 = arith.constant 16 : i32
      %mul3A_141 = arith.muli %scan3A_127, %mul3A_140 : i32
      %swap3A_142 = arith.constant 2 : i32
      %swap3A_143 = arith.index_cast %swap3A_142 : i32 to index
      %swap3A_144 = arith.index_cast %mul3A_141 : i32 to index
      %swap3A_145 = tpu.vector_load %arg17[%swap3A_143, %swap3A_144] {strides = array<i32>} : memref<20x384xf32, #tpu.memory_space<vmem>>, vector<16xf32>,
      tpu.vector_store %arg17[%swap3A_143, %swap3A_144], %broadcast_in_dim3A_8 {strides = array<i32>} : memref<20x384xf32, #tpu.memory_space<vmem>>, vector<16xf32>,
      %mul3A_146 = arith.constant 16 : i32
      %mul3A_147 = arith.muli %scan3A_127, %mul3A_146 : i32
      %swap3A_148 = arith.constant 3 : i32
      %swap3A_149 = arith.index_cast %swap3A_148 : i32 to index
      %swap3A_150 = arith.index_cast %mul3A_147 : i32 to index
      %swap3A_151 = tpu.vector_load %arg17[%swap3A_149, %swap3A_150] {strides = array<i32>} : memref<20x384xf32, #tpu.memory_space<vmem>>, vector<16xf32>,
      tpu.vector_store %arg17[%swap3A_149, %swap3A_150], %broadcast_in_dim3A_8 {strides = array<i32>} : memref<20x384xf32, #tpu.memory_space<vmem>>, vector<16xf32>,
      %mul3A_152 = arith.constant 16 : i32
      %mul3A_153 = arith.muli %scan3A_127, %mul3A_152 : i32
      %swap3A_154 = arith.constant 4 : i32
      %swap3A_155 = arith.index_cast %swap3A_154 : i32 to index
      %swap3A_156 = arith.index_cast %mul3A_153 : i32 to index
      %swap3A_157 = tpu.vector_load %arg17[%swap3A_155, %swap3A_156] {strides = array<i32>} : memref<20x384xf32, #tpu.memory_space<vmem>>, vector<16xf32>,
      tpu.vector_store %arg17[%swap3A_155, %swap3A_156], %broadcast_in_dim3A_8 {strides = array<i32>} : memref<20x384xf32, #tpu.memory_space<vmem>>, vector<16xf32>,
      %mul3A_158 = arith.constant 16 : i32
      %mul3A_159 = arith.muli %scan3A_127, %mul3A_158 : i32
      %swap3A_160 = arith.constant 5 : i32
      %swap3A_161 = arith.index_cast %swap3A_160 : i32 to index
      %swap3A_162 = arith.index_cast %mul3A_159 : i32 to index
      %swap3A_163 = tpu.vector_load %arg17[%swap3A_161, %swap3A_162] {strides = array<i32>} : memref<20x384xf32, #tpu.memory_space<vmem>>, vector<16xf32>,
      tpu.vector_store %arg17[%swap3A_161, %swap3A_162], %broadcast_in_dim3A_8 {strides = array<i32>} : memref<20x384xf32, #tpu.memory_space<vmem>>, vector<16xf32>,
      %mul3A_164 = arith.constant 16 : i32
      %mul3A_165 = arith.muli %scan3A_127, %mul3A_164 : i32
      %swap3A_166 = arith.constant 6 : i32
      %swap3A_167 = arith.index_cast %swap3A_166 : i32 to index
      %swap3A_168 = arith.index_cast %mul3A_165 : i32 to index
      %swap3A_169 = tpu.vector_load %arg17[%swap3A_167, %swap3A_168] {strides = array<i32>} : memref<20x384xf32, #tpu.memory_space<vmem>>, vector<16xf32>,
      tpu.vector_store %arg17[%swap3A_167, %swap3A_168], %broadcast_in_dim3A_8 {strides = array<i32>} : memref<20x384xf32, #tpu.memory_space<vmem>>, vector<16xf32>,
      %mul3A_170 = arith.constant 16 : i32
      %mul3A_171 = arith.muli %scan3A_127, %mul3A_170 : i32
      %swap3A_172 = arith.constant 7 : i32
      %swap3A_173 = arith.index_cast %swap3A_172 : i32 to index
      %swap3A_174 = arith.index_cast %mul3A_171 : i32 to index
      %swap3A_175 = tpu.vector_load %arg17[%swap3A_173, %swap3A_174] {strides = array<i32>} : memref<20x384xf32, #tpu.memory_space<vmem>>, vector<16xf32>,
      tpu.vector_store %arg17[%swap3A_173, %swap3A_174], %broadcast_in_dim3A_8 {strides = array<i32>} : memref<20x384xf32, #tpu.memory_space<vmem>>, vector<16xf32>,
      %mul3A_176 = arith.constant 16 : i32
      %mul3A_177 = arith.muli %scan3A_127, %mul3A_176 : i32
      %swap3A_178 = arith.constant 8 : i32
      %swap3A_179 = arith.index_cast %swap3A_178 : i32 to index
      %swap3A_180 = arith.index_cast %mul3A_177 : i32 to index
      %swap3A_181 = tpu.vector_load %arg17[%swap3A_179, %swap3A_180] {strides = array<i32>} : memref<20x384xf32, #tpu.memory_space<vmem>>, vector<16xf32>,
      tpu.vector_store %arg17[%swap3A_179, %swap3A_180], %broadcast_in_dim3A_8 {strides = array<i32>} : memref<20x384xf32, #tpu.memory_space<vmem>>, vector<16xf32>,
      %mul3A_182 = arith.constant 16 : i32
      %mul3A_183 = arith.muli %scan3A_127, %mul3A_182 : i32
      %swap3A_184 = arith.constant 9 : i32
      %swap3A_185 = arith.index_cast %swap3A_184 : i32 to index
      %swap3A_186 = arith.index_cast %mul3A_183 : i32 to index
      %swap3A_187 = tpu.vector_load %arg17[%swap3A_185, %swap3A_186] {strides = array<i32>} : memref<20x384xf32, #tpu.memory_space<vmem>>, vector<16xf32>,
      tpu.vector_store %arg17[%swap3A_185, %swap3A_186], %broadcast_in_dim3A_8 {strides = array<i32>} : memref<20x384xf32, #tpu.memory_space<vmem>>, vector<16xf32>,
      %mul3A_188 = arith.constant 16 : i32
      %mul3A_189 = arith.muli %scan3A_127, %mul3A_188 : i32
      %swap3A_190 = arith.constant 10 : i32
      %swap3A_191 = arith.index_cast %swap3A_190 : i32 to index
      %swap3A_192 = arith.index_cast %mul3A_189 : i32 to index
      %swap3A_193 = tpu.vector_load %arg17[%swap3A_191, %swap3A_192] {strides = array<i32>} : memref<20x384xf32, #tpu.memory_space<vmem>>, vector<16xf32>,
      tpu.vector_store %arg17[%swap3A_191, %swap3A_192], %broadcast_in_dim3A_8 {strides = array<i32>} : memref<20x384xf32, #tpu.memory_space<vmem>>, vector<16xf32>,
      %mul3A_194 = arith.constant 16 : i32
      %mul3A_195 = arith.muli %scan3A_127, %mul3A_194 : i32
      %swap3A_196 = arith.constant 11 : i32
      %swap3A_197 = arith.index_cast %swap3A_196 : i32 to index
      %swap3A_198 = arith.index_cast %mul3A_195 : i32 to index
      %swap3A_199 = tpu.vector_load %arg17[%swap3A_197, %swap3A_198] {strides = array<i32>} : memref<20x384xf32, #tpu.memory_space<vmem>>, vector<16xf32>,
      tpu.vector_store %arg17[%swap3A_197, %swap3A_198], %broadcast_in_dim3A_8 {strides = array<i32>} : memref<20x384xf32, #tpu.memory_space<vmem>>, vector<16xf32>,
      %mul3A_200 = arith.constant 16 : i32
      %mul3A_201 = arith.muli %scan3A_127, %mul3A_200 : i32
      %swap3A_202 = arith.constant 12 : i32
      %swap3A_203 = arith.index_cast %swap3A_202 : i32 to index
      %swap3A_204 = arith.index_cast %mul3A_201 : i32 to index
      %swap3A_205 = tpu.vector_load %arg17[%swap3A_203, %swap3A_204] {strides = array<i32>} : memref<20x384xf32, #tpu.memory_space<vmem>>, vector<16xf32>,
      tpu.vector_store %arg17[%swap3A_203, %swap3A_204], %broadcast_in_dim3A_8 {strides = array<i32>} : memref<20x384xf32, #tpu.memory_space<vmem>>, vector<16xf32>,
      %mul3A_206 = arith.constant 16 : i32
      %mul3A_207 = arith.muli %scan3A_127, %mul3A_206 : i32
      %swap3A_208 = arith.constant 13 : i32
      %swap3A_209 = arith.index_cast %swap3A_208 : i32 to index
      %swap3A_210 = arith.index_cast %mul3A_207 : i32 to index
      %swap3A_211 = tpu.vector_load %arg17[%swap3A_209, %swap3A_210] {strides = array<i32>} : memref<20x384xf32, #tpu.memory_space<vmem>>, vector<16xf32>,
      tpu.vector_store %arg17[%swap3A_209, %swap3A_210], %broadcast_in_dim3A_8 {strides = array<i32>} : memref<20x384xf32, #tpu.memory_space<vmem>>, vector<16xf32>,
      %mul3A_212 = arith.constant 16 : i32
      %mul3A_213 = arith.muli %scan3A_127, %mul3A_212 : i32
      %swap3A_214 = arith.constant 14 : i32
      %swap3A_215 = arith.index_cast %swap3A_214 : i32 to index
      %swap3A_216 = arith.index_cast %mul3A_213 : i32 to index
      %swap3A_217 = tpu.vector_load %arg17[%swap3A_215, %swap3A_216] {strides = array<i32>} : memref<20x384xf32, #tpu.memory_space<vmem>>, vector<16xf32>,
      tpu.vector_store %arg17[%swap3A_215, %swap3A_216], %broadcast_in_dim3A_8 {strides = array<i32>} : memref<20x384xf32, #tpu.memory_space<vmem>>, vector<16xf32>,
      %mul3A_218 = arith.constant 16 : i32
      %mul3A_219 = arith.muli %scan3A_127, %mul3A_218 : i32
      %swap3A_220 = arith.constant 15 : i32
      %swap3A_221 = arith.index_cast %swap3A_220 : i32 to index
      %swap3A_222 = arith.index_cast %mul3A_219 : i32 to index
      %swap3A_223 = tpu.vector_load %arg17[%swap3A_221, %swap3A_222] {strides = array<i32>} : memref<20x384xf32, #tpu.memory_space<vmem>>, vector<16xf32>,
      tpu.vector_store %arg17[%swap3A_221, %swap3A_222], %broadcast_in_dim3A_8 {strides = array<i32>} : memref<20x384xf32, #tpu.memory_space<vmem>>, vector<16xf32>,
      %mul3A_224 = arith.constant 16 : i32
      %mul3A_225 = arith.muli %scan3A_127, %mul3A_224 : i32
      %swap3A_226 = arith.constant 16 : i32
      %swap3A_227 = arith.index_cast %swap3A_226 : i32 to index
      %swap3A_228 = arith.index_cast %mul3A_225 : i32 to index
      %swap3A_229 = tpu.vector_load %arg17[%swap3A_227, %swap3A_228] {strides = array<i32>} : memref<20x384xf32, #tpu.memory_space<vmem>>, vector<16xf32>,
      tpu.vector_store %arg17[%swap3A_227, %swap3A_228], %broadcast_in_dim3A_8 {strides = array<i32>} : memref<20x384xf32, #tpu.memory_space<vmem>>, vector<16xf32>,
      %mul3A_230 = arith.constant 16 : i32
      %mul3A_231 = arith.muli %scan3A_127, %mul3A_230 : i32
      %swap3A_232 = arith.constant 17 : i32
      %swap3A_233 = arith.index_cast %swap3A_232 : i32 to index
      %swap3A_234 = arith.index_cast %mul3A_231 : i32 to index
      %swap3A_235 = tpu.vector_load %arg17[%swap3A_233, %swap3A_234] {strides = array<i32>} : memref<20x384xf32, #tpu.memory_space<vmem>>, vector<16xf32>,
      tpu.vector_store %arg17[%swap3A_233, %swap3A_234], %broadcast_in_dim3A_8 {strides = array<i32>} : memref<20x384xf32, #tpu.memory_space<vmem>>, vector<16xf32>,
      %mul3A_236 = arith.constant 16 : i32
      %mul3A_237 = arith.muli %scan3A_127, %mul3A_236 : i32
      %swap3A_238 = arith.constant 18 : i32
      %swap3A_239 = arith.index_cast %swap3A_238 : i32 to index
      %swap3A_240 = arith.index_cast %mul3A_237 : i32 to index
      %swap3A_241 = tpu.vector_load %arg17[%swap3A_239, %swap3A_240] {strides = array<i32>} : memref<20x384xf32, #tpu.memory_space<vmem>>, vector<16xf32>,
      tpu.vector_store %arg17[%swap3A_239, %swap3A_240], %broadcast_in_dim3A_8 {strides = array<i32>} : memref<20x384xf32, #tpu.memory_space<vmem>>, vector<16xf32>,
      %mul3A_242 = arith.constant 16 : i32
      %mul3A_243 = arith.muli %scan3A_127, %mul3A_242 : i32
      %swap3A_244 = arith.constant 19 : i32
      %swap3A_245 = arith.index_cast %swap3A_244 : i32 to index
      %swap3A_246 = arith.index_cast %mul3A_243 : i32 to index
      %swap3A_247 = tpu.vector_load %arg17[%swap3A_245, %swap3A_246] {strides = array<i32>} : memref<20x384xf32, #tpu.memory_space<vmem>>, vector<16xf32>,
      tpu.vector_store %arg17[%swap3A_245, %swap3A_246], %broadcast_in_dim3A_8 {strides = array<i32>} : memref<20x384xf32, #tpu.memory_space<vmem>>, vector<16xf32>,
      %scan3A_248 = arith.constant 0 : i32
      scf.yield %scan3A_248 : i32
    }
    %scan3A_79 = arith.constant 24 : i32
    %scan3A_80 = arith.constant 0 : i32
    %scan3A_81 = arith.constant 0 : i32
    %scan3A_82 = arith.constant 24 : i32
    %scan3A_83 = arith.addi %scan3A_81, %scan3A_82 : i32
    %scan3A_84 = arith.constant 1 : i32
    %scan3A_85 = scf.for %scan3A_127 = %scan3A_81 to %scan3A_83 step %scan3A_84 iter_args(%scan3A_128 = %scan3A_80) -> (i32)  : i32 {
      %mul3A_129 = arith.constant 16 : i32
      %mul3A_130 = arith.muli %scan3A_127, %mul3A_129 : i32
      %add3A_131 = vector.broadcast %mul3A_130 : i32 to vector<16xi32>
      %add3A_132 = arith.addi %add3A_131, %iota3A : vector<16xi32>
      %mul3A_133 = arith.constant 320 : i32
      %mul3A_134 = arith.muli %scan3A_127, %mul3A_133 : i32
      %add3A_135 = vector.broadcast %mul3A_134 : i32 to vector<16xi32>
      %add3A_136 = arith.addi %add3A_135, %mul3A_3 : vector<16xi32>
      %add3A_137 = arith.constant 0 : i32
      %add3A_138 = vector.broadcast %add3A_137 : i32 to vector<16xi32>
      %add3A_139 = arith.addi %add3A_136, %add3A_138 : vector<16xi32>
      %gather3A_140 = tpu.vector_load_idx %arg10[%add3A_139] : memref<7680xi32, #tpu.memory_space<vmem>>[vector<16xi32>], vector<16xi32>,
      tpu.vector_store_idx %arg17[%gather3A_140, %add3A_132], %gather3A {add = true} : memref<20x384xf32, #tpu.memory_space<vmem>>[vector<16xi32>, vector<16xi32>], vector<16xf32>,
      %gather3A_141 = tpu.vector_load_idx %arg11[%add3A_139] : memref<7680xi32, #tpu.memory_space<vmem>>[vector<16xi32>], vector<16xi32>,
      %add3A_142 = arith.constant 6 : i32
      %add3A_143 = vector.broadcast %add3A_142 : i32 to vector<16xi32>
      %add3A_144 = arith.addi %gather3A_141, %add3A_143 : vector<16xi32>
      tpu.vector_store_idx %arg17[%add3A_144, %add3A_132], %gather3A {add = true} : memref<20x384xf32, #tpu.memory_space<vmem>>[vector<16xi32>, vector<16xi32>], vector<16xf32>,
      %gather3A_145 = tpu.vector_load_idx %arg12[%add3A_139] : memref<7680xi32, #tpu.memory_space<vmem>>[vector<16xi32>], vector<16xi32>,
      %add3A_146 = arith.constant 11 : i32
      %add3A_147 = vector.broadcast %add3A_146 : i32 to vector<16xi32>
      %add3A_148 = arith.addi %gather3A_145, %add3A_147 : vector<16xi32>
      tpu.vector_store_idx %arg17[%add3A_148, %add3A_132], %gather3A {add = true} : memref<20x384xf32, #tpu.memory_space<vmem>>[vector<16xi32>, vector<16xi32>], vector<16xf32>,
      %gather3A_149 = tpu.vector_load_idx %arg13[%add3A_139] : memref<7680xi32, #tpu.memory_space<vmem>>[vector<16xi32>], vector<16xi32>,
      %ne3A = arith.constant 0 : i32
      %ne3A_150 = vector.broadcast %ne3A : i32 to vector<16xi32>
      %ne3A_151 = arith.cmpi ne, %gather3A_149, %ne3A_150 : vector<16xi32>
      %convert_element_type3A = arith.extui %ne3A_151 : vector<16xi1> to vector<16xi32>
      %add3A_152 = arith.constant 16 : i32
      %add3A_153 = vector.broadcast %add3A_152 : i32 to vector<16xi32>
      %add3A_154 = arith.addi %add3A_153, %convert_element_type3A : vector<16xi32>
      tpu.vector_store_idx %arg17[%add3A_154, %add3A_132], %gather3A {add = true} : memref<20x384xf32, #tpu.memory_space<vmem>>[vector<16xi32>, vector<16xi32>], vector<16xf32>,
      %gather3A_155 = tpu.vector_load_idx %arg14[%add3A_139] : memref<7680xf32, #tpu.memory_space<vmem>>[vector<16xi32>], vector<16xf32>,
      %mul3A_156 = arith.mulf %gather3A_155, %gather3A : vector<16xf32>
      tpu.vector_store_idx %arg17[%broadcast_in_dim3A_4, %add3A_132], %mul3A_156 {add = true} : memref<20x384xf32, #tpu.memory_space<vmem>>[vector<16xi32>, vector<16xi32>], vector<16xf32>,
      %gather3A_157 = tpu.vector_load_idx %arg15[%add3A_139] : memref<7680xf32, #tpu.memory_space<vmem>>[vector<16xi32>], vector<16xf32>,
      %mul3A_158 = arith.mulf %gather3A_157, %gather3A : vector<16xf32>
      tpu.vector_store_idx %arg17[%broadcast_in_dim3A_6, %add3A_132], %mul3A_158 {add = true} : memref<20x384xf32, #tpu.memory_space<vmem>>[vector<16xi32>, vector<16xi32>], vector<16xf32>,
      %add3A_159 = arith.constant 1 : i32
      %add3A_160 = vector.broadcast %add3A_159 : i32 to vector<16xi32>
      %add3A_161 = arith.addi %add3A_136, %add3A_160 : vector<16xi32>
      %gather3A_162 = tpu.vector_load_idx %arg10[%add3A_161] : memref<7680xi32, #tpu.memory_space<vmem>>[vector<16xi32>], vector<16xi32>,
      tpu.vector_store_idx %arg17[%gather3A_162, %add3A_132], %gather3A_13 {add = true} : memref<20x384xf32, #tpu.memory_space<vmem>>[vector<16xi32>, vector<16xi32>], vector<16xf32>,
      %gather3A_163 = tpu.vector_load_idx %arg11[%add3A_161] : memref<7680xi32, #tpu.memory_space<vmem>>[vector<16xi32>], vector<16xi32>,
      %add3A_164 = arith.constant 6 : i32
      %add3A_165 = vector.broadcast %add3A_164 : i32 to vector<16xi32>
      %add3A_166 = arith.addi %gather3A_163, %add3A_165 : vector<16xi32>
      tpu.vector_store_idx %arg17[%add3A_166, %add3A_132], %gather3A_13 {add = true} : memref<20x384xf32, #tpu.memory_space<vmem>>[vector<16xi32>, vector<16xi32>], vector<16xf32>,
      %gather3A_167 = tpu.vector_load_idx %arg12[%add3A_161] : memref<7680xi32, #tpu.memory_space<vmem>>[vector<16xi32>], vector<16xi32>,
      %add3A_168 = arith.constant 11 : i32
      %add3A_169 = vector.broadcast %add3A_168 : i32 to vector<16xi32>
      %add3A_170 = arith.addi %gather3A_167, %add3A_169 : vector<16xi32>
      tpu.vector_store_idx %arg17[%add3A_170, %add3A_132], %gather3A_13 {add = true} : memref<20x384xf32, #tpu.memory_space<vmem>>[vector<16xi32>, vector<16xi32>], vector<16xf32>,
      %gather3A_171 = tpu.vector_load_idx %arg13[%add3A_161] : memref<7680xi32, #tpu.memory_space<vmem>>[vector<16xi32>], vector<16xi32>,
      %ne3A_172 = arith.constant 0 : i32
      %ne3A_173 = vector.broadcast %ne3A_172 : i32 to vector<16xi32>
      %ne3A_174 = arith.cmpi ne, %gather3A_171, %ne3A_173 : vector<16xi32>
      %convert_element_type3A_175 = arith.extui %ne3A_174 : vector<16xi1> to vector<16xi32>
      %add3A_176 = arith.constant 16 : i32
      %add3A_177 = vector.broadcast %add3A_176 : i32 to vector<16xi32>
      %add3A_178 = arith.addi %add3A_177, %convert_element_type3A_175 : vector<16xi32>
      tpu.vector_store_idx %arg17[%add3A_178, %add3A_132], %gather3A_13 {add = true} : memref<20x384xf32, #tpu.memory_space<vmem>>[vector<16xi32>, vector<16xi32>], vector<16xf32>,
      %gather3A_179 = tpu.vector_load_idx %arg14[%add3A_161] : memref<7680xf32, #tpu.memory_space<vmem>>[vector<16xi32>], vector<16xf32>,
      %mul3A_180 = arith.mulf %gather3A_179, %gather3A_13 : vector<16xf32>
      tpu.vector_store_idx %arg17[%broadcast_in_dim3A_4, %add3A_132], %mul3A_180 {add = true} : memref<20x384xf32, #tpu.memory_space<vmem>>[vector<16xi32>, vector<16xi32>], vector<16xf32>,
      %gather3A_181 = tpu.vector_load_idx %arg15[%add3A_161] : memref<7680xf32, #tpu.memory_space<vmem>>[vector<16xi32>], vector<16xf32>,
      %mul3A_182 = arith.mulf %gather3A_181, %gather3A_13 : vector<16xf32>
      tpu.vector_store_idx %arg17[%broadcast_in_dim3A_6, %add3A_132], %mul3A_182 {add = true} : memref<20x384xf32, #tpu.memory_space<vmem>>[vector<16xi32>, vector<16xi32>], vector<16xf32>,
      %add3A_183 = arith.constant 2 : i32
      %add3A_184 = vector.broadcast %add3A_183 : i32 to vector<16xi32>
      %add3A_185 = arith.addi %add3A_136, %add3A_184 : vector<16xi32>
      %gather3A_186 = tpu.vector_load_idx %arg10[%add3A_185] : memref<7680xi32, #tpu.memory_space<vmem>>[vector<16xi32>], vector<16xi32>,
      tpu.vector_store_idx %arg17[%gather3A_186, %add3A_132], %gather3A_16 {add = true} : memref<20x384xf32, #tpu.memory_space<vmem>>[vector<16xi32>, vector<16xi32>], vector<16xf32>,
      %gather3A_187 = tpu.vector_load_idx %arg11[%add3A_185] : memref<7680xi32, #tpu.memory_space<vmem>>[vector<16xi32>], vector<16xi32>,
      %add3A_188 = arith.constant 6 : i32
      %add3A_189 = vector.broadcast %add3A_188 : i32 to vector<16xi32>
      %add3A_190 = arith.addi %gather3A_187, %add3A_189 : vector<16xi32>
      tpu.vector_store_idx %arg17[%add3A_190, %add3A_132], %gather3A_16 {add = true} : memref<20x384xf32, #tpu.memory_space<vmem>>[vector<16xi32>, vector<16xi32>], vector<16xf32>,
      %gather3A_191 = tpu.vector_load_idx %arg12[%add3A_185] : memref<7680xi32, #tpu.memory_space<vmem>>[vector<16xi32>], vector<16xi32>,
      %add3A_192 = arith.constant 11 : i32
      %add3A_193 = vector.broadcast %add3A_192 : i32 to vector<16xi32>
      %add3A_194 = arith.addi %gather3A_191, %add3A_193 : vector<16xi32>
      tpu.vector_store_idx %arg17[%add3A_194, %add3A_132], %gather3A_16 {add = true} : memref<20x384xf32, #tpu.memory_space<vmem>>[vector<16xi32>, vector<16xi32>], vector<16xf32>,
      %gather3A_195 = tpu.vector_load_idx %arg13[%add3A_185] : memref<7680xi32, #tpu.memory_space<vmem>>[vector<16xi32>], vector<16xi32>,
      %ne3A_196 = arith.constant 0 : i32
      %ne3A_197 = vector.broadcast %ne3A_196 : i32 to vector<16xi32>
      %ne3A_198 = arith.cmpi ne, %gather3A_195, %ne3A_197 : vector<16xi32>
      %convert_element_type3A_199 = arith.extui %ne3A_198 : vector<16xi1> to vector<16xi32>
      %add3A_200 = arith.constant 16 : i32
      %add3A_201 = vector.broadcast %add3A_200 : i32 to vector<16xi32>
      %add3A_202 = arith.addi %add3A_201, %convert_element_type3A_199 : vector<16xi32>
      tpu.vector_store_idx %arg17[%add3A_202, %add3A_132], %gather3A_16 {add = true} : memref<20x384xf32, #tpu.memory_space<vmem>>[vector<16xi32>, vector<16xi32>], vector<16xf32>,
      %gather3A_203 = tpu.vector_load_idx %arg14[%add3A_185] : memref<7680xf32, #tpu.memory_space<vmem>>[vector<16xi32>], vector<16xf32>,
      %mul3A_204 = arith.mulf %gather3A_203, %gather3A_16 : vector<16xf32>
      tpu.vector_store_idx %arg17[%broadcast_in_dim3A_4, %add3A_132], %mul3A_204 {add = true} : memref<20x384xf32, #tpu.memory_space<vmem>>[vector<16xi32>, vector<16xi32>], vector<16xf32>,
      %gather3A_205 = tpu.vector_load_idx %arg15[%add3A_185] : memref<7680xf32, #tpu.memory_space<vmem>>[vector<16xi32>], vector<16xf32>,
      %mul3A_206 = arith.mulf %gather3A_205, %gather3A_16 : vector<16xf32>
      tpu.vector_store_idx %arg17[%broadcast_in_dim3A_6, %add3A_132], %mul3A_206 {add = true} : memref<20x384xf32, #tpu.memory_space<vmem>>[vector<16xi32>, vector<16xi32>], vector<16xf32>,
      %add3A_207 = arith.constant 3 : i32
      %add3A_208 = vector.broadcast %add3A_207 : i32 to vector<16xi32>
      %add3A_209 = arith.addi %add3A_136, %add3A_208 : vector<16xi32>
      %gather3A_210 = tpu.vector_load_idx %arg10[%add3A_209] : memref<7680xi32, #tpu.memory_space<vmem>>[vector<16xi32>], vector<16xi32>,
      tpu.vector_store_idx %arg17[%gather3A_210, %add3A_132], %gather3A_19 {add = true} : memref<20x384xf32, #tpu.memory_space<vmem>>[vector<16xi32>, vector<16xi32>], vector<16xf32>,
      %gather3A_211 = tpu.vector_load_idx %arg11[%add3A_209] : memref<7680xi32, #tpu.memory_space<vmem>>[vector<16xi32>], vector<16xi32>,
      %add3A_212 = arith.constant 6 : i32
      %add3A_213 = vector.broadcast %add3A_212 : i32 to vector<16xi32>
      %add3A_214 = arith.addi %gather3A_211, %add3A_213 : vector<16xi32>
      tpu.vector_store_idx %arg17[%add3A_214, %add3A_132], %gather3A_19 {add = true} : memref<20x384xf32, #tpu.memory_space<vmem>>[vector<16xi32>, vector<16xi32>], vector<16xf32>,
      %gather3A_215 = tpu.vector_load_idx %arg12[%add3A_209] : memref<7680xi32, #tpu.memory_space<vmem>>[vector<16xi32>], vector<16xi32>,
      %add3A_216 = arith.constant 11 : i32
      %add3A_217 = vector.broadcast %add3A_216 : i32 to vector<16xi32>
      %add3A_218 = arith.addi %gather3A_215, %add3A_217 : vector<16xi32>
      tpu.vector_store_idx %arg17[%add3A_218, %add3A_132], %gather3A_19 {add = true} : memref<20x384xf32, #tpu.memory_space<vmem>>[vector<16xi32>, vector<16xi32>], vector<16xf32>,
      %gather3A_219 = tpu.vector_load_idx %arg13[%add3A_209] : memref<7680xi32, #tpu.memory_space<vmem>>[vector<16xi32>], vector<16xi32>,
      %ne3A_220 = arith.constant 0 : i32
      %ne3A_221 = vector.broadcast %ne3A_220 : i32 to vector<16xi32>
      %ne3A_222 = arith.cmpi ne, %gather3A_219, %ne3A_221 : vector<16xi32>
      %convert_element_type3A_223 = arith.extui %ne3A_222 : vector<16xi1> to vector<16xi32>
      %add3A_224 = arith.constant 16 : i32
      %add3A_225 = vector.broadcast %add3A_224 : i32 to vector<16xi32>
      %add3A_226 = arith.addi %add3A_225, %convert_element_type3A_223 : vector<16xi32>
      tpu.vector_store_idx %arg17[%add3A_226, %add3A_132], %gather3A_19 {add = true} : memref<20x384xf32, #tpu.memory_space<vmem>>[vector<16xi32>, vector<16xi32>], vector<16xf32>,
      %gather3A_227 = tpu.vector_load_idx %arg14[%add3A_209] : memref<7680xf32, #tpu.memory_space<vmem>>[vector<16xi32>], vector<16xf32>,
      %mul3A_228 = arith.mulf %gather3A_227, %gather3A_19 : vector<16xf32>
      tpu.vector_store_idx %arg17[%broadcast_in_dim3A_4, %add3A_132], %mul3A_228 {add = true} : memref<20x384xf32, #tpu.memory_space<vmem>>[vector<16xi32>, vector<16xi32>], vector<16xf32>,
      %gather3A_229 = tpu.vector_load_idx %arg15[%add3A_209] : memref<7680xf32, #tpu.memory_space<vmem>>[vector<16xi32>], vector<16xf32>,
      %mul3A_230 = arith.mulf %gather3A_229, %gather3A_19 : vector<16xf32>
      tpu.vector_store_idx %arg17[%broadcast_in_dim3A_6, %add3A_132], %mul3A_230 {add = true} : memref<20x384xf32, #tpu.memory_space<vmem>>[vector<16xi32>, vector<16xi32>], vector<16xf32>,
      %add3A_231 = arith.constant 4 : i32
      %add3A_232 = vector.broadcast %add3A_231 : i32 to vector<16xi32>
      %add3A_233 = arith.addi %add3A_136, %add3A_232 : vector<16xi32>
      %gather3A_234 = tpu.vector_load_idx %arg10[%add3A_233] : memref<7680xi32, #tpu.memory_space<vmem>>[vector<16xi32>], vector<16xi32>,
      tpu.vector_store_idx %arg17[%gather3A_234, %add3A_132], %gather3A_22 {add = true} : memref<20x384xf32, #tpu.memory_space<vmem>>[vector<16xi32>, vector<16xi32>], vector<16xf32>,
      %gather3A_235 = tpu.vector_load_idx %arg11[%add3A_233] : memref<7680xi32, #tpu.memory_space<vmem>>[vector<16xi32>], vector<16xi32>,
      %add3A_236 = arith.constant 6 : i32
      %add3A_237 = vector.broadcast %add3A_236 : i32 to vector<16xi32>
      %add3A_238 = arith.addi %gather3A_235, %add3A_237 : vector<16xi32>
      tpu.vector_store_idx %arg17[%add3A_238, %add3A_132], %gather3A_22 {add = true} : memref<20x384xf32, #tpu.memory_space<vmem>>[vector<16xi32>, vector<16xi32>], vector<16xf32>,
      %gather3A_239 = tpu.vector_load_idx %arg12[%add3A_233] : memref<7680xi32, #tpu.memory_space<vmem>>[vector<16xi32>], vector<16xi32>,
      %add3A_240 = arith.constant 11 : i32
      %add3A_241 = vector.broadcast %add3A_240 : i32 to vector<16xi32>
      %add3A_242 = arith.addi %gather3A_239, %add3A_241 : vector<16xi32>
      tpu.vector_store_idx %arg17[%add3A_242, %add3A_132], %gather3A_22 {add = true} : memref<20x384xf32, #tpu.memory_space<vmem>>[vector<16xi32>, vector<16xi32>], vector<16xf32>,
      %gather3A_243 = tpu.vector_load_idx %arg13[%add3A_233] : memref<7680xi32, #tpu.memory_space<vmem>>[vector<16xi32>], vector<16xi32>,
      %ne3A_244 = arith.constant 0 : i32
      %ne3A_245 = vector.broadcast %ne3A_244 : i32 to vector<16xi32>
      %ne3A_246 = arith.cmpi ne, %gather3A_243, %ne3A_245 : vector<16xi32>
      %convert_element_type3A_247 = arith.extui %ne3A_246 : vector<16xi1> to vector<16xi32>
      %add3A_248 = arith.constant 16 : i32
      %add3A_249 = vector.broadcast %add3A_248 : i32 to vector<16xi32>
      %add3A_250 = arith.addi %add3A_249, %convert_element_type3A_247 : vector<16xi32>
      tpu.vector_store_idx %arg17[%add3A_250, %add3A_132], %gather3A_22 {add = true} : memref<20x384xf32, #tpu.memory_space<vmem>>[vector<16xi32>, vector<16xi32>], vector<16xf32>,
      %gather3A_251 = tpu.vector_load_idx %arg14[%add3A_233] : memref<7680xf32, #tpu.memory_space<vmem>>[vector<16xi32>], vector<16xf32>,
      %mul3A_252 = arith.mulf %gather3A_251, %gather3A_22 : vector<16xf32>
      tpu.vector_store_idx %arg17[%broadcast_in_dim3A_4, %add3A_132], %mul3A_252 {add = true} : memref<20x384xf32, #tpu.memory_space<vmem>>[vector<16xi32>, vector<16xi32>], vector<16xf32>,
      %gather3A_253 = tpu.vector_load_idx %arg15[%add3A_233] : memref<7680xf32, #tpu.memory_space<vmem>>[vector<16xi32>], vector<16xf32>,
      %mul3A_254 = arith.mulf %gather3A_253, %gather3A_22 : vector<16xf32>
      tpu.vector_store_idx %arg17[%broadcast_in_dim3A_6, %add3A_132], %mul3A_254 {add = true} : memref<20x384xf32, #tpu.memory_space<vmem>>[vector<16xi32>, vector<16xi32>], vector<16xf32>,
      %add3A_255 = arith.constant 5 : i32
      %add3A_256 = vector.broadcast %add3A_255 : i32 to vector<16xi32>
      %add3A_257 = arith.addi %add3A_136, %add3A_256 : vector<16xi32>
      %gather3A_258 = tpu.vector_load_idx %arg10[%add3A_257] : memref<7680xi32, #tpu.memory_space<vmem>>[vector<16xi32>], vector<16xi32>,
      tpu.vector_store_idx %arg17[%gather3A_258, %add3A_132], %gather3A_25 {add = true} : memref<20x384xf32, #tpu.memory_space<vmem>>[vector<16xi32>, vector<16xi32>], vector<16xf32>,
      %gather3A_259 = tpu.vector_load_idx %arg11[%add3A_257] : memref<7680xi32, #tpu.memory_space<vmem>>[vector<16xi32>], vector<16xi32>,
      %add3A_260 = arith.constant 6 : i32
      %add3A_261 = vector.broadcast %add3A_260 : i32 to vector<16xi32>
      %add3A_262 = arith.addi %gather3A_259, %add3A_261 : vector<16xi32>
      tpu.vector_store_idx %arg17[%add3A_262, %add3A_132], %gather3A_25 {add = true} : memref<20x384xf32, #tpu.memory_space<vmem>>[vector<16xi32>, vector<16xi32>], vector<16xf32>,
      %gather3A_263 = tpu.vector_load_idx %arg12[%add3A_257] : memref<7680xi32, #tpu.memory_space<vmem>>[vector<16xi32>], vector<16xi32>,
      %add3A_264 = arith.constant 11 : i32
      %add3A_265 = vector.broadcast %add3A_264 : i32 to vector<16xi32>
      %add3A_266 = arith.addi %gather3A_263, %add3A_265 : vector<16xi32>
      tpu.vector_store_idx %arg17[%add3A_266, %add3A_132], %gather3A_25 {add = true} : memref<20x384xf32, #tpu.memory_space<vmem>>[vector<16xi32>, vector<16xi32>], vector<16xf32>,
      %gather3A_267 = tpu.vector_load_idx %arg13[%add3A_257] : memref<7680xi32, #tpu.memory_space<vmem>>[vector<16xi32>], vector<16xi32>,
      %ne3A_268 = arith.constant 0 : i32
      %ne3A_269 = vector.broadcast %ne3A_268 : i32 to vector<16xi32>
      %ne3A_270 = arith.cmpi ne, %gather3A_267, %ne3A_269 : vector<16xi32>
      %convert_element_type3A_271 = arith.extui %ne3A_270 : vector<16xi1> to vector<16xi32>
      %add3A_272 = arith.constant 16 : i32
      %add3A_273 = vector.broadcast %add3A_272 : i32 to vector<16xi32>
      %add3A_274 = arith.addi %add3A_273, %convert_element_type3A_271 : vector<16xi32>
      tpu.vector_store_idx %arg17[%add3A_274, %add3A_132], %gather3A_25 {add = true} : memref<20x384xf32, #tpu.memory_space<vmem>>[vector<16xi32>, vector<16xi32>], vector<16xf32>,
      %gather3A_275 = tpu.vector_load_idx %arg14[%add3A_257] : memref<7680xf32, #tpu.memory_space<vmem>>[vector<16xi32>], vector<16xf32>,
      %mul3A_276 = arith.mulf %gather3A_275, %gather3A_25 : vector<16xf32>
      tpu.vector_store_idx %arg17[%broadcast_in_dim3A_4, %add3A_132], %mul3A_276 {add = true} : memref<20x384xf32, #tpu.memory_space<vmem>>[vector<16xi32>, vector<16xi32>], vector<16xf32>,
      %gather3A_277 = tpu.vector_load_idx %arg15[%add3A_257] : memref<7680xf32, #tpu.memory_space<vmem>>[vector<16xi32>], vector<16xf32>,
      %mul3A_278 = arith.mulf %gather3A_277, %gather3A_25 : vector<16xf32>
      tpu.vector_store_idx %arg17[%broadcast_in_dim3A_6, %add3A_132], %mul3A_278 {add = true} : memref<20x384xf32, #tpu.memory_space<vmem>>[vector<16xi32>, vector<16xi32>], vector<16xf32>,
      %add3A_279 = arith.constant 6 : i32
      %add3A_280 = vector.broadcast %add3A_279 : i32 to vector<16xi32>
      %add3A_281 = arith.addi %add3A_136, %add3A_280 : vector<16xi32>
      %gather3A_282 = tpu.vector_load_idx %arg10[%add3A_281] : memref<7680xi32, #tpu.memory_space<vmem>>[vector<16xi32>], vector<16xi32>,
      tpu.vector_store_idx %arg17[%gather3A_282, %add3A_132], %gather3A_28 {add = true} : memref<20x384xf32, #tpu.memory_space<vmem>>[vector<16xi32>, vector<16xi32>], vector<16xf32>,
      %gather3A_283 = tpu.vector_load_idx %arg11[%add3A_281] : memref<7680xi32, #tpu.memory_space<vmem>>[vector<16xi32>], vector<16xi32>,
      %add3A_284 = arith.constant 6 : i32
      %add3A_285 = vector.broadcast %add3A_284 : i32 to vector<16xi32>
      %add3A_286 = arith.addi %gather3A_283, %add3A_285 : vector<16xi32>
      tpu.vector_store_idx %arg17[%add3A_286, %add3A_132], %gather3A_28 {add = true} : memref<20x384xf32, #tpu.memory_space<vmem>>[vector<16xi32>, vector<16xi32>], vector<16xf32>,
      %gather3A_287 = tpu.vector_load_idx %arg12[%add3A_281] : memref<7680xi32, #tpu.memory_space<vmem>>[vector<16xi32>], vector<16xi32>,
      %add3A_288 = arith.constant 11 : i32
      %add3A_289 = vector.broadcast %add3A_288 : i32 to vector<16xi32>
      %add3A_290 = arith.addi %gather3A_287, %add3A_289 : vector<16xi32>
      tpu.vector_store_idx %arg17[%add3A_290, %add3A_132], %gather3A_28 {add = true} : memref<20x384xf32, #tpu.memory_space<vmem>>[vector<16xi32>, vector<16xi32>], vector<16xf32>,
      %gather3A_291 = tpu.vector_load_idx %arg13[%add3A_281] : memref<7680xi32, #tpu.memory_space<vmem>>[vector<16xi32>], vector<16xi32>,
      %ne3A_292 = arith.constant 0 : i32
      %ne3A_293 = vector.broadcast %ne3A_292 : i32 to vector<16xi32>
      %ne3A_294 = arith.cmpi ne, %gather3A_291, %ne3A_293 : vector<16xi32>
      %convert_element_type3A_295 = arith.extui %ne3A_294 : vector<16xi1> to vector<16xi32>
      %add3A_296 = arith.constant 16 : i32
      %add3A_297 = vector.broadcast %add3A_296 : i32 to vector<16xi32>
      %add3A_298 = arith.addi %add3A_297, %convert_element_type3A_295 : vector<16xi32>
      tpu.vector_store_idx %arg17[%add3A_298, %add3A_132], %gather3A_28 {add = true} : memref<20x384xf32, #tpu.memory_space<vmem>>[vector<16xi32>, vector<16xi32>], vector<16xf32>,
      %gather3A_299 = tpu.vector_load_idx %arg14[%add3A_281] : memref<7680xf32, #tpu.memory_space<vmem>>[vector<16xi32>], vector<16xf32>,
      %mul3A_300 = arith.mulf %gather3A_299, %gather3A_28 : vector<16xf32>
      tpu.vector_store_idx %arg17[%broadcast_in_dim3A_4, %add3A_132], %mul3A_300 {add = true} : memref<20x384xf32, #tpu.memory_space<vmem>>[vector<16xi32>, vector<16xi32>], vector<16xf32>,
      %gather3A_301 = tpu.vector_load_idx %arg15[%add3A_281] : memref<7680xf32, #tpu.memory_space<vmem>>[vector<16xi32>], vector<16xf32>,
      %mul3A_302 = arith.mulf %gather3A_301, %gather3A_28 : vector<16xf32>
      tpu.vector_store_idx %arg17[%broadcast_in_dim3A_6, %add3A_132], %mul3A_302 {add = true} : memref<20x384xf32, #tpu.memory_space<vmem>>[vector<16xi32>, vector<16xi32>], vector<16xf32>,
      %add3A_303 = arith.constant 7 : i32
      %add3A_304 = vector.broadcast %add3A_303 : i32 to vector<16xi32>
      %add3A_305 = arith.addi %add3A_136, %add3A_304 : vector<16xi32>
      %gather3A_306 = tpu.vector_load_idx %arg10[%add3A_305] : memref<7680xi32, #tpu.memory_space<vmem>>[vector<16xi32>], vector<16xi32>,
      tpu.vector_store_idx %arg17[%gather3A_306, %add3A_132], %gather3A_31 {add = true} : memref<20x384xf32, #tpu.memory_space<vmem>>[vector<16xi32>, vector<16xi32>], vector<16xf32>,
      %gather3A_307 = tpu.vector_load_idx %arg11[%add3A_305] : memref<7680xi32, #tpu.memory_space<vmem>>[vector<16xi32>], vector<16xi32>,
      %add3A_308 = arith.constant 6 : i32
      %add3A_309 = vector.broadcast %add3A_308 : i32 to vector<16xi32>
      %add3A_310 = arith.addi %gather3A_307, %add3A_309 : vector<16xi32>
      tpu.vector_store_idx %arg17[%add3A_310, %add3A_132], %gather3A_31 {add = true} : memref<20x384xf32, #tpu.memory_space<vmem>>[vector<16xi32>, vector<16xi32>], vector<16xf32>,
      %gather3A_311 = tpu.vector_load_idx %arg12[%add3A_305] : memref<7680xi32, #tpu.memory_space<vmem>>[vector<16xi32>], vector<16xi32>,
      %add3A_312 = arith.constant 11 : i32
      %add3A_313 = vector.broadcast %add3A_312 : i32 to vector<16xi32>
      %add3A_314 = arith.addi %gather3A_311, %add3A_313 : vector<16xi32>
      tpu.vector_store_idx %arg17[%add3A_314, %add3A_132], %gather3A_31 {add = true} : memref<20x384xf32, #tpu.memory_space<vmem>>[vector<16xi32>, vector<16xi32>], vector<16xf32>,
      %gather3A_315 = tpu.vector_load_idx %arg13[%add3A_305] : memref<7680xi32, #tpu.memory_space<vmem>>[vector<16xi32>], vector<16xi32>,
      %ne3A_316 = arith.constant 0 : i32
      %ne3A_317 = vector.broadcast %ne3A_316 : i32 to vector<16xi32>
      %ne3A_318 = arith.cmpi ne, %gather3A_315, %ne3A_317 : vector<16xi32>
      %convert_element_type3A_319 = arith.extui %ne3A_318 : vector<16xi1> to vector<16xi32>
      %add3A_320 = arith.constant 16 : i32
      %add3A_321 = vector.broadcast %add3A_320 : i32 to vector<16xi32>
      %add3A_322 = arith.addi %add3A_321, %convert_element_type3A_319 : vector<16xi32>
      tpu.vector_store_idx %arg17[%add3A_322, %add3A_132], %gather3A_31 {add = true} : memref<20x384xf32, #tpu.memory_space<vmem>>[vector<16xi32>, vector<16xi32>], vector<16xf32>,
      %gather3A_323 = tpu.vector_load_idx %arg14[%add3A_305] : memref<7680xf32, #tpu.memory_space<vmem>>[vector<16xi32>], vector<16xf32>,
      %mul3A_324 = arith.mulf %gather3A_323, %gather3A_31 : vector<16xf32>
      tpu.vector_store_idx %arg17[%broadcast_in_dim3A_4, %add3A_132], %mul3A_324 {add = true} : memref<20x384xf32, #tpu.memory_space<vmem>>[vector<16xi32>, vector<16xi32>], vector<16xf32>,
      %gather3A_325 = tpu.vector_load_idx %arg15[%add3A_305] : memref<7680xf32, #tpu.memory_space<vmem>>[vector<16xi32>], vector<16xf32>,
      %mul3A_326 = arith.mulf %gather3A_325, %gather3A_31 : vector<16xf32>
      tpu.vector_store_idx %arg17[%broadcast_in_dim3A_6, %add3A_132], %mul3A_326 {add = true} : memref<20x384xf32, #tpu.memory_space<vmem>>[vector<16xi32>, vector<16xi32>], vector<16xf32>,
      %add3A_327 = arith.constant 8 : i32
      %add3A_328 = vector.broadcast %add3A_327 : i32 to vector<16xi32>
      %add3A_329 = arith.addi %add3A_136, %add3A_328 : vector<16xi32>
      %gather3A_330 = tpu.vector_load_idx %arg10[%add3A_329] : memref<7680xi32, #tpu.memory_space<vmem>>[vector<16xi32>], vector<16xi32>,
      tpu.vector_store_idx %arg17[%gather3A_330, %add3A_132], %gather3A_34 {add = true} : memref<20x384xf32, #tpu.memory_space<vmem>>[vector<16xi32>, vector<16xi32>], vector<16xf32>,
      %gather3A_331 = tpu.vector_load_idx %arg11[%add3A_329] : memref<7680xi32, #tpu.memory_space<vmem>>[vector<16xi32>], vector<16xi32>,
      %add3A_332 = arith.constant 6 : i32
      %add3A_333 = vector.broadcast %add3A_332 : i32 to vector<16xi32>
      %add3A_334 = arith.addi %gather3A_331, %add3A_333 : vector<16xi32>
      tpu.vector_store_idx %arg17[%add3A_334, %add3A_132], %gather3A_34 {add = true} : memref<20x384xf32, #tpu.memory_space<vmem>>[vector<16xi32>, vector<16xi32>], vector<16xf32>,
      %gather3A_335 = tpu.vector_load_idx %arg12[%add3A_329] : memref<7680xi32, #tpu.memory_space<vmem>>[vector<16xi32>], vector<16xi32>,
      %add3A_336 = arith.constant 11 : i32
      %add3A_337 = vector.broadcast %add3A_336 : i32 to vector<16xi32>
      %add3A_338 = arith.addi %gather3A_335, %add3A_337 : vector<16xi32>
      tpu.vector_store_idx %arg17[%add3A_338, %add3A_132], %gather3A_34 {add = true} : memref<20x384xf32, #tpu.memory_space<vmem>>[vector<16xi32>, vector<16xi32>], vector<16xf32>,
      %gather3A_339 = tpu.vector_load_idx %arg13[%add3A_329] : memref<7680xi32, #tpu.memory_space<vmem>>[vector<16xi32>], vector<16xi32>,
      %ne3A_340 = arith.constant 0 : i32
      %ne3A_341 = vector.broadcast %ne3A_340 : i32 to vector<16xi32>
      %ne3A_342 = arith.cmpi ne, %gather3A_339, %ne3A_341 : vector<16xi32>
      %convert_element_type3A_343 = arith.extui %ne3A_342 : vector<16xi1> to vector<16xi32>
      %add3A_344 = arith.constant 16 : i32
      %add3A_345 = vector.broadcast %add3A_344 : i32 to vector<16xi32>
      %add3A_346 = arith.addi %add3A_345, %convert_element_type3A_343 : vector<16xi32>
      tpu.vector_store_idx %arg17[%add3A_346, %add3A_132], %gather3A_34 {add = true} : memref<20x384xf32, #tpu.memory_space<vmem>>[vector<16xi32>, vector<16xi32>], vector<16xf32>,
      %gather3A_347 = tpu.vector_load_idx %arg14[%add3A_329] : memref<7680xf32, #tpu.memory_space<vmem>>[vector<16xi32>], vector<16xf32>,
      %mul3A_348 = arith.mulf %gather3A_347, %gather3A_34 : vector<16xf32>
      tpu.vector_store_idx %arg17[%broadcast_in_dim3A_4, %add3A_132], %mul3A_348 {add = true} : memref<20x384xf32, #tpu.memory_space<vmem>>[vector<16xi32>, vector<16xi32>], vector<16xf32>,
      %gather3A_349 = tpu.vector_load_idx %arg15[%add3A_329] : memref<7680xf32, #tpu.memory_space<vmem>>[vector<16xi32>], vector<16xf32>,
      %mul3A_350 = arith.mulf %gather3A_349, %gather3A_34 : vector<16xf32>
      tpu.vector_store_idx %arg17[%broadcast_in_dim3A_6, %add3A_132], %mul3A_350 {add = true} : memref<20x384xf32, #tpu.memory_space<vmem>>[vector<16xi32>, vector<16xi32>], vector<16xf32>,
      %add3A_351 = arith.constant 9 : i32
      %add3A_352 = vector.broadcast %add3A_351 : i32 to vector<16xi32>
      %add3A_353 = arith.addi %add3A_136, %add3A_352 : vector<16xi32>
      %gather3A_354 = tpu.vector_load_idx %arg10[%add3A_353] : memref<7680xi32, #tpu.memory_space<vmem>>[vector<16xi32>], vector<16xi32>,
      tpu.vector_store_idx %arg17[%gather3A_354, %add3A_132], %gather3A_37 {add = true} : memref<20x384xf32, #tpu.memory_space<vmem>>[vector<16xi32>, vector<16xi32>], vector<16xf32>,
      %gather3A_355 = tpu.vector_load_idx %arg11[%add3A_353] : memref<7680xi32, #tpu.memory_space<vmem>>[vector<16xi32>], vector<16xi32>,
      %add3A_356 = arith.constant 6 : i32
      %add3A_357 = vector.broadcast %add3A_356 : i32 to vector<16xi32>
      %add3A_358 = arith.addi %gather3A_355, %add3A_357 : vector<16xi32>
      tpu.vector_store_idx %arg17[%add3A_358, %add3A_132], %gather3A_37 {add = true} : memref<20x384xf32, #tpu.memory_space<vmem>>[vector<16xi32>, vector<16xi32>], vector<16xf32>,
      %gather3A_359 = tpu.vector_load_idx %arg12[%add3A_353] : memref<7680xi32, #tpu.memory_space<vmem>>[vector<16xi32>], vector<16xi32>,
      %add3A_360 = arith.constant 11 : i32
      %add3A_361 = vector.broadcast %add3A_360 : i32 to vector<16xi32>
      %add3A_362 = arith.addi %gather3A_359, %add3A_361 : vector<16xi32>
      tpu.vector_store_idx %arg17[%add3A_362, %add3A_132], %gather3A_37 {add = true} : memref<20x384xf32, #tpu.memory_space<vmem>>[vector<16xi32>, vector<16xi32>], vector<16xf32>,
      %gather3A_363 = tpu.vector_load_idx %arg13[%add3A_353] : memref<7680xi32, #tpu.memory_space<vmem>>[vector<16xi32>], vector<16xi32>,
      %ne3A_364 = arith.constant 0 : i32
      %ne3A_365 = vector.broadcast %ne3A_364 : i32 to vector<16xi32>
      %ne3A_366 = arith.cmpi ne, %gather3A_363, %ne3A_365 : vector<16xi32>
      %convert_element_type3A_367 = arith.extui %ne3A_366 : vector<16xi1> to vector<16xi32>
      %add3A_368 = arith.constant 16 : i32
      %add3A_369 = vector.broadcast %add3A_368 : i32 to vector<16xi32>
      %add3A_370 = arith.addi %add3A_369, %convert_element_type3A_367 : vector<16xi32>
      tpu.vector_store_idx %arg17[%add3A_370, %add3A_132], %gather3A_37 {add = true} : memref<20x384xf32, #tpu.memory_space<vmem>>[vector<16xi32>, vector<16xi32>], vector<16xf32>,
      %gather3A_371 = tpu.vector_load_idx %arg14[%add3A_353] : memref<7680xf32, #tpu.memory_space<vmem>>[vector<16xi32>], vector<16xf32>,
      %mul3A_372 = arith.mulf %gather3A_371, %gather3A_37 : vector<16xf32>
      tpu.vector_store_idx %arg17[%broadcast_in_dim3A_4, %add3A_132], %mul3A_372 {add = true} : memref<20x384xf32, #tpu.memory_space<vmem>>[vector<16xi32>, vector<16xi32>], vector<16xf32>,
      %gather3A_373 = tpu.vector_load_idx %arg15[%add3A_353] : memref<7680xf32, #tpu.memory_space<vmem>>[vector<16xi32>], vector<16xf32>,
      %mul3A_374 = arith.mulf %gather3A_373, %gather3A_37 : vector<16xf32>
      tpu.vector_store_idx %arg17[%broadcast_in_dim3A_6, %add3A_132], %mul3A_374 {add = true} : memref<20x384xf32, #tpu.memory_space<vmem>>[vector<16xi32>, vector<16xi32>], vector<16xf32>,
      %add3A_375 = arith.constant 10 : i32
      %add3A_376 = vector.broadcast %add3A_375 : i32 to vector<16xi32>
      %add3A_377 = arith.addi %add3A_136, %add3A_376 : vector<16xi32>
      %gather3A_378 = tpu.vector_load_idx %arg10[%add3A_377] : memref<7680xi32, #tpu.memory_space<vmem>>[vector<16xi32>], vector<16xi32>,
      tpu.vector_store_idx %arg17[%gather3A_378, %add3A_132], %gather3A_40 {add = true} : memref<20x384xf32, #tpu.memory_space<vmem>>[vector<16xi32>, vector<16xi32>], vector<16xf32>,
      %gather3A_379 = tpu.vector_load_idx %arg11[%add3A_377] : memref<7680xi32, #tpu.memory_space<vmem>>[vector<16xi32>], vector<16xi32>,
      %add3A_380 = arith.constant 6 : i32
      %add3A_381 = vector.broadcast %add3A_380 : i32 to vector<16xi32>
      %add3A_382 = arith.addi %gather3A_379, %add3A_381 : vector<16xi32>
      tpu.vector_store_idx %arg17[%add3A_382, %add3A_132], %gather3A_40 {add = true} : memref<20x384xf32, #tpu.memory_space<vmem>>[vector<16xi32>, vector<16xi32>], vector<16xf32>,
      %gather3A_383 = tpu.vector_load_idx %arg12[%add3A_377] : memref<7680xi32, #tpu.memory_space<vmem>>[vector<16xi32>], vector<16xi32>,
      %add3A_384 = arith.constant 11 : i32
      %add3A_385 = vector.broadcast %add3A_384 : i32 to vector<16xi32>
      %add3A_386 = arith.addi %gather3A_383, %add3A_385 : vector<16xi32>
      tpu.vector_store_idx %arg17[%add3A_386, %add3A_132], %gather3A_40 {add = true} : memref<20x384xf32, #tpu.memory_space<vmem>>[vector<16xi32>, vector<16xi32>], vector<16xf32>,
      %gather3A_387 = tpu.vector_load_idx %arg13[%add3A_377] : memref<7680xi32, #tpu.memory_space<vmem>>[vector<16xi32>], vector<16xi32>,
      %ne3A_388 = arith.constant 0 : i32
      %ne3A_389 = vector.broadcast %ne3A_388 : i32 to vector<16xi32>
      %ne3A_390 = arith.cmpi ne, %gather3A_387, %ne3A_389 : vector<16xi32>
      %convert_element_type3A_391 = arith.extui %ne3A_390 : vector<16xi1> to vector<16xi32>
      %add3A_392 = arith.constant 16 : i32
      %add3A_393 = vector.broadcast %add3A_392 : i32 to vector<16xi32>
      %add3A_394 = arith.addi %add3A_393, %convert_element_type3A_391 : vector<16xi32>
      tpu.vector_store_idx %arg17[%add3A_394, %add3A_132], %gather3A_40 {add = true} : memref<20x384xf32, #tpu.memory_space<vmem>>[vector<16xi32>, vector<16xi32>], vector<16xf32>,
      %gather3A_395 = tpu.vector_load_idx %arg14[%add3A_377] : memref<7680xf32, #tpu.memory_space<vmem>>[vector<16xi32>], vector<16xf32>,
      %mul3A_396 = arith.mulf %gather3A_395, %gather3A_40 : vector<16xf32>
      tpu.vector_store_idx %arg17[%broadcast_in_dim3A_4, %add3A_132], %mul3A_396 {add = true} : memref<20x384xf32, #tpu.memory_space<vmem>>[vector<16xi32>, vector<16xi32>], vector<16xf32>,
      %gather3A_397 = tpu.vector_load_idx %arg15[%add3A_377] : memref<7680xf32, #tpu.memory_space<vmem>>[vector<16xi32>], vector<16xf32>,
      %mul3A_398 = arith.mulf %gather3A_397, %gather3A_40 : vector<16xf32>
      tpu.vector_store_idx %arg17[%broadcast_in_dim3A_6, %add3A_132], %mul3A_398 {add = true} : memref<20x384xf32, #tpu.memory_space<vmem>>[vector<16xi32>, vector<16xi32>], vector<16xf32>,
      %add3A_399 = arith.constant 11 : i32
      %add3A_400 = vector.broadcast %add3A_399 : i32 to vector<16xi32>
      %add3A_401 = arith.addi %add3A_136, %add3A_400 : vector<16xi32>
      %gather3A_402 = tpu.vector_load_idx %arg10[%add3A_401] : memref<7680xi32, #tpu.memory_space<vmem>>[vector<16xi32>], vector<16xi32>,
      tpu.vector_store_idx %arg17[%gather3A_402, %add3A_132], %gather3A_43 {add = true} : memref<20x384xf32, #tpu.memory_space<vmem>>[vector<16xi32>, vector<16xi32>], vector<16xf32>,
      %gather3A_403 = tpu.vector_load_idx %arg11[%add3A_401] : memref<7680xi32, #tpu.memory_space<vmem>>[vector<16xi32>], vector<16xi32>,
      %add3A_404 = arith.constant 6 : i32
      %add3A_405 = vector.broadcast %add3A_404 : i32 to vector<16xi32>
      %add3A_406 = arith.addi %gather3A_403, %add3A_405 : vector<16xi32>
      tpu.vector_store_idx %arg17[%add3A_406, %add3A_132], %gather3A_43 {add = true} : memref<20x384xf32, #tpu.memory_space<vmem>>[vector<16xi32>, vector<16xi32>], vector<16xf32>,
      %gather3A_407 = tpu.vector_load_idx %arg12[%add3A_401] : memref<7680xi32, #tpu.memory_space<vmem>>[vector<16xi32>], vector<16xi32>,
      %add3A_408 = arith.constant 11 : i32
      %add3A_409 = vector.broadcast %add3A_408 : i32 to vector<16xi32>
      %add3A_410 = arith.addi %gather3A_407, %add3A_409 : vector<16xi32>
      tpu.vector_store_idx %arg17[%add3A_410, %add3A_132], %gather3A_43 {add = true} : memref<20x384xf32, #tpu.memory_space<vmem>>[vector<16xi32>, vector<16xi32>], vector<16xf32>,
      %gather3A_411 = tpu.vector_load_idx %arg13[%add3A_401] : memref<7680xi32, #tpu.memory_space<vmem>>[vector<16xi32>], vector<16xi32>,
      %ne3A_412 = arith.constant 0 : i32
      %ne3A_413 = vector.broadcast %ne3A_412 : i32 to vector<16xi32>
      %ne3A_414 = arith.cmpi ne, %gather3A_411, %ne3A_413 : vector<16xi32>
      %convert_element_type3A_415 = arith.extui %ne3A_414 : vector<16xi1> to vector<16xi32>
      %add3A_416 = arith.constant 16 : i32
      %add3A_417 = vector.broadcast %add3A_416 : i32 to vector<16xi32>
      %add3A_418 = arith.addi %add3A_417, %convert_element_type3A_415 : vector<16xi32>
      tpu.vector_store_idx %arg17[%add3A_418, %add3A_132], %gather3A_43 {add = true} : memref<20x384xf32, #tpu.memory_space<vmem>>[vector<16xi32>, vector<16xi32>], vector<16xf32>,
      %gather3A_419 = tpu.vector_load_idx %arg14[%add3A_401] : memref<7680xf32, #tpu.memory_space<vmem>>[vector<16xi32>], vector<16xf32>,
      %mul3A_420 = arith.mulf %gather3A_419, %gather3A_43 : vector<16xf32>
      tpu.vector_store_idx %arg17[%broadcast_in_dim3A_4, %add3A_132], %mul3A_420 {add = true} : memref<20x384xf32, #tpu.memory_space<vmem>>[vector<16xi32>, vector<16xi32>], vector<16xf32>,
      %gather3A_421 = tpu.vector_load_idx %arg15[%add3A_401] : memref<7680xf32, #tpu.memory_space<vmem>>[vector<16xi32>], vector<16xf32>,
      %mul3A_422 = arith.mulf %gather3A_421, %gather3A_43 : vector<16xf32>
      tpu.vector_store_idx %arg17[%broadcast_in_dim3A_6, %add3A_132], %mul3A_422 {add = true} : memref<20x384xf32, #tpu.memory_space<vmem>>[vector<16xi32>, vector<16xi32>], vector<16xf32>,
      %add3A_423 = arith.constant 12 : i32
      %add3A_424 = vector.broadcast %add3A_423 : i32 to vector<16xi32>
      %add3A_425 = arith.addi %add3A_136, %add3A_424 : vector<16xi32>
      %gather3A_426 = tpu.vector_load_idx %arg10[%add3A_425] : memref<7680xi32, #tpu.memory_space<vmem>>[vector<16xi32>], vector<16xi32>,
      tpu.vector_store_idx %arg17[%gather3A_426, %add3A_132], %gather3A_46 {add = true} : memref<20x384xf32, #tpu.memory_space<vmem>>[vector<16xi32>, vector<16xi32>], vector<16xf32>,
      %gather3A_427 = tpu.vector_load_idx %arg11[%add3A_425] : memref<7680xi32, #tpu.memory_space<vmem>>[vector<16xi32>], vector<16xi32>,
      %add3A_428 = arith.constant 6 : i32
      %add3A_429 = vector.broadcast %add3A_428 : i32 to vector<16xi32>
      %add3A_430 = arith.addi %gather3A_427, %add3A_429 : vector<16xi32>
      tpu.vector_store_idx %arg17[%add3A_430, %add3A_132], %gather3A_46 {add = true} : memref<20x384xf32, #tpu.memory_space<vmem>>[vector<16xi32>, vector<16xi32>], vector<16xf32>,
      %gather3A_431 = tpu.vector_load_idx %arg12[%add3A_425] : memref<7680xi32, #tpu.memory_space<vmem>>[vector<16xi32>], vector<16xi32>,
      %add3A_432 = arith.constant 11 : i32
      %add3A_433 = vector.broadcast %add3A_432 : i32 to vector<16xi32>
      %add3A_434 = arith.addi %gather3A_431, %add3A_433 : vector<16xi32>
      tpu.vector_store_idx %arg17[%add3A_434, %add3A_132], %gather3A_46 {add = true} : memref<20x384xf32, #tpu.memory_space<vmem>>[vector<16xi32>, vector<16xi32>], vector<16xf32>,
      %gather3A_435 = tpu.vector_load_idx %arg13[%add3A_425] : memref<7680xi32, #tpu.memory_space<vmem>>[vector<16xi32>], vector<16xi32>,
      %ne3A_436 = arith.constant 0 : i32
      %ne3A_437 = vector.broadcast %ne3A_436 : i32 to vector<16xi32>
      %ne3A_438 = arith.cmpi ne, %gather3A_435, %ne3A_437 : vector<16xi32>
      %convert_element_type3A_439 = arith.extui %ne3A_438 : vector<16xi1> to vector<16xi32>
      %add3A_440 = arith.constant 16 : i32
      %add3A_441 = vector.broadcast %add3A_440 : i32 to vector<16xi32>
      %add3A_442 = arith.addi %add3A_441, %convert_element_type3A_439 : vector<16xi32>
      tpu.vector_store_idx %arg17[%add3A_442, %add3A_132], %gather3A_46 {add = true} : memref<20x384xf32, #tpu.memory_space<vmem>>[vector<16xi32>, vector<16xi32>], vector<16xf32>,
      %gather3A_443 = tpu.vector_load_idx %arg14[%add3A_425] : memref<7680xf32, #tpu.memory_space<vmem>>[vector<16xi32>], vector<16xf32>,
      %mul3A_444 = arith.mulf %gather3A_443, %gather3A_46 : vector<16xf32>
      tpu.vector_store_idx %arg17[%broadcast_in_dim3A_4, %add3A_132], %mul3A_444 {add = true} : memref<20x384xf32, #tpu.memory_space<vmem>>[vector<16xi32>, vector<16xi32>], vector<16xf32>,
      %gather3A_445 = tpu.vector_load_idx %arg15[%add3A_425] : memref<7680xf32, #tpu.memory_space<vmem>>[vector<16xi32>], vector<16xf32>,
      %mul3A_446 = arith.mulf %gather3A_445, %gather3A_46 : vector<16xf32>
      tpu.vector_store_idx %arg17[%broadcast_in_dim3A_6, %add3A_132], %mul3A_446 {add = true} : memref<20x384xf32, #tpu.memory_space<vmem>>[vector<16xi32>, vector<16xi32>], vector<16xf32>,
      %add3A_447 = arith.constant 13 : i32
      %add3A_448 = vector.broadcast %add3A_447 : i32 to vector<16xi32>
      %add3A_449 = arith.addi %add3A_136, %add3A_448 : vector<16xi32>
      %gather3A_450 = tpu.vector_load_idx %arg10[%add3A_449] : memref<7680xi32, #tpu.memory_space<vmem>>[vector<16xi32>], vector<16xi32>,
      tpu.vector_store_idx %arg17[%gather3A_450, %add3A_132], %gather3A_49 {add = true} : memref<20x384xf32, #tpu.memory_space<vmem>>[vector<16xi32>, vector<16xi32>], vector<16xf32>,
      %gather3A_451 = tpu.vector_load_idx %arg11[%add3A_449] : memref<7680xi32, #tpu.memory_space<vmem>>[vector<16xi32>], vector<16xi32>,
      %add3A_452 = arith.constant 6 : i32
      %add3A_453 = vector.broadcast %add3A_452 : i32 to vector<16xi32>
      %add3A_454 = arith.addi %gather3A_451, %add3A_453 : vector<16xi32>
      tpu.vector_store_idx %arg17[%add3A_454, %add3A_132], %gather3A_49 {add = true} : memref<20x384xf32, #tpu.memory_space<vmem>>[vector<16xi32>, vector<16xi32>], vector<16xf32>,
      %gather3A_455 = tpu.vector_load_idx %arg12[%add3A_449] : memref<7680xi32, #tpu.memory_space<vmem>>[vector<16xi32>], vector<16xi32>,
      %add3A_456 = arith.constant 11 : i32
      %add3A_457 = vector.broadcast %add3A_456 : i32 to vector<16xi32>
      %add3A_458 = arith.addi %gather3A_455, %add3A_457 : vector<16xi32>
      tpu.vector_store_idx %arg17[%add3A_458, %add3A_132], %gather3A_49 {add = true} : memref<20x384xf32, #tpu.memory_space<vmem>>[vector<16xi32>, vector<16xi32>], vector<16xf32>,
      %gather3A_459 = tpu.vector_load_idx %arg13[%add3A_449] : memref<7680xi32, #tpu.memory_space<vmem>>[vector<16xi32>], vector<16xi32>,
      %ne3A_460 = arith.constant 0 : i32
      %ne3A_461 = vector.broadcast %ne3A_460 : i32 to vector<16xi32>
      %ne3A_462 = arith.cmpi ne, %gather3A_459, %ne3A_461 : vector<16xi32>
      %convert_element_type3A_463 = arith.extui %ne3A_462 : vector<16xi1> to vector<16xi32>
      %add3A_464 = arith.constant 16 : i32
      %add3A_465 = vector.broadcast %add3A_464 : i32 to vector<16xi32>
      %add3A_466 = arith.addi %add3A_465, %convert_element_type3A_463 : vector<16xi32>
      tpu.vector_store_idx %arg17[%add3A_466, %add3A_132], %gather3A_49 {add = true} : memref<20x384xf32, #tpu.memory_space<vmem>>[vector<16xi32>, vector<16xi32>], vector<16xf32>,
      %gather3A_467 = tpu.vector_load_idx %arg14[%add3A_449] : memref<7680xf32, #tpu.memory_space<vmem>>[vector<16xi32>], vector<16xf32>,
      %mul3A_468 = arith.mulf %gather3A_467, %gather3A_49 : vector<16xf32>
      tpu.vector_store_idx %arg17[%broadcast_in_dim3A_4, %add3A_132], %mul3A_468 {add = true} : memref<20x384xf32, #tpu.memory_space<vmem>>[vector<16xi32>, vector<16xi32>], vector<16xf32>,
      %gather3A_469 = tpu.vector_load_idx %arg15[%add3A_449] : memref<7680xf32, #tpu.memory_space<vmem>>[vector<16xi32>], vector<16xf32>,
      %mul3A_470 = arith.mulf %gather3A_469, %gather3A_49 : vector<16xf32>
      tpu.vector_store_idx %arg17[%broadcast_in_dim3A_6, %add3A_132], %mul3A_470 {add = true} : memref<20x384xf32, #tpu.memory_space<vmem>>[vector<16xi32>, vector<16xi32>], vector<16xf32>,
      %add3A_471 = arith.constant 14 : i32
      %add3A_472 = vector.broadcast %add3A_471 : i32 to vector<16xi32>
      %add3A_473 = arith.addi %add3A_136, %add3A_472 : vector<16xi32>
      %gather3A_474 = tpu.vector_load_idx %arg10[%add3A_473] : memref<7680xi32, #tpu.memory_space<vmem>>[vector<16xi32>], vector<16xi32>,
      tpu.vector_store_idx %arg17[%gather3A_474, %add3A_132], %gather3A_52 {add = true} : memref<20x384xf32, #tpu.memory_space<vmem>>[vector<16xi32>, vector<16xi32>], vector<16xf32>,
      %gather3A_475 = tpu.vector_load_idx %arg11[%add3A_473] : memref<7680xi32, #tpu.memory_space<vmem>>[vector<16xi32>], vector<16xi32>,
      %add3A_476 = arith.constant 6 : i32
      %add3A_477 = vector.broadcast %add3A_476 : i32 to vector<16xi32>
      %add3A_478 = arith.addi %gather3A_475, %add3A_477 : vector<16xi32>
      tpu.vector_store_idx %arg17[%add3A_478, %add3A_132], %gather3A_52 {add = true} : memref<20x384xf32, #tpu.memory_space<vmem>>[vector<16xi32>, vector<16xi32>], vector<16xf32>,
      %gather3A_479 = tpu.vector_load_idx %arg12[%add3A_473] : memref<7680xi32, #tpu.memory_space<vmem>>[vector<16xi32>], vector<16xi32>,
      %add3A_480 = arith.constant 11 : i32
      %add3A_481 = vector.broadcast %add3A_480 : i32 to vector<16xi32>
      %add3A_482 = arith.addi %gather3A_479, %add3A_481 : vector<16xi32>
      tpu.vector_store_idx %arg17[%add3A_482, %add3A_132], %gather3A_52 {add = true} : memref<20x384xf32, #tpu.memory_space<vmem>>[vector<16xi32>, vector<16xi32>], vector<16xf32>,
      %gather3A_483 = tpu.vector_load_idx %arg13[%add3A_473] : memref<7680xi32, #tpu.memory_space<vmem>>[vector<16xi32>], vector<16xi32>,
      %ne3A_484 = arith.constant 0 : i32
      %ne3A_485 = vector.broadcast %ne3A_484 : i32 to vector<16xi32>
      %ne3A_486 = arith.cmpi ne, %gather3A_483, %ne3A_485 : vector<16xi32>
      %convert_element_type3A_487 = arith.extui %ne3A_486 : vector<16xi1> to vector<16xi32>
      %add3A_488 = arith.constant 16 : i32
      %add3A_489 = vector.broadcast %add3A_488 : i32 to vector<16xi32>
      %add3A_490 = arith.addi %add3A_489, %convert_element_type3A_487 : vector<16xi32>
      tpu.vector_store_idx %arg17[%add3A_490, %add3A_132], %gather3A_52 {add = true} : memref<20x384xf32, #tpu.memory_space<vmem>>[vector<16xi32>, vector<16xi32>], vector<16xf32>,
      %gather3A_491 = tpu.vector_load_idx %arg14[%add3A_473] : memref<7680xf32, #tpu.memory_space<vmem>>[vector<16xi32>], vector<16xf32>,
      %mul3A_492 = arith.mulf %gather3A_491, %gather3A_52 : vector<16xf32>
      tpu.vector_store_idx %arg17[%broadcast_in_dim3A_4, %add3A_132], %mul3A_492 {add = true} : memref<20x384xf32, #tpu.memory_space<vmem>>[vector<16xi32>, vector<16xi32>], vector<16xf32>,
      %gather3A_493 = tpu.vector_load_idx %arg15[%add3A_473] : memref<7680xf32, #tpu.memory_space<vmem>>[vector<16xi32>], vector<16xf32>,
      %mul3A_494 = arith.mulf %gather3A_493, %gather3A_52 : vector<16xf32>
      tpu.vector_store_idx %arg17[%broadcast_in_dim3A_6, %add3A_132], %mul3A_494 {add = true} : memref<20x384xf32, #tpu.memory_space<vmem>>[vector<16xi32>, vector<16xi32>], vector<16xf32>,
      %add3A_495 = arith.constant 15 : i32
      %add3A_496 = vector.broadcast %add3A_495 : i32 to vector<16xi32>
      %add3A_497 = arith.addi %add3A_136, %add3A_496 : vector<16xi32>
      %gather3A_498 = tpu.vector_load_idx %arg10[%add3A_497] : memref<7680xi32, #tpu.memory_space<vmem>>[vector<16xi32>], vector<16xi32>,
      tpu.vector_store_idx %arg17[%gather3A_498, %add3A_132], %gather3A_55 {add = true} : memref<20x384xf32, #tpu.memory_space<vmem>>[vector<16xi32>, vector<16xi32>], vector<16xf32>,
      %gather3A_499 = tpu.vector_load_idx %arg11[%add3A_497] : memref<7680xi32, #tpu.memory_space<vmem>>[vector<16xi32>], vector<16xi32>,
      %add3A_500 = arith.constant 6 : i32
      %add3A_501 = vector.broadcast %add3A_500 : i32 to vector<16xi32>
      %add3A_502 = arith.addi %gather3A_499, %add3A_501 : vector<16xi32>
      tpu.vector_store_idx %arg17[%add3A_502, %add3A_132], %gather3A_55 {add = true} : memref<20x384xf32, #tpu.memory_space<vmem>>[vector<16xi32>, vector<16xi32>], vector<16xf32>,
      %gather3A_503 = tpu.vector_load_idx %arg12[%add3A_497] : memref<7680xi32, #tpu.memory_space<vmem>>[vector<16xi32>], vector<16xi32>,
      %add3A_504 = arith.constant 11 : i32
      %add3A_505 = vector.broadcast %add3A_504 : i32 to vector<16xi32>
      %add3A_506 = arith.addi %gather3A_503, %add3A_505 : vector<16xi32>
      tpu.vector_store_idx %arg17[%add3A_506, %add3A_132], %gather3A_55 {add = true} : memref<20x384xf32, #tpu.memory_space<vmem>>[vector<16xi32>, vector<16xi32>], vector<16xf32>,
      %gather3A_507 = tpu.vector_load_idx %arg13[%add3A_497] : memref<7680xi32, #tpu.memory_space<vmem>>[vector<16xi32>], vector<16xi32>,
      %ne3A_508 = arith.constant 0 : i32
      %ne3A_509 = vector.broadcast %ne3A_508 : i32 to vector<16xi32>
      %ne3A_510 = arith.cmpi ne, %gather3A_507, %ne3A_509 : vector<16xi32>
      %convert_element_type3A_511 = arith.extui %ne3A_510 : vector<16xi1> to vector<16xi32>
      %add3A_512 = arith.constant 16 : i32
      %add3A_513 = vector.broadcast %add3A_512 : i32 to vector<16xi32>
      %add3A_514 = arith.addi %add3A_513, %convert_element_type3A_511 : vector<16xi32>
      tpu.vector_store_idx %arg17[%add3A_514, %add3A_132], %gather3A_55 {add = true} : memref<20x384xf32, #tpu.memory_space<vmem>>[vector<16xi32>, vector<16xi32>], vector<16xf32>,
      %gather3A_515 = tpu.vector_load_idx %arg14[%add3A_497] : memref<7680xf32, #tpu.memory_space<vmem>>[vector<16xi32>], vector<16xf32>,
      %mul3A_516 = arith.mulf %gather3A_515, %gather3A_55 : vector<16xf32>
      tpu.vector_store_idx %arg17[%broadcast_in_dim3A_4, %add3A_132], %mul3A_516 {add = true} : memref<20x384xf32, #tpu.memory_space<vmem>>[vector<16xi32>, vector<16xi32>], vector<16xf32>,
      %gather3A_517 = tpu.vector_load_idx %arg15[%add3A_497] : memref<7680xf32, #tpu.memory_space<vmem>>[vector<16xi32>], vector<16xf32>,
      %mul3A_518 = arith.mulf %gather3A_517, %gather3A_55 : vector<16xf32>
      tpu.vector_store_idx %arg17[%broadcast_in_dim3A_6, %add3A_132], %mul3A_518 {add = true} : memref<20x384xf32, #tpu.memory_space<vmem>>[vector<16xi32>, vector<16xi32>], vector<16xf32>,
      %add3A_519 = arith.constant 16 : i32
      %add3A_520 = vector.broadcast %add3A_519 : i32 to vector<16xi32>
      %add3A_521 = arith.addi %add3A_136, %add3A_520 : vector<16xi32>
      %gather3A_522 = tpu.vector_load_idx %arg10[%add3A_521] : memref<7680xi32, #tpu.memory_space<vmem>>[vector<16xi32>], vector<16xi32>,
      tpu.vector_store_idx %arg17[%gather3A_522, %add3A_132], %gather3A_58 {add = true} : memref<20x384xf32, #tpu.memory_space<vmem>>[vector<16xi32>, vector<16xi32>], vector<16xf32>,
      %gather3A_523 = tpu.vector_load_idx %arg11[%add3A_521] : memref<7680xi32, #tpu.memory_space<vmem>>[vector<16xi32>], vector<16xi32>,
      %add3A_524 = arith.constant 6 : i32
      %add3A_525 = vector.broadcast %add3A_524 : i32 to vector<16xi32>
      %add3A_526 = arith.addi %gather3A_523, %add3A_525 : vector<16xi32>
      tpu.vector_store_idx %arg17[%add3A_526, %add3A_132], %gather3A_58 {add = true} : memref<20x384xf32, #tpu.memory_space<vmem>>[vector<16xi32>, vector<16xi32>], vector<16xf32>,
      %gather3A_527 = tpu.vector_load_idx %arg12[%add3A_521] : memref<7680xi32, #tpu.memory_space<vmem>>[vector<16xi32>], vector<16xi32>,
      %add3A_528 = arith.constant 11 : i32
      %add3A_529 = vector.broadcast %add3A_528 : i32 to vector<16xi32>
      %add3A_530 = arith.addi %gather3A_527, %add3A_529 : vector<16xi32>
      tpu.vector_store_idx %arg17[%add3A_530, %add3A_132], %gather3A_58 {add = true} : memref<20x384xf32, #tpu.memory_space<vmem>>[vector<16xi32>, vector<16xi32>], vector<16xf32>,
      %gather3A_531 = tpu.vector_load_idx %arg13[%add3A_521] : memref<7680xi32, #tpu.memory_space<vmem>>[vector<16xi32>], vector<16xi32>,
      %ne3A_532 = arith.constant 0 : i32
      %ne3A_533 = vector.broadcast %ne3A_532 : i32 to vector<16xi32>
      %ne3A_534 = arith.cmpi ne, %gather3A_531, %ne3A_533 : vector<16xi32>
      %convert_element_type3A_535 = arith.extui %ne3A_534 : vector<16xi1> to vector<16xi32>
      %add3A_536 = arith.constant 16 : i32
      %add3A_537 = vector.broadcast %add3A_536 : i32 to vector<16xi32>
      %add3A_538 = arith.addi %add3A_537, %convert_element_type3A_535 : vector<16xi32>
      tpu.vector_store_idx %arg17[%add3A_538, %add3A_132], %gather3A_58 {add = true} : memref<20x384xf32, #tpu.memory_space<vmem>>[vector<16xi32>, vector<16xi32>], vector<16xf32>,
      %gather3A_539 = tpu.vector_load_idx %arg14[%add3A_521] : memref<7680xf32, #tpu.memory_space<vmem>>[vector<16xi32>], vector<16xf32>,
      %mul3A_540 = arith.mulf %gather3A_539, %gather3A_58 : vector<16xf32>
      tpu.vector_store_idx %arg17[%broadcast_in_dim3A_4, %add3A_132], %mul3A_540 {add = true} : memref<20x384xf32, #tpu.memory_space<vmem>>[vector<16xi32>, vector<16xi32>], vector<16xf32>,
      %gather3A_541 = tpu.vector_load_idx %arg15[%add3A_521] : memref<7680xf32, #tpu.memory_space<vmem>>[vector<16xi32>], vector<16xf32>,
      %mul3A_542 = arith.mulf %gather3A_541, %gather3A_58 : vector<16xf32>
      tpu.vector_store_idx %arg17[%broadcast_in_dim3A_6, %add3A_132], %mul3A_542 {add = true} : memref<20x384xf32, #tpu.memory_space<vmem>>[vector<16xi32>, vector<16xi32>], vector<16xf32>,
      %add3A_543 = arith.constant 17 : i32
      %add3A_544 = vector.broadcast %add3A_543 : i32 to vector<16xi32>
      %add3A_545 = arith.addi %add3A_136, %add3A_544 : vector<16xi32>
      %gather3A_546 = tpu.vector_load_idx %arg10[%add3A_545] : memref<7680xi32, #tpu.memory_space<vmem>>[vector<16xi32>], vector<16xi32>,
      tpu.vector_store_idx %arg17[%gather3A_546, %add3A_132], %gather3A_61 {add = true} : memref<20x384xf32, #tpu.memory_space<vmem>>[vector<16xi32>, vector<16xi32>], vector<16xf32>,
      %gather3A_547 = tpu.vector_load_idx %arg11[%add3A_545] : memref<7680xi32, #tpu.memory_space<vmem>>[vector<16xi32>], vector<16xi32>,
      %add3A_548 = arith.constant 6 : i32
      %add3A_549 = vector.broadcast %add3A_548 : i32 to vector<16xi32>
      %add3A_550 = arith.addi %gather3A_547, %add3A_549 : vector<16xi32>
      tpu.vector_store_idx %arg17[%add3A_550, %add3A_132], %gather3A_61 {add = true} : memref<20x384xf32, #tpu.memory_space<vmem>>[vector<16xi32>, vector<16xi32>], vector<16xf32>,
      %gather3A_551 = tpu.vector_load_idx %arg12[%add3A_545] : memref<7680xi32, #tpu.memory_space<vmem>>[vector<16xi32>], vector<16xi32>,
      %add3A_552 = arith.constant 11 : i32
      %add3A_553 = vector.broadcast %add3A_552 : i32 to vector<16xi32>
      %add3A_554 = arith.addi %gather3A_551, %add3A_553 : vector<16xi32>
      tpu.vector_store_idx %arg17[%add3A_554, %add3A_132], %gather3A_61 {add = true} : memref<20x384xf32, #tpu.memory_space<vmem>>[vector<16xi32>, vector<16xi32>], vector<16xf32>,
      %gather3A_555 = tpu.vector_load_idx %arg13[%add3A_545] : memref<7680xi32, #tpu.memory_space<vmem>>[vector<16xi32>], vector<16xi32>,
      %ne3A_556 = arith.constant 0 : i32
      %ne3A_557 = vector.broadcast %ne3A_556 : i32 to vector<16xi32>
      %ne3A_558 = arith.cmpi ne, %gather3A_555, %ne3A_557 : vector<16xi32>
      %convert_element_type3A_559 = arith.extui %ne3A_558 : vector<16xi1> to vector<16xi32>
      %add3A_560 = arith.constant 16 : i32
      %add3A_561 = vector.broadcast %add3A_560 : i32 to vector<16xi32>
      %add3A_562 = arith.addi %add3A_561, %convert_element_type3A_559 : vector<16xi32>
      tpu.vector_store_idx %arg17[%add3A_562, %add3A_132], %gather3A_61 {add = true} : memref<20x384xf32, #tpu.memory_space<vmem>>[vector<16xi32>, vector<16xi32>], vector<16xf32>,
      %gather3A_563 = tpu.vector_load_idx %arg14[%add3A_545] : memref<7680xf32, #tpu.memory_space<vmem>>[vector<16xi32>], vector<16xf32>,
      %mul3A_564 = arith.mulf %gather3A_563, %gather3A_61 : vector<16xf32>
      tpu.vector_store_idx %arg17[%broadcast_in_dim3A_4, %add3A_132], %mul3A_564 {add = true} : memref<20x384xf32, #tpu.memory_space<vmem>>[vector<16xi32>, vector<16xi32>], vector<16xf32>,
      %gather3A_565 = tpu.vector_load_idx %arg15[%add3A_545] : memref<7680xf32, #tpu.memory_space<vmem>>[vector<16xi32>], vector<16xf32>,
      %mul3A_566 = arith.mulf %gather3A_565, %gather3A_61 : vector<16xf32>
      tpu.vector_store_idx %arg17[%broadcast_in_dim3A_6, %add3A_132], %mul3A_566 {add = true} : memref<20x384xf32, #tpu.memory_space<vmem>>[vector<16xi32>, vector<16xi32>], vector<16xf32>,
      %add3A_567 = arith.constant 18 : i32
      %add3A_568 = vector.broadcast %add3A_567 : i32 to vector<16xi32>
      %add3A_569 = arith.addi %add3A_136, %add3A_568 : vector<16xi32>
      %gather3A_570 = tpu.vector_load_idx %arg10[%add3A_569] : memref<7680xi32, #tpu.memory_space<vmem>>[vector<16xi32>], vector<16xi32>,
      tpu.vector_store_idx %arg17[%gather3A_570, %add3A_132], %gather3A_64 {add = true} : memref<20x384xf32, #tpu.memory_space<vmem>>[vector<16xi32>, vector<16xi32>], vector<16xf32>,
      %gather3A_571 = tpu.vector_load_idx %arg11[%add3A_569] : memref<7680xi32, #tpu.memory_space<vmem>>[vector<16xi32>], vector<16xi32>,
      %add3A_572 = arith.constant 6 : i32
      %add3A_573 = vector.broadcast %add3A_572 : i32 to vector<16xi32>
      %add3A_574 = arith.addi %gather3A_571, %add3A_573 : vector<16xi32>
      tpu.vector_store_idx %arg17[%add3A_574, %add3A_132], %gather3A_64 {add = true} : memref<20x384xf32, #tpu.memory_space<vmem>>[vector<16xi32>, vector<16xi32>], vector<16xf32>,
      %gather3A_575 = tpu.vector_load_idx %arg12[%add3A_569] : memref<7680xi32, #tpu.memory_space<vmem>>[vector<16xi32>], vector<16xi32>,
      %add3A_576 = arith.constant 11 : i32
      %add3A_577 = vector.broadcast %add3A_576 : i32 to vector<16xi32>
      %add3A_578 = arith.addi %gather3A_575, %add3A_577 : vector<16xi32>
      tpu.vector_store_idx %arg17[%add3A_578, %add3A_132], %gather3A_64 {add = true} : memref<20x384xf32, #tpu.memory_space<vmem>>[vector<16xi32>, vector<16xi32>], vector<16xf32>,
      %gather3A_579 = tpu.vector_load_idx %arg13[%add3A_569] : memref<7680xi32, #tpu.memory_space<vmem>>[vector<16xi32>], vector<16xi32>,
      %ne3A_580 = arith.constant 0 : i32
      %ne3A_581 = vector.broadcast %ne3A_580 : i32 to vector<16xi32>
      %ne3A_582 = arith.cmpi ne, %gather3A_579, %ne3A_581 : vector<16xi32>
      %convert_element_type3A_583 = arith.extui %ne3A_582 : vector<16xi1> to vector<16xi32>
      %add3A_584 = arith.constant 16 : i32
      %add3A_585 = vector.broadcast %add3A_584 : i32 to vector<16xi32>
      %add3A_586 = arith.addi %add3A_585, %convert_element_type3A_583 : vector<16xi32>
      tpu.vector_store_idx %arg17[%add3A_586, %add3A_132], %gather3A_64 {add = true} : memref<20x384xf32, #tpu.memory_space<vmem>>[vector<16xi32>, vector<16xi32>], vector<16xf32>,
      %gather3A_587 = tpu.vector_load_idx %arg14[%add3A_569] : memref<7680xf32, #tpu.memory_space<vmem>>[vector<16xi32>], vector<16xf32>,
      %mul3A_588 = arith.mulf %gather3A_587, %gather3A_64 : vector<16xf32>
      tpu.vector_store_idx %arg17[%broadcast_in_dim3A_4, %add3A_132], %mul3A_588 {add = true} : memref<20x384xf32, #tpu.memory_space<vmem>>[vector<16xi32>, vector<16xi32>], vector<16xf32>,
      %gather3A_589 = tpu.vector_load_idx %arg15[%add3A_569] : memref<7680xf32, #tpu.memory_space<vmem>>[vector<16xi32>], vector<16xf32>,
      %mul3A_590 = arith.mulf %gather3A_589, %gather3A_64 : vector<16xf32>
      tpu.vector_store_idx %arg17[%broadcast_in_dim3A_6, %add3A_132], %mul3A_590 {add = true} : memref<20x384xf32, #tpu.memory_space<vmem>>[vector<16xi32>, vector<16xi32>], vector<16xf32>,
      %add3A_591 = arith.constant 19 : i32
      %add3A_592 = vector.broadcast %add3A_591 : i32 to vector<16xi32>
      %add3A_593 = arith.addi %add3A_136, %add3A_592 : vector<16xi32>
      %gather3A_594 = tpu.vector_load_idx %arg10[%add3A_593] : memref<7680xi32, #tpu.memory_space<vmem>>[vector<16xi32>], vector<16xi32>,
      tpu.vector_store_idx %arg17[%gather3A_594, %add3A_132], %gather3A_67 {add = true} : memref<20x384xf32, #tpu.memory_space<vmem>>[vector<16xi32>, vector<16xi32>], vector<16xf32>,
      %gather3A_595 = tpu.vector_load_idx %arg11[%add3A_593] : memref<7680xi32, #tpu.memory_space<vmem>>[vector<16xi32>], vector<16xi32>,
      %add3A_596 = arith.constant 6 : i32
      %add3A_597 = vector.broadcast %add3A_596 : i32 to vector<16xi32>
      %add3A_598 = arith.addi %gather3A_595, %add3A_597 : vector<16xi32>
      tpu.vector_store_idx %arg17[%add3A_598, %add3A_132], %gather3A_67 {add = true} : memref<20x384xf32, #tpu.memory_space<vmem>>[vector<16xi32>, vector<16xi32>], vector<16xf32>,
      %gather3A_599 = tpu.vector_load_idx %arg12[%add3A_593] : memref<7680xi32, #tpu.memory_space<vmem>>[vector<16xi32>], vector<16xi32>,
      %add3A_600 = arith.constant 11 : i32
      %add3A_601 = vector.broadcast %add3A_600 : i32 to vector<16xi32>
      %add3A_602 = arith.addi %gather3A_599, %add3A_601 : vector<16xi32>
      tpu.vector_store_idx %arg17[%add3A_602, %add3A_132], %gather3A_67 {add = true} : memref<20x384xf32, #tpu.memory_space<vmem>>[vector<16xi32>, vector<16xi32>], vector<16xf32>,
      %gather3A_603 = tpu.vector_load_idx %arg13[%add3A_593] : memref<7680xi32, #tpu.memory_space<vmem>>[vector<16xi32>], vector<16xi32>,
      %ne3A_604 = arith.constant 0 : i32
      %ne3A_605 = vector.broadcast %ne3A_604 : i32 to vector<16xi32>
      %ne3A_606 = arith.cmpi ne, %gather3A_603, %ne3A_605 : vector<16xi32>
      %convert_element_type3A_607 = arith.extui %ne3A_606 : vector<16xi1> to vector<16xi32>
      %add3A_608 = arith.constant 16 : i32
      %add3A_609 = vector.broadcast %add3A_608 : i32 to vector<16xi32>
      %add3A_610 = arith.addi %add3A_609, %convert_element_type3A_607 : vector<16xi32>
      tpu.vector_store_idx %arg17[%add3A_610, %add3A_132], %gather3A_67 {add = true} : memref<20x384xf32, #tpu.memory_space<vmem>>[vector<16xi32>, vector<16xi32>], vector<16xf32>,
      %gather3A_611 = tpu.vector_load_idx %arg14[%add3A_593] : memref<7680xf32, #tpu.memory_space<vmem>>[vector<16xi32>], vector<16xf32>,
      %mul3A_612 = arith.mulf %gather3A_611, %gather3A_67 : vector<16xf32>
      tpu.vector_store_idx %arg17[%broadcast_in_dim3A_4, %add3A_132], %mul3A_612 {add = true} : memref<20x384xf32, #tpu.memory_space<vmem>>[vector<16xi32>, vector<16xi32>], vector<16xf32>,
      %gather3A_613 = tpu.vector_load_idx %arg15[%add3A_593] : memref<7680xf32, #tpu.memory_space<vmem>>[vector<16xi32>], vector<16xf32>,
      %mul3A_614 = arith.mulf %gather3A_613, %gather3A_67 : vector<16xf32>
      tpu.vector_store_idx %arg17[%broadcast_in_dim3A_6, %add3A_132], %mul3A_614 {add = true} : memref<20x384xf32, #tpu.memory_space<vmem>>[vector<16xi32>, vector<16xi32>], vector<16xf32>,
      %scan3A_615 = arith.constant 0 : i32
      scf.yield %scan3A_615 : i32
    }
    %scan3A_86 = arith.constant 24 : i32
    "tpu.region"() ({
      %run_scoped3A = tpu.sem_alloc : memref<!tpu.dma_semaphore, #tpu.memory_space<semaphore_mem>>
      %dma_start3A = arith.constant 0 : i32
      %dma_start3A_127 = tpu.memref_slice %arg9[%dma_start3A, %add3A_71] : memref<20x36864xf32, #tpu.memory_space<hbm>> -> memref<20x384xf32, #tpu.memory_space<hbm>>
      %dma_start3A_128 = arith.constant 0 : i32
      %dma_start3A_129 = tpu.memref_slice %arg9[%dma_start3A_128, %add3A_71] : memref<20x36864xf32, #tpu.memory_space<hbm>> -> memref<20x384xf32, #tpu.memory_space<hbm>>
      tpu.enqueue_dma source(%arg17 : memref<20x384xf32, #tpu.memory_space<vmem>>) target(%dma_start3A_129 : memref<20x384xf32, #tpu.memory_space<hbm>>) target_semaphore(%run_scoped3A : memref<!tpu.dma_semaphore, #tpu.memory_space<semaphore_mem>>)
      %dma_wait3A = arith.constant 0 : i32
      %dma_wait3A_130 = tpu.memref_slice %arg9[%dma_wait3A, %add3A_71] : memref<20x36864xf32, #tpu.memory_space<hbm>> -> memref<20x384xf32, #tpu.memory_space<hbm>>
      %dma_wait3A_131 = arith.constant 0 : i32
      %dma_wait3A_132 = tpu.memref_slice %arg9[%dma_wait3A_131, %add3A_71] : memref<20x36864xf32, #tpu.memory_space<hbm>> -> memref<20x384xf32, #tpu.memory_space<hbm>>
      tpu.wait_dma2 semaphore(%run_scoped3A : memref<!tpu.dma_semaphore, #tpu.memory_space<semaphore_mem>>) src(%arg17 : memref<20x384xf32, #tpu.memory_space<vmem>>) dst(%dma_wait3A_132 : memref<20x384xf32, #tpu.memory_space<hbm>>)
      tpu.yield
    }) : () -> ()
    %mul3A_87 = arith.constant 1152 : i32
    %mul3A_88 = arith.muli %add3A, %mul3A_87 : i32
    %add3A_89 = arith.constant 384 : i32
    %add3A_90 = arith.addi %mul3A_88, %add3A_89 : i32
    %mul3A_91 = arith.constant 20 : i32
    %mul3A_92 = arith.muli %add3A_90, %mul3A_91 : i32
    "tpu.region"() ({
      %run_scoped3A = tpu.sem_alloc : memref<!tpu.dma_semaphore, #tpu.memory_space<semaphore_mem>>
      %dma_start3A = tpu.memref_slice %arg2[%mul3A_92] : memref<737280xi32, #tpu.memory_space<hbm>> -> memref<7680xi32, #tpu.memory_space<hbm>>
      %dma_start3A_127 = tpu.memref_slice %arg2[%mul3A_92] : memref<737280xi32, #tpu.memory_space<hbm>> -> memref<7680xi32, #tpu.memory_space<hbm>>
      tpu.enqueue_dma source(%dma_start3A_127 : memref<7680xi32, #tpu.memory_space<hbm>>) target(%arg10 : memref<7680xi32, #tpu.memory_space<vmem>>) target_semaphore(%run_scoped3A : memref<!tpu.dma_semaphore, #tpu.memory_space<semaphore_mem>>)
      %dma_wait3A = tpu.memref_slice %arg2[%mul3A_92] : memref<737280xi32, #tpu.memory_space<hbm>> -> memref<7680xi32, #tpu.memory_space<hbm>>
      %dma_wait3A_128 = tpu.memref_slice %arg2[%mul3A_92] : memref<737280xi32, #tpu.memory_space<hbm>> -> memref<7680xi32, #tpu.memory_space<hbm>>
      tpu.wait_dma2 semaphore(%run_scoped3A : memref<!tpu.dma_semaphore, #tpu.memory_space<semaphore_mem>>) src(%dma_wait3A_128 : memref<7680xi32, #tpu.memory_space<hbm>>) dst(%arg10 : memref<7680xi32, #tpu.memory_space<vmem>>)
      tpu.yield
    }) : () -> ()
    "tpu.region"() ({
      %run_scoped3A = tpu.sem_alloc : memref<!tpu.dma_semaphore, #tpu.memory_space<semaphore_mem>>
      %dma_start3A = tpu.memref_slice %arg3[%mul3A_92] : memref<737280xi32, #tpu.memory_space<hbm>> -> memref<7680xi32, #tpu.memory_space<hbm>>
      %dma_start3A_127 = tpu.memref_slice %arg3[%mul3A_92] : memref<737280xi32, #tpu.memory_space<hbm>> -> memref<7680xi32, #tpu.memory_space<hbm>>
      tpu.enqueue_dma source(%dma_start3A_127 : memref<7680xi32, #tpu.memory_space<hbm>>) target(%arg11 : memref<7680xi32, #tpu.memory_space<vmem>>) target_semaphore(%run_scoped3A : memref<!tpu.dma_semaphore, #tpu.memory_space<semaphore_mem>>)
      %dma_wait3A = tpu.memref_slice %arg3[%mul3A_92] : memref<737280xi32, #tpu.memory_space<hbm>> -> memref<7680xi32, #tpu.memory_space<hbm>>
      %dma_wait3A_128 = tpu.memref_slice %arg3[%mul3A_92] : memref<737280xi32, #tpu.memory_space<hbm>> -> memref<7680xi32, #tpu.memory_space<hbm>>
      tpu.wait_dma2 semaphore(%run_scoped3A : memref<!tpu.dma_semaphore, #tpu.memory_space<semaphore_mem>>) src(%dma_wait3A_128 : memref<7680xi32, #tpu.memory_space<hbm>>) dst(%arg11 : memref<7680xi32, #tpu.memory_space<vmem>>)
      tpu.yield
    }) : () -> ()
    "tpu.region"() ({
      %run_scoped3A = tpu.sem_alloc : memref<!tpu.dma_semaphore, #tpu.memory_space<semaphore_mem>>
      %dma_start3A = tpu.memref_slice %arg4[%mul3A_92] : memref<737280xi32, #tpu.memory_space<hbm>> -> memref<7680xi32, #tpu.memory_space<hbm>>
      %dma_start3A_127 = tpu.memref_slice %arg4[%mul3A_92] : memref<737280xi32, #tpu.memory_space<hbm>> -> memref<7680xi32, #tpu.memory_space<hbm>>
      tpu.enqueue_dma source(%dma_start3A_127 : memref<7680xi32, #tpu.memory_space<hbm>>) target(%arg12 : memref<7680xi32, #tpu.memory_space<vmem>>) target_semaphore(%run_scoped3A : memref<!tpu.dma_semaphore, #tpu.memory_space<semaphore_mem>>)
      %dma_wait3A = tpu.memref_slice %arg4[%mul3A_92] : memref<737280xi32, #tpu.memory_space<hbm>> -> memref<7680xi32, #tpu.memory_space<hbm>>
      %dma_wait3A_128 = tpu.memref_slice %arg4[%mul3A_92] : memref<737280xi32, #tpu.memory_space<hbm>> -> memref<7680xi32, #tpu.memory_space<hbm>>
      tpu.wait_dma2 semaphore(%run_scoped3A : memref<!tpu.dma_semaphore, #tpu.memory_space<semaphore_mem>>) src(%dma_wait3A_128 : memref<7680xi32, #tpu.memory_space<hbm>>) dst(%arg12 : memref<7680xi32, #tpu.memory_space<vmem>>)
      tpu.yield
    }) : () -> ()
    "tpu.region"() ({
      %run_scoped3A = tpu.sem_alloc : memref<!tpu.dma_semaphore, #tpu.memory_space<semaphore_mem>>
      %dma_start3A = tpu.memref_slice %arg5[%mul3A_92] : memref<737280xi32, #tpu.memory_space<hbm>> -> memref<7680xi32, #tpu.memory_space<hbm>>
      %dma_start3A_127 = tpu.memref_slice %arg5[%mul3A_92] : memref<737280xi32, #tpu.memory_space<hbm>> -> memref<7680xi32, #tpu.memory_space<hbm>>
      tpu.enqueue_dma source(%dma_start3A_127 : memref<7680xi32, #tpu.memory_space<hbm>>) target(%arg13 : memref<7680xi32, #tpu.memory_space<vmem>>) target_semaphore(%run_scoped3A : memref<!tpu.dma_semaphore, #tpu.memory_space<semaphore_mem>>)
      %dma_wait3A = tpu.memref_slice %arg5[%mul3A_92] : memref<737280xi32, #tpu.memory_space<hbm>> -> memref<7680xi32, #tpu.memory_space<hbm>>
      %dma_wait3A_128 = tpu.memref_slice %arg5[%mul3A_92] : memref<737280xi32, #tpu.memory_space<hbm>> -> memref<7680xi32, #tpu.memory_space<hbm>>
      tpu.wait_dma2 semaphore(%run_scoped3A : memref<!tpu.dma_semaphore, #tpu.memory_space<semaphore_mem>>) src(%dma_wait3A_128 : memref<7680xi32, #tpu.memory_space<hbm>>) dst(%arg13 : memref<7680xi32, #tpu.memory_space<vmem>>)
      tpu.yield
    }) : () -> ()
    "tpu.region"() ({
      %run_scoped3A = tpu.sem_alloc : memref<!tpu.dma_semaphore, #tpu.memory_space<semaphore_mem>>
      %dma_start3A = tpu.memref_slice %arg6[%mul3A_92] : memref<737280xf32, #tpu.memory_space<hbm>> -> memref<7680xf32, #tpu.memory_space<hbm>>
      %dma_start3A_127 = tpu.memref_slice %arg6[%mul3A_92] : memref<737280xf32, #tpu.memory_space<hbm>> -> memref<7680xf32, #tpu.memory_space<hbm>>
      tpu.enqueue_dma source(%dma_start3A_127 : memref<7680xf32, #tpu.memory_space<hbm>>) target(%arg14 : memref<7680xf32, #tpu.memory_space<vmem>>) target_semaphore(%run_scoped3A : memref<!tpu.dma_semaphore, #tpu.memory_space<semaphore_mem>>)
      %dma_wait3A = tpu.memref_slice %arg6[%mul3A_92] : memref<737280xf32, #tpu.memory_space<hbm>> -> memref<7680xf32, #tpu.memory_space<hbm>>
      %dma_wait3A_128 = tpu.memref_slice %arg6[%mul3A_92] : memref<737280xf32, #tpu.memory_space<hbm>> -> memref<7680xf32, #tpu.memory_space<hbm>>
      tpu.wait_dma2 semaphore(%run_scoped3A : memref<!tpu.dma_semaphore, #tpu.memory_space<semaphore_mem>>) src(%dma_wait3A_128 : memref<7680xf32, #tpu.memory_space<hbm>>) dst(%arg14 : memref<7680xf32, #tpu.memory_space<vmem>>)
      tpu.yield
    }) : () -> ()
    "tpu.region"() ({
      %run_scoped3A = tpu.sem_alloc : memref<!tpu.dma_semaphore, #tpu.memory_space<semaphore_mem>>
      %dma_start3A = tpu.memref_slice %arg7[%mul3A_92] : memref<737280xf32, #tpu.memory_space<hbm>> -> memref<7680xf32, #tpu.memory_space<hbm>>
      %dma_start3A_127 = tpu.memref_slice %arg7[%mul3A_92] : memref<737280xf32, #tpu.memory_space<hbm>> -> memref<7680xf32, #tpu.memory_space<hbm>>
      tpu.enqueue_dma source(%dma_start3A_127 : memref<7680xf32, #tpu.memory_space<hbm>>) target(%arg15 : memref<7680xf32, #tpu.memory_space<vmem>>) target_semaphore(%run_scoped3A : memref<!tpu.dma_semaphore, #tpu.memory_space<semaphore_mem>>)
      %dma_wait3A = tpu.memref_slice %arg7[%mul3A_92] : memref<737280xf32, #tpu.memory_space<hbm>> -> memref<7680xf32, #tpu.memory_space<hbm>>
      %dma_wait3A_128 = tpu.memref_slice %arg7[%mul3A_92] : memref<737280xf32, #tpu.memory_space<hbm>> -> memref<7680xf32, #tpu.memory_space<hbm>>
      tpu.wait_dma2 semaphore(%run_scoped3A : memref<!tpu.dma_semaphore, #tpu.memory_space<semaphore_mem>>) src(%dma_wait3A_128 : memref<7680xf32, #tpu.memory_space<hbm>>) dst(%arg15 : memref<7680xf32, #tpu.memory_space<vmem>>)
      tpu.yield
    }) : () -> ()
    %scan3A_93 = arith.constant 0 : i32
    %scan3A_94 = arith.constant 0 : i32
    %scan3A_95 = arith.constant 24 : i32
    %scan3A_96 = arith.addi %scan3A_94, %scan3A_95 : i32
    %scan3A_97 = arith.constant 1 : i32
    %scan3A_98 = scf.for %scan3A_127 = %scan3A_94 to %scan3A_96 step %scan3A_97 iter_args(%scan3A_128 = %scan3A_93) -> (i32)  : i32 {
      %mul3A_129 = arith.constant 16 : i32
      %mul3A_130 = arith.muli %scan3A_127, %mul3A_129 : i32
      %swap3A = arith.constant 0 : i32
      %swap3A_131 = arith.index_cast %swap3A : i32 to index
      %swap3A_132 = arith.index_cast %mul3A_130 : i32 to index
      %swap3A_133 = tpu.vector_load %arg17[%swap3A_131, %swap3A_132] {strides = array<i32>} : memref<20x384xf32, #tpu.memory_space<vmem>>, vector<16xf32>,
      tpu.vector_store %arg17[%swap3A_131, %swap3A_132], %broadcast_in_dim3A_8 {strides = array<i32>} : memref<20x384xf32, #tpu.memory_space<vmem>>, vector<16xf32>,
      %mul3A_134 = arith.constant 16 : i32
      %mul3A_135 = arith.muli %scan3A_127, %mul3A_134 : i32
      %swap3A_136 = arith.constant 1 : i32
      %swap3A_137 = arith.index_cast %swap3A_136 : i32 to index
      %swap3A_138 = arith.index_cast %mul3A_135 : i32 to index
      %swap3A_139 = tpu.vector_load %arg17[%swap3A_137, %swap3A_138] {strides = array<i32>} : memref<20x384xf32, #tpu.memory_space<vmem>>, vector<16xf32>,
      tpu.vector_store %arg17[%swap3A_137, %swap3A_138], %broadcast_in_dim3A_8 {strides = array<i32>} : memref<20x384xf32, #tpu.memory_space<vmem>>, vector<16xf32>,
      %mul3A_140 = arith.constant 16 : i32
      %mul3A_141 = arith.muli %scan3A_127, %mul3A_140 : i32
      %swap3A_142 = arith.constant 2 : i32
      %swap3A_143 = arith.index_cast %swap3A_142 : i32 to index
      %swap3A_144 = arith.index_cast %mul3A_141 : i32 to index
      %swap3A_145 = tpu.vector_load %arg17[%swap3A_143, %swap3A_144] {strides = array<i32>} : memref<20x384xf32, #tpu.memory_space<vmem>>, vector<16xf32>,
      tpu.vector_store %arg17[%swap3A_143, %swap3A_144], %broadcast_in_dim3A_8 {strides = array<i32>} : memref<20x384xf32, #tpu.memory_space<vmem>>, vector<16xf32>,
      %mul3A_146 = arith.constant 16 : i32
      %mul3A_147 = arith.muli %scan3A_127, %mul3A_146 : i32
      %swap3A_148 = arith.constant 3 : i32
      %swap3A_149 = arith.index_cast %swap3A_148 : i32 to index
      %swap3A_150 = arith.index_cast %mul3A_147 : i32 to index
      %swap3A_151 = tpu.vector_load %arg17[%swap3A_149, %swap3A_150] {strides = array<i32>} : memref<20x384xf32, #tpu.memory_space<vmem>>, vector<16xf32>,
      tpu.vector_store %arg17[%swap3A_149, %swap3A_150], %broadcast_in_dim3A_8 {strides = array<i32>} : memref<20x384xf32, #tpu.memory_space<vmem>>, vector<16xf32>,
      %mul3A_152 = arith.constant 16 : i32
      %mul3A_153 = arith.muli %scan3A_127, %mul3A_152 : i32
      %swap3A_154 = arith.constant 4 : i32
      %swap3A_155 = arith.index_cast %swap3A_154 : i32 to index
      %swap3A_156 = arith.index_cast %mul3A_153 : i32 to index
      %swap3A_157 = tpu.vector_load %arg17[%swap3A_155, %swap3A_156] {strides = array<i32>} : memref<20x384xf32, #tpu.memory_space<vmem>>, vector<16xf32>,
      tpu.vector_store %arg17[%swap3A_155, %swap3A_156], %broadcast_in_dim3A_8 {strides = array<i32>} : memref<20x384xf32, #tpu.memory_space<vmem>>, vector<16xf32>,
      %mul3A_158 = arith.constant 16 : i32
      %mul3A_159 = arith.muli %scan3A_127, %mul3A_158 : i32
      %swap3A_160 = arith.constant 5 : i32
      %swap3A_161 = arith.index_cast %swap3A_160 : i32 to index
      %swap3A_162 = arith.index_cast %mul3A_159 : i32 to index
      %swap3A_163 = tpu.vector_load %arg17[%swap3A_161, %swap3A_162] {strides = array<i32>} : memref<20x384xf32, #tpu.memory_space<vmem>>, vector<16xf32>,
      tpu.vector_store %arg17[%swap3A_161, %swap3A_162], %broadcast_in_dim3A_8 {strides = array<i32>} : memref<20x384xf32, #tpu.memory_space<vmem>>, vector<16xf32>,
      %mul3A_164 = arith.constant 16 : i32
      %mul3A_165 = arith.muli %scan3A_127, %mul3A_164 : i32
      %swap3A_166 = arith.constant 6 : i32
      %swap3A_167 = arith.index_cast %swap3A_166 : i32 to index
      %swap3A_168 = arith.index_cast %mul3A_165 : i32 to index
      %swap3A_169 = tpu.vector_load %arg17[%swap3A_167, %swap3A_168] {strides = array<i32>} : memref<20x384xf32, #tpu.memory_space<vmem>>, vector<16xf32>,
      tpu.vector_store %arg17[%swap3A_167, %swap3A_168], %broadcast_in_dim3A_8 {strides = array<i32>} : memref<20x384xf32, #tpu.memory_space<vmem>>, vector<16xf32>,
      %mul3A_170 = arith.constant 16 : i32
      %mul3A_171 = arith.muli %scan3A_127, %mul3A_170 : i32
      %swap3A_172 = arith.constant 7 : i32
      %swap3A_173 = arith.index_cast %swap3A_172 : i32 to index
      %swap3A_174 = arith.index_cast %mul3A_171 : i32 to index
      %swap3A_175 = tpu.vector_load %arg17[%swap3A_173, %swap3A_174] {strides = array<i32>} : memref<20x384xf32, #tpu.memory_space<vmem>>, vector<16xf32>,
      tpu.vector_store %arg17[%swap3A_173, %swap3A_174], %broadcast_in_dim3A_8 {strides = array<i32>} : memref<20x384xf32, #tpu.memory_space<vmem>>, vector<16xf32>,
      %mul3A_176 = arith.constant 16 : i32
      %mul3A_177 = arith.muli %scan3A_127, %mul3A_176 : i32
      %swap3A_178 = arith.constant 8 : i32
      %swap3A_179 = arith.index_cast %swap3A_178 : i32 to index
      %swap3A_180 = arith.index_cast %mul3A_177 : i32 to index
      %swap3A_181 = tpu.vector_load %arg17[%swap3A_179, %swap3A_180] {strides = array<i32>} : memref<20x384xf32, #tpu.memory_space<vmem>>, vector<16xf32>,
      tpu.vector_store %arg17[%swap3A_179, %swap3A_180], %broadcast_in_dim3A_8 {strides = array<i32>} : memref<20x384xf32, #tpu.memory_space<vmem>>, vector<16xf32>,
      %mul3A_182 = arith.constant 16 : i32
      %mul3A_183 = arith.muli %scan3A_127, %mul3A_182 : i32
      %swap3A_184 = arith.constant 9 : i32
      %swap3A_185 = arith.index_cast %swap3A_184 : i32 to index
      %swap3A_186 = arith.index_cast %mul3A_183 : i32 to index
      %swap3A_187 = tpu.vector_load %arg17[%swap3A_185, %swap3A_186] {strides = array<i32>} : memref<20x384xf32, #tpu.memory_space<vmem>>, vector<16xf32>,
      tpu.vector_store %arg17[%swap3A_185, %swap3A_186], %broadcast_in_dim3A_8 {strides = array<i32>} : memref<20x384xf32, #tpu.memory_space<vmem>>, vector<16xf32>,
      %mul3A_188 = arith.constant 16 : i32
      %mul3A_189 = arith.muli %scan3A_127, %mul3A_188 : i32
      %swap3A_190 = arith.constant 10 : i32
      %swap3A_191 = arith.index_cast %swap3A_190 : i32 to index
      %swap3A_192 = arith.index_cast %mul3A_189 : i32 to index
      %swap3A_193 = tpu.vector_load %arg17[%swap3A_191, %swap3A_192] {strides = array<i32>} : memref<20x384xf32, #tpu.memory_space<vmem>>, vector<16xf32>,
      tpu.vector_store %arg17[%swap3A_191, %swap3A_192], %broadcast_in_dim3A_8 {strides = array<i32>} : memref<20x384xf32, #tpu.memory_space<vmem>>, vector<16xf32>,
      %mul3A_194 = arith.constant 16 : i32
      %mul3A_195 = arith.muli %scan3A_127, %mul3A_194 : i32
      %swap3A_196 = arith.constant 11 : i32
      %swap3A_197 = arith.index_cast %swap3A_196 : i32 to index
      %swap3A_198 = arith.index_cast %mul3A_195 : i32 to index
      %swap3A_199 = tpu.vector_load %arg17[%swap3A_197, %swap3A_198] {strides = array<i32>} : memref<20x384xf32, #tpu.memory_space<vmem>>, vector<16xf32>,
      tpu.vector_store %arg17[%swap3A_197, %swap3A_198], %broadcast_in_dim3A_8 {strides = array<i32>} : memref<20x384xf32, #tpu.memory_space<vmem>>, vector<16xf32>,
      %mul3A_200 = arith.constant 16 : i32
      %mul3A_201 = arith.muli %scan3A_127, %mul3A_200 : i32
      %swap3A_202 = arith.constant 12 : i32
      %swap3A_203 = arith.index_cast %swap3A_202 : i32 to index
      %swap3A_204 = arith.index_cast %mul3A_201 : i32 to index
      %swap3A_205 = tpu.vector_load %arg17[%swap3A_203, %swap3A_204] {strides = array<i32>} : memref<20x384xf32, #tpu.memory_space<vmem>>, vector<16xf32>,
      tpu.vector_store %arg17[%swap3A_203, %swap3A_204], %broadcast_in_dim3A_8 {strides = array<i32>} : memref<20x384xf32, #tpu.memory_space<vmem>>, vector<16xf32>,
      %mul3A_206 = arith.constant 16 : i32
      %mul3A_207 = arith.muli %scan3A_127, %mul3A_206 : i32
      %swap3A_208 = arith.constant 13 : i32
      %swap3A_209 = arith.index_cast %swap3A_208 : i32 to index
      %swap3A_210 = arith.index_cast %mul3A_207 : i32 to index
      %swap3A_211 = tpu.vector_load %arg17[%swap3A_209, %swap3A_210] {strides = array<i32>} : memref<20x384xf32, #tpu.memory_space<vmem>>, vector<16xf32>,
      tpu.vector_store %arg17[%swap3A_209, %swap3A_210], %broadcast_in_dim3A_8 {strides = array<i32>} : memref<20x384xf32, #tpu.memory_space<vmem>>, vector<16xf32>,
      %mul3A_212 = arith.constant 16 : i32
      %mul3A_213 = arith.muli %scan3A_127, %mul3A_212 : i32
      %swap3A_214 = arith.constant 14 : i32
      %swap3A_215 = arith.index_cast %swap3A_214 : i32 to index
      %swap3A_216 = arith.index_cast %mul3A_213 : i32 to index
      %swap3A_217 = tpu.vector_load %arg17[%swap3A_215, %swap3A_216] {strides = array<i32>} : memref<20x384xf32, #tpu.memory_space<vmem>>, vector<16xf32>,
      tpu.vector_store %arg17[%swap3A_215, %swap3A_216], %broadcast_in_dim3A_8 {strides = array<i32>} : memref<20x384xf32, #tpu.memory_space<vmem>>, vector<16xf32>,
      %mul3A_218 = arith.constant 16 : i32
      %mul3A_219 = arith.muli %scan3A_127, %mul3A_218 : i32
      %swap3A_220 = arith.constant 15 : i32
      %swap3A_221 = arith.index_cast %swap3A_220 : i32 to index
      %swap3A_222 = arith.index_cast %mul3A_219 : i32 to index
      %swap3A_223 = tpu.vector_load %arg17[%swap3A_221, %swap3A_222] {strides = array<i32>} : memref<20x384xf32, #tpu.memory_space<vmem>>, vector<16xf32>,
      tpu.vector_store %arg17[%swap3A_221, %swap3A_222], %broadcast_in_dim3A_8 {strides = array<i32>} : memref<20x384xf32, #tpu.memory_space<vmem>>, vector<16xf32>,
      %mul3A_224 = arith.constant 16 : i32
      %mul3A_225 = arith.muli %scan3A_127, %mul3A_224 : i32
      %swap3A_226 = arith.constant 16 : i32
      %swap3A_227 = arith.index_cast %swap3A_226 : i32 to index
      %swap3A_228 = arith.index_cast %mul3A_225 : i32 to index
      %swap3A_229 = tpu.vector_load %arg17[%swap3A_227, %swap3A_228] {strides = array<i32>} : memref<20x384xf32, #tpu.memory_space<vmem>>, vector<16xf32>,
      tpu.vector_store %arg17[%swap3A_227, %swap3A_228], %broadcast_in_dim3A_8 {strides = array<i32>} : memref<20x384xf32, #tpu.memory_space<vmem>>, vector<16xf32>,
      %mul3A_230 = arith.constant 16 : i32
      %mul3A_231 = arith.muli %scan3A_127, %mul3A_230 : i32
      %swap3A_232 = arith.constant 17 : i32
      %swap3A_233 = arith.index_cast %swap3A_232 : i32 to index
      %swap3A_234 = arith.index_cast %mul3A_231 : i32 to index
      %swap3A_235 = tpu.vector_load %arg17[%swap3A_233, %swap3A_234] {strides = array<i32>} : memref<20x384xf32, #tpu.memory_space<vmem>>, vector<16xf32>,
      tpu.vector_store %arg17[%swap3A_233, %swap3A_234], %broadcast_in_dim3A_8 {strides = array<i32>} : memref<20x384xf32, #tpu.memory_space<vmem>>, vector<16xf32>,
      %mul3A_236 = arith.constant 16 : i32
      %mul3A_237 = arith.muli %scan3A_127, %mul3A_236 : i32
      %swap3A_238 = arith.constant 18 : i32
      %swap3A_239 = arith.index_cast %swap3A_238 : i32 to index
      %swap3A_240 = arith.index_cast %mul3A_237 : i32 to index
      %swap3A_241 = tpu.vector_load %arg17[%swap3A_239, %swap3A_240] {strides = array<i32>} : memref<20x384xf32, #tpu.memory_space<vmem>>, vector<16xf32>,
      tpu.vector_store %arg17[%swap3A_239, %swap3A_240], %broadcast_in_dim3A_8 {strides = array<i32>} : memref<20x384xf32, #tpu.memory_space<vmem>>, vector<16xf32>,
      %mul3A_242 = arith.constant 16 : i32
      %mul3A_243 = arith.muli %scan3A_127, %mul3A_242 : i32
      %swap3A_244 = arith.constant 19 : i32
      %swap3A_245 = arith.index_cast %swap3A_244 : i32 to index
      %swap3A_246 = arith.index_cast %mul3A_243 : i32 to index
      %swap3A_247 = tpu.vector_load %arg17[%swap3A_245, %swap3A_246] {strides = array<i32>} : memref<20x384xf32, #tpu.memory_space<vmem>>, vector<16xf32>,
      tpu.vector_store %arg17[%swap3A_245, %swap3A_246], %broadcast_in_dim3A_8 {strides = array<i32>} : memref<20x384xf32, #tpu.memory_space<vmem>>, vector<16xf32>,
      %scan3A_248 = arith.constant 0 : i32
      scf.yield %scan3A_248 : i32
    }
    %scan3A_99 = arith.constant 24 : i32
    %scan3A_100 = arith.constant 0 : i32
    %scan3A_101 = arith.constant 0 : i32
    %scan3A_102 = arith.constant 24 : i32
    %scan3A_103 = arith.addi %scan3A_101, %scan3A_102 : i32
    %scan3A_104 = arith.constant 1 : i32
    %scan3A_105 = scf.for %scan3A_127 = %scan3A_101 to %scan3A_103 step %scan3A_104 iter_args(%scan3A_128 = %scan3A_100) -> (i32)  : i32 {
      %mul3A_129 = arith.constant 16 : i32
      %mul3A_130 = arith.muli %scan3A_127, %mul3A_129 : i32
      %add3A_131 = vector.broadcast %mul3A_130 : i32 to vector<16xi32>
      %add3A_132 = arith.addi %add3A_131, %iota3A : vector<16xi32>
      %mul3A_133 = arith.constant 320 : i32
      %mul3A_134 = arith.muli %scan3A_127, %mul3A_133 : i32
      %add3A_135 = vector.broadcast %mul3A_134 : i32 to vector<16xi32>
      %add3A_136 = arith.addi %add3A_135, %mul3A_3 : vector<16xi32>
      %add3A_137 = arith.constant 0 : i32
      %add3A_138 = vector.broadcast %add3A_137 : i32 to vector<16xi32>
      %add3A_139 = arith.addi %add3A_136, %add3A_138 : vector<16xi32>
      %gather3A_140 = tpu.vector_load_idx %arg10[%add3A_139] : memref<7680xi32, #tpu.memory_space<vmem>>[vector<16xi32>], vector<16xi32>,
      tpu.vector_store_idx %arg17[%gather3A_140, %add3A_132], %gather3A {add = true} : memref<20x384xf32, #tpu.memory_space<vmem>>[vector<16xi32>, vector<16xi32>], vector<16xf32>,
      %gather3A_141 = tpu.vector_load_idx %arg11[%add3A_139] : memref<7680xi32, #tpu.memory_space<vmem>>[vector<16xi32>], vector<16xi32>,
      %add3A_142 = arith.constant 6 : i32
      %add3A_143 = vector.broadcast %add3A_142 : i32 to vector<16xi32>
      %add3A_144 = arith.addi %gather3A_141, %add3A_143 : vector<16xi32>
      tpu.vector_store_idx %arg17[%add3A_144, %add3A_132], %gather3A {add = true} : memref<20x384xf32, #tpu.memory_space<vmem>>[vector<16xi32>, vector<16xi32>], vector<16xf32>,
      %gather3A_145 = tpu.vector_load_idx %arg12[%add3A_139] : memref<7680xi32, #tpu.memory_space<vmem>>[vector<16xi32>], vector<16xi32>,
      %add3A_146 = arith.constant 11 : i32
      %add3A_147 = vector.broadcast %add3A_146 : i32 to vector<16xi32>
      %add3A_148 = arith.addi %gather3A_145, %add3A_147 : vector<16xi32>
      tpu.vector_store_idx %arg17[%add3A_148, %add3A_132], %gather3A {add = true} : memref<20x384xf32, #tpu.memory_space<vmem>>[vector<16xi32>, vector<16xi32>], vector<16xf32>,
      %gather3A_149 = tpu.vector_load_idx %arg13[%add3A_139] : memref<7680xi32, #tpu.memory_space<vmem>>[vector<16xi32>], vector<16xi32>,
      %ne3A = arith.constant 0 : i32
      %ne3A_150 = vector.broadcast %ne3A : i32 to vector<16xi32>
      %ne3A_151 = arith.cmpi ne, %gather3A_149, %ne3A_150 : vector<16xi32>
      %convert_element_type3A = arith.extui %ne3A_151 : vector<16xi1> to vector<16xi32>
      %add3A_152 = arith.constant 16 : i32
      %add3A_153 = vector.broadcast %add3A_152 : i32 to vector<16xi32>
      %add3A_154 = arith.addi %add3A_153, %convert_element_type3A : vector<16xi32>
      tpu.vector_store_idx %arg17[%add3A_154, %add3A_132], %gather3A {add = true} : memref<20x384xf32, #tpu.memory_space<vmem>>[vector<16xi32>, vector<16xi32>], vector<16xf32>,
      %gather3A_155 = tpu.vector_load_idx %arg14[%add3A_139] : memref<7680xf32, #tpu.memory_space<vmem>>[vector<16xi32>], vector<16xf32>,
      %mul3A_156 = arith.mulf %gather3A_155, %gather3A : vector<16xf32>
      tpu.vector_store_idx %arg17[%broadcast_in_dim3A_4, %add3A_132], %mul3A_156 {add = true} : memref<20x384xf32, #tpu.memory_space<vmem>>[vector<16xi32>, vector<16xi32>], vector<16xf32>,
      %gather3A_157 = tpu.vector_load_idx %arg15[%add3A_139] : memref<7680xf32, #tpu.memory_space<vmem>>[vector<16xi32>], vector<16xf32>,
      %mul3A_158 = arith.mulf %gather3A_157, %gather3A : vector<16xf32>
      tpu.vector_store_idx %arg17[%broadcast_in_dim3A_6, %add3A_132], %mul3A_158 {add = true} : memref<20x384xf32, #tpu.memory_space<vmem>>[vector<16xi32>, vector<16xi32>], vector<16xf32>,
      %add3A_159 = arith.constant 1 : i32
      %add3A_160 = vector.broadcast %add3A_159 : i32 to vector<16xi32>
      %add3A_161 = arith.addi %add3A_136, %add3A_160 : vector<16xi32>
      %gather3A_162 = tpu.vector_load_idx %arg10[%add3A_161] : memref<7680xi32, #tpu.memory_space<vmem>>[vector<16xi32>], vector<16xi32>,
      tpu.vector_store_idx %arg17[%gather3A_162, %add3A_132], %gather3A_13 {add = true} : memref<20x384xf32, #tpu.memory_space<vmem>>[vector<16xi32>, vector<16xi32>], vector<16xf32>,
      %gather3A_163 = tpu.vector_load_idx %arg11[%add3A_161] : memref<7680xi32, #tpu.memory_space<vmem>>[vector<16xi32>], vector<16xi32>,
      %add3A_164 = arith.constant 6 : i32
      %add3A_165 = vector.broadcast %add3A_164 : i32 to vector<16xi32>
      %add3A_166 = arith.addi %gather3A_163, %add3A_165 : vector<16xi32>
      tpu.vector_store_idx %arg17[%add3A_166, %add3A_132], %gather3A_13 {add = true} : memref<20x384xf32, #tpu.memory_space<vmem>>[vector<16xi32>, vector<16xi32>], vector<16xf32>,
      %gather3A_167 = tpu.vector_load_idx %arg12[%add3A_161] : memref<7680xi32, #tpu.memory_space<vmem>>[vector<16xi32>], vector<16xi32>,
      %add3A_168 = arith.constant 11 : i32
      %add3A_169 = vector.broadcast %add3A_168 : i32 to vector<16xi32>
      %add3A_170 = arith.addi %gather3A_167, %add3A_169 : vector<16xi32>
      tpu.vector_store_idx %arg17[%add3A_170, %add3A_132], %gather3A_13 {add = true} : memref<20x384xf32, #tpu.memory_space<vmem>>[vector<16xi32>, vector<16xi32>], vector<16xf32>,
      %gather3A_171 = tpu.vector_load_idx %arg13[%add3A_161] : memref<7680xi32, #tpu.memory_space<vmem>>[vector<16xi32>], vector<16xi32>,
      %ne3A_172 = arith.constant 0 : i32
      %ne3A_173 = vector.broadcast %ne3A_172 : i32 to vector<16xi32>
      %ne3A_174 = arith.cmpi ne, %gather3A_171, %ne3A_173 : vector<16xi32>
      %convert_element_type3A_175 = arith.extui %ne3A_174 : vector<16xi1> to vector<16xi32>
      %add3A_176 = arith.constant 16 : i32
      %add3A_177 = vector.broadcast %add3A_176 : i32 to vector<16xi32>
      %add3A_178 = arith.addi %add3A_177, %convert_element_type3A_175 : vector<16xi32>
      tpu.vector_store_idx %arg17[%add3A_178, %add3A_132], %gather3A_13 {add = true} : memref<20x384xf32, #tpu.memory_space<vmem>>[vector<16xi32>, vector<16xi32>], vector<16xf32>,
      %gather3A_179 = tpu.vector_load_idx %arg14[%add3A_161] : memref<7680xf32, #tpu.memory_space<vmem>>[vector<16xi32>], vector<16xf32>,
      %mul3A_180 = arith.mulf %gather3A_179, %gather3A_13 : vector<16xf32>
      tpu.vector_store_idx %arg17[%broadcast_in_dim3A_4, %add3A_132], %mul3A_180 {add = true} : memref<20x384xf32, #tpu.memory_space<vmem>>[vector<16xi32>, vector<16xi32>], vector<16xf32>,
      %gather3A_181 = tpu.vector_load_idx %arg15[%add3A_161] : memref<7680xf32, #tpu.memory_space<vmem>>[vector<16xi32>], vector<16xf32>,
      %mul3A_182 = arith.mulf %gather3A_181, %gather3A_13 : vector<16xf32>
      tpu.vector_store_idx %arg17[%broadcast_in_dim3A_6, %add3A_132], %mul3A_182 {add = true} : memref<20x384xf32, #tpu.memory_space<vmem>>[vector<16xi32>, vector<16xi32>], vector<16xf32>,
      %add3A_183 = arith.constant 2 : i32
      %add3A_184 = vector.broadcast %add3A_183 : i32 to vector<16xi32>
      %add3A_185 = arith.addi %add3A_136, %add3A_184 : vector<16xi32>
      %gather3A_186 = tpu.vector_load_idx %arg10[%add3A_185] : memref<7680xi32, #tpu.memory_space<vmem>>[vector<16xi32>], vector<16xi32>,
      tpu.vector_store_idx %arg17[%gather3A_186, %add3A_132], %gather3A_16 {add = true} : memref<20x384xf32, #tpu.memory_space<vmem>>[vector<16xi32>, vector<16xi32>], vector<16xf32>,
      %gather3A_187 = tpu.vector_load_idx %arg11[%add3A_185] : memref<7680xi32, #tpu.memory_space<vmem>>[vector<16xi32>], vector<16xi32>,
      %add3A_188 = arith.constant 6 : i32
      %add3A_189 = vector.broadcast %add3A_188 : i32 to vector<16xi32>
      %add3A_190 = arith.addi %gather3A_187, %add3A_189 : vector<16xi32>
      tpu.vector_store_idx %arg17[%add3A_190, %add3A_132], %gather3A_16 {add = true} : memref<20x384xf32, #tpu.memory_space<vmem>>[vector<16xi32>, vector<16xi32>], vector<16xf32>,
      %gather3A_191 = tpu.vector_load_idx %arg12[%add3A_185] : memref<7680xi32, #tpu.memory_space<vmem>>[vector<16xi32>], vector<16xi32>,
      %add3A_192 = arith.constant 11 : i32
      %add3A_193 = vector.broadcast %add3A_192 : i32 to vector<16xi32>
      %add3A_194 = arith.addi %gather3A_191, %add3A_193 : vector<16xi32>
      tpu.vector_store_idx %arg17[%add3A_194, %add3A_132], %gather3A_16 {add = true} : memref<20x384xf32, #tpu.memory_space<vmem>>[vector<16xi32>, vector<16xi32>], vector<16xf32>,
      %gather3A_195 = tpu.vector_load_idx %arg13[%add3A_185] : memref<7680xi32, #tpu.memory_space<vmem>>[vector<16xi32>], vector<16xi32>,
      %ne3A_196 = arith.constant 0 : i32
      %ne3A_197 = vector.broadcast %ne3A_196 : i32 to vector<16xi32>
      %ne3A_198 = arith.cmpi ne, %gather3A_195, %ne3A_197 : vector<16xi32>
      %convert_element_type3A_199 = arith.extui %ne3A_198 : vector<16xi1> to vector<16xi32>
      %add3A_200 = arith.constant 16 : i32
      %add3A_201 = vector.broadcast %add3A_200 : i32 to vector<16xi32>
      %add3A_202 = arith.addi %add3A_201, %convert_element_type3A_199 : vector<16xi32>
      tpu.vector_store_idx %arg17[%add3A_202, %add3A_132], %gather3A_16 {add = true} : memref<20x384xf32, #tpu.memory_space<vmem>>[vector<16xi32>, vector<16xi32>], vector<16xf32>,
      %gather3A_203 = tpu.vector_load_idx %arg14[%add3A_185] : memref<7680xf32, #tpu.memory_space<vmem>>[vector<16xi32>], vector<16xf32>,
      %mul3A_204 = arith.mulf %gather3A_203, %gather3A_16 : vector<16xf32>
      tpu.vector_store_idx %arg17[%broadcast_in_dim3A_4, %add3A_132], %mul3A_204 {add = true} : memref<20x384xf32, #tpu.memory_space<vmem>>[vector<16xi32>, vector<16xi32>], vector<16xf32>,
      %gather3A_205 = tpu.vector_load_idx %arg15[%add3A_185] : memref<7680xf32, #tpu.memory_space<vmem>>[vector<16xi32>], vector<16xf32>,
      %mul3A_206 = arith.mulf %gather3A_205, %gather3A_16 : vector<16xf32>
      tpu.vector_store_idx %arg17[%broadcast_in_dim3A_6, %add3A_132], %mul3A_206 {add = true} : memref<20x384xf32, #tpu.memory_space<vmem>>[vector<16xi32>, vector<16xi32>], vector<16xf32>,
      %add3A_207 = arith.constant 3 : i32
      %add3A_208 = vector.broadcast %add3A_207 : i32 to vector<16xi32>
      %add3A_209 = arith.addi %add3A_136, %add3A_208 : vector<16xi32>
      %gather3A_210 = tpu.vector_load_idx %arg10[%add3A_209] : memref<7680xi32, #tpu.memory_space<vmem>>[vector<16xi32>], vector<16xi32>,
      tpu.vector_store_idx %arg17[%gather3A_210, %add3A_132], %gather3A_19 {add = true} : memref<20x384xf32, #tpu.memory_space<vmem>>[vector<16xi32>, vector<16xi32>], vector<16xf32>,
      %gather3A_211 = tpu.vector_load_idx %arg11[%add3A_209] : memref<7680xi32, #tpu.memory_space<vmem>>[vector<16xi32>], vector<16xi32>,
      %add3A_212 = arith.constant 6 : i32
      %add3A_213 = vector.broadcast %add3A_212 : i32 to vector<16xi32>
      %add3A_214 = arith.addi %gather3A_211, %add3A_213 : vector<16xi32>
      tpu.vector_store_idx %arg17[%add3A_214, %add3A_132], %gather3A_19 {add = true} : memref<20x384xf32, #tpu.memory_space<vmem>>[vector<16xi32>, vector<16xi32>], vector<16xf32>,
      %gather3A_215 = tpu.vector_load_idx %arg12[%add3A_209] : memref<7680xi32, #tpu.memory_space<vmem>>[vector<16xi32>], vector<16xi32>,
      %add3A_216 = arith.constant 11 : i32
      %add3A_217 = vector.broadcast %add3A_216 : i32 to vector<16xi32>
      %add3A_218 = arith.addi %gather3A_215, %add3A_217 : vector<16xi32>
      tpu.vector_store_idx %arg17[%add3A_218, %add3A_132], %gather3A_19 {add = true} : memref<20x384xf32, #tpu.memory_space<vmem>>[vector<16xi32>, vector<16xi32>], vector<16xf32>,
      %gather3A_219 = tpu.vector_load_idx %arg13[%add3A_209] : memref<7680xi32, #tpu.memory_space<vmem>>[vector<16xi32>], vector<16xi32>,
      %ne3A_220 = arith.constant 0 : i32
      %ne3A_221 = vector.broadcast %ne3A_220 : i32 to vector<16xi32>
      %ne3A_222 = arith.cmpi ne, %gather3A_219, %ne3A_221 : vector<16xi32>
      %convert_element_type3A_223 = arith.extui %ne3A_222 : vector<16xi1> to vector<16xi32>
      %add3A_224 = arith.constant 16 : i32
      %add3A_225 = vector.broadcast %add3A_224 : i32 to vector<16xi32>
      %add3A_226 = arith.addi %add3A_225, %convert_element_type3A_223 : vector<16xi32>
      tpu.vector_store_idx %arg17[%add3A_226, %add3A_132], %gather3A_19 {add = true} : memref<20x384xf32, #tpu.memory_space<vmem>>[vector<16xi32>, vector<16xi32>], vector<16xf32>,
      %gather3A_227 = tpu.vector_load_idx %arg14[%add3A_209] : memref<7680xf32, #tpu.memory_space<vmem>>[vector<16xi32>], vector<16xf32>,
      %mul3A_228 = arith.mulf %gather3A_227, %gather3A_19 : vector<16xf32>
      tpu.vector_store_idx %arg17[%broadcast_in_dim3A_4, %add3A_132], %mul3A_228 {add = true} : memref<20x384xf32, #tpu.memory_space<vmem>>[vector<16xi32>, vector<16xi32>], vector<16xf32>,
      %gather3A_229 = tpu.vector_load_idx %arg15[%add3A_209] : memref<7680xf32, #tpu.memory_space<vmem>>[vector<16xi32>], vector<16xf32>,
      %mul3A_230 = arith.mulf %gather3A_229, %gather3A_19 : vector<16xf32>
      tpu.vector_store_idx %arg17[%broadcast_in_dim3A_6, %add3A_132], %mul3A_230 {add = true} : memref<20x384xf32, #tpu.memory_space<vmem>>[vector<16xi32>, vector<16xi32>], vector<16xf32>,
      %add3A_231 = arith.constant 4 : i32
      %add3A_232 = vector.broadcast %add3A_231 : i32 to vector<16xi32>
      %add3A_233 = arith.addi %add3A_136, %add3A_232 : vector<16xi32>
      %gather3A_234 = tpu.vector_load_idx %arg10[%add3A_233] : memref<7680xi32, #tpu.memory_space<vmem>>[vector<16xi32>], vector<16xi32>,
      tpu.vector_store_idx %arg17[%gather3A_234, %add3A_132], %gather3A_22 {add = true} : memref<20x384xf32, #tpu.memory_space<vmem>>[vector<16xi32>, vector<16xi32>], vector<16xf32>,
      %gather3A_235 = tpu.vector_load_idx %arg11[%add3A_233] : memref<7680xi32, #tpu.memory_space<vmem>>[vector<16xi32>], vector<16xi32>,
      %add3A_236 = arith.constant 6 : i32
      %add3A_237 = vector.broadcast %add3A_236 : i32 to vector<16xi32>
      %add3A_238 = arith.addi %gather3A_235, %add3A_237 : vector<16xi32>
      tpu.vector_store_idx %arg17[%add3A_238, %add3A_132], %gather3A_22 {add = true} : memref<20x384xf32, #tpu.memory_space<vmem>>[vector<16xi32>, vector<16xi32>], vector<16xf32>,
      %gather3A_239 = tpu.vector_load_idx %arg12[%add3A_233] : memref<7680xi32, #tpu.memory_space<vmem>>[vector<16xi32>], vector<16xi32>,
      %add3A_240 = arith.constant 11 : i32
      %add3A_241 = vector.broadcast %add3A_240 : i32 to vector<16xi32>
      %add3A_242 = arith.addi %gather3A_239, %add3A_241 : vector<16xi32>
      tpu.vector_store_idx %arg17[%add3A_242, %add3A_132], %gather3A_22 {add = true} : memref<20x384xf32, #tpu.memory_space<vmem>>[vector<16xi32>, vector<16xi32>], vector<16xf32>,
      %gather3A_243 = tpu.vector_load_idx %arg13[%add3A_233] : memref<7680xi32, #tpu.memory_space<vmem>>[vector<16xi32>], vector<16xi32>,
      %ne3A_244 = arith.constant 0 : i32
      %ne3A_245 = vector.broadcast %ne3A_244 : i32 to vector<16xi32>
      %ne3A_246 = arith.cmpi ne, %gather3A_243, %ne3A_245 : vector<16xi32>
      %convert_element_type3A_247 = arith.extui %ne3A_246 : vector<16xi1> to vector<16xi32>
      %add3A_248 = arith.constant 16 : i32
      %add3A_249 = vector.broadcast %add3A_248 : i32 to vector<16xi32>
      %add3A_250 = arith.addi %add3A_249, %convert_element_type3A_247 : vector<16xi32>
      tpu.vector_store_idx %arg17[%add3A_250, %add3A_132], %gather3A_22 {add = true} : memref<20x384xf32, #tpu.memory_space<vmem>>[vector<16xi32>, vector<16xi32>], vector<16xf32>,
      %gather3A_251 = tpu.vector_load_idx %arg14[%add3A_233] : memref<7680xf32, #tpu.memory_space<vmem>>[vector<16xi32>], vector<16xf32>,
      %mul3A_252 = arith.mulf %gather3A_251, %gather3A_22 : vector<16xf32>
      tpu.vector_store_idx %arg17[%broadcast_in_dim3A_4, %add3A_132], %mul3A_252 {add = true} : memref<20x384xf32, #tpu.memory_space<vmem>>[vector<16xi32>, vector<16xi32>], vector<16xf32>,
      %gather3A_253 = tpu.vector_load_idx %arg15[%add3A_233] : memref<7680xf32, #tpu.memory_space<vmem>>[vector<16xi32>], vector<16xf32>,
      %mul3A_254 = arith.mulf %gather3A_253, %gather3A_22 : vector<16xf32>
      tpu.vector_store_idx %arg17[%broadcast_in_dim3A_6, %add3A_132], %mul3A_254 {add = true} : memref<20x384xf32, #tpu.memory_space<vmem>>[vector<16xi32>, vector<16xi32>], vector<16xf32>,
      %add3A_255 = arith.constant 5 : i32
      %add3A_256 = vector.broadcast %add3A_255 : i32 to vector<16xi32>
      %add3A_257 = arith.addi %add3A_136, %add3A_256 : vector<16xi32>
      %gather3A_258 = tpu.vector_load_idx %arg10[%add3A_257] : memref<7680xi32, #tpu.memory_space<vmem>>[vector<16xi32>], vector<16xi32>,
      tpu.vector_store_idx %arg17[%gather3A_258, %add3A_132], %gather3A_25 {add = true} : memref<20x384xf32, #tpu.memory_space<vmem>>[vector<16xi32>, vector<16xi32>], vector<16xf32>,
      %gather3A_259 = tpu.vector_load_idx %arg11[%add3A_257] : memref<7680xi32, #tpu.memory_space<vmem>>[vector<16xi32>], vector<16xi32>,
      %add3A_260 = arith.constant 6 : i32
      %add3A_261 = vector.broadcast %add3A_260 : i32 to vector<16xi32>
      %add3A_262 = arith.addi %gather3A_259, %add3A_261 : vector<16xi32>
      tpu.vector_store_idx %arg17[%add3A_262, %add3A_132], %gather3A_25 {add = true} : memref<20x384xf32, #tpu.memory_space<vmem>>[vector<16xi32>, vector<16xi32>], vector<16xf32>,
      %gather3A_263 = tpu.vector_load_idx %arg12[%add3A_257] : memref<7680xi32, #tpu.memory_space<vmem>>[vector<16xi32>], vector<16xi32>,
      %add3A_264 = arith.constant 11 : i32
      %add3A_265 = vector.broadcast %add3A_264 : i32 to vector<16xi32>
      %add3A_266 = arith.addi %gather3A_263, %add3A_265 : vector<16xi32>
      tpu.vector_store_idx %arg17[%add3A_266, %add3A_132], %gather3A_25 {add = true} : memref<20x384xf32, #tpu.memory_space<vmem>>[vector<16xi32>, vector<16xi32>], vector<16xf32>,
      %gather3A_267 = tpu.vector_load_idx %arg13[%add3A_257] : memref<7680xi32, #tpu.memory_space<vmem>>[vector<16xi32>], vector<16xi32>,
      %ne3A_268 = arith.constant 0 : i32
      %ne3A_269 = vector.broadcast %ne3A_268 : i32 to vector<16xi32>
      %ne3A_270 = arith.cmpi ne, %gather3A_267, %ne3A_269 : vector<16xi32>
      %convert_element_type3A_271 = arith.extui %ne3A_270 : vector<16xi1> to vector<16xi32>
      %add3A_272 = arith.constant 16 : i32
      %add3A_273 = vector.broadcast %add3A_272 : i32 to vector<16xi32>
      %add3A_274 = arith.addi %add3A_273, %convert_element_type3A_271 : vector<16xi32>
      tpu.vector_store_idx %arg17[%add3A_274, %add3A_132], %gather3A_25 {add = true} : memref<20x384xf32, #tpu.memory_space<vmem>>[vector<16xi32>, vector<16xi32>], vector<16xf32>,
      %gather3A_275 = tpu.vector_load_idx %arg14[%add3A_257] : memref<7680xf32, #tpu.memory_space<vmem>>[vector<16xi32>], vector<16xf32>,
      %mul3A_276 = arith.mulf %gather3A_275, %gather3A_25 : vector<16xf32>
      tpu.vector_store_idx %arg17[%broadcast_in_dim3A_4, %add3A_132], %mul3A_276 {add = true} : memref<20x384xf32, #tpu.memory_space<vmem>>[vector<16xi32>, vector<16xi32>], vector<16xf32>,
      %gather3A_277 = tpu.vector_load_idx %arg15[%add3A_257] : memref<7680xf32, #tpu.memory_space<vmem>>[vector<16xi32>], vector<16xf32>,
      %mul3A_278 = arith.mulf %gather3A_277, %gather3A_25 : vector<16xf32>
      tpu.vector_store_idx %arg17[%broadcast_in_dim3A_6, %add3A_132], %mul3A_278 {add = true} : memref<20x384xf32, #tpu.memory_space<vmem>>[vector<16xi32>, vector<16xi32>], vector<16xf32>,
      %add3A_279 = arith.constant 6 : i32
      %add3A_280 = vector.broadcast %add3A_279 : i32 to vector<16xi32>
      %add3A_281 = arith.addi %add3A_136, %add3A_280 : vector<16xi32>
      %gather3A_282 = tpu.vector_load_idx %arg10[%add3A_281] : memref<7680xi32, #tpu.memory_space<vmem>>[vector<16xi32>], vector<16xi32>,
      tpu.vector_store_idx %arg17[%gather3A_282, %add3A_132], %gather3A_28 {add = true} : memref<20x384xf32, #tpu.memory_space<vmem>>[vector<16xi32>, vector<16xi32>], vector<16xf32>,
      %gather3A_283 = tpu.vector_load_idx %arg11[%add3A_281] : memref<7680xi32, #tpu.memory_space<vmem>>[vector<16xi32>], vector<16xi32>,
      %add3A_284 = arith.constant 6 : i32
      %add3A_285 = vector.broadcast %add3A_284 : i32 to vector<16xi32>
      %add3A_286 = arith.addi %gather3A_283, %add3A_285 : vector<16xi32>
      tpu.vector_store_idx %arg17[%add3A_286, %add3A_132], %gather3A_28 {add = true} : memref<20x384xf32, #tpu.memory_space<vmem>>[vector<16xi32>, vector<16xi32>], vector<16xf32>,
      %gather3A_287 = tpu.vector_load_idx %arg12[%add3A_281] : memref<7680xi32, #tpu.memory_space<vmem>>[vector<16xi32>], vector<16xi32>,
      %add3A_288 = arith.constant 11 : i32
      %add3A_289 = vector.broadcast %add3A_288 : i32 to vector<16xi32>
      %add3A_290 = arith.addi %gather3A_287, %add3A_289 : vector<16xi32>
      tpu.vector_store_idx %arg17[%add3A_290, %add3A_132], %gather3A_28 {add = true} : memref<20x384xf32, #tpu.memory_space<vmem>>[vector<16xi32>, vector<16xi32>], vector<16xf32>,
      %gather3A_291 = tpu.vector_load_idx %arg13[%add3A_281] : memref<7680xi32, #tpu.memory_space<vmem>>[vector<16xi32>], vector<16xi32>,
      %ne3A_292 = arith.constant 0 : i32
      %ne3A_293 = vector.broadcast %ne3A_292 : i32 to vector<16xi32>
      %ne3A_294 = arith.cmpi ne, %gather3A_291, %ne3A_293 : vector<16xi32>
      %convert_element_type3A_295 = arith.extui %ne3A_294 : vector<16xi1> to vector<16xi32>
      %add3A_296 = arith.constant 16 : i32
      %add3A_297 = vector.broadcast %add3A_296 : i32 to vector<16xi32>
      %add3A_298 = arith.addi %add3A_297, %convert_element_type3A_295 : vector<16xi32>
      tpu.vector_store_idx %arg17[%add3A_298, %add3A_132], %gather3A_28 {add = true} : memref<20x384xf32, #tpu.memory_space<vmem>>[vector<16xi32>, vector<16xi32>], vector<16xf32>,
      %gather3A_299 = tpu.vector_load_idx %arg14[%add3A_281] : memref<7680xf32, #tpu.memory_space<vmem>>[vector<16xi32>], vector<16xf32>,
      %mul3A_300 = arith.mulf %gather3A_299, %gather3A_28 : vector<16xf32>
      tpu.vector_store_idx %arg17[%broadcast_in_dim3A_4, %add3A_132], %mul3A_300 {add = true} : memref<20x384xf32, #tpu.memory_space<vmem>>[vector<16xi32>, vector<16xi32>], vector<16xf32>,
      %gather3A_301 = tpu.vector_load_idx %arg15[%add3A_281] : memref<7680xf32, #tpu.memory_space<vmem>>[vector<16xi32>], vector<16xf32>,
      %mul3A_302 = arith.mulf %gather3A_301, %gather3A_28 : vector<16xf32>
      tpu.vector_store_idx %arg17[%broadcast_in_dim3A_6, %add3A_132], %mul3A_302 {add = true} : memref<20x384xf32, #tpu.memory_space<vmem>>[vector<16xi32>, vector<16xi32>], vector<16xf32>,
      %add3A_303 = arith.constant 7 : i32
      %add3A_304 = vector.broadcast %add3A_303 : i32 to vector<16xi32>
      %add3A_305 = arith.addi %add3A_136, %add3A_304 : vector<16xi32>
      %gather3A_306 = tpu.vector_load_idx %arg10[%add3A_305] : memref<7680xi32, #tpu.memory_space<vmem>>[vector<16xi32>], vector<16xi32>,
      tpu.vector_store_idx %arg17[%gather3A_306, %add3A_132], %gather3A_31 {add = true} : memref<20x384xf32, #tpu.memory_space<vmem>>[vector<16xi32>, vector<16xi32>], vector<16xf32>,
      %gather3A_307 = tpu.vector_load_idx %arg11[%add3A_305] : memref<7680xi32, #tpu.memory_space<vmem>>[vector<16xi32>], vector<16xi32>,
      %add3A_308 = arith.constant 6 : i32
      %add3A_309 = vector.broadcast %add3A_308 : i32 to vector<16xi32>
      %add3A_310 = arith.addi %gather3A_307, %add3A_309 : vector<16xi32>
      tpu.vector_store_idx %arg17[%add3A_310, %add3A_132], %gather3A_31 {add = true} : memref<20x384xf32, #tpu.memory_space<vmem>>[vector<16xi32>, vector<16xi32>], vector<16xf32>,
      %gather3A_311 = tpu.vector_load_idx %arg12[%add3A_305] : memref<7680xi32, #tpu.memory_space<vmem>>[vector<16xi32>], vector<16xi32>,
      %add3A_312 = arith.constant 11 : i32
      %add3A_313 = vector.broadcast %add3A_312 : i32 to vector<16xi32>
      %add3A_314 = arith.addi %gather3A_311, %add3A_313 : vector<16xi32>
      tpu.vector_store_idx %arg17[%add3A_314, %add3A_132], %gather3A_31 {add = true} : memref<20x384xf32, #tpu.memory_space<vmem>>[vector<16xi32>, vector<16xi32>], vector<16xf32>,
      %gather3A_315 = tpu.vector_load_idx %arg13[%add3A_305] : memref<7680xi32, #tpu.memory_space<vmem>>[vector<16xi32>], vector<16xi32>,
      %ne3A_316 = arith.constant 0 : i32
      %ne3A_317 = vector.broadcast %ne3A_316 : i32 to vector<16xi32>
      %ne3A_318 = arith.cmpi ne, %gather3A_315, %ne3A_317 : vector<16xi32>
      %convert_element_type3A_319 = arith.extui %ne3A_318 : vector<16xi1> to vector<16xi32>
      %add3A_320 = arith.constant 16 : i32
      %add3A_321 = vector.broadcast %add3A_320 : i32 to vector<16xi32>
      %add3A_322 = arith.addi %add3A_321, %convert_element_type3A_319 : vector<16xi32>
      tpu.vector_store_idx %arg17[%add3A_322, %add3A_132], %gather3A_31 {add = true} : memref<20x384xf32, #tpu.memory_space<vmem>>[vector<16xi32>, vector<16xi32>], vector<16xf32>,
      %gather3A_323 = tpu.vector_load_idx %arg14[%add3A_305] : memref<7680xf32, #tpu.memory_space<vmem>>[vector<16xi32>], vector<16xf32>,
      %mul3A_324 = arith.mulf %gather3A_323, %gather3A_31 : vector<16xf32>
      tpu.vector_store_idx %arg17[%broadcast_in_dim3A_4, %add3A_132], %mul3A_324 {add = true} : memref<20x384xf32, #tpu.memory_space<vmem>>[vector<16xi32>, vector<16xi32>], vector<16xf32>,
      %gather3A_325 = tpu.vector_load_idx %arg15[%add3A_305] : memref<7680xf32, #tpu.memory_space<vmem>>[vector<16xi32>], vector<16xf32>,
      %mul3A_326 = arith.mulf %gather3A_325, %gather3A_31 : vector<16xf32>
      tpu.vector_store_idx %arg17[%broadcast_in_dim3A_6, %add3A_132], %mul3A_326 {add = true} : memref<20x384xf32, #tpu.memory_space<vmem>>[vector<16xi32>, vector<16xi32>], vector<16xf32>,
      %add3A_327 = arith.constant 8 : i32
      %add3A_328 = vector.broadcast %add3A_327 : i32 to vector<16xi32>
      %add3A_329 = arith.addi %add3A_136, %add3A_328 : vector<16xi32>
      %gather3A_330 = tpu.vector_load_idx %arg10[%add3A_329] : memref<7680xi32, #tpu.memory_space<vmem>>[vector<16xi32>], vector<16xi32>,
      tpu.vector_store_idx %arg17[%gather3A_330, %add3A_132], %gather3A_34 {add = true} : memref<20x384xf32, #tpu.memory_space<vmem>>[vector<16xi32>, vector<16xi32>], vector<16xf32>,
      %gather3A_331 = tpu.vector_load_idx %arg11[%add3A_329] : memref<7680xi32, #tpu.memory_space<vmem>>[vector<16xi32>], vector<16xi32>,
      %add3A_332 = arith.constant 6 : i32
      %add3A_333 = vector.broadcast %add3A_332 : i32 to vector<16xi32>
      %add3A_334 = arith.addi %gather3A_331, %add3A_333 : vector<16xi32>
      tpu.vector_store_idx %arg17[%add3A_334, %add3A_132], %gather3A_34 {add = true} : memref<20x384xf32, #tpu.memory_space<vmem>>[vector<16xi32>, vector<16xi32>], vector<16xf32>,
      %gather3A_335 = tpu.vector_load_idx %arg12[%add3A_329] : memref<7680xi32, #tpu.memory_space<vmem>>[vector<16xi32>], vector<16xi32>,
      %add3A_336 = arith.constant 11 : i32
      %add3A_337 = vector.broadcast %add3A_336 : i32 to vector<16xi32>
      %add3A_338 = arith.addi %gather3A_335, %add3A_337 : vector<16xi32>
      tpu.vector_store_idx %arg17[%add3A_338, %add3A_132], %gather3A_34 {add = true} : memref<20x384xf32, #tpu.memory_space<vmem>>[vector<16xi32>, vector<16xi32>], vector<16xf32>,
      %gather3A_339 = tpu.vector_load_idx %arg13[%add3A_329] : memref<7680xi32, #tpu.memory_space<vmem>>[vector<16xi32>], vector<16xi32>,
      %ne3A_340 = arith.constant 0 : i32
      %ne3A_341 = vector.broadcast %ne3A_340 : i32 to vector<16xi32>
      %ne3A_342 = arith.cmpi ne, %gather3A_339, %ne3A_341 : vector<16xi32>
      %convert_element_type3A_343 = arith.extui %ne3A_342 : vector<16xi1> to vector<16xi32>
      %add3A_344 = arith.constant 16 : i32
      %add3A_345 = vector.broadcast %add3A_344 : i32 to vector<16xi32>
      %add3A_346 = arith.addi %add3A_345, %convert_element_type3A_343 : vector<16xi32>
      tpu.vector_store_idx %arg17[%add3A_346, %add3A_132], %gather3A_34 {add = true} : memref<20x384xf32, #tpu.memory_space<vmem>>[vector<16xi32>, vector<16xi32>], vector<16xf32>,
      %gather3A_347 = tpu.vector_load_idx %arg14[%add3A_329] : memref<7680xf32, #tpu.memory_space<vmem>>[vector<16xi32>], vector<16xf32>,
      %mul3A_348 = arith.mulf %gather3A_347, %gather3A_34 : vector<16xf32>
      tpu.vector_store_idx %arg17[%broadcast_in_dim3A_4, %add3A_132], %mul3A_348 {add = true} : memref<20x384xf32, #tpu.memory_space<vmem>>[vector<16xi32>, vector<16xi32>], vector<16xf32>,
      %gather3A_349 = tpu.vector_load_idx %arg15[%add3A_329] : memref<7680xf32, #tpu.memory_space<vmem>>[vector<16xi32>], vector<16xf32>,
      %mul3A_350 = arith.mulf %gather3A_349, %gather3A_34 : vector<16xf32>
      tpu.vector_store_idx %arg17[%broadcast_in_dim3A_6, %add3A_132], %mul3A_350 {add = true} : memref<20x384xf32, #tpu.memory_space<vmem>>[vector<16xi32>, vector<16xi32>], vector<16xf32>,
      %add3A_351 = arith.constant 9 : i32
      %add3A_352 = vector.broadcast %add3A_351 : i32 to vector<16xi32>
      %add3A_353 = arith.addi %add3A_136, %add3A_352 : vector<16xi32>
      %gather3A_354 = tpu.vector_load_idx %arg10[%add3A_353] : memref<7680xi32, #tpu.memory_space<vmem>>[vector<16xi32>], vector<16xi32>,
      tpu.vector_store_idx %arg17[%gather3A_354, %add3A_132], %gather3A_37 {add = true} : memref<20x384xf32, #tpu.memory_space<vmem>>[vector<16xi32>, vector<16xi32>], vector<16xf32>,
      %gather3A_355 = tpu.vector_load_idx %arg11[%add3A_353] : memref<7680xi32, #tpu.memory_space<vmem>>[vector<16xi32>], vector<16xi32>,
      %add3A_356 = arith.constant 6 : i32
      %add3A_357 = vector.broadcast %add3A_356 : i32 to vector<16xi32>
      %add3A_358 = arith.addi %gather3A_355, %add3A_357 : vector<16xi32>
      tpu.vector_store_idx %arg17[%add3A_358, %add3A_132], %gather3A_37 {add = true} : memref<20x384xf32, #tpu.memory_space<vmem>>[vector<16xi32>, vector<16xi32>], vector<16xf32>,
      %gather3A_359 = tpu.vector_load_idx %arg12[%add3A_353] : memref<7680xi32, #tpu.memory_space<vmem>>[vector<16xi32>], vector<16xi32>,
      %add3A_360 = arith.constant 11 : i32
      %add3A_361 = vector.broadcast %add3A_360 : i32 to vector<16xi32>
      %add3A_362 = arith.addi %gather3A_359, %add3A_361 : vector<16xi32>
      tpu.vector_store_idx %arg17[%add3A_362, %add3A_132], %gather3A_37 {add = true} : memref<20x384xf32, #tpu.memory_space<vmem>>[vector<16xi32>, vector<16xi32>], vector<16xf32>,
      %gather3A_363 = tpu.vector_load_idx %arg13[%add3A_353] : memref<7680xi32, #tpu.memory_space<vmem>>[vector<16xi32>], vector<16xi32>,
      %ne3A_364 = arith.constant 0 : i32
      %ne3A_365 = vector.broadcast %ne3A_364 : i32 to vector<16xi32>
      %ne3A_366 = arith.cmpi ne, %gather3A_363, %ne3A_365 : vector<16xi32>
      %convert_element_type3A_367 = arith.extui %ne3A_366 : vector<16xi1> to vector<16xi32>
      %add3A_368 = arith.constant 16 : i32
      %add3A_369 = vector.broadcast %add3A_368 : i32 to vector<16xi32>
      %add3A_370 = arith.addi %add3A_369, %convert_element_type3A_367 : vector<16xi32>
      tpu.vector_store_idx %arg17[%add3A_370, %add3A_132], %gather3A_37 {add = true} : memref<20x384xf32, #tpu.memory_space<vmem>>[vector<16xi32>, vector<16xi32>], vector<16xf32>,
      %gather3A_371 = tpu.vector_load_idx %arg14[%add3A_353] : memref<7680xf32, #tpu.memory_space<vmem>>[vector<16xi32>], vector<16xf32>,
      %mul3A_372 = arith.mulf %gather3A_371, %gather3A_37 : vector<16xf32>
      tpu.vector_store_idx %arg17[%broadcast_in_dim3A_4, %add3A_132], %mul3A_372 {add = true} : memref<20x384xf32, #tpu.memory_space<vmem>>[vector<16xi32>, vector<16xi32>], vector<16xf32>,
      %gather3A_373 = tpu.vector_load_idx %arg15[%add3A_353] : memref<7680xf32, #tpu.memory_space<vmem>>[vector<16xi32>], vector<16xf32>,
      %mul3A_374 = arith.mulf %gather3A_373, %gather3A_37 : vector<16xf32>
      tpu.vector_store_idx %arg17[%broadcast_in_dim3A_6, %add3A_132], %mul3A_374 {add = true} : memref<20x384xf32, #tpu.memory_space<vmem>>[vector<16xi32>, vector<16xi32>], vector<16xf32>,
      %add3A_375 = arith.constant 10 : i32
      %add3A_376 = vector.broadcast %add3A_375 : i32 to vector<16xi32>
      %add3A_377 = arith.addi %add3A_136, %add3A_376 : vector<16xi32>
      %gather3A_378 = tpu.vector_load_idx %arg10[%add3A_377] : memref<7680xi32, #tpu.memory_space<vmem>>[vector<16xi32>], vector<16xi32>,
      tpu.vector_store_idx %arg17[%gather3A_378, %add3A_132], %gather3A_40 {add = true} : memref<20x384xf32, #tpu.memory_space<vmem>>[vector<16xi32>, vector<16xi32>], vector<16xf32>,
      %gather3A_379 = tpu.vector_load_idx %arg11[%add3A_377] : memref<7680xi32, #tpu.memory_space<vmem>>[vector<16xi32>], vector<16xi32>,
      %add3A_380 = arith.constant 6 : i32
      %add3A_381 = vector.broadcast %add3A_380 : i32 to vector<16xi32>
      %add3A_382 = arith.addi %gather3A_379, %add3A_381 : vector<16xi32>
      tpu.vector_store_idx %arg17[%add3A_382, %add3A_132], %gather3A_40 {add = true} : memref<20x384xf32, #tpu.memory_space<vmem>>[vector<16xi32>, vector<16xi32>], vector<16xf32>,
      %gather3A_383 = tpu.vector_load_idx %arg12[%add3A_377] : memref<7680xi32, #tpu.memory_space<vmem>>[vector<16xi32>], vector<16xi32>,
      %add3A_384 = arith.constant 11 : i32
      %add3A_385 = vector.broadcast %add3A_384 : i32 to vector<16xi32>
      %add3A_386 = arith.addi %gather3A_383, %add3A_385 : vector<16xi32>
      tpu.vector_store_idx %arg17[%add3A_386, %add3A_132], %gather3A_40 {add = true} : memref<20x384xf32, #tpu.memory_space<vmem>>[vector<16xi32>, vector<16xi32>], vector<16xf32>,
      %gather3A_387 = tpu.vector_load_idx %arg13[%add3A_377] : memref<7680xi32, #tpu.memory_space<vmem>>[vector<16xi32>], vector<16xi32>,
      %ne3A_388 = arith.constant 0 : i32
      %ne3A_389 = vector.broadcast %ne3A_388 : i32 to vector<16xi32>
      %ne3A_390 = arith.cmpi ne, %gather3A_387, %ne3A_389 : vector<16xi32>
      %convert_element_type3A_391 = arith.extui %ne3A_390 : vector<16xi1> to vector<16xi32>
      %add3A_392 = arith.constant 16 : i32
      %add3A_393 = vector.broadcast %add3A_392 : i32 to vector<16xi32>
      %add3A_394 = arith.addi %add3A_393, %convert_element_type3A_391 : vector<16xi32>
      tpu.vector_store_idx %arg17[%add3A_394, %add3A_132], %gather3A_40 {add = true} : memref<20x384xf32, #tpu.memory_space<vmem>>[vector<16xi32>, vector<16xi32>], vector<16xf32>,
      %gather3A_395 = tpu.vector_load_idx %arg14[%add3A_377] : memref<7680xf32, #tpu.memory_space<vmem>>[vector<16xi32>], vector<16xf32>,
      %mul3A_396 = arith.mulf %gather3A_395, %gather3A_40 : vector<16xf32>
      tpu.vector_store_idx %arg17[%broadcast_in_dim3A_4, %add3A_132], %mul3A_396 {add = true} : memref<20x384xf32, #tpu.memory_space<vmem>>[vector<16xi32>, vector<16xi32>], vector<16xf32>,
      %gather3A_397 = tpu.vector_load_idx %arg15[%add3A_377] : memref<7680xf32, #tpu.memory_space<vmem>>[vector<16xi32>], vector<16xf32>,
      %mul3A_398 = arith.mulf %gather3A_397, %gather3A_40 : vector<16xf32>
      tpu.vector_store_idx %arg17[%broadcast_in_dim3A_6, %add3A_132], %mul3A_398 {add = true} : memref<20x384xf32, #tpu.memory_space<vmem>>[vector<16xi32>, vector<16xi32>], vector<16xf32>,
      %add3A_399 = arith.constant 11 : i32
      %add3A_400 = vector.broadcast %add3A_399 : i32 to vector<16xi32>
      %add3A_401 = arith.addi %add3A_136, %add3A_400 : vector<16xi32>
      %gather3A_402 = tpu.vector_load_idx %arg10[%add3A_401] : memref<7680xi32, #tpu.memory_space<vmem>>[vector<16xi32>], vector<16xi32>,
      tpu.vector_store_idx %arg17[%gather3A_402, %add3A_132], %gather3A_43 {add = true} : memref<20x384xf32, #tpu.memory_space<vmem>>[vector<16xi32>, vector<16xi32>], vector<16xf32>,
      %gather3A_403 = tpu.vector_load_idx %arg11[%add3A_401] : memref<7680xi32, #tpu.memory_space<vmem>>[vector<16xi32>], vector<16xi32>,
      %add3A_404 = arith.constant 6 : i32
      %add3A_405 = vector.broadcast %add3A_404 : i32 to vector<16xi32>
      %add3A_406 = arith.addi %gather3A_403, %add3A_405 : vector<16xi32>
      tpu.vector_store_idx %arg17[%add3A_406, %add3A_132], %gather3A_43 {add = true} : memref<20x384xf32, #tpu.memory_space<vmem>>[vector<16xi32>, vector<16xi32>], vector<16xf32>,
      %gather3A_407 = tpu.vector_load_idx %arg12[%add3A_401] : memref<7680xi32, #tpu.memory_space<vmem>>[vector<16xi32>], vector<16xi32>,
      %add3A_408 = arith.constant 11 : i32
      %add3A_409 = vector.broadcast %add3A_408 : i32 to vector<16xi32>
      %add3A_410 = arith.addi %gather3A_407, %add3A_409 : vector<16xi32>
      tpu.vector_store_idx %arg17[%add3A_410, %add3A_132], %gather3A_43 {add = true} : memref<20x384xf32, #tpu.memory_space<vmem>>[vector<16xi32>, vector<16xi32>], vector<16xf32>,
      %gather3A_411 = tpu.vector_load_idx %arg13[%add3A_401] : memref<7680xi32, #tpu.memory_space<vmem>>[vector<16xi32>], vector<16xi32>,
      %ne3A_412 = arith.constant 0 : i32
      %ne3A_413 = vector.broadcast %ne3A_412 : i32 to vector<16xi32>
      %ne3A_414 = arith.cmpi ne, %gather3A_411, %ne3A_413 : vector<16xi32>
      %convert_element_type3A_415 = arith.extui %ne3A_414 : vector<16xi1> to vector<16xi32>
      %add3A_416 = arith.constant 16 : i32
      %add3A_417 = vector.broadcast %add3A_416 : i32 to vector<16xi32>
      %add3A_418 = arith.addi %add3A_417, %convert_element_type3A_415 : vector<16xi32>
      tpu.vector_store_idx %arg17[%add3A_418, %add3A_132], %gather3A_43 {add = true} : memref<20x384xf32, #tpu.memory_space<vmem>>[vector<16xi32>, vector<16xi32>], vector<16xf32>,
      %gather3A_419 = tpu.vector_load_idx %arg14[%add3A_401] : memref<7680xf32, #tpu.memory_space<vmem>>[vector<16xi32>], vector<16xf32>,
      %mul3A_420 = arith.mulf %gather3A_419, %gather3A_43 : vector<16xf32>
      tpu.vector_store_idx %arg17[%broadcast_in_dim3A_4, %add3A_132], %mul3A_420 {add = true} : memref<20x384xf32, #tpu.memory_space<vmem>>[vector<16xi32>, vector<16xi32>], vector<16xf32>,
      %gather3A_421 = tpu.vector_load_idx %arg15[%add3A_401] : memref<7680xf32, #tpu.memory_space<vmem>>[vector<16xi32>], vector<16xf32>,
      %mul3A_422 = arith.mulf %gather3A_421, %gather3A_43 : vector<16xf32>
      tpu.vector_store_idx %arg17[%broadcast_in_dim3A_6, %add3A_132], %mul3A_422 {add = true} : memref<20x384xf32, #tpu.memory_space<vmem>>[vector<16xi32>, vector<16xi32>], vector<16xf32>,
      %add3A_423 = arith.constant 12 : i32
      %add3A_424 = vector.broadcast %add3A_423 : i32 to vector<16xi32>
      %add3A_425 = arith.addi %add3A_136, %add3A_424 : vector<16xi32>
      %gather3A_426 = tpu.vector_load_idx %arg10[%add3A_425] : memref<7680xi32, #tpu.memory_space<vmem>>[vector<16xi32>], vector<16xi32>,
      tpu.vector_store_idx %arg17[%gather3A_426, %add3A_132], %gather3A_46 {add = true} : memref<20x384xf32, #tpu.memory_space<vmem>>[vector<16xi32>, vector<16xi32>], vector<16xf32>,
      %gather3A_427 = tpu.vector_load_idx %arg11[%add3A_425] : memref<7680xi32, #tpu.memory_space<vmem>>[vector<16xi32>], vector<16xi32>,
      %add3A_428 = arith.constant 6 : i32
      %add3A_429 = vector.broadcast %add3A_428 : i32 to vector<16xi32>
      %add3A_430 = arith.addi %gather3A_427, %add3A_429 : vector<16xi32>
      tpu.vector_store_idx %arg17[%add3A_430, %add3A_132], %gather3A_46 {add = true} : memref<20x384xf32, #tpu.memory_space<vmem>>[vector<16xi32>, vector<16xi32>], vector<16xf32>,
      %gather3A_431 = tpu.vector_load_idx %arg12[%add3A_425] : memref<7680xi32, #tpu.memory_space<vmem>>[vector<16xi32>], vector<16xi32>,
      %add3A_432 = arith.constant 11 : i32
      %add3A_433 = vector.broadcast %add3A_432 : i32 to vector<16xi32>
      %add3A_434 = arith.addi %gather3A_431, %add3A_433 : vector<16xi32>
      tpu.vector_store_idx %arg17[%add3A_434, %add3A_132], %gather3A_46 {add = true} : memref<20x384xf32, #tpu.memory_space<vmem>>[vector<16xi32>, vector<16xi32>], vector<16xf32>,
      %gather3A_435 = tpu.vector_load_idx %arg13[%add3A_425] : memref<7680xi32, #tpu.memory_space<vmem>>[vector<16xi32>], vector<16xi32>,
      %ne3A_436 = arith.constant 0 : i32
      %ne3A_437 = vector.broadcast %ne3A_436 : i32 to vector<16xi32>
      %ne3A_438 = arith.cmpi ne, %gather3A_435, %ne3A_437 : vector<16xi32>
      %convert_element_type3A_439 = arith.extui %ne3A_438 : vector<16xi1> to vector<16xi32>
      %add3A_440 = arith.constant 16 : i32
      %add3A_441 = vector.broadcast %add3A_440 : i32 to vector<16xi32>
      %add3A_442 = arith.addi %add3A_441, %convert_element_type3A_439 : vector<16xi32>
      tpu.vector_store_idx %arg17[%add3A_442, %add3A_132], %gather3A_46 {add = true} : memref<20x384xf32, #tpu.memory_space<vmem>>[vector<16xi32>, vector<16xi32>], vector<16xf32>,
      %gather3A_443 = tpu.vector_load_idx %arg14[%add3A_425] : memref<7680xf32, #tpu.memory_space<vmem>>[vector<16xi32>], vector<16xf32>,
      %mul3A_444 = arith.mulf %gather3A_443, %gather3A_46 : vector<16xf32>
      tpu.vector_store_idx %arg17[%broadcast_in_dim3A_4, %add3A_132], %mul3A_444 {add = true} : memref<20x384xf32, #tpu.memory_space<vmem>>[vector<16xi32>, vector<16xi32>], vector<16xf32>,
      %gather3A_445 = tpu.vector_load_idx %arg15[%add3A_425] : memref<7680xf32, #tpu.memory_space<vmem>>[vector<16xi32>], vector<16xf32>,
      %mul3A_446 = arith.mulf %gather3A_445, %gather3A_46 : vector<16xf32>
      tpu.vector_store_idx %arg17[%broadcast_in_dim3A_6, %add3A_132], %mul3A_446 {add = true} : memref<20x384xf32, #tpu.memory_space<vmem>>[vector<16xi32>, vector<16xi32>], vector<16xf32>,
      %add3A_447 = arith.constant 13 : i32
      %add3A_448 = vector.broadcast %add3A_447 : i32 to vector<16xi32>
      %add3A_449 = arith.addi %add3A_136, %add3A_448 : vector<16xi32>
      %gather3A_450 = tpu.vector_load_idx %arg10[%add3A_449] : memref<7680xi32, #tpu.memory_space<vmem>>[vector<16xi32>], vector<16xi32>,
      tpu.vector_store_idx %arg17[%gather3A_450, %add3A_132], %gather3A_49 {add = true} : memref<20x384xf32, #tpu.memory_space<vmem>>[vector<16xi32>, vector<16xi32>], vector<16xf32>,
      %gather3A_451 = tpu.vector_load_idx %arg11[%add3A_449] : memref<7680xi32, #tpu.memory_space<vmem>>[vector<16xi32>], vector<16xi32>,
      %add3A_452 = arith.constant 6 : i32
      %add3A_453 = vector.broadcast %add3A_452 : i32 to vector<16xi32>
      %add3A_454 = arith.addi %gather3A_451, %add3A_453 : vector<16xi32>
      tpu.vector_store_idx %arg17[%add3A_454, %add3A_132], %gather3A_49 {add = true} : memref<20x384xf32, #tpu.memory_space<vmem>>[vector<16xi32>, vector<16xi32>], vector<16xf32>,
      %gather3A_455 = tpu.vector_load_idx %arg12[%add3A_449] : memref<7680xi32, #tpu.memory_space<vmem>>[vector<16xi32>], vector<16xi32>,
      %add3A_456 = arith.constant 11 : i32
      %add3A_457 = vector.broadcast %add3A_456 : i32 to vector<16xi32>
      %add3A_458 = arith.addi %gather3A_455, %add3A_457 : vector<16xi32>
      tpu.vector_store_idx %arg17[%add3A_458, %add3A_132], %gather3A_49 {add = true} : memref<20x384xf32, #tpu.memory_space<vmem>>[vector<16xi32>, vector<16xi32>], vector<16xf32>,
      %gather3A_459 = tpu.vector_load_idx %arg13[%add3A_449] : memref<7680xi32, #tpu.memory_space<vmem>>[vector<16xi32>], vector<16xi32>,
      %ne3A_460 = arith.constant 0 : i32
      %ne3A_461 = vector.broadcast %ne3A_460 : i32 to vector<16xi32>
      %ne3A_462 = arith.cmpi ne, %gather3A_459, %ne3A_461 : vector<16xi32>
      %convert_element_type3A_463 = arith.extui %ne3A_462 : vector<16xi1> to vector<16xi32>
      %add3A_464 = arith.constant 16 : i32
      %add3A_465 = vector.broadcast %add3A_464 : i32 to vector<16xi32>
      %add3A_466 = arith.addi %add3A_465, %convert_element_type3A_463 : vector<16xi32>
      tpu.vector_store_idx %arg17[%add3A_466, %add3A_132], %gather3A_49 {add = true} : memref<20x384xf32, #tpu.memory_space<vmem>>[vector<16xi32>, vector<16xi32>], vector<16xf32>,
      %gather3A_467 = tpu.vector_load_idx %arg14[%add3A_449] : memref<7680xf32, #tpu.memory_space<vmem>>[vector<16xi32>], vector<16xf32>,
      %mul3A_468 = arith.mulf %gather3A_467, %gather3A_49 : vector<16xf32>
      tpu.vector_store_idx %arg17[%broadcast_in_dim3A_4, %add3A_132], %mul3A_468 {add = true} : memref<20x384xf32, #tpu.memory_space<vmem>>[vector<16xi32>, vector<16xi32>], vector<16xf32>,
      %gather3A_469 = tpu.vector_load_idx %arg15[%add3A_449] : memref<7680xf32, #tpu.memory_space<vmem>>[vector<16xi32>], vector<16xf32>,
      %mul3A_470 = arith.mulf %gather3A_469, %gather3A_49 : vector<16xf32>
      tpu.vector_store_idx %arg17[%broadcast_in_dim3A_6, %add3A_132], %mul3A_470 {add = true} : memref<20x384xf32, #tpu.memory_space<vmem>>[vector<16xi32>, vector<16xi32>], vector<16xf32>,
      %add3A_471 = arith.constant 14 : i32
      %add3A_472 = vector.broadcast %add3A_471 : i32 to vector<16xi32>
      %add3A_473 = arith.addi %add3A_136, %add3A_472 : vector<16xi32>
      %gather3A_474 = tpu.vector_load_idx %arg10[%add3A_473] : memref<7680xi32, #tpu.memory_space<vmem>>[vector<16xi32>], vector<16xi32>,
      tpu.vector_store_idx %arg17[%gather3A_474, %add3A_132], %gather3A_52 {add = true} : memref<20x384xf32, #tpu.memory_space<vmem>>[vector<16xi32>, vector<16xi32>], vector<16xf32>,
      %gather3A_475 = tpu.vector_load_idx %arg11[%add3A_473] : memref<7680xi32, #tpu.memory_space<vmem>>[vector<16xi32>], vector<16xi32>,
      %add3A_476 = arith.constant 6 : i32
      %add3A_477 = vector.broadcast %add3A_476 : i32 to vector<16xi32>
      %add3A_478 = arith.addi %gather3A_475, %add3A_477 : vector<16xi32>
      tpu.vector_store_idx %arg17[%add3A_478, %add3A_132], %gather3A_52 {add = true} : memref<20x384xf32, #tpu.memory_space<vmem>>[vector<16xi32>, vector<16xi32>], vector<16xf32>,
      %gather3A_479 = tpu.vector_load_idx %arg12[%add3A_473] : memref<7680xi32, #tpu.memory_space<vmem>>[vector<16xi32>], vector<16xi32>,
      %add3A_480 = arith.constant 11 : i32
      %add3A_481 = vector.broadcast %add3A_480 : i32 to vector<16xi32>
      %add3A_482 = arith.addi %gather3A_479, %add3A_481 : vector<16xi32>
      tpu.vector_store_idx %arg17[%add3A_482, %add3A_132], %gather3A_52 {add = true} : memref<20x384xf32, #tpu.memory_space<vmem>>[vector<16xi32>, vector<16xi32>], vector<16xf32>,
      %gather3A_483 = tpu.vector_load_idx %arg13[%add3A_473] : memref<7680xi32, #tpu.memory_space<vmem>>[vector<16xi32>], vector<16xi32>,
      %ne3A_484 = arith.constant 0 : i32
      %ne3A_485 = vector.broadcast %ne3A_484 : i32 to vector<16xi32>
      %ne3A_486 = arith.cmpi ne, %gather3A_483, %ne3A_485 : vector<16xi32>
      %convert_element_type3A_487 = arith.extui %ne3A_486 : vector<16xi1> to vector<16xi32>
      %add3A_488 = arith.constant 16 : i32
      %add3A_489 = vector.broadcast %add3A_488 : i32 to vector<16xi32>
      %add3A_490 = arith.addi %add3A_489, %convert_element_type3A_487 : vector<16xi32>
      tpu.vector_store_idx %arg17[%add3A_490, %add3A_132], %gather3A_52 {add = true} : memref<20x384xf32, #tpu.memory_space<vmem>>[vector<16xi32>, vector<16xi32>], vector<16xf32>,
      %gather3A_491 = tpu.vector_load_idx %arg14[%add3A_473] : memref<7680xf32, #tpu.memory_space<vmem>>[vector<16xi32>], vector<16xf32>,
      %mul3A_492 = arith.mulf %gather3A_491, %gather3A_52 : vector<16xf32>
      tpu.vector_store_idx %arg17[%broadcast_in_dim3A_4, %add3A_132], %mul3A_492 {add = true} : memref<20x384xf32, #tpu.memory_space<vmem>>[vector<16xi32>, vector<16xi32>], vector<16xf32>,
      %gather3A_493 = tpu.vector_load_idx %arg15[%add3A_473] : memref<7680xf32, #tpu.memory_space<vmem>>[vector<16xi32>], vector<16xf32>,
      %mul3A_494 = arith.mulf %gather3A_493, %gather3A_52 : vector<16xf32>
      tpu.vector_store_idx %arg17[%broadcast_in_dim3A_6, %add3A_132], %mul3A_494 {add = true} : memref<20x384xf32, #tpu.memory_space<vmem>>[vector<16xi32>, vector<16xi32>], vector<16xf32>,
      %add3A_495 = arith.constant 15 : i32
      %add3A_496 = vector.broadcast %add3A_495 : i32 to vector<16xi32>
      %add3A_497 = arith.addi %add3A_136, %add3A_496 : vector<16xi32>
      %gather3A_498 = tpu.vector_load_idx %arg10[%add3A_497] : memref<7680xi32, #tpu.memory_space<vmem>>[vector<16xi32>], vector<16xi32>,
      tpu.vector_store_idx %arg17[%gather3A_498, %add3A_132], %gather3A_55 {add = true} : memref<20x384xf32, #tpu.memory_space<vmem>>[vector<16xi32>, vector<16xi32>], vector<16xf32>,
      %gather3A_499 = tpu.vector_load_idx %arg11[%add3A_497] : memref<7680xi32, #tpu.memory_space<vmem>>[vector<16xi32>], vector<16xi32>,
      %add3A_500 = arith.constant 6 : i32
      %add3A_501 = vector.broadcast %add3A_500 : i32 to vector<16xi32>
      %add3A_502 = arith.addi %gather3A_499, %add3A_501 : vector<16xi32>
      tpu.vector_store_idx %arg17[%add3A_502, %add3A_132], %gather3A_55 {add = true} : memref<20x384xf32, #tpu.memory_space<vmem>>[vector<16xi32>, vector<16xi32>], vector<16xf32>,
      %gather3A_503 = tpu.vector_load_idx %arg12[%add3A_497] : memref<7680xi32, #tpu.memory_space<vmem>>[vector<16xi32>], vector<16xi32>,
      %add3A_504 = arith.constant 11 : i32
      %add3A_505 = vector.broadcast %add3A_504 : i32 to vector<16xi32>
      %add3A_506 = arith.addi %gather3A_503, %add3A_505 : vector<16xi32>
      tpu.vector_store_idx %arg17[%add3A_506, %add3A_132], %gather3A_55 {add = true} : memref<20x384xf32, #tpu.memory_space<vmem>>[vector<16xi32>, vector<16xi32>], vector<16xf32>,
      %gather3A_507 = tpu.vector_load_idx %arg13[%add3A_497] : memref<7680xi32, #tpu.memory_space<vmem>>[vector<16xi32>], vector<16xi32>,
      %ne3A_508 = arith.constant 0 : i32
      %ne3A_509 = vector.broadcast %ne3A_508 : i32 to vector<16xi32>
      %ne3A_510 = arith.cmpi ne, %gather3A_507, %ne3A_509 : vector<16xi32>
      %convert_element_type3A_511 = arith.extui %ne3A_510 : vector<16xi1> to vector<16xi32>
      %add3A_512 = arith.constant 16 : i32
      %add3A_513 = vector.broadcast %add3A_512 : i32 to vector<16xi32>
      %add3A_514 = arith.addi %add3A_513, %convert_element_type3A_511 : vector<16xi32>
      tpu.vector_store_idx %arg17[%add3A_514, %add3A_132], %gather3A_55 {add = true} : memref<20x384xf32, #tpu.memory_space<vmem>>[vector<16xi32>, vector<16xi32>], vector<16xf32>,
      %gather3A_515 = tpu.vector_load_idx %arg14[%add3A_497] : memref<7680xf32, #tpu.memory_space<vmem>>[vector<16xi32>], vector<16xf32>,
      %mul3A_516 = arith.mulf %gather3A_515, %gather3A_55 : vector<16xf32>
      tpu.vector_store_idx %arg17[%broadcast_in_dim3A_4, %add3A_132], %mul3A_516 {add = true} : memref<20x384xf32, #tpu.memory_space<vmem>>[vector<16xi32>, vector<16xi32>], vector<16xf32>,
      %gather3A_517 = tpu.vector_load_idx %arg15[%add3A_497] : memref<7680xf32, #tpu.memory_space<vmem>>[vector<16xi32>], vector<16xf32>,
      %mul3A_518 = arith.mulf %gather3A_517, %gather3A_55 : vector<16xf32>
      tpu.vector_store_idx %arg17[%broadcast_in_dim3A_6, %add3A_132], %mul3A_518 {add = true} : memref<20x384xf32, #tpu.memory_space<vmem>>[vector<16xi32>, vector<16xi32>], vector<16xf32>,
      %add3A_519 = arith.constant 16 : i32
      %add3A_520 = vector.broadcast %add3A_519 : i32 to vector<16xi32>
      %add3A_521 = arith.addi %add3A_136, %add3A_520 : vector<16xi32>
      %gather3A_522 = tpu.vector_load_idx %arg10[%add3A_521] : memref<7680xi32, #tpu.memory_space<vmem>>[vector<16xi32>], vector<16xi32>,
      tpu.vector_store_idx %arg17[%gather3A_522, %add3A_132], %gather3A_58 {add = true} : memref<20x384xf32, #tpu.memory_space<vmem>>[vector<16xi32>, vector<16xi32>], vector<16xf32>,
      %gather3A_523 = tpu.vector_load_idx %arg11[%add3A_521] : memref<7680xi32, #tpu.memory_space<vmem>>[vector<16xi32>], vector<16xi32>,
      %add3A_524 = arith.constant 6 : i32
      %add3A_525 = vector.broadcast %add3A_524 : i32 to vector<16xi32>
      %add3A_526 = arith.addi %gather3A_523, %add3A_525 : vector<16xi32>
      tpu.vector_store_idx %arg17[%add3A_526, %add3A_132], %gather3A_58 {add = true} : memref<20x384xf32, #tpu.memory_space<vmem>>[vector<16xi32>, vector<16xi32>], vector<16xf32>,
      %gather3A_527 = tpu.vector_load_idx %arg12[%add3A_521] : memref<7680xi32, #tpu.memory_space<vmem>>[vector<16xi32>], vector<16xi32>,
      %add3A_528 = arith.constant 11 : i32
      %add3A_529 = vector.broadcast %add3A_528 : i32 to vector<16xi32>
      %add3A_530 = arith.addi %gather3A_527, %add3A_529 : vector<16xi32>
      tpu.vector_store_idx %arg17[%add3A_530, %add3A_132], %gather3A_58 {add = true} : memref<20x384xf32, #tpu.memory_space<vmem>>[vector<16xi32>, vector<16xi32>], vector<16xf32>,
      %gather3A_531 = tpu.vector_load_idx %arg13[%add3A_521] : memref<7680xi32, #tpu.memory_space<vmem>>[vector<16xi32>], vector<16xi32>,
      %ne3A_532 = arith.constant 0 : i32
      %ne3A_533 = vector.broadcast %ne3A_532 : i32 to vector<16xi32>
      %ne3A_534 = arith.cmpi ne, %gather3A_531, %ne3A_533 : vector<16xi32>
      %convert_element_type3A_535 = arith.extui %ne3A_534 : vector<16xi1> to vector<16xi32>
      %add3A_536 = arith.constant 16 : i32
      %add3A_537 = vector.broadcast %add3A_536 : i32 to vector<16xi32>
      %add3A_538 = arith.addi %add3A_537, %convert_element_type3A_535 : vector<16xi32>
      tpu.vector_store_idx %arg17[%add3A_538, %add3A_132], %gather3A_58 {add = true} : memref<20x384xf32, #tpu.memory_space<vmem>>[vector<16xi32>, vector<16xi32>], vector<16xf32>,
      %gather3A_539 = tpu.vector_load_idx %arg14[%add3A_521] : memref<7680xf32, #tpu.memory_space<vmem>>[vector<16xi32>], vector<16xf32>,
      %mul3A_540 = arith.mulf %gather3A_539, %gather3A_58 : vector<16xf32>
      tpu.vector_store_idx %arg17[%broadcast_in_dim3A_4, %add3A_132], %mul3A_540 {add = true} : memref<20x384xf32, #tpu.memory_space<vmem>>[vector<16xi32>, vector<16xi32>], vector<16xf32>,
      %gather3A_541 = tpu.vector_load_idx %arg15[%add3A_521] : memref<7680xf32, #tpu.memory_space<vmem>>[vector<16xi32>], vector<16xf32>,
      %mul3A_542 = arith.mulf %gather3A_541, %gather3A_58 : vector<16xf32>
      tpu.vector_store_idx %arg17[%broadcast_in_dim3A_6, %add3A_132], %mul3A_542 {add = true} : memref<20x384xf32, #tpu.memory_space<vmem>>[vector<16xi32>, vector<16xi32>], vector<16xf32>,
      %add3A_543 = arith.constant 17 : i32
      %add3A_544 = vector.broadcast %add3A_543 : i32 to vector<16xi32>
      %add3A_545 = arith.addi %add3A_136, %add3A_544 : vector<16xi32>
      %gather3A_546 = tpu.vector_load_idx %arg10[%add3A_545] : memref<7680xi32, #tpu.memory_space<vmem>>[vector<16xi32>], vector<16xi32>,
      tpu.vector_store_idx %arg17[%gather3A_546, %add3A_132], %gather3A_61 {add = true} : memref<20x384xf32, #tpu.memory_space<vmem>>[vector<16xi32>, vector<16xi32>], vector<16xf32>,
      %gather3A_547 = tpu.vector_load_idx %arg11[%add3A_545] : memref<7680xi32, #tpu.memory_space<vmem>>[vector<16xi32>], vector<16xi32>,
      %add3A_548 = arith.constant 6 : i32
      %add3A_549 = vector.broadcast %add3A_548 : i32 to vector<16xi32>
      %add3A_550 = arith.addi %gather3A_547, %add3A_549 : vector<16xi32>
      tpu.vector_store_idx %arg17[%add3A_550, %add3A_132], %gather3A_61 {add = true} : memref<20x384xf32, #tpu.memory_space<vmem>>[vector<16xi32>, vector<16xi32>], vector<16xf32>,
      %gather3A_551 = tpu.vector_load_idx %arg12[%add3A_545] : memref<7680xi32, #tpu.memory_space<vmem>>[vector<16xi32>], vector<16xi32>,
      %add3A_552 = arith.constant 11 : i32
      %add3A_553 = vector.broadcast %add3A_552 : i32 to vector<16xi32>
      %add3A_554 = arith.addi %gather3A_551, %add3A_553 : vector<16xi32>
      tpu.vector_store_idx %arg17[%add3A_554, %add3A_132], %gather3A_61 {add = true} : memref<20x384xf32, #tpu.memory_space<vmem>>[vector<16xi32>, vector<16xi32>], vector<16xf32>,
      %gather3A_555 = tpu.vector_load_idx %arg13[%add3A_545] : memref<7680xi32, #tpu.memory_space<vmem>>[vector<16xi32>], vector<16xi32>,
      %ne3A_556 = arith.constant 0 : i32
      %ne3A_557 = vector.broadcast %ne3A_556 : i32 to vector<16xi32>
      %ne3A_558 = arith.cmpi ne, %gather3A_555, %ne3A_557 : vector<16xi32>
      %convert_element_type3A_559 = arith.extui %ne3A_558 : vector<16xi1> to vector<16xi32>
      %add3A_560 = arith.constant 16 : i32
      %add3A_561 = vector.broadcast %add3A_560 : i32 to vector<16xi32>
      %add3A_562 = arith.addi %add3A_561, %convert_element_type3A_559 : vector<16xi32>
      tpu.vector_store_idx %arg17[%add3A_562, %add3A_132], %gather3A_61 {add = true} : memref<20x384xf32, #tpu.memory_space<vmem>>[vector<16xi32>, vector<16xi32>], vector<16xf32>,
      %gather3A_563 = tpu.vector_load_idx %arg14[%add3A_545] : memref<7680xf32, #tpu.memory_space<vmem>>[vector<16xi32>], vector<16xf32>,
      %mul3A_564 = arith.mulf %gather3A_563, %gather3A_61 : vector<16xf32>
      tpu.vector_store_idx %arg17[%broadcast_in_dim3A_4, %add3A_132], %mul3A_564 {add = true} : memref<20x384xf32, #tpu.memory_space<vmem>>[vector<16xi32>, vector<16xi32>], vector<16xf32>,
      %gather3A_565 = tpu.vector_load_idx %arg15[%add3A_545] : memref<7680xf32, #tpu.memory_space<vmem>>[vector<16xi32>], vector<16xf32>,
      %mul3A_566 = arith.mulf %gather3A_565, %gather3A_61 : vector<16xf32>
      tpu.vector_store_idx %arg17[%broadcast_in_dim3A_6, %add3A_132], %mul3A_566 {add = true} : memref<20x384xf32, #tpu.memory_space<vmem>>[vector<16xi32>, vector<16xi32>], vector<16xf32>,
      %add3A_567 = arith.constant 18 : i32
      %add3A_568 = vector.broadcast %add3A_567 : i32 to vector<16xi32>
      %add3A_569 = arith.addi %add3A_136, %add3A_568 : vector<16xi32>
      %gather3A_570 = tpu.vector_load_idx %arg10[%add3A_569] : memref<7680xi32, #tpu.memory_space<vmem>>[vector<16xi32>], vector<16xi32>,
      tpu.vector_store_idx %arg17[%gather3A_570, %add3A_132], %gather3A_64 {add = true} : memref<20x384xf32, #tpu.memory_space<vmem>>[vector<16xi32>, vector<16xi32>], vector<16xf32>,
      %gather3A_571 = tpu.vector_load_idx %arg11[%add3A_569] : memref<7680xi32, #tpu.memory_space<vmem>>[vector<16xi32>], vector<16xi32>,
      %add3A_572 = arith.constant 6 : i32
      %add3A_573 = vector.broadcast %add3A_572 : i32 to vector<16xi32>
      %add3A_574 = arith.addi %gather3A_571, %add3A_573 : vector<16xi32>
      tpu.vector_store_idx %arg17[%add3A_574, %add3A_132], %gather3A_64 {add = true} : memref<20x384xf32, #tpu.memory_space<vmem>>[vector<16xi32>, vector<16xi32>], vector<16xf32>,
      %gather3A_575 = tpu.vector_load_idx %arg12[%add3A_569] : memref<7680xi32, #tpu.memory_space<vmem>>[vector<16xi32>], vector<16xi32>,
      %add3A_576 = arith.constant 11 : i32
      %add3A_577 = vector.broadcast %add3A_576 : i32 to vector<16xi32>
      %add3A_578 = arith.addi %gather3A_575, %add3A_577 : vector<16xi32>
      tpu.vector_store_idx %arg17[%add3A_578, %add3A_132], %gather3A_64 {add = true} : memref<20x384xf32, #tpu.memory_space<vmem>>[vector<16xi32>, vector<16xi32>], vector<16xf32>,
      %gather3A_579 = tpu.vector_load_idx %arg13[%add3A_569] : memref<7680xi32, #tpu.memory_space<vmem>>[vector<16xi32>], vector<16xi32>,
      %ne3A_580 = arith.constant 0 : i32
      %ne3A_581 = vector.broadcast %ne3A_580 : i32 to vector<16xi32>
      %ne3A_582 = arith.cmpi ne, %gather3A_579, %ne3A_581 : vector<16xi32>
      %convert_element_type3A_583 = arith.extui %ne3A_582 : vector<16xi1> to vector<16xi32>
      %add3A_584 = arith.constant 16 : i32
      %add3A_585 = vector.broadcast %add3A_584 : i32 to vector<16xi32>
      %add3A_586 = arith.addi %add3A_585, %convert_element_type3A_583 : vector<16xi32>
      tpu.vector_store_idx %arg17[%add3A_586, %add3A_132], %gather3A_64 {add = true} : memref<20x384xf32, #tpu.memory_space<vmem>>[vector<16xi32>, vector<16xi32>], vector<16xf32>,
      %gather3A_587 = tpu.vector_load_idx %arg14[%add3A_569] : memref<7680xf32, #tpu.memory_space<vmem>>[vector<16xi32>], vector<16xf32>,
      %mul3A_588 = arith.mulf %gather3A_587, %gather3A_64 : vector<16xf32>
      tpu.vector_store_idx %arg17[%broadcast_in_dim3A_4, %add3A_132], %mul3A_588 {add = true} : memref<20x384xf32, #tpu.memory_space<vmem>>[vector<16xi32>, vector<16xi32>], vector<16xf32>,
      %gather3A_589 = tpu.vector_load_idx %arg15[%add3A_569] : memref<7680xf32, #tpu.memory_space<vmem>>[vector<16xi32>], vector<16xf32>,
      %mul3A_590 = arith.mulf %gather3A_589, %gather3A_64 : vector<16xf32>
      tpu.vector_store_idx %arg17[%broadcast_in_dim3A_6, %add3A_132], %mul3A_590 {add = true} : memref<20x384xf32, #tpu.memory_space<vmem>>[vector<16xi32>, vector<16xi32>], vector<16xf32>,
      %add3A_591 = arith.constant 19 : i32
      %add3A_592 = vector.broadcast %add3A_591 : i32 to vector<16xi32>
      %add3A_593 = arith.addi %add3A_136, %add3A_592 : vector<16xi32>
      %gather3A_594 = tpu.vector_load_idx %arg10[%add3A_593] : memref<7680xi32, #tpu.memory_space<vmem>>[vector<16xi32>], vector<16xi32>,
      tpu.vector_store_idx %arg17[%gather3A_594, %add3A_132], %gather3A_67 {add = true} : memref<20x384xf32, #tpu.memory_space<vmem>>[vector<16xi32>, vector<16xi32>], vector<16xf32>,
      %gather3A_595 = tpu.vector_load_idx %arg11[%add3A_593] : memref<7680xi32, #tpu.memory_space<vmem>>[vector<16xi32>], vector<16xi32>,
      %add3A_596 = arith.constant 6 : i32
      %add3A_597 = vector.broadcast %add3A_596 : i32 to vector<16xi32>
      %add3A_598 = arith.addi %gather3A_595, %add3A_597 : vector<16xi32>
      tpu.vector_store_idx %arg17[%add3A_598, %add3A_132], %gather3A_67 {add = true} : memref<20x384xf32, #tpu.memory_space<vmem>>[vector<16xi32>, vector<16xi32>], vector<16xf32>,
      %gather3A_599 = tpu.vector_load_idx %arg12[%add3A_593] : memref<7680xi32, #tpu.memory_space<vmem>>[vector<16xi32>], vector<16xi32>,
      %add3A_600 = arith.constant 11 : i32
      %add3A_601 = vector.broadcast %add3A_600 : i32 to vector<16xi32>
      %add3A_602 = arith.addi %gather3A_599, %add3A_601 : vector<16xi32>
      tpu.vector_store_idx %arg17[%add3A_602, %add3A_132], %gather3A_67 {add = true} : memref<20x384xf32, #tpu.memory_space<vmem>>[vector<16xi32>, vector<16xi32>], vector<16xf32>,
      %gather3A_603 = tpu.vector_load_idx %arg13[%add3A_593] : memref<7680xi32, #tpu.memory_space<vmem>>[vector<16xi32>], vector<16xi32>,
      %ne3A_604 = arith.constant 0 : i32
      %ne3A_605 = vector.broadcast %ne3A_604 : i32 to vector<16xi32>
      %ne3A_606 = arith.cmpi ne, %gather3A_603, %ne3A_605 : vector<16xi32>
      %convert_element_type3A_607 = arith.extui %ne3A_606 : vector<16xi1> to vector<16xi32>
      %add3A_608 = arith.constant 16 : i32
      %add3A_609 = vector.broadcast %add3A_608 : i32 to vector<16xi32>
      %add3A_610 = arith.addi %add3A_609, %convert_element_type3A_607 : vector<16xi32>
      tpu.vector_store_idx %arg17[%add3A_610, %add3A_132], %gather3A_67 {add = true} : memref<20x384xf32, #tpu.memory_space<vmem>>[vector<16xi32>, vector<16xi32>], vector<16xf32>,
      %gather3A_611 = tpu.vector_load_idx %arg14[%add3A_593] : memref<7680xf32, #tpu.memory_space<vmem>>[vector<16xi32>], vector<16xf32>,
      %mul3A_612 = arith.mulf %gather3A_611, %gather3A_67 : vector<16xf32>
      tpu.vector_store_idx %arg17[%broadcast_in_dim3A_4, %add3A_132], %mul3A_612 {add = true} : memref<20x384xf32, #tpu.memory_space<vmem>>[vector<16xi32>, vector<16xi32>], vector<16xf32>,
      %gather3A_613 = tpu.vector_load_idx %arg15[%add3A_593] : memref<7680xf32, #tpu.memory_space<vmem>>[vector<16xi32>], vector<16xf32>,
      %mul3A_614 = arith.mulf %gather3A_613, %gather3A_67 : vector<16xf32>
      tpu.vector_store_idx %arg17[%broadcast_in_dim3A_6, %add3A_132], %mul3A_614 {add = true} : memref<20x384xf32, #tpu.memory_space<vmem>>[vector<16xi32>, vector<16xi32>], vector<16xf32>,
      %scan3A_615 = arith.constant 0 : i32
      scf.yield %scan3A_615 : i32
    }
    %scan3A_106 = arith.constant 24 : i32
    "tpu.region"() ({
      %run_scoped3A = tpu.sem_alloc : memref<!tpu.dma_semaphore, #tpu.memory_space<semaphore_mem>>
      %dma_start3A = arith.constant 0 : i32
      %dma_start3A_127 = tpu.memref_slice %arg9[%dma_start3A, %add3A_90] : memref<20x36864xf32, #tpu.memory_space<hbm>> -> memref<20x384xf32, #tpu.memory_space<hbm>>
      %dma_start3A_128 = arith.constant 0 : i32
      %dma_start3A_129 = tpu.memref_slice %arg9[%dma_start3A_128, %add3A_90] : memref<20x36864xf32, #tpu.memory_space<hbm>> -> memref<20x384xf32, #tpu.memory_space<hbm>>
      tpu.enqueue_dma source(%arg17 : memref<20x384xf32, #tpu.memory_space<vmem>>) target(%dma_start3A_129 : memref<20x384xf32, #tpu.memory_space<hbm>>) target_semaphore(%run_scoped3A : memref<!tpu.dma_semaphore, #tpu.memory_space<semaphore_mem>>)
      %dma_wait3A = arith.constant 0 : i32
      %dma_wait3A_130 = tpu.memref_slice %arg9[%dma_wait3A, %add3A_90] : memref<20x36864xf32, #tpu.memory_space<hbm>> -> memref<20x384xf32, #tpu.memory_space<hbm>>
      %dma_wait3A_131 = arith.constant 0 : i32
      %dma_wait3A_132 = tpu.memref_slice %arg9[%dma_wait3A_131, %add3A_90] : memref<20x36864xf32, #tpu.memory_space<hbm>> -> memref<20x384xf32, #tpu.memory_space<hbm>>
      tpu.wait_dma2 semaphore(%run_scoped3A : memref<!tpu.dma_semaphore, #tpu.memory_space<semaphore_mem>>) src(%arg17 : memref<20x384xf32, #tpu.memory_space<vmem>>) dst(%dma_wait3A_132 : memref<20x384xf32, #tpu.memory_space<hbm>>)
      tpu.yield
    }) : () -> ()
    %mul3A_107 = arith.constant 1152 : i32
    %mul3A_108 = arith.muli %add3A, %mul3A_107 : i32
    %add3A_109 = arith.constant 768 : i32
    %add3A_110 = arith.addi %mul3A_108, %add3A_109 : i32
    %mul3A_111 = arith.constant 20 : i32
    %mul3A_112 = arith.muli %add3A_110, %mul3A_111 : i32
    "tpu.region"() ({
      %run_scoped3A = tpu.sem_alloc : memref<!tpu.dma_semaphore, #tpu.memory_space<semaphore_mem>>
      %dma_start3A = tpu.memref_slice %arg2[%mul3A_112] : memref<737280xi32, #tpu.memory_space<hbm>> -> memref<7680xi32, #tpu.memory_space<hbm>>
      %dma_start3A_127 = tpu.memref_slice %arg2[%mul3A_112] : memref<737280xi32, #tpu.memory_space<hbm>> -> memref<7680xi32, #tpu.memory_space<hbm>>
      tpu.enqueue_dma source(%dma_start3A_127 : memref<7680xi32, #tpu.memory_space<hbm>>) target(%arg10 : memref<7680xi32, #tpu.memory_space<vmem>>) target_semaphore(%run_scoped3A : memref<!tpu.dma_semaphore, #tpu.memory_space<semaphore_mem>>)
      %dma_wait3A = tpu.memref_slice %arg2[%mul3A_112] : memref<737280xi32, #tpu.memory_space<hbm>> -> memref<7680xi32, #tpu.memory_space<hbm>>
      %dma_wait3A_128 = tpu.memref_slice %arg2[%mul3A_112] : memref<737280xi32, #tpu.memory_space<hbm>> -> memref<7680xi32, #tpu.memory_space<hbm>>
      tpu.wait_dma2 semaphore(%run_scoped3A : memref<!tpu.dma_semaphore, #tpu.memory_space<semaphore_mem>>) src(%dma_wait3A_128 : memref<7680xi32, #tpu.memory_space<hbm>>) dst(%arg10 : memref<7680xi32, #tpu.memory_space<vmem>>)
      tpu.yield
    }) : () -> ()
    "tpu.region"() ({
      %run_scoped3A = tpu.sem_alloc : memref<!tpu.dma_semaphore, #tpu.memory_space<semaphore_mem>>
      %dma_start3A = tpu.memref_slice %arg3[%mul3A_112] : memref<737280xi32, #tpu.memory_space<hbm>> -> memref<7680xi32, #tpu.memory_space<hbm>>
      %dma_start3A_127 = tpu.memref_slice %arg3[%mul3A_112] : memref<737280xi32, #tpu.memory_space<hbm>> -> memref<7680xi32, #tpu.memory_space<hbm>>
      tpu.enqueue_dma source(%dma_start3A_127 : memref<7680xi32, #tpu.memory_space<hbm>>) target(%arg11 : memref<7680xi32, #tpu.memory_space<vmem>>) target_semaphore(%run_scoped3A : memref<!tpu.dma_semaphore, #tpu.memory_space<semaphore_mem>>)
      %dma_wait3A = tpu.memref_slice %arg3[%mul3A_112] : memref<737280xi32, #tpu.memory_space<hbm>> -> memref<7680xi32, #tpu.memory_space<hbm>>
      %dma_wait3A_128 = tpu.memref_slice %arg3[%mul3A_112] : memref<737280xi32, #tpu.memory_space<hbm>> -> memref<7680xi32, #tpu.memory_space<hbm>>
      tpu.wait_dma2 semaphore(%run_scoped3A : memref<!tpu.dma_semaphore, #tpu.memory_space<semaphore_mem>>) src(%dma_wait3A_128 : memref<7680xi32, #tpu.memory_space<hbm>>) dst(%arg11 : memref<7680xi32, #tpu.memory_space<vmem>>)
      tpu.yield
    }) : () -> ()
    "tpu.region"() ({
      %run_scoped3A = tpu.sem_alloc : memref<!tpu.dma_semaphore, #tpu.memory_space<semaphore_mem>>
      %dma_start3A = tpu.memref_slice %arg4[%mul3A_112] : memref<737280xi32, #tpu.memory_space<hbm>> -> memref<7680xi32, #tpu.memory_space<hbm>>
      %dma_start3A_127 = tpu.memref_slice %arg4[%mul3A_112] : memref<737280xi32, #tpu.memory_space<hbm>> -> memref<7680xi32, #tpu.memory_space<hbm>>
      tpu.enqueue_dma source(%dma_start3A_127 : memref<7680xi32, #tpu.memory_space<hbm>>) target(%arg12 : memref<7680xi32, #tpu.memory_space<vmem>>) target_semaphore(%run_scoped3A : memref<!tpu.dma_semaphore, #tpu.memory_space<semaphore_mem>>)
      %dma_wait3A = tpu.memref_slice %arg4[%mul3A_112] : memref<737280xi32, #tpu.memory_space<hbm>> -> memref<7680xi32, #tpu.memory_space<hbm>>
      %dma_wait3A_128 = tpu.memref_slice %arg4[%mul3A_112] : memref<737280xi32, #tpu.memory_space<hbm>> -> memref<7680xi32, #tpu.memory_space<hbm>>
      tpu.wait_dma2 semaphore(%run_scoped3A : memref<!tpu.dma_semaphore, #tpu.memory_space<semaphore_mem>>) src(%dma_wait3A_128 : memref<7680xi32, #tpu.memory_space<hbm>>) dst(%arg12 : memref<7680xi32, #tpu.memory_space<vmem>>)
      tpu.yield
    }) : () -> ()
    "tpu.region"() ({
      %run_scoped3A = tpu.sem_alloc : memref<!tpu.dma_semaphore, #tpu.memory_space<semaphore_mem>>
      %dma_start3A = tpu.memref_slice %arg5[%mul3A_112] : memref<737280xi32, #tpu.memory_space<hbm>> -> memref<7680xi32, #tpu.memory_space<hbm>>
      %dma_start3A_127 = tpu.memref_slice %arg5[%mul3A_112] : memref<737280xi32, #tpu.memory_space<hbm>> -> memref<7680xi32, #tpu.memory_space<hbm>>
      tpu.enqueue_dma source(%dma_start3A_127 : memref<7680xi32, #tpu.memory_space<hbm>>) target(%arg13 : memref<7680xi32, #tpu.memory_space<vmem>>) target_semaphore(%run_scoped3A : memref<!tpu.dma_semaphore, #tpu.memory_space<semaphore_mem>>)
      %dma_wait3A = tpu.memref_slice %arg5[%mul3A_112] : memref<737280xi32, #tpu.memory_space<hbm>> -> memref<7680xi32, #tpu.memory_space<hbm>>
      %dma_wait3A_128 = tpu.memref_slice %arg5[%mul3A_112] : memref<737280xi32, #tpu.memory_space<hbm>> -> memref<7680xi32, #tpu.memory_space<hbm>>
      tpu.wait_dma2 semaphore(%run_scoped3A : memref<!tpu.dma_semaphore, #tpu.memory_space<semaphore_mem>>) src(%dma_wait3A_128 : memref<7680xi32, #tpu.memory_space<hbm>>) dst(%arg13 : memref<7680xi32, #tpu.memory_space<vmem>>)
      tpu.yield
    }) : () -> ()
    "tpu.region"() ({
      %run_scoped3A = tpu.sem_alloc : memref<!tpu.dma_semaphore, #tpu.memory_space<semaphore_mem>>
      %dma_start3A = tpu.memref_slice %arg6[%mul3A_112] : memref<737280xf32, #tpu.memory_space<hbm>> -> memref<7680xf32, #tpu.memory_space<hbm>>
      %dma_start3A_127 = tpu.memref_slice %arg6[%mul3A_112] : memref<737280xf32, #tpu.memory_space<hbm>> -> memref<7680xf32, #tpu.memory_space<hbm>>
      tpu.enqueue_dma source(%dma_start3A_127 : memref<7680xf32, #tpu.memory_space<hbm>>) target(%arg14 : memref<7680xf32, #tpu.memory_space<vmem>>) target_semaphore(%run_scoped3A : memref<!tpu.dma_semaphore, #tpu.memory_space<semaphore_mem>>)
      %dma_wait3A = tpu.memref_slice %arg6[%mul3A_112] : memref<737280xf32, #tpu.memory_space<hbm>> -> memref<7680xf32, #tpu.memory_space<hbm>>
      %dma_wait3A_128 = tpu.memref_slice %arg6[%mul3A_112] : memref<737280xf32, #tpu.memory_space<hbm>> -> memref<7680xf32, #tpu.memory_space<hbm>>
      tpu.wait_dma2 semaphore(%run_scoped3A : memref<!tpu.dma_semaphore, #tpu.memory_space<semaphore_mem>>) src(%dma_wait3A_128 : memref<7680xf32, #tpu.memory_space<hbm>>) dst(%arg14 : memref<7680xf32, #tpu.memory_space<vmem>>)
      tpu.yield
    }) : () -> ()
    "tpu.region"() ({
      %run_scoped3A = tpu.sem_alloc : memref<!tpu.dma_semaphore, #tpu.memory_space<semaphore_mem>>
      %dma_start3A = tpu.memref_slice %arg7[%mul3A_112] : memref<737280xf32, #tpu.memory_space<hbm>> -> memref<7680xf32, #tpu.memory_space<hbm>>
      %dma_start3A_127 = tpu.memref_slice %arg7[%mul3A_112] : memref<737280xf32, #tpu.memory_space<hbm>> -> memref<7680xf32, #tpu.memory_space<hbm>>
      tpu.enqueue_dma source(%dma_start3A_127 : memref<7680xf32, #tpu.memory_space<hbm>>) target(%arg15 : memref<7680xf32, #tpu.memory_space<vmem>>) target_semaphore(%run_scoped3A : memref<!tpu.dma_semaphore, #tpu.memory_space<semaphore_mem>>)
      %dma_wait3A = tpu.memref_slice %arg7[%mul3A_112] : memref<737280xf32, #tpu.memory_space<hbm>> -> memref<7680xf32, #tpu.memory_space<hbm>>
      %dma_wait3A_128 = tpu.memref_slice %arg7[%mul3A_112] : memref<737280xf32, #tpu.memory_space<hbm>> -> memref<7680xf32, #tpu.memory_space<hbm>>
      tpu.wait_dma2 semaphore(%run_scoped3A : memref<!tpu.dma_semaphore, #tpu.memory_space<semaphore_mem>>) src(%dma_wait3A_128 : memref<7680xf32, #tpu.memory_space<hbm>>) dst(%arg15 : memref<7680xf32, #tpu.memory_space<vmem>>)
      tpu.yield
    }) : () -> ()
    %scan3A_113 = arith.constant 0 : i32
    %scan3A_114 = arith.constant 0 : i32
    %scan3A_115 = arith.constant 24 : i32
    %scan3A_116 = arith.addi %scan3A_114, %scan3A_115 : i32
    %scan3A_117 = arith.constant 1 : i32
    %scan3A_118 = scf.for %scan3A_127 = %scan3A_114 to %scan3A_116 step %scan3A_117 iter_args(%scan3A_128 = %scan3A_113) -> (i32)  : i32 {
      %mul3A_129 = arith.constant 16 : i32
      %mul3A_130 = arith.muli %scan3A_127, %mul3A_129 : i32
      %swap3A = arith.constant 0 : i32
      %swap3A_131 = arith.index_cast %swap3A : i32 to index
      %swap3A_132 = arith.index_cast %mul3A_130 : i32 to index
      %swap3A_133 = tpu.vector_load %arg17[%swap3A_131, %swap3A_132] {strides = array<i32>} : memref<20x384xf32, #tpu.memory_space<vmem>>, vector<16xf32>,
      tpu.vector_store %arg17[%swap3A_131, %swap3A_132], %broadcast_in_dim3A_8 {strides = array<i32>} : memref<20x384xf32, #tpu.memory_space<vmem>>, vector<16xf32>,
      %mul3A_134 = arith.constant 16 : i32
      %mul3A_135 = arith.muli %scan3A_127, %mul3A_134 : i32
      %swap3A_136 = arith.constant 1 : i32
      %swap3A_137 = arith.index_cast %swap3A_136 : i32 to index
      %swap3A_138 = arith.index_cast %mul3A_135 : i32 to index
      %swap3A_139 = tpu.vector_load %arg17[%swap3A_137, %swap3A_138] {strides = array<i32>} : memref<20x384xf32, #tpu.memory_space<vmem>>, vector<16xf32>,
      tpu.vector_store %arg17[%swap3A_137, %swap3A_138], %broadcast_in_dim3A_8 {strides = array<i32>} : memref<20x384xf32, #tpu.memory_space<vmem>>, vector<16xf32>,
      %mul3A_140 = arith.constant 16 : i32
      %mul3A_141 = arith.muli %scan3A_127, %mul3A_140 : i32
      %swap3A_142 = arith.constant 2 : i32
      %swap3A_143 = arith.index_cast %swap3A_142 : i32 to index
      %swap3A_144 = arith.index_cast %mul3A_141 : i32 to index
      %swap3A_145 = tpu.vector_load %arg17[%swap3A_143, %swap3A_144] {strides = array<i32>} : memref<20x384xf32, #tpu.memory_space<vmem>>, vector<16xf32>,
      tpu.vector_store %arg17[%swap3A_143, %swap3A_144], %broadcast_in_dim3A_8 {strides = array<i32>} : memref<20x384xf32, #tpu.memory_space<vmem>>, vector<16xf32>,
      %mul3A_146 = arith.constant 16 : i32
      %mul3A_147 = arith.muli %scan3A_127, %mul3A_146 : i32
      %swap3A_148 = arith.constant 3 : i32
      %swap3A_149 = arith.index_cast %swap3A_148 : i32 to index
      %swap3A_150 = arith.index_cast %mul3A_147 : i32 to index
      %swap3A_151 = tpu.vector_load %arg17[%swap3A_149, %swap3A_150] {strides = array<i32>} : memref<20x384xf32, #tpu.memory_space<vmem>>, vector<16xf32>,
      tpu.vector_store %arg17[%swap3A_149, %swap3A_150], %broadcast_in_dim3A_8 {strides = array<i32>} : memref<20x384xf32, #tpu.memory_space<vmem>>, vector<16xf32>,
      %mul3A_152 = arith.constant 16 : i32
      %mul3A_153 = arith.muli %scan3A_127, %mul3A_152 : i32
      %swap3A_154 = arith.constant 4 : i32
      %swap3A_155 = arith.index_cast %swap3A_154 : i32 to index
      %swap3A_156 = arith.index_cast %mul3A_153 : i32 to index
      %swap3A_157 = tpu.vector_load %arg17[%swap3A_155, %swap3A_156] {strides = array<i32>} : memref<20x384xf32, #tpu.memory_space<vmem>>, vector<16xf32>,
      tpu.vector_store %arg17[%swap3A_155, %swap3A_156], %broadcast_in_dim3A_8 {strides = array<i32>} : memref<20x384xf32, #tpu.memory_space<vmem>>, vector<16xf32>,
      %mul3A_158 = arith.constant 16 : i32
      %mul3A_159 = arith.muli %scan3A_127, %mul3A_158 : i32
      %swap3A_160 = arith.constant 5 : i32
      %swap3A_161 = arith.index_cast %swap3A_160 : i32 to index
      %swap3A_162 = arith.index_cast %mul3A_159 : i32 to index
      %swap3A_163 = tpu.vector_load %arg17[%swap3A_161, %swap3A_162] {strides = array<i32>} : memref<20x384xf32, #tpu.memory_space<vmem>>, vector<16xf32>,
      tpu.vector_store %arg17[%swap3A_161, %swap3A_162], %broadcast_in_dim3A_8 {strides = array<i32>} : memref<20x384xf32, #tpu.memory_space<vmem>>, vector<16xf32>,
      %mul3A_164 = arith.constant 16 : i32
      %mul3A_165 = arith.muli %scan3A_127, %mul3A_164 : i32
      %swap3A_166 = arith.constant 6 : i32
      %swap3A_167 = arith.index_cast %swap3A_166 : i32 to index
      %swap3A_168 = arith.index_cast %mul3A_165 : i32 to index
      %swap3A_169 = tpu.vector_load %arg17[%swap3A_167, %swap3A_168] {strides = array<i32>} : memref<20x384xf32, #tpu.memory_space<vmem>>, vector<16xf32>,
      tpu.vector_store %arg17[%swap3A_167, %swap3A_168], %broadcast_in_dim3A_8 {strides = array<i32>} : memref<20x384xf32, #tpu.memory_space<vmem>>, vector<16xf32>,
      %mul3A_170 = arith.constant 16 : i32
      %mul3A_171 = arith.muli %scan3A_127, %mul3A_170 : i32
      %swap3A_172 = arith.constant 7 : i32
      %swap3A_173 = arith.index_cast %swap3A_172 : i32 to index
      %swap3A_174 = arith.index_cast %mul3A_171 : i32 to index
      %swap3A_175 = tpu.vector_load %arg17[%swap3A_173, %swap3A_174] {strides = array<i32>} : memref<20x384xf32, #tpu.memory_space<vmem>>, vector<16xf32>,
      tpu.vector_store %arg17[%swap3A_173, %swap3A_174], %broadcast_in_dim3A_8 {strides = array<i32>} : memref<20x384xf32, #tpu.memory_space<vmem>>, vector<16xf32>,
      %mul3A_176 = arith.constant 16 : i32
      %mul3A_177 = arith.muli %scan3A_127, %mul3A_176 : i32
      %swap3A_178 = arith.constant 8 : i32
      %swap3A_179 = arith.index_cast %swap3A_178 : i32 to index
      %swap3A_180 = arith.index_cast %mul3A_177 : i32 to index
      %swap3A_181 = tpu.vector_load %arg17[%swap3A_179, %swap3A_180] {strides = array<i32>} : memref<20x384xf32, #tpu.memory_space<vmem>>, vector<16xf32>,
      tpu.vector_store %arg17[%swap3A_179, %swap3A_180], %broadcast_in_dim3A_8 {strides = array<i32>} : memref<20x384xf32, #tpu.memory_space<vmem>>, vector<16xf32>,
      %mul3A_182 = arith.constant 16 : i32
      %mul3A_183 = arith.muli %scan3A_127, %mul3A_182 : i32
      %swap3A_184 = arith.constant 9 : i32
      %swap3A_185 = arith.index_cast %swap3A_184 : i32 to index
      %swap3A_186 = arith.index_cast %mul3A_183 : i32 to index
      %swap3A_187 = tpu.vector_load %arg17[%swap3A_185, %swap3A_186] {strides = array<i32>} : memref<20x384xf32, #tpu.memory_space<vmem>>, vector<16xf32>,
      tpu.vector_store %arg17[%swap3A_185, %swap3A_186], %broadcast_in_dim3A_8 {strides = array<i32>} : memref<20x384xf32, #tpu.memory_space<vmem>>, vector<16xf32>,
      %mul3A_188 = arith.constant 16 : i32
      %mul3A_189 = arith.muli %scan3A_127, %mul3A_188 : i32
      %swap3A_190 = arith.constant 10 : i32
      %swap3A_191 = arith.index_cast %swap3A_190 : i32 to index
      %swap3A_192 = arith.index_cast %mul3A_189 : i32 to index
      %swap3A_193 = tpu.vector_load %arg17[%swap3A_191, %swap3A_192] {strides = array<i32>} : memref<20x384xf32, #tpu.memory_space<vmem>>, vector<16xf32>,
      tpu.vector_store %arg17[%swap3A_191, %swap3A_192], %broadcast_in_dim3A_8 {strides = array<i32>} : memref<20x384xf32, #tpu.memory_space<vmem>>, vector<16xf32>,
      %mul3A_194 = arith.constant 16 : i32
      %mul3A_195 = arith.muli %scan3A_127, %mul3A_194 : i32
      %swap3A_196 = arith.constant 11 : i32
      %swap3A_197 = arith.index_cast %swap3A_196 : i32 to index
      %swap3A_198 = arith.index_cast %mul3A_195 : i32 to index
      %swap3A_199 = tpu.vector_load %arg17[%swap3A_197, %swap3A_198] {strides = array<i32>} : memref<20x384xf32, #tpu.memory_space<vmem>>, vector<16xf32>,
      tpu.vector_store %arg17[%swap3A_197, %swap3A_198], %broadcast_in_dim3A_8 {strides = array<i32>} : memref<20x384xf32, #tpu.memory_space<vmem>>, vector<16xf32>,
      %mul3A_200 = arith.constant 16 : i32
      %mul3A_201 = arith.muli %scan3A_127, %mul3A_200 : i32
      %swap3A_202 = arith.constant 12 : i32
      %swap3A_203 = arith.index_cast %swap3A_202 : i32 to index
      %swap3A_204 = arith.index_cast %mul3A_201 : i32 to index
      %swap3A_205 = tpu.vector_load %arg17[%swap3A_203, %swap3A_204] {strides = array<i32>} : memref<20x384xf32, #tpu.memory_space<vmem>>, vector<16xf32>,
      tpu.vector_store %arg17[%swap3A_203, %swap3A_204], %broadcast_in_dim3A_8 {strides = array<i32>} : memref<20x384xf32, #tpu.memory_space<vmem>>, vector<16xf32>,
      %mul3A_206 = arith.constant 16 : i32
      %mul3A_207 = arith.muli %scan3A_127, %mul3A_206 : i32
      %swap3A_208 = arith.constant 13 : i32
      %swap3A_209 = arith.index_cast %swap3A_208 : i32 to index
      %swap3A_210 = arith.index_cast %mul3A_207 : i32 to index
      %swap3A_211 = tpu.vector_load %arg17[%swap3A_209, %swap3A_210] {strides = array<i32>} : memref<20x384xf32, #tpu.memory_space<vmem>>, vector<16xf32>,
      tpu.vector_store %arg17[%swap3A_209, %swap3A_210], %broadcast_in_dim3A_8 {strides = array<i32>} : memref<20x384xf32, #tpu.memory_space<vmem>>, vector<16xf32>,
      %mul3A_212 = arith.constant 16 : i32
      %mul3A_213 = arith.muli %scan3A_127, %mul3A_212 : i32
      %swap3A_214 = arith.constant 14 : i32
      %swap3A_215 = arith.index_cast %swap3A_214 : i32 to index
      %swap3A_216 = arith.index_cast %mul3A_213 : i32 to index
      %swap3A_217 = tpu.vector_load %arg17[%swap3A_215, %swap3A_216] {strides = array<i32>} : memref<20x384xf32, #tpu.memory_space<vmem>>, vector<16xf32>,
      tpu.vector_store %arg17[%swap3A_215, %swap3A_216], %broadcast_in_dim3A_8 {strides = array<i32>} : memref<20x384xf32, #tpu.memory_space<vmem>>, vector<16xf32>,
      %mul3A_218 = arith.constant 16 : i32
      %mul3A_219 = arith.muli %scan3A_127, %mul3A_218 : i32
      %swap3A_220 = arith.constant 15 : i32
      %swap3A_221 = arith.index_cast %swap3A_220 : i32 to index
      %swap3A_222 = arith.index_cast %mul3A_219 : i32 to index
      %swap3A_223 = tpu.vector_load %arg17[%swap3A_221, %swap3A_222] {strides = array<i32>} : memref<20x384xf32, #tpu.memory_space<vmem>>, vector<16xf32>,
      tpu.vector_store %arg17[%swap3A_221, %swap3A_222], %broadcast_in_dim3A_8 {strides = array<i32>} : memref<20x384xf32, #tpu.memory_space<vmem>>, vector<16xf32>,
      %mul3A_224 = arith.constant 16 : i32
      %mul3A_225 = arith.muli %scan3A_127, %mul3A_224 : i32
      %swap3A_226 = arith.constant 16 : i32
      %swap3A_227 = arith.index_cast %swap3A_226 : i32 to index
      %swap3A_228 = arith.index_cast %mul3A_225 : i32 to index
      %swap3A_229 = tpu.vector_load %arg17[%swap3A_227, %swap3A_228] {strides = array<i32>} : memref<20x384xf32, #tpu.memory_space<vmem>>, vector<16xf32>,
      tpu.vector_store %arg17[%swap3A_227, %swap3A_228], %broadcast_in_dim3A_8 {strides = array<i32>} : memref<20x384xf32, #tpu.memory_space<vmem>>, vector<16xf32>,
      %mul3A_230 = arith.constant 16 : i32
      %mul3A_231 = arith.muli %scan3A_127, %mul3A_230 : i32
      %swap3A_232 = arith.constant 17 : i32
      %swap3A_233 = arith.index_cast %swap3A_232 : i32 to index
      %swap3A_234 = arith.index_cast %mul3A_231 : i32 to index
      %swap3A_235 = tpu.vector_load %arg17[%swap3A_233, %swap3A_234] {strides = array<i32>} : memref<20x384xf32, #tpu.memory_space<vmem>>, vector<16xf32>,
      tpu.vector_store %arg17[%swap3A_233, %swap3A_234], %broadcast_in_dim3A_8 {strides = array<i32>} : memref<20x384xf32, #tpu.memory_space<vmem>>, vector<16xf32>,
      %mul3A_236 = arith.constant 16 : i32
      %mul3A_237 = arith.muli %scan3A_127, %mul3A_236 : i32
      %swap3A_238 = arith.constant 18 : i32
      %swap3A_239 = arith.index_cast %swap3A_238 : i32 to index
      %swap3A_240 = arith.index_cast %mul3A_237 : i32 to index
      %swap3A_241 = tpu.vector_load %arg17[%swap3A_239, %swap3A_240] {strides = array<i32>} : memref<20x384xf32, #tpu.memory_space<vmem>>, vector<16xf32>,
      tpu.vector_store %arg17[%swap3A_239, %swap3A_240], %broadcast_in_dim3A_8 {strides = array<i32>} : memref<20x384xf32, #tpu.memory_space<vmem>>, vector<16xf32>,
      %mul3A_242 = arith.constant 16 : i32
      %mul3A_243 = arith.muli %scan3A_127, %mul3A_242 : i32
      %swap3A_244 = arith.constant 19 : i32
      %swap3A_245 = arith.index_cast %swap3A_244 : i32 to index
      %swap3A_246 = arith.index_cast %mul3A_243 : i32 to index
      %swap3A_247 = tpu.vector_load %arg17[%swap3A_245, %swap3A_246] {strides = array<i32>} : memref<20x384xf32, #tpu.memory_space<vmem>>, vector<16xf32>,
      tpu.vector_store %arg17[%swap3A_245, %swap3A_246], %broadcast_in_dim3A_8 {strides = array<i32>} : memref<20x384xf32, #tpu.memory_space<vmem>>, vector<16xf32>,
      %scan3A_248 = arith.constant 0 : i32
      scf.yield %scan3A_248 : i32
    }
    %scan3A_119 = arith.constant 24 : i32
    %scan3A_120 = arith.constant 0 : i32
    %scan3A_121 = arith.constant 0 : i32
    %scan3A_122 = arith.constant 24 : i32
    %scan3A_123 = arith.addi %scan3A_121, %scan3A_122 : i32
    %scan3A_124 = arith.constant 1 : i32
    %scan3A_125 = scf.for %scan3A_127 = %scan3A_121 to %scan3A_123 step %scan3A_124 iter_args(%scan3A_128 = %scan3A_120) -> (i32)  : i32 {
      %mul3A_129 = arith.constant 16 : i32
      %mul3A_130 = arith.muli %scan3A_127, %mul3A_129 : i32
      %add3A_131 = vector.broadcast %mul3A_130 : i32 to vector<16xi32>
      %add3A_132 = arith.addi %add3A_131, %iota3A : vector<16xi32>
      %mul3A_133 = arith.constant 320 : i32
      %mul3A_134 = arith.muli %scan3A_127, %mul3A_133 : i32
      %add3A_135 = vector.broadcast %mul3A_134 : i32 to vector<16xi32>
      %add3A_136 = arith.addi %add3A_135, %mul3A_3 : vector<16xi32>
      %add3A_137 = arith.constant 0 : i32
      %add3A_138 = vector.broadcast %add3A_137 : i32 to vector<16xi32>
      %add3A_139 = arith.addi %add3A_136, %add3A_138 : vector<16xi32>
      %gather3A_140 = tpu.vector_load_idx %arg10[%add3A_139] : memref<7680xi32, #tpu.memory_space<vmem>>[vector<16xi32>], vector<16xi32>,
      tpu.vector_store_idx %arg17[%gather3A_140, %add3A_132], %gather3A {add = true} : memref<20x384xf32, #tpu.memory_space<vmem>>[vector<16xi32>, vector<16xi32>], vector<16xf32>,
      %gather3A_141 = tpu.vector_load_idx %arg11[%add3A_139] : memref<7680xi32, #tpu.memory_space<vmem>>[vector<16xi32>], vector<16xi32>,
      %add3A_142 = arith.constant 6 : i32
      %add3A_143 = vector.broadcast %add3A_142 : i32 to vector<16xi32>
      %add3A_144 = arith.addi %gather3A_141, %add3A_143 : vector<16xi32>
      tpu.vector_store_idx %arg17[%add3A_144, %add3A_132], %gather3A {add = true} : memref<20x384xf32, #tpu.memory_space<vmem>>[vector<16xi32>, vector<16xi32>], vector<16xf32>,
      %gather3A_145 = tpu.vector_load_idx %arg12[%add3A_139] : memref<7680xi32, #tpu.memory_space<vmem>>[vector<16xi32>], vector<16xi32>,
      %add3A_146 = arith.constant 11 : i32
      %add3A_147 = vector.broadcast %add3A_146 : i32 to vector<16xi32>
      %add3A_148 = arith.addi %gather3A_145, %add3A_147 : vector<16xi32>
      tpu.vector_store_idx %arg17[%add3A_148, %add3A_132], %gather3A {add = true} : memref<20x384xf32, #tpu.memory_space<vmem>>[vector<16xi32>, vector<16xi32>], vector<16xf32>,
      %gather3A_149 = tpu.vector_load_idx %arg13[%add3A_139] : memref<7680xi32, #tpu.memory_space<vmem>>[vector<16xi32>], vector<16xi32>,
      %ne3A = arith.constant 0 : i32
      %ne3A_150 = vector.broadcast %ne3A : i32 to vector<16xi32>
      %ne3A_151 = arith.cmpi ne, %gather3A_149, %ne3A_150 : vector<16xi32>
      %convert_element_type3A = arith.extui %ne3A_151 : vector<16xi1> to vector<16xi32>
      %add3A_152 = arith.constant 16 : i32
      %add3A_153 = vector.broadcast %add3A_152 : i32 to vector<16xi32>
      %add3A_154 = arith.addi %add3A_153, %convert_element_type3A : vector<16xi32>
      tpu.vector_store_idx %arg17[%add3A_154, %add3A_132], %gather3A {add = true} : memref<20x384xf32, #tpu.memory_space<vmem>>[vector<16xi32>, vector<16xi32>], vector<16xf32>,
      %gather3A_155 = tpu.vector_load_idx %arg14[%add3A_139] : memref<7680xf32, #tpu.memory_space<vmem>>[vector<16xi32>], vector<16xf32>,
      %mul3A_156 = arith.mulf %gather3A_155, %gather3A : vector<16xf32>
      tpu.vector_store_idx %arg17[%broadcast_in_dim3A_4, %add3A_132], %mul3A_156 {add = true} : memref<20x384xf32, #tpu.memory_space<vmem>>[vector<16xi32>, vector<16xi32>], vector<16xf32>,
      %gather3A_157 = tpu.vector_load_idx %arg15[%add3A_139] : memref<7680xf32, #tpu.memory_space<vmem>>[vector<16xi32>], vector<16xf32>,
      %mul3A_158 = arith.mulf %gather3A_157, %gather3A : vector<16xf32>
      tpu.vector_store_idx %arg17[%broadcast_in_dim3A_6, %add3A_132], %mul3A_158 {add = true} : memref<20x384xf32, #tpu.memory_space<vmem>>[vector<16xi32>, vector<16xi32>], vector<16xf32>,
      %add3A_159 = arith.constant 1 : i32
      %add3A_160 = vector.broadcast %add3A_159 : i32 to vector<16xi32>
      %add3A_161 = arith.addi %add3A_136, %add3A_160 : vector<16xi32>
      %gather3A_162 = tpu.vector_load_idx %arg10[%add3A_161] : memref<7680xi32, #tpu.memory_space<vmem>>[vector<16xi32>], vector<16xi32>,
      tpu.vector_store_idx %arg17[%gather3A_162, %add3A_132], %gather3A_13 {add = true} : memref<20x384xf32, #tpu.memory_space<vmem>>[vector<16xi32>, vector<16xi32>], vector<16xf32>,
      %gather3A_163 = tpu.vector_load_idx %arg11[%add3A_161] : memref<7680xi32, #tpu.memory_space<vmem>>[vector<16xi32>], vector<16xi32>,
      %add3A_164 = arith.constant 6 : i32
      %add3A_165 = vector.broadcast %add3A_164 : i32 to vector<16xi32>
      %add3A_166 = arith.addi %gather3A_163, %add3A_165 : vector<16xi32>
      tpu.vector_store_idx %arg17[%add3A_166, %add3A_132], %gather3A_13 {add = true} : memref<20x384xf32, #tpu.memory_space<vmem>>[vector<16xi32>, vector<16xi32>], vector<16xf32>,
      %gather3A_167 = tpu.vector_load_idx %arg12[%add3A_161] : memref<7680xi32, #tpu.memory_space<vmem>>[vector<16xi32>], vector<16xi32>,
      %add3A_168 = arith.constant 11 : i32
      %add3A_169 = vector.broadcast %add3A_168 : i32 to vector<16xi32>
      %add3A_170 = arith.addi %gather3A_167, %add3A_169 : vector<16xi32>
      tpu.vector_store_idx %arg17[%add3A_170, %add3A_132], %gather3A_13 {add = true} : memref<20x384xf32, #tpu.memory_space<vmem>>[vector<16xi32>, vector<16xi32>], vector<16xf32>,
      %gather3A_171 = tpu.vector_load_idx %arg13[%add3A_161] : memref<7680xi32, #tpu.memory_space<vmem>>[vector<16xi32>], vector<16xi32>,
      %ne3A_172 = arith.constant 0 : i32
      %ne3A_173 = vector.broadcast %ne3A_172 : i32 to vector<16xi32>
      %ne3A_174 = arith.cmpi ne, %gather3A_171, %ne3A_173 : vector<16xi32>
      %convert_element_type3A_175 = arith.extui %ne3A_174 : vector<16xi1> to vector<16xi32>
      %add3A_176 = arith.constant 16 : i32
      %add3A_177 = vector.broadcast %add3A_176 : i32 to vector<16xi32>
      %add3A_178 = arith.addi %add3A_177, %convert_element_type3A_175 : vector<16xi32>
      tpu.vector_store_idx %arg17[%add3A_178, %add3A_132], %gather3A_13 {add = true} : memref<20x384xf32, #tpu.memory_space<vmem>>[vector<16xi32>, vector<16xi32>], vector<16xf32>,
      %gather3A_179 = tpu.vector_load_idx %arg14[%add3A_161] : memref<7680xf32, #tpu.memory_space<vmem>>[vector<16xi32>], vector<16xf32>,
      %mul3A_180 = arith.mulf %gather3A_179, %gather3A_13 : vector<16xf32>
      tpu.vector_store_idx %arg17[%broadcast_in_dim3A_4, %add3A_132], %mul3A_180 {add = true} : memref<20x384xf32, #tpu.memory_space<vmem>>[vector<16xi32>, vector<16xi32>], vector<16xf32>,
      %gather3A_181 = tpu.vector_load_idx %arg15[%add3A_161] : memref<7680xf32, #tpu.memory_space<vmem>>[vector<16xi32>], vector<16xf32>,
      %mul3A_182 = arith.mulf %gather3A_181, %gather3A_13 : vector<16xf32>
      tpu.vector_store_idx %arg17[%broadcast_in_dim3A_6, %add3A_132], %mul3A_182 {add = true} : memref<20x384xf32, #tpu.memory_space<vmem>>[vector<16xi32>, vector<16xi32>], vector<16xf32>,
      %add3A_183 = arith.constant 2 : i32
      %add3A_184 = vector.broadcast %add3A_183 : i32 to vector<16xi32>
      %add3A_185 = arith.addi %add3A_136, %add3A_184 : vector<16xi32>
      %gather3A_186 = tpu.vector_load_idx %arg10[%add3A_185] : memref<7680xi32, #tpu.memory_space<vmem>>[vector<16xi32>], vector<16xi32>,
      tpu.vector_store_idx %arg17[%gather3A_186, %add3A_132], %gather3A_16 {add = true} : memref<20x384xf32, #tpu.memory_space<vmem>>[vector<16xi32>, vector<16xi32>], vector<16xf32>,
      %gather3A_187 = tpu.vector_load_idx %arg11[%add3A_185] : memref<7680xi32, #tpu.memory_space<vmem>>[vector<16xi32>], vector<16xi32>,
      %add3A_188 = arith.constant 6 : i32
      %add3A_189 = vector.broadcast %add3A_188 : i32 to vector<16xi32>
      %add3A_190 = arith.addi %gather3A_187, %add3A_189 : vector<16xi32>
      tpu.vector_store_idx %arg17[%add3A_190, %add3A_132], %gather3A_16 {add = true} : memref<20x384xf32, #tpu.memory_space<vmem>>[vector<16xi32>, vector<16xi32>], vector<16xf32>,
      %gather3A_191 = tpu.vector_load_idx %arg12[%add3A_185] : memref<7680xi32, #tpu.memory_space<vmem>>[vector<16xi32>], vector<16xi32>,
      %add3A_192 = arith.constant 11 : i32
      %add3A_193 = vector.broadcast %add3A_192 : i32 to vector<16xi32>
      %add3A_194 = arith.addi %gather3A_191, %add3A_193 : vector<16xi32>
      tpu.vector_store_idx %arg17[%add3A_194, %add3A_132], %gather3A_16 {add = true} : memref<20x384xf32, #tpu.memory_space<vmem>>[vector<16xi32>, vector<16xi32>], vector<16xf32>,
      %gather3A_195 = tpu.vector_load_idx %arg13[%add3A_185] : memref<7680xi32, #tpu.memory_space<vmem>>[vector<16xi32>], vector<16xi32>,
      %ne3A_196 = arith.constant 0 : i32
      %ne3A_197 = vector.broadcast %ne3A_196 : i32 to vector<16xi32>
      %ne3A_198 = arith.cmpi ne, %gather3A_195, %ne3A_197 : vector<16xi32>
      %convert_element_type3A_199 = arith.extui %ne3A_198 : vector<16xi1> to vector<16xi32>
      %add3A_200 = arith.constant 16 : i32
      %add3A_201 = vector.broadcast %add3A_200 : i32 to vector<16xi32>
      %add3A_202 = arith.addi %add3A_201, %convert_element_type3A_199 : vector<16xi32>
      tpu.vector_store_idx %arg17[%add3A_202, %add3A_132], %gather3A_16 {add = true} : memref<20x384xf32, #tpu.memory_space<vmem>>[vector<16xi32>, vector<16xi32>], vector<16xf32>,
      %gather3A_203 = tpu.vector_load_idx %arg14[%add3A_185] : memref<7680xf32, #tpu.memory_space<vmem>>[vector<16xi32>], vector<16xf32>,
      %mul3A_204 = arith.mulf %gather3A_203, %gather3A_16 : vector<16xf32>
      tpu.vector_store_idx %arg17[%broadcast_in_dim3A_4, %add3A_132], %mul3A_204 {add = true} : memref<20x384xf32, #tpu.memory_space<vmem>>[vector<16xi32>, vector<16xi32>], vector<16xf32>,
      %gather3A_205 = tpu.vector_load_idx %arg15[%add3A_185] : memref<7680xf32, #tpu.memory_space<vmem>>[vector<16xi32>], vector<16xf32>,
      %mul3A_206 = arith.mulf %gather3A_205, %gather3A_16 : vector<16xf32>
      tpu.vector_store_idx %arg17[%broadcast_in_dim3A_6, %add3A_132], %mul3A_206 {add = true} : memref<20x384xf32, #tpu.memory_space<vmem>>[vector<16xi32>, vector<16xi32>], vector<16xf32>,
      %add3A_207 = arith.constant 3 : i32
      %add3A_208 = vector.broadcast %add3A_207 : i32 to vector<16xi32>
      %add3A_209 = arith.addi %add3A_136, %add3A_208 : vector<16xi32>
      %gather3A_210 = tpu.vector_load_idx %arg10[%add3A_209] : memref<7680xi32, #tpu.memory_space<vmem>>[vector<16xi32>], vector<16xi32>,
      tpu.vector_store_idx %arg17[%gather3A_210, %add3A_132], %gather3A_19 {add = true} : memref<20x384xf32, #tpu.memory_space<vmem>>[vector<16xi32>, vector<16xi32>], vector<16xf32>,
      %gather3A_211 = tpu.vector_load_idx %arg11[%add3A_209] : memref<7680xi32, #tpu.memory_space<vmem>>[vector<16xi32>], vector<16xi32>,
      %add3A_212 = arith.constant 6 : i32
      %add3A_213 = vector.broadcast %add3A_212 : i32 to vector<16xi32>
      %add3A_214 = arith.addi %gather3A_211, %add3A_213 : vector<16xi32>
      tpu.vector_store_idx %arg17[%add3A_214, %add3A_132], %gather3A_19 {add = true} : memref<20x384xf32, #tpu.memory_space<vmem>>[vector<16xi32>, vector<16xi32>], vector<16xf32>,
      %gather3A_215 = tpu.vector_load_idx %arg12[%add3A_209] : memref<7680xi32, #tpu.memory_space<vmem>>[vector<16xi32>], vector<16xi32>,
      %add3A_216 = arith.constant 11 : i32
      %add3A_217 = vector.broadcast %add3A_216 : i32 to vector<16xi32>
      %add3A_218 = arith.addi %gather3A_215, %add3A_217 : vector<16xi32>
      tpu.vector_store_idx %arg17[%add3A_218, %add3A_132], %gather3A_19 {add = true} : memref<20x384xf32, #tpu.memory_space<vmem>>[vector<16xi32>, vector<16xi32>], vector<16xf32>,
      %gather3A_219 = tpu.vector_load_idx %arg13[%add3A_209] : memref<7680xi32, #tpu.memory_space<vmem>>[vector<16xi32>], vector<16xi32>,
      %ne3A_220 = arith.constant 0 : i32
      %ne3A_221 = vector.broadcast %ne3A_220 : i32 to vector<16xi32>
      %ne3A_222 = arith.cmpi ne, %gather3A_219, %ne3A_221 : vector<16xi32>
      %convert_element_type3A_223 = arith.extui %ne3A_222 : vector<16xi1> to vector<16xi32>
      %add3A_224 = arith.constant 16 : i32
      %add3A_225 = vector.broadcast %add3A_224 : i32 to vector<16xi32>
      %add3A_226 = arith.addi %add3A_225, %convert_element_type3A_223 : vector<16xi32>
      tpu.vector_store_idx %arg17[%add3A_226, %add3A_132], %gather3A_19 {add = true} : memref<20x384xf32, #tpu.memory_space<vmem>>[vector<16xi32>, vector<16xi32>], vector<16xf32>,
      %gather3A_227 = tpu.vector_load_idx %arg14[%add3A_209] : memref<7680xf32, #tpu.memory_space<vmem>>[vector<16xi32>], vector<16xf32>,
      %mul3A_228 = arith.mulf %gather3A_227, %gather3A_19 : vector<16xf32>
      tpu.vector_store_idx %arg17[%broadcast_in_dim3A_4, %add3A_132], %mul3A_228 {add = true} : memref<20x384xf32, #tpu.memory_space<vmem>>[vector<16xi32>, vector<16xi32>], vector<16xf32>,
      %gather3A_229 = tpu.vector_load_idx %arg15[%add3A_209] : memref<7680xf32, #tpu.memory_space<vmem>>[vector<16xi32>], vector<16xf32>,
      %mul3A_230 = arith.mulf %gather3A_229, %gather3A_19 : vector<16xf32>
      tpu.vector_store_idx %arg17[%broadcast_in_dim3A_6, %add3A_132], %mul3A_230 {add = true} : memref<20x384xf32, #tpu.memory_space<vmem>>[vector<16xi32>, vector<16xi32>], vector<16xf32>,
      %add3A_231 = arith.constant 4 : i32
      %add3A_232 = vector.broadcast %add3A_231 : i32 to vector<16xi32>
      %add3A_233 = arith.addi %add3A_136, %add3A_232 : vector<16xi32>
      %gather3A_234 = tpu.vector_load_idx %arg10[%add3A_233] : memref<7680xi32, #tpu.memory_space<vmem>>[vector<16xi32>], vector<16xi32>,
      tpu.vector_store_idx %arg17[%gather3A_234, %add3A_132], %gather3A_22 {add = true} : memref<20x384xf32, #tpu.memory_space<vmem>>[vector<16xi32>, vector<16xi32>], vector<16xf32>,
      %gather3A_235 = tpu.vector_load_idx %arg11[%add3A_233] : memref<7680xi32, #tpu.memory_space<vmem>>[vector<16xi32>], vector<16xi32>,
      %add3A_236 = arith.constant 6 : i32
      %add3A_237 = vector.broadcast %add3A_236 : i32 to vector<16xi32>
      %add3A_238 = arith.addi %gather3A_235, %add3A_237 : vector<16xi32>
      tpu.vector_store_idx %arg17[%add3A_238, %add3A_132], %gather3A_22 {add = true} : memref<20x384xf32, #tpu.memory_space<vmem>>[vector<16xi32>, vector<16xi32>], vector<16xf32>,
      %gather3A_239 = tpu.vector_load_idx %arg12[%add3A_233] : memref<7680xi32, #tpu.memory_space<vmem>>[vector<16xi32>], vector<16xi32>,
      %add3A_240 = arith.constant 11 : i32
      %add3A_241 = vector.broadcast %add3A_240 : i32 to vector<16xi32>
      %add3A_242 = arith.addi %gather3A_239, %add3A_241 : vector<16xi32>
      tpu.vector_store_idx %arg17[%add3A_242, %add3A_132], %gather3A_22 {add = true} : memref<20x384xf32, #tpu.memory_space<vmem>>[vector<16xi32>, vector<16xi32>], vector<16xf32>,
      %gather3A_243 = tpu.vector_load_idx %arg13[%add3A_233] : memref<7680xi32, #tpu.memory_space<vmem>>[vector<16xi32>], vector<16xi32>,
      %ne3A_244 = arith.constant 0 : i32
      %ne3A_245 = vector.broadcast %ne3A_244 : i32 to vector<16xi32>
      %ne3A_246 = arith.cmpi ne, %gather3A_243, %ne3A_245 : vector<16xi32>
      %convert_element_type3A_247 = arith.extui %ne3A_246 : vector<16xi1> to vector<16xi32>
      %add3A_248 = arith.constant 16 : i32
      %add3A_249 = vector.broadcast %add3A_248 : i32 to vector<16xi32>
      %add3A_250 = arith.addi %add3A_249, %convert_element_type3A_247 : vector<16xi32>
      tpu.vector_store_idx %arg17[%add3A_250, %add3A_132], %gather3A_22 {add = true} : memref<20x384xf32, #tpu.memory_space<vmem>>[vector<16xi32>, vector<16xi32>], vector<16xf32>,
      %gather3A_251 = tpu.vector_load_idx %arg14[%add3A_233] : memref<7680xf32, #tpu.memory_space<vmem>>[vector<16xi32>], vector<16xf32>,
      %mul3A_252 = arith.mulf %gather3A_251, %gather3A_22 : vector<16xf32>
      tpu.vector_store_idx %arg17[%broadcast_in_dim3A_4, %add3A_132], %mul3A_252 {add = true} : memref<20x384xf32, #tpu.memory_space<vmem>>[vector<16xi32>, vector<16xi32>], vector<16xf32>,
      %gather3A_253 = tpu.vector_load_idx %arg15[%add3A_233] : memref<7680xf32, #tpu.memory_space<vmem>>[vector<16xi32>], vector<16xf32>,
      %mul3A_254 = arith.mulf %gather3A_253, %gather3A_22 : vector<16xf32>
      tpu.vector_store_idx %arg17[%broadcast_in_dim3A_6, %add3A_132], %mul3A_254 {add = true} : memref<20x384xf32, #tpu.memory_space<vmem>>[vector<16xi32>, vector<16xi32>], vector<16xf32>,
      %add3A_255 = arith.constant 5 : i32
      %add3A_256 = vector.broadcast %add3A_255 : i32 to vector<16xi32>
      %add3A_257 = arith.addi %add3A_136, %add3A_256 : vector<16xi32>
      %gather3A_258 = tpu.vector_load_idx %arg10[%add3A_257] : memref<7680xi32, #tpu.memory_space<vmem>>[vector<16xi32>], vector<16xi32>,
      tpu.vector_store_idx %arg17[%gather3A_258, %add3A_132], %gather3A_25 {add = true} : memref<20x384xf32, #tpu.memory_space<vmem>>[vector<16xi32>, vector<16xi32>], vector<16xf32>,
      %gather3A_259 = tpu.vector_load_idx %arg11[%add3A_257] : memref<7680xi32, #tpu.memory_space<vmem>>[vector<16xi32>], vector<16xi32>,
      %add3A_260 = arith.constant 6 : i32
      %add3A_261 = vector.broadcast %add3A_260 : i32 to vector<16xi32>
      %add3A_262 = arith.addi %gather3A_259, %add3A_261 : vector<16xi32>
      tpu.vector_store_idx %arg17[%add3A_262, %add3A_132], %gather3A_25 {add = true} : memref<20x384xf32, #tpu.memory_space<vmem>>[vector<16xi32>, vector<16xi32>], vector<16xf32>,
      %gather3A_263 = tpu.vector_load_idx %arg12[%add3A_257] : memref<7680xi32, #tpu.memory_space<vmem>>[vector<16xi32>], vector<16xi32>,
      %add3A_264 = arith.constant 11 : i32
      %add3A_265 = vector.broadcast %add3A_264 : i32 to vector<16xi32>
      %add3A_266 = arith.addi %gather3A_263, %add3A_265 : vector<16xi32>
      tpu.vector_store_idx %arg17[%add3A_266, %add3A_132], %gather3A_25 {add = true} : memref<20x384xf32, #tpu.memory_space<vmem>>[vector<16xi32>, vector<16xi32>], vector<16xf32>,
      %gather3A_267 = tpu.vector_load_idx %arg13[%add3A_257] : memref<7680xi32, #tpu.memory_space<vmem>>[vector<16xi32>], vector<16xi32>,
      %ne3A_268 = arith.constant 0 : i32
      %ne3A_269 = vector.broadcast %ne3A_268 : i32 to vector<16xi32>
      %ne3A_270 = arith.cmpi ne, %gather3A_267, %ne3A_269 : vector<16xi32>
      %convert_element_type3A_271 = arith.extui %ne3A_270 : vector<16xi1> to vector<16xi32>
      %add3A_272 = arith.constant 16 : i32
      %add3A_273 = vector.broadcast %add3A_272 : i32 to vector<16xi32>
      %add3A_274 = arith.addi %add3A_273, %convert_element_type3A_271 : vector<16xi32>
      tpu.vector_store_idx %arg17[%add3A_274, %add3A_132], %gather3A_25 {add = true} : memref<20x384xf32, #tpu.memory_space<vmem>>[vector<16xi32>, vector<16xi32>], vector<16xf32>,
      %gather3A_275 = tpu.vector_load_idx %arg14[%add3A_257] : memref<7680xf32, #tpu.memory_space<vmem>>[vector<16xi32>], vector<16xf32>,
      %mul3A_276 = arith.mulf %gather3A_275, %gather3A_25 : vector<16xf32>
      tpu.vector_store_idx %arg17[%broadcast_in_dim3A_4, %add3A_132], %mul3A_276 {add = true} : memref<20x384xf32, #tpu.memory_space<vmem>>[vector<16xi32>, vector<16xi32>], vector<16xf32>,
      %gather3A_277 = tpu.vector_load_idx %arg15[%add3A_257] : memref<7680xf32, #tpu.memory_space<vmem>>[vector<16xi32>], vector<16xf32>,
      %mul3A_278 = arith.mulf %gather3A_277, %gather3A_25 : vector<16xf32>
      tpu.vector_store_idx %arg17[%broadcast_in_dim3A_6, %add3A_132], %mul3A_278 {add = true} : memref<20x384xf32, #tpu.memory_space<vmem>>[vector<16xi32>, vector<16xi32>], vector<16xf32>,
      %add3A_279 = arith.constant 6 : i32
      %add3A_280 = vector.broadcast %add3A_279 : i32 to vector<16xi32>
      %add3A_281 = arith.addi %add3A_136, %add3A_280 : vector<16xi32>
      %gather3A_282 = tpu.vector_load_idx %arg10[%add3A_281] : memref<7680xi32, #tpu.memory_space<vmem>>[vector<16xi32>], vector<16xi32>,
      tpu.vector_store_idx %arg17[%gather3A_282, %add3A_132], %gather3A_28 {add = true} : memref<20x384xf32, #tpu.memory_space<vmem>>[vector<16xi32>, vector<16xi32>], vector<16xf32>,
      %gather3A_283 = tpu.vector_load_idx %arg11[%add3A_281] : memref<7680xi32, #tpu.memory_space<vmem>>[vector<16xi32>], vector<16xi32>,
      %add3A_284 = arith.constant 6 : i32
      %add3A_285 = vector.broadcast %add3A_284 : i32 to vector<16xi32>
      %add3A_286 = arith.addi %gather3A_283, %add3A_285 : vector<16xi32>
      tpu.vector_store_idx %arg17[%add3A_286, %add3A_132], %gather3A_28 {add = true} : memref<20x384xf32, #tpu.memory_space<vmem>>[vector<16xi32>, vector<16xi32>], vector<16xf32>,
      %gather3A_287 = tpu.vector_load_idx %arg12[%add3A_281] : memref<7680xi32, #tpu.memory_space<vmem>>[vector<16xi32>], vector<16xi32>,
      %add3A_288 = arith.constant 11 : i32
      %add3A_289 = vector.broadcast %add3A_288 : i32 to vector<16xi32>
      %add3A_290 = arith.addi %gather3A_287, %add3A_289 : vector<16xi32>
      tpu.vector_store_idx %arg17[%add3A_290, %add3A_132], %gather3A_28 {add = true} : memref<20x384xf32, #tpu.memory_space<vmem>>[vector<16xi32>, vector<16xi32>], vector<16xf32>,
      %gather3A_291 = tpu.vector_load_idx %arg13[%add3A_281] : memref<7680xi32, #tpu.memory_space<vmem>>[vector<16xi32>], vector<16xi32>,
      %ne3A_292 = arith.constant 0 : i32
      %ne3A_293 = vector.broadcast %ne3A_292 : i32 to vector<16xi32>
      %ne3A_294 = arith.cmpi ne, %gather3A_291, %ne3A_293 : vector<16xi32>
      %convert_element_type3A_295 = arith.extui %ne3A_294 : vector<16xi1> to vector<16xi32>
      %add3A_296 = arith.constant 16 : i32
      %add3A_297 = vector.broadcast %add3A_296 : i32 to vector<16xi32>
      %add3A_298 = arith.addi %add3A_297, %convert_element_type3A_295 : vector<16xi32>
      tpu.vector_store_idx %arg17[%add3A_298, %add3A_132], %gather3A_28 {add = true} : memref<20x384xf32, #tpu.memory_space<vmem>>[vector<16xi32>, vector<16xi32>], vector<16xf32>,
      %gather3A_299 = tpu.vector_load_idx %arg14[%add3A_281] : memref<7680xf32, #tpu.memory_space<vmem>>[vector<16xi32>], vector<16xf32>,
      %mul3A_300 = arith.mulf %gather3A_299, %gather3A_28 : vector<16xf32>
      tpu.vector_store_idx %arg17[%broadcast_in_dim3A_4, %add3A_132], %mul3A_300 {add = true} : memref<20x384xf32, #tpu.memory_space<vmem>>[vector<16xi32>, vector<16xi32>], vector<16xf32>,
      %gather3A_301 = tpu.vector_load_idx %arg15[%add3A_281] : memref<7680xf32, #tpu.memory_space<vmem>>[vector<16xi32>], vector<16xf32>,
      %mul3A_302 = arith.mulf %gather3A_301, %gather3A_28 : vector<16xf32>
      tpu.vector_store_idx %arg17[%broadcast_in_dim3A_6, %add3A_132], %mul3A_302 {add = true} : memref<20x384xf32, #tpu.memory_space<vmem>>[vector<16xi32>, vector<16xi32>], vector<16xf32>,
      %add3A_303 = arith.constant 7 : i32
      %add3A_304 = vector.broadcast %add3A_303 : i32 to vector<16xi32>
      %add3A_305 = arith.addi %add3A_136, %add3A_304 : vector<16xi32>
      %gather3A_306 = tpu.vector_load_idx %arg10[%add3A_305] : memref<7680xi32, #tpu.memory_space<vmem>>[vector<16xi32>], vector<16xi32>,
      tpu.vector_store_idx %arg17[%gather3A_306, %add3A_132], %gather3A_31 {add = true} : memref<20x384xf32, #tpu.memory_space<vmem>>[vector<16xi32>, vector<16xi32>], vector<16xf32>,
      %gather3A_307 = tpu.vector_load_idx %arg11[%add3A_305] : memref<7680xi32, #tpu.memory_space<vmem>>[vector<16xi32>], vector<16xi32>,
      %add3A_308 = arith.constant 6 : i32
      %add3A_309 = vector.broadcast %add3A_308 : i32 to vector<16xi32>
      %add3A_310 = arith.addi %gather3A_307, %add3A_309 : vector<16xi32>
      tpu.vector_store_idx %arg17[%add3A_310, %add3A_132], %gather3A_31 {add = true} : memref<20x384xf32, #tpu.memory_space<vmem>>[vector<16xi32>, vector<16xi32>], vector<16xf32>,
      %gather3A_311 = tpu.vector_load_idx %arg12[%add3A_305] : memref<7680xi32, #tpu.memory_space<vmem>>[vector<16xi32>], vector<16xi32>,
      %add3A_312 = arith.constant 11 : i32
      %add3A_313 = vector.broadcast %add3A_312 : i32 to vector<16xi32>
      %add3A_314 = arith.addi %gather3A_311, %add3A_313 : vector<16xi32>
      tpu.vector_store_idx %arg17[%add3A_314, %add3A_132], %gather3A_31 {add = true} : memref<20x384xf32, #tpu.memory_space<vmem>>[vector<16xi32>, vector<16xi32>], vector<16xf32>,
      %gather3A_315 = tpu.vector_load_idx %arg13[%add3A_305] : memref<7680xi32, #tpu.memory_space<vmem>>[vector<16xi32>], vector<16xi32>,
      %ne3A_316 = arith.constant 0 : i32
      %ne3A_317 = vector.broadcast %ne3A_316 : i32 to vector<16xi32>
      %ne3A_318 = arith.cmpi ne, %gather3A_315, %ne3A_317 : vector<16xi32>
      %convert_element_type3A_319 = arith.extui %ne3A_318 : vector<16xi1> to vector<16xi32>
      %add3A_320 = arith.constant 16 : i32
      %add3A_321 = vector.broadcast %add3A_320 : i32 to vector<16xi32>
      %add3A_322 = arith.addi %add3A_321, %convert_element_type3A_319 : vector<16xi32>
      tpu.vector_store_idx %arg17[%add3A_322, %add3A_132], %gather3A_31 {add = true} : memref<20x384xf32, #tpu.memory_space<vmem>>[vector<16xi32>, vector<16xi32>], vector<16xf32>,
      %gather3A_323 = tpu.vector_load_idx %arg14[%add3A_305] : memref<7680xf32, #tpu.memory_space<vmem>>[vector<16xi32>], vector<16xf32>,
      %mul3A_324 = arith.mulf %gather3A_323, %gather3A_31 : vector<16xf32>
      tpu.vector_store_idx %arg17[%broadcast_in_dim3A_4, %add3A_132], %mul3A_324 {add = true} : memref<20x384xf32, #tpu.memory_space<vmem>>[vector<16xi32>, vector<16xi32>], vector<16xf32>,
      %gather3A_325 = tpu.vector_load_idx %arg15[%add3A_305] : memref<7680xf32, #tpu.memory_space<vmem>>[vector<16xi32>], vector<16xf32>,
      %mul3A_326 = arith.mulf %gather3A_325, %gather3A_31 : vector<16xf32>
      tpu.vector_store_idx %arg17[%broadcast_in_dim3A_6, %add3A_132], %mul3A_326 {add = true} : memref<20x384xf32, #tpu.memory_space<vmem>>[vector<16xi32>, vector<16xi32>], vector<16xf32>,
      %add3A_327 = arith.constant 8 : i32
      %add3A_328 = vector.broadcast %add3A_327 : i32 to vector<16xi32>
      %add3A_329 = arith.addi %add3A_136, %add3A_328 : vector<16xi32>
      %gather3A_330 = tpu.vector_load_idx %arg10[%add3A_329] : memref<7680xi32, #tpu.memory_space<vmem>>[vector<16xi32>], vector<16xi32>,
      tpu.vector_store_idx %arg17[%gather3A_330, %add3A_132], %gather3A_34 {add = true} : memref<20x384xf32, #tpu.memory_space<vmem>>[vector<16xi32>, vector<16xi32>], vector<16xf32>,
      %gather3A_331 = tpu.vector_load_idx %arg11[%add3A_329] : memref<7680xi32, #tpu.memory_space<vmem>>[vector<16xi32>], vector<16xi32>,
      %add3A_332 = arith.constant 6 : i32
      %add3A_333 = vector.broadcast %add3A_332 : i32 to vector<16xi32>
      %add3A_334 = arith.addi %gather3A_331, %add3A_333 : vector<16xi32>
      tpu.vector_store_idx %arg17[%add3A_334, %add3A_132], %gather3A_34 {add = true} : memref<20x384xf32, #tpu.memory_space<vmem>>[vector<16xi32>, vector<16xi32>], vector<16xf32>,
      %gather3A_335 = tpu.vector_load_idx %arg12[%add3A_329] : memref<7680xi32, #tpu.memory_space<vmem>>[vector<16xi32>], vector<16xi32>,
      %add3A_336 = arith.constant 11 : i32
      %add3A_337 = vector.broadcast %add3A_336 : i32 to vector<16xi32>
      %add3A_338 = arith.addi %gather3A_335, %add3A_337 : vector<16xi32>
      tpu.vector_store_idx %arg17[%add3A_338, %add3A_132], %gather3A_34 {add = true} : memref<20x384xf32, #tpu.memory_space<vmem>>[vector<16xi32>, vector<16xi32>], vector<16xf32>,
      %gather3A_339 = tpu.vector_load_idx %arg13[%add3A_329] : memref<7680xi32, #tpu.memory_space<vmem>>[vector<16xi32>], vector<16xi32>,
      %ne3A_340 = arith.constant 0 : i32
      %ne3A_341 = vector.broadcast %ne3A_340 : i32 to vector<16xi32>
      %ne3A_342 = arith.cmpi ne, %gather3A_339, %ne3A_341 : vector<16xi32>
      %convert_element_type3A_343 = arith.extui %ne3A_342 : vector<16xi1> to vector<16xi32>
      %add3A_344 = arith.constant 16 : i32
      %add3A_345 = vector.broadcast %add3A_344 : i32 to vector<16xi32>
      %add3A_346 = arith.addi %add3A_345, %convert_element_type3A_343 : vector<16xi32>
      tpu.vector_store_idx %arg17[%add3A_346, %add3A_132], %gather3A_34 {add = true} : memref<20x384xf32, #tpu.memory_space<vmem>>[vector<16xi32>, vector<16xi32>], vector<16xf32>,
      %gather3A_347 = tpu.vector_load_idx %arg14[%add3A_329] : memref<7680xf32, #tpu.memory_space<vmem>>[vector<16xi32>], vector<16xf32>,
      %mul3A_348 = arith.mulf %gather3A_347, %gather3A_34 : vector<16xf32>
      tpu.vector_store_idx %arg17[%broadcast_in_dim3A_4, %add3A_132], %mul3A_348 {add = true} : memref<20x384xf32, #tpu.memory_space<vmem>>[vector<16xi32>, vector<16xi32>], vector<16xf32>,
      %gather3A_349 = tpu.vector_load_idx %arg15[%add3A_329] : memref<7680xf32, #tpu.memory_space<vmem>>[vector<16xi32>], vector<16xf32>,
      %mul3A_350 = arith.mulf %gather3A_349, %gather3A_34 : vector<16xf32>
      tpu.vector_store_idx %arg17[%broadcast_in_dim3A_6, %add3A_132], %mul3A_350 {add = true} : memref<20x384xf32, #tpu.memory_space<vmem>>[vector<16xi32>, vector<16xi32>], vector<16xf32>,
      %add3A_351 = arith.constant 9 : i32
      %add3A_352 = vector.broadcast %add3A_351 : i32 to vector<16xi32>
      %add3A_353 = arith.addi %add3A_136, %add3A_352 : vector<16xi32>
      %gather3A_354 = tpu.vector_load_idx %arg10[%add3A_353] : memref<7680xi32, #tpu.memory_space<vmem>>[vector<16xi32>], vector<16xi32>,
      tpu.vector_store_idx %arg17[%gather3A_354, %add3A_132], %gather3A_37 {add = true} : memref<20x384xf32, #tpu.memory_space<vmem>>[vector<16xi32>, vector<16xi32>], vector<16xf32>,
      %gather3A_355 = tpu.vector_load_idx %arg11[%add3A_353] : memref<7680xi32, #tpu.memory_space<vmem>>[vector<16xi32>], vector<16xi32>,
      %add3A_356 = arith.constant 6 : i32
      %add3A_357 = vector.broadcast %add3A_356 : i32 to vector<16xi32>
      %add3A_358 = arith.addi %gather3A_355, %add3A_357 : vector<16xi32>
      tpu.vector_store_idx %arg17[%add3A_358, %add3A_132], %gather3A_37 {add = true} : memref<20x384xf32, #tpu.memory_space<vmem>>[vector<16xi32>, vector<16xi32>], vector<16xf32>,
      %gather3A_359 = tpu.vector_load_idx %arg12[%add3A_353] : memref<7680xi32, #tpu.memory_space<vmem>>[vector<16xi32>], vector<16xi32>,
      %add3A_360 = arith.constant 11 : i32
      %add3A_361 = vector.broadcast %add3A_360 : i32 to vector<16xi32>
      %add3A_362 = arith.addi %gather3A_359, %add3A_361 : vector<16xi32>
      tpu.vector_store_idx %arg17[%add3A_362, %add3A_132], %gather3A_37 {add = true} : memref<20x384xf32, #tpu.memory_space<vmem>>[vector<16xi32>, vector<16xi32>], vector<16xf32>,
      %gather3A_363 = tpu.vector_load_idx %arg13[%add3A_353] : memref<7680xi32, #tpu.memory_space<vmem>>[vector<16xi32>], vector<16xi32>,
      %ne3A_364 = arith.constant 0 : i32
      %ne3A_365 = vector.broadcast %ne3A_364 : i32 to vector<16xi32>
      %ne3A_366 = arith.cmpi ne, %gather3A_363, %ne3A_365 : vector<16xi32>
      %convert_element_type3A_367 = arith.extui %ne3A_366 : vector<16xi1> to vector<16xi32>
      %add3A_368 = arith.constant 16 : i32
      %add3A_369 = vector.broadcast %add3A_368 : i32 to vector<16xi32>
      %add3A_370 = arith.addi %add3A_369, %convert_element_type3A_367 : vector<16xi32>
      tpu.vector_store_idx %arg17[%add3A_370, %add3A_132], %gather3A_37 {add = true} : memref<20x384xf32, #tpu.memory_space<vmem>>[vector<16xi32>, vector<16xi32>], vector<16xf32>,
      %gather3A_371 = tpu.vector_load_idx %arg14[%add3A_353] : memref<7680xf32, #tpu.memory_space<vmem>>[vector<16xi32>], vector<16xf32>,
      %mul3A_372 = arith.mulf %gather3A_371, %gather3A_37 : vector<16xf32>
      tpu.vector_store_idx %arg17[%broadcast_in_dim3A_4, %add3A_132], %mul3A_372 {add = true} : memref<20x384xf32, #tpu.memory_space<vmem>>[vector<16xi32>, vector<16xi32>], vector<16xf32>,
      %gather3A_373 = tpu.vector_load_idx %arg15[%add3A_353] : memref<7680xf32, #tpu.memory_space<vmem>>[vector<16xi32>], vector<16xf32>,
      %mul3A_374 = arith.mulf %gather3A_373, %gather3A_37 : vector<16xf32>
      tpu.vector_store_idx %arg17[%broadcast_in_dim3A_6, %add3A_132], %mul3A_374 {add = true} : memref<20x384xf32, #tpu.memory_space<vmem>>[vector<16xi32>, vector<16xi32>], vector<16xf32>,
      %add3A_375 = arith.constant 10 : i32
      %add3A_376 = vector.broadcast %add3A_375 : i32 to vector<16xi32>
      %add3A_377 = arith.addi %add3A_136, %add3A_376 : vector<16xi32>
      %gather3A_378 = tpu.vector_load_idx %arg10[%add3A_377] : memref<7680xi32, #tpu.memory_space<vmem>>[vector<16xi32>], vector<16xi32>,
      tpu.vector_store_idx %arg17[%gather3A_378, %add3A_132], %gather3A_40 {add = true} : memref<20x384xf32, #tpu.memory_space<vmem>>[vector<16xi32>, vector<16xi32>], vector<16xf32>,
      %gather3A_379 = tpu.vector_load_idx %arg11[%add3A_377] : memref<7680xi32, #tpu.memory_space<vmem>>[vector<16xi32>], vector<16xi32>,
      %add3A_380 = arith.constant 6 : i32
      %add3A_381 = vector.broadcast %add3A_380 : i32 to vector<16xi32>
      %add3A_382 = arith.addi %gather3A_379, %add3A_381 : vector<16xi32>
      tpu.vector_store_idx %arg17[%add3A_382, %add3A_132], %gather3A_40 {add = true} : memref<20x384xf32, #tpu.memory_space<vmem>>[vector<16xi32>, vector<16xi32>], vector<16xf32>,
      %gather3A_383 = tpu.vector_load_idx %arg12[%add3A_377] : memref<7680xi32, #tpu.memory_space<vmem>>[vector<16xi32>], vector<16xi32>,
      %add3A_384 = arith.constant 11 : i32
      %add3A_385 = vector.broadcast %add3A_384 : i32 to vector<16xi32>
      %add3A_386 = arith.addi %gather3A_383, %add3A_385 : vector<16xi32>
      tpu.vector_store_idx %arg17[%add3A_386, %add3A_132], %gather3A_40 {add = true} : memref<20x384xf32, #tpu.memory_space<vmem>>[vector<16xi32>, vector<16xi32>], vector<16xf32>,
      %gather3A_387 = tpu.vector_load_idx %arg13[%add3A_377] : memref<7680xi32, #tpu.memory_space<vmem>>[vector<16xi32>], vector<16xi32>,
      %ne3A_388 = arith.constant 0 : i32
      %ne3A_389 = vector.broadcast %ne3A_388 : i32 to vector<16xi32>
      %ne3A_390 = arith.cmpi ne, %gather3A_387, %ne3A_389 : vector<16xi32>
      %convert_element_type3A_391 = arith.extui %ne3A_390 : vector<16xi1> to vector<16xi32>
      %add3A_392 = arith.constant 16 : i32
      %add3A_393 = vector.broadcast %add3A_392 : i32 to vector<16xi32>
      %add3A_394 = arith.addi %add3A_393, %convert_element_type3A_391 : vector<16xi32>
      tpu.vector_store_idx %arg17[%add3A_394, %add3A_132], %gather3A_40 {add = true} : memref<20x384xf32, #tpu.memory_space<vmem>>[vector<16xi32>, vector<16xi32>], vector<16xf32>,
      %gather3A_395 = tpu.vector_load_idx %arg14[%add3A_377] : memref<7680xf32, #tpu.memory_space<vmem>>[vector<16xi32>], vector<16xf32>,
      %mul3A_396 = arith.mulf %gather3A_395, %gather3A_40 : vector<16xf32>
      tpu.vector_store_idx %arg17[%broadcast_in_dim3A_4, %add3A_132], %mul3A_396 {add = true} : memref<20x384xf32, #tpu.memory_space<vmem>>[vector<16xi32>, vector<16xi32>], vector<16xf32>,
      %gather3A_397 = tpu.vector_load_idx %arg15[%add3A_377] : memref<7680xf32, #tpu.memory_space<vmem>>[vector<16xi32>], vector<16xf32>,
      %mul3A_398 = arith.mulf %gather3A_397, %gather3A_40 : vector<16xf32>
      tpu.vector_store_idx %arg17[%broadcast_in_dim3A_6, %add3A_132], %mul3A_398 {add = true} : memref<20x384xf32, #tpu.memory_space<vmem>>[vector<16xi32>, vector<16xi32>], vector<16xf32>,
      %add3A_399 = arith.constant 11 : i32
      %add3A_400 = vector.broadcast %add3A_399 : i32 to vector<16xi32>
      %add3A_401 = arith.addi %add3A_136, %add3A_400 : vector<16xi32>
      %gather3A_402 = tpu.vector_load_idx %arg10[%add3A_401] : memref<7680xi32, #tpu.memory_space<vmem>>[vector<16xi32>], vector<16xi32>,
      tpu.vector_store_idx %arg17[%gather3A_402, %add3A_132], %gather3A_43 {add = true} : memref<20x384xf32, #tpu.memory_space<vmem>>[vector<16xi32>, vector<16xi32>], vector<16xf32>,
      %gather3A_403 = tpu.vector_load_idx %arg11[%add3A_401] : memref<7680xi32, #tpu.memory_space<vmem>>[vector<16xi32>], vector<16xi32>,
      %add3A_404 = arith.constant 6 : i32
      %add3A_405 = vector.broadcast %add3A_404 : i32 to vector<16xi32>
      %add3A_406 = arith.addi %gather3A_403, %add3A_405 : vector<16xi32>
      tpu.vector_store_idx %arg17[%add3A_406, %add3A_132], %gather3A_43 {add = true} : memref<20x384xf32, #tpu.memory_space<vmem>>[vector<16xi32>, vector<16xi32>], vector<16xf32>,
      %gather3A_407 = tpu.vector_load_idx %arg12[%add3A_401] : memref<7680xi32, #tpu.memory_space<vmem>>[vector<16xi32>], vector<16xi32>,
      %add3A_408 = arith.constant 11 : i32
      %add3A_409 = vector.broadcast %add3A_408 : i32 to vector<16xi32>
      %add3A_410 = arith.addi %gather3A_407, %add3A_409 : vector<16xi32>
      tpu.vector_store_idx %arg17[%add3A_410, %add3A_132], %gather3A_43 {add = true} : memref<20x384xf32, #tpu.memory_space<vmem>>[vector<16xi32>, vector<16xi32>], vector<16xf32>,
      %gather3A_411 = tpu.vector_load_idx %arg13[%add3A_401] : memref<7680xi32, #tpu.memory_space<vmem>>[vector<16xi32>], vector<16xi32>,
      %ne3A_412 = arith.constant 0 : i32
      %ne3A_413 = vector.broadcast %ne3A_412 : i32 to vector<16xi32>
      %ne3A_414 = arith.cmpi ne, %gather3A_411, %ne3A_413 : vector<16xi32>
      %convert_element_type3A_415 = arith.extui %ne3A_414 : vector<16xi1> to vector<16xi32>
      %add3A_416 = arith.constant 16 : i32
      %add3A_417 = vector.broadcast %add3A_416 : i32 to vector<16xi32>
      %add3A_418 = arith.addi %add3A_417, %convert_element_type3A_415 : vector<16xi32>
      tpu.vector_store_idx %arg17[%add3A_418, %add3A_132], %gather3A_43 {add = true} : memref<20x384xf32, #tpu.memory_space<vmem>>[vector<16xi32>, vector<16xi32>], vector<16xf32>,
      %gather3A_419 = tpu.vector_load_idx %arg14[%add3A_401] : memref<7680xf32, #tpu.memory_space<vmem>>[vector<16xi32>], vector<16xf32>,
      %mul3A_420 = arith.mulf %gather3A_419, %gather3A_43 : vector<16xf32>
      tpu.vector_store_idx %arg17[%broadcast_in_dim3A_4, %add3A_132], %mul3A_420 {add = true} : memref<20x384xf32, #tpu.memory_space<vmem>>[vector<16xi32>, vector<16xi32>], vector<16xf32>,
      %gather3A_421 = tpu.vector_load_idx %arg15[%add3A_401] : memref<7680xf32, #tpu.memory_space<vmem>>[vector<16xi32>], vector<16xf32>,
      %mul3A_422 = arith.mulf %gather3A_421, %gather3A_43 : vector<16xf32>
      tpu.vector_store_idx %arg17[%broadcast_in_dim3A_6, %add3A_132], %mul3A_422 {add = true} : memref<20x384xf32, #tpu.memory_space<vmem>>[vector<16xi32>, vector<16xi32>], vector<16xf32>,
      %add3A_423 = arith.constant 12 : i32
      %add3A_424 = vector.broadcast %add3A_423 : i32 to vector<16xi32>
      %add3A_425 = arith.addi %add3A_136, %add3A_424 : vector<16xi32>
      %gather3A_426 = tpu.vector_load_idx %arg10[%add3A_425] : memref<7680xi32, #tpu.memory_space<vmem>>[vector<16xi32>], vector<16xi32>,
      tpu.vector_store_idx %arg17[%gather3A_426, %add3A_132], %gather3A_46 {add = true} : memref<20x384xf32, #tpu.memory_space<vmem>>[vector<16xi32>, vector<16xi32>], vector<16xf32>,
      %gather3A_427 = tpu.vector_load_idx %arg11[%add3A_425] : memref<7680xi32, #tpu.memory_space<vmem>>[vector<16xi32>], vector<16xi32>,
      %add3A_428 = arith.constant 6 : i32
      %add3A_429 = vector.broadcast %add3A_428 : i32 to vector<16xi32>
      %add3A_430 = arith.addi %gather3A_427, %add3A_429 : vector<16xi32>
      tpu.vector_store_idx %arg17[%add3A_430, %add3A_132], %gather3A_46 {add = true} : memref<20x384xf32, #tpu.memory_space<vmem>>[vector<16xi32>, vector<16xi32>], vector<16xf32>,
      %gather3A_431 = tpu.vector_load_idx %arg12[%add3A_425] : memref<7680xi32, #tpu.memory_space<vmem>>[vector<16xi32>], vector<16xi32>,
      %add3A_432 = arith.constant 11 : i32
      %add3A_433 = vector.broadcast %add3A_432 : i32 to vector<16xi32>
      %add3A_434 = arith.addi %gather3A_431, %add3A_433 : vector<16xi32>
      tpu.vector_store_idx %arg17[%add3A_434, %add3A_132], %gather3A_46 {add = true} : memref<20x384xf32, #tpu.memory_space<vmem>>[vector<16xi32>, vector<16xi32>], vector<16xf32>,
      %gather3A_435 = tpu.vector_load_idx %arg13[%add3A_425] : memref<7680xi32, #tpu.memory_space<vmem>>[vector<16xi32>], vector<16xi32>,
      %ne3A_436 = arith.constant 0 : i32
      %ne3A_437 = vector.broadcast %ne3A_436 : i32 to vector<16xi32>
      %ne3A_438 = arith.cmpi ne, %gather3A_435, %ne3A_437 : vector<16xi32>
      %convert_element_type3A_439 = arith.extui %ne3A_438 : vector<16xi1> to vector<16xi32>
      %add3A_440 = arith.constant 16 : i32
      %add3A_441 = vector.broadcast %add3A_440 : i32 to vector<16xi32>
      %add3A_442 = arith.addi %add3A_441, %convert_element_type3A_439 : vector<16xi32>
      tpu.vector_store_idx %arg17[%add3A_442, %add3A_132], %gather3A_46 {add = true} : memref<20x384xf32, #tpu.memory_space<vmem>>[vector<16xi32>, vector<16xi32>], vector<16xf32>,
      %gather3A_443 = tpu.vector_load_idx %arg14[%add3A_425] : memref<7680xf32, #tpu.memory_space<vmem>>[vector<16xi32>], vector<16xf32>,
      %mul3A_444 = arith.mulf %gather3A_443, %gather3A_46 : vector<16xf32>
      tpu.vector_store_idx %arg17[%broadcast_in_dim3A_4, %add3A_132], %mul3A_444 {add = true} : memref<20x384xf32, #tpu.memory_space<vmem>>[vector<16xi32>, vector<16xi32>], vector<16xf32>,
      %gather3A_445 = tpu.vector_load_idx %arg15[%add3A_425] : memref<7680xf32, #tpu.memory_space<vmem>>[vector<16xi32>], vector<16xf32>,
      %mul3A_446 = arith.mulf %gather3A_445, %gather3A_46 : vector<16xf32>
      tpu.vector_store_idx %arg17[%broadcast_in_dim3A_6, %add3A_132], %mul3A_446 {add = true} : memref<20x384xf32, #tpu.memory_space<vmem>>[vector<16xi32>, vector<16xi32>], vector<16xf32>,
      %add3A_447 = arith.constant 13 : i32
      %add3A_448 = vector.broadcast %add3A_447 : i32 to vector<16xi32>
      %add3A_449 = arith.addi %add3A_136, %add3A_448 : vector<16xi32>
      %gather3A_450 = tpu.vector_load_idx %arg10[%add3A_449] : memref<7680xi32, #tpu.memory_space<vmem>>[vector<16xi32>], vector<16xi32>,
      tpu.vector_store_idx %arg17[%gather3A_450, %add3A_132], %gather3A_49 {add = true} : memref<20x384xf32, #tpu.memory_space<vmem>>[vector<16xi32>, vector<16xi32>], vector<16xf32>,
      %gather3A_451 = tpu.vector_load_idx %arg11[%add3A_449] : memref<7680xi32, #tpu.memory_space<vmem>>[vector<16xi32>], vector<16xi32>,
      %add3A_452 = arith.constant 6 : i32
      %add3A_453 = vector.broadcast %add3A_452 : i32 to vector<16xi32>
      %add3A_454 = arith.addi %gather3A_451, %add3A_453 : vector<16xi32>
      tpu.vector_store_idx %arg17[%add3A_454, %add3A_132], %gather3A_49 {add = true} : memref<20x384xf32, #tpu.memory_space<vmem>>[vector<16xi32>, vector<16xi32>], vector<16xf32>,
      %gather3A_455 = tpu.vector_load_idx %arg12[%add3A_449] : memref<7680xi32, #tpu.memory_space<vmem>>[vector<16xi32>], vector<16xi32>,
      %add3A_456 = arith.constant 11 : i32
      %add3A_457 = vector.broadcast %add3A_456 : i32 to vector<16xi32>
      %add3A_458 = arith.addi %gather3A_455, %add3A_457 : vector<16xi32>
      tpu.vector_store_idx %arg17[%add3A_458, %add3A_132], %gather3A_49 {add = true} : memref<20x384xf32, #tpu.memory_space<vmem>>[vector<16xi32>, vector<16xi32>], vector<16xf32>,
      %gather3A_459 = tpu.vector_load_idx %arg13[%add3A_449] : memref<7680xi32, #tpu.memory_space<vmem>>[vector<16xi32>], vector<16xi32>,
      %ne3A_460 = arith.constant 0 : i32
      %ne3A_461 = vector.broadcast %ne3A_460 : i32 to vector<16xi32>
      %ne3A_462 = arith.cmpi ne, %gather3A_459, %ne3A_461 : vector<16xi32>
      %convert_element_type3A_463 = arith.extui %ne3A_462 : vector<16xi1> to vector<16xi32>
      %add3A_464 = arith.constant 16 : i32
      %add3A_465 = vector.broadcast %add3A_464 : i32 to vector<16xi32>
      %add3A_466 = arith.addi %add3A_465, %convert_element_type3A_463 : vector<16xi32>
      tpu.vector_store_idx %arg17[%add3A_466, %add3A_132], %gather3A_49 {add = true} : memref<20x384xf32, #tpu.memory_space<vmem>>[vector<16xi32>, vector<16xi32>], vector<16xf32>,
      %gather3A_467 = tpu.vector_load_idx %arg14[%add3A_449] : memref<7680xf32, #tpu.memory_space<vmem>>[vector<16xi32>], vector<16xf32>,
      %mul3A_468 = arith.mulf %gather3A_467, %gather3A_49 : vector<16xf32>
      tpu.vector_store_idx %arg17[%broadcast_in_dim3A_4, %add3A_132], %mul3A_468 {add = true} : memref<20x384xf32, #tpu.memory_space<vmem>>[vector<16xi32>, vector<16xi32>], vector<16xf32>,
      %gather3A_469 = tpu.vector_load_idx %arg15[%add3A_449] : memref<7680xf32, #tpu.memory_space<vmem>>[vector<16xi32>], vector<16xf32>,
      %mul3A_470 = arith.mulf %gather3A_469, %gather3A_49 : vector<16xf32>
      tpu.vector_store_idx %arg17[%broadcast_in_dim3A_6, %add3A_132], %mul3A_470 {add = true} : memref<20x384xf32, #tpu.memory_space<vmem>>[vector<16xi32>, vector<16xi32>], vector<16xf32>,
      %add3A_471 = arith.constant 14 : i32
      %add3A_472 = vector.broadcast %add3A_471 : i32 to vector<16xi32>
      %add3A_473 = arith.addi %add3A_136, %add3A_472 : vector<16xi32>
      %gather3A_474 = tpu.vector_load_idx %arg10[%add3A_473] : memref<7680xi32, #tpu.memory_space<vmem>>[vector<16xi32>], vector<16xi32>,
      tpu.vector_store_idx %arg17[%gather3A_474, %add3A_132], %gather3A_52 {add = true} : memref<20x384xf32, #tpu.memory_space<vmem>>[vector<16xi32>, vector<16xi32>], vector<16xf32>,
      %gather3A_475 = tpu.vector_load_idx %arg11[%add3A_473] : memref<7680xi32, #tpu.memory_space<vmem>>[vector<16xi32>], vector<16xi32>,
      %add3A_476 = arith.constant 6 : i32
      %add3A_477 = vector.broadcast %add3A_476 : i32 to vector<16xi32>
      %add3A_478 = arith.addi %gather3A_475, %add3A_477 : vector<16xi32>
      tpu.vector_store_idx %arg17[%add3A_478, %add3A_132], %gather3A_52 {add = true} : memref<20x384xf32, #tpu.memory_space<vmem>>[vector<16xi32>, vector<16xi32>], vector<16xf32>,
      %gather3A_479 = tpu.vector_load_idx %arg12[%add3A_473] : memref<7680xi32, #tpu.memory_space<vmem>>[vector<16xi32>], vector<16xi32>,
      %add3A_480 = arith.constant 11 : i32
      %add3A_481 = vector.broadcast %add3A_480 : i32 to vector<16xi32>
      %add3A_482 = arith.addi %gather3A_479, %add3A_481 : vector<16xi32>
      tpu.vector_store_idx %arg17[%add3A_482, %add3A_132], %gather3A_52 {add = true} : memref<20x384xf32, #tpu.memory_space<vmem>>[vector<16xi32>, vector<16xi32>], vector<16xf32>,
      %gather3A_483 = tpu.vector_load_idx %arg13[%add3A_473] : memref<7680xi32, #tpu.memory_space<vmem>>[vector<16xi32>], vector<16xi32>,
      %ne3A_484 = arith.constant 0 : i32
      %ne3A_485 = vector.broadcast %ne3A_484 : i32 to vector<16xi32>
      %ne3A_486 = arith.cmpi ne, %gather3A_483, %ne3A_485 : vector<16xi32>
      %convert_element_type3A_487 = arith.extui %ne3A_486 : vector<16xi1> to vector<16xi32>
      %add3A_488 = arith.constant 16 : i32
      %add3A_489 = vector.broadcast %add3A_488 : i32 to vector<16xi32>
      %add3A_490 = arith.addi %add3A_489, %convert_element_type3A_487 : vector<16xi32>
      tpu.vector_store_idx %arg17[%add3A_490, %add3A_132], %gather3A_52 {add = true} : memref<20x384xf32, #tpu.memory_space<vmem>>[vector<16xi32>, vector<16xi32>], vector<16xf32>,
      %gather3A_491 = tpu.vector_load_idx %arg14[%add3A_473] : memref<7680xf32, #tpu.memory_space<vmem>>[vector<16xi32>], vector<16xf32>,
      %mul3A_492 = arith.mulf %gather3A_491, %gather3A_52 : vector<16xf32>
      tpu.vector_store_idx %arg17[%broadcast_in_dim3A_4, %add3A_132], %mul3A_492 {add = true} : memref<20x384xf32, #tpu.memory_space<vmem>>[vector<16xi32>, vector<16xi32>], vector<16xf32>,
      %gather3A_493 = tpu.vector_load_idx %arg15[%add3A_473] : memref<7680xf32, #tpu.memory_space<vmem>>[vector<16xi32>], vector<16xf32>,
      %mul3A_494 = arith.mulf %gather3A_493, %gather3A_52 : vector<16xf32>
      tpu.vector_store_idx %arg17[%broadcast_in_dim3A_6, %add3A_132], %mul3A_494 {add = true} : memref<20x384xf32, #tpu.memory_space<vmem>>[vector<16xi32>, vector<16xi32>], vector<16xf32>,
      %add3A_495 = arith.constant 15 : i32
      %add3A_496 = vector.broadcast %add3A_495 : i32 to vector<16xi32>
      %add3A_497 = arith.addi %add3A_136, %add3A_496 : vector<16xi32>
      %gather3A_498 = tpu.vector_load_idx %arg10[%add3A_497] : memref<7680xi32, #tpu.memory_space<vmem>>[vector<16xi32>], vector<16xi32>,
      tpu.vector_store_idx %arg17[%gather3A_498, %add3A_132], %gather3A_55 {add = true} : memref<20x384xf32, #tpu.memory_space<vmem>>[vector<16xi32>, vector<16xi32>], vector<16xf32>,
      %gather3A_499 = tpu.vector_load_idx %arg11[%add3A_497] : memref<7680xi32, #tpu.memory_space<vmem>>[vector<16xi32>], vector<16xi32>,
      %add3A_500 = arith.constant 6 : i32
      %add3A_501 = vector.broadcast %add3A_500 : i32 to vector<16xi32>
      %add3A_502 = arith.addi %gather3A_499, %add3A_501 : vector<16xi32>
      tpu.vector_store_idx %arg17[%add3A_502, %add3A_132], %gather3A_55 {add = true} : memref<20x384xf32, #tpu.memory_space<vmem>>[vector<16xi32>, vector<16xi32>], vector<16xf32>,
      %gather3A_503 = tpu.vector_load_idx %arg12[%add3A_497] : memref<7680xi32, #tpu.memory_space<vmem>>[vector<16xi32>], vector<16xi32>,
      %add3A_504 = arith.constant 11 : i32
      %add3A_505 = vector.broadcast %add3A_504 : i32 to vector<16xi32>
      %add3A_506 = arith.addi %gather3A_503, %add3A_505 : vector<16xi32>
      tpu.vector_store_idx %arg17[%add3A_506, %add3A_132], %gather3A_55 {add = true} : memref<20x384xf32, #tpu.memory_space<vmem>>[vector<16xi32>, vector<16xi32>], vector<16xf32>,
      %gather3A_507 = tpu.vector_load_idx %arg13[%add3A_497] : memref<7680xi32, #tpu.memory_space<vmem>>[vector<16xi32>], vector<16xi32>,
      %ne3A_508 = arith.constant 0 : i32
      %ne3A_509 = vector.broadcast %ne3A_508 : i32 to vector<16xi32>
      %ne3A_510 = arith.cmpi ne, %gather3A_507, %ne3A_509 : vector<16xi32>
      %convert_element_type3A_511 = arith.extui %ne3A_510 : vector<16xi1> to vector<16xi32>
      %add3A_512 = arith.constant 16 : i32
      %add3A_513 = vector.broadcast %add3A_512 : i32 to vector<16xi32>
      %add3A_514 = arith.addi %add3A_513, %convert_element_type3A_511 : vector<16xi32>
      tpu.vector_store_idx %arg17[%add3A_514, %add3A_132], %gather3A_55 {add = true} : memref<20x384xf32, #tpu.memory_space<vmem>>[vector<16xi32>, vector<16xi32>], vector<16xf32>,
      %gather3A_515 = tpu.vector_load_idx %arg14[%add3A_497] : memref<7680xf32, #tpu.memory_space<vmem>>[vector<16xi32>], vector<16xf32>,
      %mul3A_516 = arith.mulf %gather3A_515, %gather3A_55 : vector<16xf32>
      tpu.vector_store_idx %arg17[%broadcast_in_dim3A_4, %add3A_132], %mul3A_516 {add = true} : memref<20x384xf32, #tpu.memory_space<vmem>>[vector<16xi32>, vector<16xi32>], vector<16xf32>,
      %gather3A_517 = tpu.vector_load_idx %arg15[%add3A_497] : memref<7680xf32, #tpu.memory_space<vmem>>[vector<16xi32>], vector<16xf32>,
      %mul3A_518 = arith.mulf %gather3A_517, %gather3A_55 : vector<16xf32>
      tpu.vector_store_idx %arg17[%broadcast_in_dim3A_6, %add3A_132], %mul3A_518 {add = true} : memref<20x384xf32, #tpu.memory_space<vmem>>[vector<16xi32>, vector<16xi32>], vector<16xf32>,
      %add3A_519 = arith.constant 16 : i32
      %add3A_520 = vector.broadcast %add3A_519 : i32 to vector<16xi32>
      %add3A_521 = arith.addi %add3A_136, %add3A_520 : vector<16xi32>
      %gather3A_522 = tpu.vector_load_idx %arg10[%add3A_521] : memref<7680xi32, #tpu.memory_space<vmem>>[vector<16xi32>], vector<16xi32>,
      tpu.vector_store_idx %arg17[%gather3A_522, %add3A_132], %gather3A_58 {add = true} : memref<20x384xf32, #tpu.memory_space<vmem>>[vector<16xi32>, vector<16xi32>], vector<16xf32>,
      %gather3A_523 = tpu.vector_load_idx %arg11[%add3A_521] : memref<7680xi32, #tpu.memory_space<vmem>>[vector<16xi32>], vector<16xi32>,
      %add3A_524 = arith.constant 6 : i32
      %add3A_525 = vector.broadcast %add3A_524 : i32 to vector<16xi32>
      %add3A_526 = arith.addi %gather3A_523, %add3A_525 : vector<16xi32>
      tpu.vector_store_idx %arg17[%add3A_526, %add3A_132], %gather3A_58 {add = true} : memref<20x384xf32, #tpu.memory_space<vmem>>[vector<16xi32>, vector<16xi32>], vector<16xf32>,
      %gather3A_527 = tpu.vector_load_idx %arg12[%add3A_521] : memref<7680xi32, #tpu.memory_space<vmem>>[vector<16xi32>], vector<16xi32>,
      %add3A_528 = arith.constant 11 : i32
      %add3A_529 = vector.broadcast %add3A_528 : i32 to vector<16xi32>
      %add3A_530 = arith.addi %gather3A_527, %add3A_529 : vector<16xi32>
      tpu.vector_store_idx %arg17[%add3A_530, %add3A_132], %gather3A_58 {add = true} : memref<20x384xf32, #tpu.memory_space<vmem>>[vector<16xi32>, vector<16xi32>], vector<16xf32>,
      %gather3A_531 = tpu.vector_load_idx %arg13[%add3A_521] : memref<7680xi32, #tpu.memory_space<vmem>>[vector<16xi32>], vector<16xi32>,
      %ne3A_532 = arith.constant 0 : i32
      %ne3A_533 = vector.broadcast %ne3A_532 : i32 to vector<16xi32>
      %ne3A_534 = arith.cmpi ne, %gather3A_531, %ne3A_533 : vector<16xi32>
      %convert_element_type3A_535 = arith.extui %ne3A_534 : vector<16xi1> to vector<16xi32>
      %add3A_536 = arith.constant 16 : i32
      %add3A_537 = vector.broadcast %add3A_536 : i32 to vector<16xi32>
      %add3A_538 = arith.addi %add3A_537, %convert_element_type3A_535 : vector<16xi32>
      tpu.vector_store_idx %arg17[%add3A_538, %add3A_132], %gather3A_58 {add = true} : memref<20x384xf32, #tpu.memory_space<vmem>>[vector<16xi32>, vector<16xi32>], vector<16xf32>,
      %gather3A_539 = tpu.vector_load_idx %arg14[%add3A_521] : memref<7680xf32, #tpu.memory_space<vmem>>[vector<16xi32>], vector<16xf32>,
      %mul3A_540 = arith.mulf %gather3A_539, %gather3A_58 : vector<16xf32>
      tpu.vector_store_idx %arg17[%broadcast_in_dim3A_4, %add3A_132], %mul3A_540 {add = true} : memref<20x384xf32, #tpu.memory_space<vmem>>[vector<16xi32>, vector<16xi32>], vector<16xf32>,
      %gather3A_541 = tpu.vector_load_idx %arg15[%add3A_521] : memref<7680xf32, #tpu.memory_space<vmem>>[vector<16xi32>], vector<16xf32>,
      %mul3A_542 = arith.mulf %gather3A_541, %gather3A_58 : vector<16xf32>
      tpu.vector_store_idx %arg17[%broadcast_in_dim3A_6, %add3A_132], %mul3A_542 {add = true} : memref<20x384xf32, #tpu.memory_space<vmem>>[vector<16xi32>, vector<16xi32>], vector<16xf32>,
      %add3A_543 = arith.constant 17 : i32
      %add3A_544 = vector.broadcast %add3A_543 : i32 to vector<16xi32>
      %add3A_545 = arith.addi %add3A_136, %add3A_544 : vector<16xi32>
      %gather3A_546 = tpu.vector_load_idx %arg10[%add3A_545] : memref<7680xi32, #tpu.memory_space<vmem>>[vector<16xi32>], vector<16xi32>,
      tpu.vector_store_idx %arg17[%gather3A_546, %add3A_132], %gather3A_61 {add = true} : memref<20x384xf32, #tpu.memory_space<vmem>>[vector<16xi32>, vector<16xi32>], vector<16xf32>,
      %gather3A_547 = tpu.vector_load_idx %arg11[%add3A_545] : memref<7680xi32, #tpu.memory_space<vmem>>[vector<16xi32>], vector<16xi32>,
      %add3A_548 = arith.constant 6 : i32
      %add3A_549 = vector.broadcast %add3A_548 : i32 to vector<16xi32>
      %add3A_550 = arith.addi %gather3A_547, %add3A_549 : vector<16xi32>
      tpu.vector_store_idx %arg17[%add3A_550, %add3A_132], %gather3A_61 {add = true} : memref<20x384xf32, #tpu.memory_space<vmem>>[vector<16xi32>, vector<16xi32>], vector<16xf32>,
      %gather3A_551 = tpu.vector_load_idx %arg12[%add3A_545] : memref<7680xi32, #tpu.memory_space<vmem>>[vector<16xi32>], vector<16xi32>,
      %add3A_552 = arith.constant 11 : i32
      %add3A_553 = vector.broadcast %add3A_552 : i32 to vector<16xi32>
      %add3A_554 = arith.addi %gather3A_551, %add3A_553 : vector<16xi32>
      tpu.vector_store_idx %arg17[%add3A_554, %add3A_132], %gather3A_61 {add = true} : memref<20x384xf32, #tpu.memory_space<vmem>>[vector<16xi32>, vector<16xi32>], vector<16xf32>,
      %gather3A_555 = tpu.vector_load_idx %arg13[%add3A_545] : memref<7680xi32, #tpu.memory_space<vmem>>[vector<16xi32>], vector<16xi32>,
      %ne3A_556 = arith.constant 0 : i32
      %ne3A_557 = vector.broadcast %ne3A_556 : i32 to vector<16xi32>
      %ne3A_558 = arith.cmpi ne, %gather3A_555, %ne3A_557 : vector<16xi32>
      %convert_element_type3A_559 = arith.extui %ne3A_558 : vector<16xi1> to vector<16xi32>
      %add3A_560 = arith.constant 16 : i32
      %add3A_561 = vector.broadcast %add3A_560 : i32 to vector<16xi32>
      %add3A_562 = arith.addi %add3A_561, %convert_element_type3A_559 : vector<16xi32>
      tpu.vector_store_idx %arg17[%add3A_562, %add3A_132], %gather3A_61 {add = true} : memref<20x384xf32, #tpu.memory_space<vmem>>[vector<16xi32>, vector<16xi32>], vector<16xf32>,
      %gather3A_563 = tpu.vector_load_idx %arg14[%add3A_545] : memref<7680xf32, #tpu.memory_space<vmem>>[vector<16xi32>], vector<16xf32>,
      %mul3A_564 = arith.mulf %gather3A_563, %gather3A_61 : vector<16xf32>
      tpu.vector_store_idx %arg17[%broadcast_in_dim3A_4, %add3A_132], %mul3A_564 {add = true} : memref<20x384xf32, #tpu.memory_space<vmem>>[vector<16xi32>, vector<16xi32>], vector<16xf32>,
      %gather3A_565 = tpu.vector_load_idx %arg15[%add3A_545] : memref<7680xf32, #tpu.memory_space<vmem>>[vector<16xi32>], vector<16xf32>,
      %mul3A_566 = arith.mulf %gather3A_565, %gather3A_61 : vector<16xf32>
      tpu.vector_store_idx %arg17[%broadcast_in_dim3A_6, %add3A_132], %mul3A_566 {add = true} : memref<20x384xf32, #tpu.memory_space<vmem>>[vector<16xi32>, vector<16xi32>], vector<16xf32>,
      %add3A_567 = arith.constant 18 : i32
      %add3A_568 = vector.broadcast %add3A_567 : i32 to vector<16xi32>
      %add3A_569 = arith.addi %add3A_136, %add3A_568 : vector<16xi32>
      %gather3A_570 = tpu.vector_load_idx %arg10[%add3A_569] : memref<7680xi32, #tpu.memory_space<vmem>>[vector<16xi32>], vector<16xi32>,
      tpu.vector_store_idx %arg17[%gather3A_570, %add3A_132], %gather3A_64 {add = true} : memref<20x384xf32, #tpu.memory_space<vmem>>[vector<16xi32>, vector<16xi32>], vector<16xf32>,
      %gather3A_571 = tpu.vector_load_idx %arg11[%add3A_569] : memref<7680xi32, #tpu.memory_space<vmem>>[vector<16xi32>], vector<16xi32>,
      %add3A_572 = arith.constant 6 : i32
      %add3A_573 = vector.broadcast %add3A_572 : i32 to vector<16xi32>
      %add3A_574 = arith.addi %gather3A_571, %add3A_573 : vector<16xi32>
      tpu.vector_store_idx %arg17[%add3A_574, %add3A_132], %gather3A_64 {add = true} : memref<20x384xf32, #tpu.memory_space<vmem>>[vector<16xi32>, vector<16xi32>], vector<16xf32>,
      %gather3A_575 = tpu.vector_load_idx %arg12[%add3A_569] : memref<7680xi32, #tpu.memory_space<vmem>>[vector<16xi32>], vector<16xi32>,
      %add3A_576 = arith.constant 11 : i32
      %add3A_577 = vector.broadcast %add3A_576 : i32 to vector<16xi32>
      %add3A_578 = arith.addi %gather3A_575, %add3A_577 : vector<16xi32>
      tpu.vector_store_idx %arg17[%add3A_578, %add3A_132], %gather3A_64 {add = true} : memref<20x384xf32, #tpu.memory_space<vmem>>[vector<16xi32>, vector<16xi32>], vector<16xf32>,
      %gather3A_579 = tpu.vector_load_idx %arg13[%add3A_569] : memref<7680xi32, #tpu.memory_space<vmem>>[vector<16xi32>], vector<16xi32>,
      %ne3A_580 = arith.constant 0 : i32
      %ne3A_581 = vector.broadcast %ne3A_580 : i32 to vector<16xi32>
      %ne3A_582 = arith.cmpi ne, %gather3A_579, %ne3A_581 : vector<16xi32>
      %convert_element_type3A_583 = arith.extui %ne3A_582 : vector<16xi1> to vector<16xi32>
      %add3A_584 = arith.constant 16 : i32
      %add3A_585 = vector.broadcast %add3A_584 : i32 to vector<16xi32>
      %add3A_586 = arith.addi %add3A_585, %convert_element_type3A_583 : vector<16xi32>
      tpu.vector_store_idx %arg17[%add3A_586, %add3A_132], %gather3A_64 {add = true} : memref<20x384xf32, #tpu.memory_space<vmem>>[vector<16xi32>, vector<16xi32>], vector<16xf32>,
      %gather3A_587 = tpu.vector_load_idx %arg14[%add3A_569] : memref<7680xf32, #tpu.memory_space<vmem>>[vector<16xi32>], vector<16xf32>,
      %mul3A_588 = arith.mulf %gather3A_587, %gather3A_64 : vector<16xf32>
      tpu.vector_store_idx %arg17[%broadcast_in_dim3A_4, %add3A_132], %mul3A_588 {add = true} : memref<20x384xf32, #tpu.memory_space<vmem>>[vector<16xi32>, vector<16xi32>], vector<16xf32>,
      %gather3A_589 = tpu.vector_load_idx %arg15[%add3A_569] : memref<7680xf32, #tpu.memory_space<vmem>>[vector<16xi32>], vector<16xf32>,
      %mul3A_590 = arith.mulf %gather3A_589, %gather3A_64 : vector<16xf32>
      tpu.vector_store_idx %arg17[%broadcast_in_dim3A_6, %add3A_132], %mul3A_590 {add = true} : memref<20x384xf32, #tpu.memory_space<vmem>>[vector<16xi32>, vector<16xi32>], vector<16xf32>,
      %add3A_591 = arith.constant 19 : i32
      %add3A_592 = vector.broadcast %add3A_591 : i32 to vector<16xi32>
      %add3A_593 = arith.addi %add3A_136, %add3A_592 : vector<16xi32>
      %gather3A_594 = tpu.vector_load_idx %arg10[%add3A_593] : memref<7680xi32, #tpu.memory_space<vmem>>[vector<16xi32>], vector<16xi32>,
      tpu.vector_store_idx %arg17[%gather3A_594, %add3A_132], %gather3A_67 {add = true} : memref<20x384xf32, #tpu.memory_space<vmem>>[vector<16xi32>, vector<16xi32>], vector<16xf32>,
      %gather3A_595 = tpu.vector_load_idx %arg11[%add3A_593] : memref<7680xi32, #tpu.memory_space<vmem>>[vector<16xi32>], vector<16xi32>,
      %add3A_596 = arith.constant 6 : i32
      %add3A_597 = vector.broadcast %add3A_596 : i32 to vector<16xi32>
      %add3A_598 = arith.addi %gather3A_595, %add3A_597 : vector<16xi32>
      tpu.vector_store_idx %arg17[%add3A_598, %add3A_132], %gather3A_67 {add = true} : memref<20x384xf32, #tpu.memory_space<vmem>>[vector<16xi32>, vector<16xi32>], vector<16xf32>,
      %gather3A_599 = tpu.vector_load_idx %arg12[%add3A_593] : memref<7680xi32, #tpu.memory_space<vmem>>[vector<16xi32>], vector<16xi32>,
      %add3A_600 = arith.constant 11 : i32
      %add3A_601 = vector.broadcast %add3A_600 : i32 to vector<16xi32>
      %add3A_602 = arith.addi %gather3A_599, %add3A_601 : vector<16xi32>
      tpu.vector_store_idx %arg17[%add3A_602, %add3A_132], %gather3A_67 {add = true} : memref<20x384xf32, #tpu.memory_space<vmem>>[vector<16xi32>, vector<16xi32>], vector<16xf32>,
      %gather3A_603 = tpu.vector_load_idx %arg13[%add3A_593] : memref<7680xi32, #tpu.memory_space<vmem>>[vector<16xi32>], vector<16xi32>,
      %ne3A_604 = arith.constant 0 : i32
      %ne3A_605 = vector.broadcast %ne3A_604 : i32 to vector<16xi32>
      %ne3A_606 = arith.cmpi ne, %gather3A_603, %ne3A_605 : vector<16xi32>
      %convert_element_type3A_607 = arith.extui %ne3A_606 : vector<16xi1> to vector<16xi32>
      %add3A_608 = arith.constant 16 : i32
      %add3A_609 = vector.broadcast %add3A_608 : i32 to vector<16xi32>
      %add3A_610 = arith.addi %add3A_609, %convert_element_type3A_607 : vector<16xi32>
      tpu.vector_store_idx %arg17[%add3A_610, %add3A_132], %gather3A_67 {add = true} : memref<20x384xf32, #tpu.memory_space<vmem>>[vector<16xi32>, vector<16xi32>], vector<16xf32>,
      %gather3A_611 = tpu.vector_load_idx %arg14[%add3A_593] : memref<7680xf32, #tpu.memory_space<vmem>>[vector<16xi32>], vector<16xf32>,
      %mul3A_612 = arith.mulf %gather3A_611, %gather3A_67 : vector<16xf32>
      tpu.vector_store_idx %arg17[%broadcast_in_dim3A_4, %add3A_132], %mul3A_612 {add = true} : memref<20x384xf32, #tpu.memory_space<vmem>>[vector<16xi32>, vector<16xi32>], vector<16xf32>,
      %gather3A_613 = tpu.vector_load_idx %arg15[%add3A_593] : memref<7680xf32, #tpu.memory_space<vmem>>[vector<16xi32>], vector<16xf32>,
      %mul3A_614 = arith.mulf %gather3A_613, %gather3A_67 : vector<16xf32>
      tpu.vector_store_idx %arg17[%broadcast_in_dim3A_6, %add3A_132], %mul3A_614 {add = true} : memref<20x384xf32, #tpu.memory_space<vmem>>[vector<16xi32>, vector<16xi32>], vector<16xf32>,
      %scan3A_615 = arith.constant 0 : i32
      scf.yield %scan3A_615 : i32
    }
    %scan3A_126 = arith.constant 24 : i32
    "tpu.region"() ({
      %run_scoped3A = tpu.sem_alloc : memref<!tpu.dma_semaphore, #tpu.memory_space<semaphore_mem>>
      %dma_start3A = arith.constant 0 : i32
      %dma_start3A_127 = tpu.memref_slice %arg9[%dma_start3A, %add3A_110] : memref<20x36864xf32, #tpu.memory_space<hbm>> -> memref<20x384xf32, #tpu.memory_space<hbm>>
      %dma_start3A_128 = arith.constant 0 : i32
      %dma_start3A_129 = tpu.memref_slice %arg9[%dma_start3A_128, %add3A_110] : memref<20x36864xf32, #tpu.memory_space<hbm>> -> memref<20x384xf32, #tpu.memory_space<hbm>>
      tpu.enqueue_dma source(%arg17 : memref<20x384xf32, #tpu.memory_space<vmem>>) target(%dma_start3A_129 : memref<20x384xf32, #tpu.memory_space<hbm>>) target_semaphore(%run_scoped3A : memref<!tpu.dma_semaphore, #tpu.memory_space<semaphore_mem>>)
      %dma_wait3A = arith.constant 0 : i32
      %dma_wait3A_130 = tpu.memref_slice %arg9[%dma_wait3A, %add3A_110] : memref<20x36864xf32, #tpu.memory_space<hbm>> -> memref<20x384xf32, #tpu.memory_space<hbm>>
      %dma_wait3A_131 = arith.constant 0 : i32
      %dma_wait3A_132 = tpu.memref_slice %arg9[%dma_wait3A_131, %add3A_110] : memref<20x36864xf32, #tpu.memory_space<hbm>> -> memref<20x384xf32, #tpu.memory_space<hbm>>
      tpu.wait_dma2 semaphore(%run_scoped3A : memref<!tpu.dma_semaphore, #tpu.memory_space<semaphore_mem>>) src(%arg17 : memref<20x384xf32, #tpu.memory_space<vmem>>) dst(%dma_wait3A_132 : memref<20x384xf32, #tpu.memory_space<hbm>>)
      tpu.yield
    }) : () -> ()
    return
  }
}

module attributes {stable_mosaic.version = 14 : i64} {
  func.func @_tc_body(%arg0: i32, %arg1: memref<128x20xf32, #tpu.memory_space<vmem>>, %arg2: memref<20x2304xf32, #tpu.memory_space<vmem>>, %arg3: memref<1x1x2304xf32, #tpu.memory_space<vmem>>, %arg4: memref<8xf32, #tpu.memory_space<smem>>, %arg5: memref<1x32x2304xf32, #tpu.memory_space<vmem>>) attributes {dimension_semantics = [#tpu.dimension_semantics<arbitrary>], iteration_bounds = array<i64: 16>, scalar_prefetch = 0 : i64, scratch_operands = 0 : i64, tpu.core_type = #tpu.core_type<tc>, window_params = [{pipeline_mode = #tpu.pipeline_mode<synchronous>, transform_indices = @transform_0, window_bounds = array<i64: 128, 20>}, {transform_indices = @transform_1, window_bounds = array<i64: 20, 2304>}, {transform_indices = @transform_2, window_bounds = array<i64: 1, 1, 2304>}, {transform_indices = @transform_3, window_bounds = array<i64: 8>}, {transform_indices = @transform_4, window_bounds = array<i64: 1, 32, 2304>}]} {
    %get3A = arith.constant 0 : index
    %get3A_0 = memref.load %arg4[%get3A] : memref<8xf32, #tpu.memory_space<smem>>
    %get3A_1 = arith.constant 1 : index
    %get3A_2 = memref.load %arg4[%get3A_1] : memref<8xf32, #tpu.memory_space<smem>>
    %get3A_3 = arith.constant 0 : index
    %get3A_4 = arith.constant 0 : index
    %get3A_5 = vector.load %arg1[%get3A_3, %get3A_4] : memref<128x20xf32, #tpu.memory_space<vmem>>, vector<128x20xf32>
    %get3A_6 = arith.constant 0 : index
    %get3A_7 = arith.constant 0 : index
    %get3A_8 = vector.load %arg2[%get3A_6, %get3A_7] : memref<20x2304xf32, #tpu.memory_space<vmem>>, vector<20x2304xf32>
    %dot_general3A = arith.constant dense<0.000000e+00> : vector<128x2304xf32>
    %dot_general3A_9 = tpu.matmul %get3A_5, %get3A_8, %dot_general3A {dimension_numbers = #tpu.dot_dimension_numbers<[1], [0], [0], [1], [0, 0, 1, 1], [], []>, precision = #tpu.contract_precision<fp32>, transpose_lhs_hint = false} : vector<128x20xf32>, vector<20x2304xf32>, vector<128x2304xf32> -> vector<128x2304xf32>
    %slice3A = vector.extract_strided_slice %dot_general3A_9 {offsets = [0, 0], sizes = [32, 2304], strides = [1, 1]} : vector<128x2304xf32> to vector<32x2304xf32>
    %add3A = vector.broadcast %get3A_0 : f32 to vector<32x2304xf32>
    %add3A_10 = arith.addf %slice3A, %add3A : vector<32x2304xf32>
    %convert_element_type3A = arith.truncf %add3A_10 : vector<32x2304xf32> to vector<32x2304xbf16>
    %convert_element_type3A_11 = arith.extf %convert_element_type3A : vector<32x2304xbf16> to vector<32x2304xf32>
    %get3A_12 = arith.constant 2 : index
    %get3A_13 = memref.load %arg4[%get3A_12] : memref<8xf32, #tpu.memory_space<smem>>
    %mul3A = vector.broadcast %get3A_13 : f32 to vector<32x2304xf32>
    %mul3A_14 = arith.mulf %convert_element_type3A_11, %mul3A : vector<32x2304xf32>
    %slice3A_15 = vector.extract_strided_slice %dot_general3A_9 {offsets = [32, 0], sizes = [32, 2304], strides = [1, 1]} : vector<128x2304xf32> to vector<32x2304xf32>
    %add3A_16 = vector.broadcast %get3A_0 : f32 to vector<32x2304xf32>
    %add3A_17 = arith.addf %slice3A_15, %add3A_16 : vector<32x2304xf32>
    %convert_element_type3A_18 = arith.truncf %add3A_17 : vector<32x2304xf32> to vector<32x2304xbf16>
    %convert_element_type3A_19 = arith.extf %convert_element_type3A_18 : vector<32x2304xbf16> to vector<32x2304xf32>
    %get3A_20 = arith.constant 3 : index
    %get3A_21 = memref.load %arg4[%get3A_20] : memref<8xf32, #tpu.memory_space<smem>>
    %mul3A_22 = vector.broadcast %get3A_21 : f32 to vector<32x2304xf32>
    %mul3A_23 = arith.mulf %convert_element_type3A_19, %mul3A_22 : vector<32x2304xf32>
    %add3A_24 = arith.addf %mul3A_14, %mul3A_23 : vector<32x2304xf32>
    %slice3A_25 = vector.extract_strided_slice %dot_general3A_9 {offsets = [64, 0], sizes = [32, 2304], strides = [1, 1]} : vector<128x2304xf32> to vector<32x2304xf32>
    %add3A_26 = vector.broadcast %get3A_0 : f32 to vector<32x2304xf32>
    %add3A_27 = arith.addf %slice3A_25, %add3A_26 : vector<32x2304xf32>
    %convert_element_type3A_28 = arith.truncf %add3A_27 : vector<32x2304xf32> to vector<32x2304xbf16>
    %convert_element_type3A_29 = arith.extf %convert_element_type3A_28 : vector<32x2304xbf16> to vector<32x2304xf32>
    %get3A_30 = arith.constant 4 : index
    %get3A_31 = memref.load %arg4[%get3A_30] : memref<8xf32, #tpu.memory_space<smem>>
    %mul3A_32 = vector.broadcast %get3A_31 : f32 to vector<32x2304xf32>
    %mul3A_33 = arith.mulf %convert_element_type3A_29, %mul3A_32 : vector<32x2304xf32>
    %add3A_34 = arith.addf %add3A_24, %mul3A_33 : vector<32x2304xf32>
    %get3A_35 = arith.constant 18 : index
    %get3A_36 = arith.constant 0 : index
    %get3A_37 = vector.load %arg2[%get3A_35, %get3A_36] : memref<20x2304xf32, #tpu.memory_space<vmem>>, vector<1x2304xf32>
    %add3A_38 = vector.broadcast %get3A_0 : f32 to vector<1x2304xf32>
    %add3A_39 = arith.addf %get3A_37, %add3A_38 : vector<1x2304xf32>
    %convert_element_type3A_40 = arith.truncf %add3A_39 : vector<1x2304xf32> to vector<1x2304xbf16>
    %convert_element_type3A_41 = arith.extf %convert_element_type3A_40 : vector<1x2304xbf16> to vector<1x2304xf32>
    %get3A_42 = arith.constant 5 : index
    %get3A_43 = memref.load %arg4[%get3A_42] : memref<8xf32, #tpu.memory_space<smem>>
    %mul3A_44 = vector.broadcast %get3A_43 : f32 to vector<1x2304xf32>
    %mul3A_45 = arith.mulf %convert_element_type3A_41, %mul3A_44 : vector<1x2304xf32>
    %add3A_46 = vector.broadcast %mul3A_45 : vector<1x2304xf32> to vector<32x2304xf32>
    %add3A_47 = arith.addf %add3A_34, %add3A_46 : vector<32x2304xf32>
    %slice3A_48 = vector.extract_strided_slice %dot_general3A_9 {offsets = [96, 0], sizes = [32, 2304], strides = [1, 1]} : vector<128x2304xf32> to vector<32x2304xf32>
    %add3A_49 = vector.broadcast %get3A_0 : f32 to vector<32x2304xf32>
    %add3A_50 = arith.addf %slice3A_48, %add3A_49 : vector<32x2304xf32>
    %convert_element_type3A_51 = arith.truncf %add3A_50 : vector<32x2304xf32> to vector<32x2304xbf16>
    %convert_element_type3A_52 = arith.extf %convert_element_type3A_51 : vector<32x2304xbf16> to vector<32x2304xf32>
    %get3A_53 = arith.constant 6 : index
    %get3A_54 = memref.load %arg4[%get3A_53] : memref<8xf32, #tpu.memory_space<smem>>
    %mul3A_55 = vector.broadcast %get3A_54 : f32 to vector<32x2304xf32>
    %mul3A_56 = arith.mulf %convert_element_type3A_52, %mul3A_55 : vector<32x2304xf32>
    %add3A_57 = arith.addf %add3A_47, %mul3A_56 : vector<32x2304xf32>
    %get3A_58 = arith.constant 19 : index
    %get3A_59 = arith.constant 0 : index
    %get3A_60 = vector.load %arg2[%get3A_58, %get3A_59] : memref<20x2304xf32, #tpu.memory_space<vmem>>, vector<1x2304xf32>
    %add3A_61 = vector.broadcast %get3A_0 : f32 to vector<1x2304xf32>
    %add3A_62 = arith.addf %get3A_60, %add3A_61 : vector<1x2304xf32>
    %convert_element_type3A_63 = arith.truncf %add3A_62 : vector<1x2304xf32> to vector<1x2304xbf16>
    %convert_element_type3A_64 = arith.extf %convert_element_type3A_63 : vector<1x2304xbf16> to vector<1x2304xf32>
    %get3A_65 = arith.constant 7 : index
    %get3A_66 = memref.load %arg4[%get3A_65] : memref<8xf32, #tpu.memory_space<smem>>
    %mul3A_67 = vector.broadcast %get3A_66 : f32 to vector<1x2304xf32>
    %mul3A_68 = arith.mulf %convert_element_type3A_64, %mul3A_67 : vector<1x2304xf32>
    %add3A_69 = vector.broadcast %mul3A_68 : vector<1x2304xf32> to vector<32x2304xf32>
    %add3A_70 = arith.addf %add3A_57, %add3A_69 : vector<32x2304xf32>
    %add3A_71 = vector.broadcast %get3A_2 : f32 to vector<32x2304xf32>
    %add3A_72 = arith.addf %add3A_70, %add3A_71 : vector<32x2304xf32>
    %ge3A = arith.constant 0.000000e+00 : f32
    %ge3A_73 = vector.broadcast %ge3A : f32 to vector<32x2304xf32>
    %ge3A_74 = arith.cmpf oge, %add3A_72, %ge3A_73 : vector<32x2304xf32>
    %mul3A_75 = arith.constant 0.00999999977 : f32
    %mul3A_76 = vector.broadcast %mul3A_75 : f32 to vector<32x2304xf32>
    %mul3A_77 = arith.mulf %mul3A_76, %add3A_72 : vector<32x2304xf32>
    %select_n3A = arith.select %ge3A_74, %add3A_72, %mul3A_77 : vector<32x2304xi1>, vector<32x2304xf32>
    %get3A_78 = arith.constant 0 : index
    %get3A_79 = arith.constant 0 : index
    %get3A_80 = arith.constant 0 : index
    %get3A_81 = vector.load %arg3[%get3A_78, %get3A_79, %get3A_80] : memref<1x1x2304xf32, #tpu.memory_space<vmem>>, vector<1x1x2304xf32>
    %get3A_82 = vector.shape_cast %get3A_81 : vector<1x1x2304xf32> to vector<1x2304xf32>
    %mul3A_83 = vector.broadcast %get3A_82 : vector<1x2304xf32> to vector<32x2304xf32>
    %mul3A_84 = arith.mulf %select_n3A, %mul3A_83 : vector<32x2304xf32>
    %swap3A = arith.constant 0 : index
    %swap3A_85 = arith.constant 0 : index
    %swap3A_86 = arith.constant 0 : index
    %swap3A_87 = vector.load %arg5[%swap3A, %swap3A_85, %swap3A_86] : memref<1x32x2304xf32, #tpu.memory_space<vmem>>, vector<1x32x2304xf32>
    %swap3A_88 = vector.shape_cast %swap3A_87 : vector<1x32x2304xf32> to vector<32x2304xf32>
    %swap3A_89 = vector.shape_cast %mul3A_84 : vector<32x2304xf32> to vector<1x32x2304xf32>
    tpu.vector_store %arg5[%swap3A, %swap3A_85, %swap3A_86], %swap3A_89 {strides = array<i32>} : memref<1x32x2304xf32, #tpu.memory_space<vmem>>, vector<1x32x2304xf32>,
    return
  }
  func.func @transform_0(%arg0: i32) -> (i32, i32) {
    %c0_i32 = arith.constant 0 : i32
    %c0_i32_0 = arith.constant 0 : i32
    %c0_i32_1 = arith.constant 0 : i32
    return %c0_i32, %c0_i32_0 : i32, i32
  }
  func.func @transform_1(%arg0: i32) -> (i32, i32) {
    %c0_i32 = arith.constant 0 : i32
    %c0_i32_0 = arith.constant 0 : i32
    return %c0_i32, %arg0 : i32, i32
  }
  func.func @transform_2(%arg0: i32) -> (i32, i32, i32) {
    %c0_i32 = arith.constant 0 : i32
    %c0_i32_0 = arith.constant 0 : i32
    %c0_i32_1 = arith.constant 0 : i32
    return %arg0, %c0_i32, %c0_i32_0 : i32, i32, i32
  }
  func.func @transform_3(%arg0: i32) -> i32 {
    %c0_i32 = arith.constant 0 : i32
    %c0_i32_0 = arith.constant 0 : i32
    return %c0_i32 : i32
  }
  func.func @transform_4(%arg0: i32) -> (i32, i32, i32) {
    %c0_i32 = arith.constant 0 : i32
    %c0_i32_0 = arith.constant 0 : i32
    %c0_i32_1 = arith.constant 0 : i32
    return %arg0, %c0_i32, %c0_i32_0 : i32, i32, i32
  }
}

</mosaic_0001>

<sc_bundles>
// kernel: kernel.4.cloned.1.call-start
scs
__scs_entry_jumppad:
0x0: {  	(pc) =	sbr.rel $0x88, $3  }
0x1: {  	(tag) =	ssettag $0x0;
	lr =	simm.s32 $0x1  }
0x2: {  	[smem:$0x3F92] =	sst lr;
	_ =	strace $0xD0000000  }
0x3: {  	_ = 	snop  }
0x4: {  	_ = 	snop  }
0x5: {  	_ = 	snop  }
0x6: {  	_ = 	snop  }
0x7: {  	_ = 	snop  }
__scs_overlays_trampoline_lowered:
0x8: {  	[smem:$0x3FA1] =	sst s0  }
0x9: {  	[smem:$0x3FA2] =	sst s1  }
0xa: {  	[smem:$0x3FA3] =	sst s2  }
0xb: {  	[smem:$0x3FA4] =	sst s3  }
0xc: {  	[smem:$0x3FA5] =	sst s4  }
0xd: {  	[smem:$0x3FA6] =	sst s5  }
0xe: {  	[smem:$0x3FA7] =	sst s6  }
0xf: {  	[smem:$0x3FA8] =	sst s7  }
0x10: {  	[smem:$0x3FA9] =	sst s8  }
0x11: {  	[smem:$0x3FAA] =	sst s9;
	s0 =	simm.s32 @!p0 $0x0  }
0x12: {  	s1 =	sld [smem:$0x3F90];
	s0 =	simm.s32 @p0 $0x1  }
0x13: {  	[smem:$0x3FAB] =	sst s0;
	s0 =	simm.s32 @!p1 $0x0  }
0x14: {  	s2 =	sld [smem:$0x3F8F];
	s0 =	simm.s32 @p1 $0x1  }
0x15: {  	[smem:$0x3FAC] =	sst s0;
	s0 =	simm.s32 @!p2 $0x0  }
0x16: {  	s3 =	sld [smem:$0x3FDB];
	s0 =	simm.s32 @p2 $0x1  }
0x17: {  	s4 =	simm.s32 $0x1BF5;
	[smem:$0x3FAE] =	sst s0  }
0x18: {  	s0 =	sld [smem:$0x3F91];
	_ =	swait.ge [sflag:s4], $0x0  }
0x19: {  	s7 =	sld [smem:$0x3F92]  }
0x1a: {  	s8 =	sadd.s32 $0xFFFFE003, lr  }
0x1b: {  	s9 =	sadd.s32 $0xFFFFFEF7, lr;
	s5 =	simm.s32 $0xFFFFFFFF;
	p2 =	slt.u32 s8, $0xFFFFF086  }
0x1c: {  	p1 =	slt.u32 s9, $0xF7A;
	s5 =	simm.s32 @!p2 $0x0  }
0x1d: {  	s5 =	simm.s32 @p1 $0x1;
	p0 =	seq.s32 s7, s2  }
0x1e: {  	s7 =	smul.u32 @!p0 $0xF7A, s2;
	p2 =	seq.s32 @!p0 s5, $0x0  }
0x1f: {  	s9 =	smul.u32 $0xF7A, s1;
	s8 =	simm.s32 @!p0 $0x1BF5;
	p2 =	por !p2, p0  }
0x20: {  	[sflag:s8] =	ssyncset.s32 @!p0 $0xFFFFF086;
	s6 =	sadd.s32 @!p0 s3, s7;
	s7 =	simm.s32 @!p0 $0x108  }
0x21: {  	s3 =	sadd.s32 s3, s9;
	s6 =	sadd.s32 @!p0 $0x88, s6;
	s7 =	simm.s32 @p2 $0x1082  }
0x22: {  	[simem:s7], [sflag:s8] =	dma.local @!p0 [hbm:s6], $0xF7A  }
0x23: {  	s9 =	sor.u32 $0xD0000000, s2;
	s6 =	simm.s32 $0x108;
	_ =	swait.ge @!p0 [sflag:s8], $0x0  }
0x24: {  	s3 =	sadd.s32 $0x88, s3;
	s6 =	simm.s32 @!p1 $0x1082;
	[sflag:s4] =	ssyncset.s32 $0xFFFFF086  }
0x25: {  	[simem:s6], [sflag:s4] =	dma.local [hbm:s3], $0xF7A  }
0x26: {  	[smem:$0x3F92] =	sst s1;
	(tag) =	ssettag s2;
	_ =	strace s9  }
0x27: {  	s1 =	sld [smem:$0x3FA2]  }
0x28: {  	s2 =	sld [smem:$0x3FA3]  }
0x29: {  	s4 =	sld [smem:$0x3FA5]  }
0x2a: {  	p0 =	seq.s32 s5, $0x0;
	s5 =	sld [smem:$0x3FA6]  }
0x2b: {  	s6 =	sld [smem:$0x3FA7]  }
0x2c: {  	s7 =	sld [smem:$0x3FA8]  }
0x2d: {  	s3 =	simm.s32 $0x108;
	s8 =	sld [smem:$0x3FA9]  }
0x2e: {  	s3 =	simm.s32 @!p0 $0x1082;
	s9 =	sld [smem:$0x3FAA]  }
0x2f: {  	lr =	sadd.s32 s0, s3;
	s0 =	sld [smem:$0x3FA1]  }
0x30: {  	s3 =	sld [smem:$0x3FA4]  }
0x31: {  	[smem:$0x3FAD] =	sst s10  }
0x32: {  	s10 =	sld [smem:$0x3FAB];
	_ =	sdelay $0x3  }
0x33: {  	p0 =	seq.s32 s10, $0x1;
	s10 =	sld [smem:$0x3FAD];
	_ =	sdelay $0x3  }
0x34: {  	[smem:$0x3FAD] =	sst s10  }
0x35: {  	s10 =	sld [smem:$0x3FAC];
	_ =	sdelay $0x3  }
0x36: {  	p1 =	seq.s32 s10, $0x1;
	s10 =	sld [smem:$0x3FAD];
	_ =	sdelay $0x3  }
0x37: {  	[smem:$0x3FAD] =	sst s10  }
0x38: {  	s10 =	sld [smem:$0x3FAE]  }
0x39: {  	_ = 	snop;
	(pc) =	sbr.ind lr, $3  }
0x3a: {  	_ = 	snop  }
0x3b: {  	_ = 	snop  }
0x3c: {  	p2 =	seq.s32 s10, $0x1;
	s10 =	sld [smem:$0x3FAD]  }
0x3d: {  	_ =	shalt  }
0x3e: {  	_ =	shalt  }
0x3f: {  	_ =	shalt  }
0x40: {  	_ =	shalt  }
0x41: {  	_ =	shalt  }
0x42: {  	_ =	shalt  }
0x43: {  	_ =	shalt  }
0x44: {  	_ =	shalt  }
0x45: {  	_ =	shalt  }
0x46: {  	_ =	shalt  }
0x47: {  	_ =	shalt  }
0x48: {  	_ =	shalt  }
0x49: {  	_ =	shalt  }
0x4a: {  	_ =	shalt  }
0x4b: {  	_ =	shalt  }
0x4c: {  	_ =	shalt  }
0x4d: {  	_ =	shalt  }
0x4e: {  	_ =	shalt  }
0x4f: {  	_ =	shalt  }
0x50: {  	_ =	shalt  }
0x51: {  	_ =	shalt  }
0x52: {  	_ =	shalt  }
0x53: {  	_ =	shalt  }
0x54: {  	_ =	shalt  }
0x55: {  	_ =	shalt  }
0x56: {  	_ =	shalt  }
0x57: {  	_ =	shalt  }
0x58: {  	_ =	shalt  }
0x59: {  	_ =	shalt  }
0x5a: {  	_ =	shalt  }
0x5b: {  	_ =	shalt  }
0x5c: {  	_ =	shalt  }
0x5d: {  	_ =	shalt  }
0x5e: {  	_ =	shalt  }
0x5f: {  	_ =	shalt  }
0x60: {  	_ =	shalt  }
0x61: {  	_ =	shalt  }
0x62: {  	_ =	shalt  }
0x63: {  	_ =	shalt  }
0x64: {  	_ =	shalt  }
0x65: {  	_ =	shalt  }
0x66: {  	_ =	shalt  }
0x67: {  	_ =	shalt  }
0x68: {  	_ =	shalt  }
0x69: {  	_ =	shalt  }
0x6a: {  	_ =	shalt  }
0x6b: {  	_ =	shalt  }
0x6c: {  	_ =	shalt  }
0x6d: {  	_ =	shalt  }
0x6e: {  	_ =	shalt  }
0x6f: {  	_ =	shalt  }
0x70: {  	_ =	shalt  }
0x71: {  	_ =	shalt  }
0x72: {  	_ =	shalt  }
0x73: {  	_ =	shalt  }
0x74: {  	_ =	shalt  }
0x75: {  	_ =	shalt  }
0x76: {  	_ =	shalt  }
0x77: {  	_ =	shalt  }
0x78: {  	_ =	shalt  }
0x79: {  	_ =	shalt  }
0x7a: {  	_ =	shalt  }
0x7b: {  	_ =	shalt  }
0x7c: {  	_ =	shalt  }
0x7d: {  	_ =	shalt  }
0x7e: {  	_ =	shalt  }
0x7f: {  	_ =	shalt  }
0x80: {  	_ =	shalt  }
0x81: {  	_ =	shalt  }
0x82: {  	_ =	shalt  }
0x83: {  	_ =	shalt  }
0x84: {  	_ =	shalt  }
0x85: {  	_ =	shalt  }
0x86: {  	_ =	shalt  }
0x87: {  	_ =	shalt  }
.Lfunc_end0:
.L_simem_size_0:
called_computation_lowered:
.L_overlay_start_0:
0x88: {  	s2 =	sld [smem:$0x3FD9]  }
0x89: {  	s3 =	sld [smem:$0x3FFE];
	_ =	sdelay $0x1  }
0x8a: {  	s1 =	srdreg.scid  }
0x8b: {  	s0 =	sand.u32 $0x1, s1  }
0x8c: {  	s17 =	sshll.u32 s0, $0xA;
	s2 =	sadd.s32 s3, s2  }
0x8d: {  	s2 =	sadd.s32 s2, s17  }
0x8e: {  	[smem:$0x3FB9] =	sst s2  }
0x8f: {  	_ = 	snop  }
0x90: {  	s2 =	sld [smem:$0x3FD0];
	(tm) =	ssettm $0x1  }
0x91: {  	s18 =	sld [smem:$0x3FFB];
	_ =	sdelay $0x3  }
0x92: {  	_ =	strace s18  }
0x93: {  	s3 =	sld [smem:$0x3FFC];
	_ =	sdelay $0x3  }
0x94: {  	_ =	strace s3  }
0x95: {  	s3 =	sld [smem:$0x3FFD];
	_ =	sdelay $0x3  }
0x96: {  	_ =	strace s3  }
0x97: {  	_ =	strace $0x8FFFFFFF  }
0x98: {  	s19 =	sld [smem:$0x3FDB];
	_ =	sdelay $0x1  }
0x99: {  	s4 =	simm.s32 $_scs_section_size  }
0x9a: {  	s5 =	simm.s32 $_size__tile_overlayer_lowered;
	s6 =	simm.s32 $_tile_overlayer_lowered  }
0x9b: {  	s22 =	simm.s32 $0x1BFF;
	s21 =	sshll.u32 s6, $0x1;
	s3 =	sadd.s32 s4, s19  }
0x9c: {  	s7 =	simm.s32 $0x0;
	s20 =	sshll.u32 s5, $0x1;
	s5 =	sadd.s32 s21, s3  }
0x9d: {  	[timem:s7], [sflag:s22] =	dma.local [hbm:s5], s20  }
0x9e: {  	_ =	swait.ge [sflag:s22], s20  }
0x9f: {  	s4 =	ssub.s32 $0x0, s20;
	[sflag:s22] =	ssyncset.done $0x0  }
0xa0: {  	[sflag:s22] =	ssyncadd.s32 s4;
	_ =	sdelay $0x1  }
0xa1: {  	s23 =	simm.s32 $0x1B8B  }
0xa2: {  	_ =	swait.ge [sflag:s23], $0x1  }
0xa3: {  	[sflag:s23] =	ssyncset.done $0x0  }
0xa4: {  	s25 =	simm.s32 $0x1B8E;
	s24 =	sld [smem:$0x3FFE];
	[sflag:s23] =	ssyncadd.s32 $0xFFFFFFFF  }
0xa5: {  	s26 =	simm.s32 $execute0_lowered;
	[smem:$0x3FD2] =	sst s25  }
0xa6: {  	s5 =	sshll.u32 s26, $0x1;
	_ =	strace $0x80000046;
	[dreg:$0x1] =	wrdreg $0xFFFFFFFF  }
0xa7: {  	s28 =	simm.s32 $_size_execute0_lowered;
	s3 =	sadd.s32 s3, s5;
	[dreg:$0x0] =	wrdreg $0x0  }
0xa8: {  	s5 =	sshll.u32 s28, $0x1;
	[dreg:$0x2] =	wrdreg s3  }
0xa9: {  	[dreg:$0x3] =	wrdreg s5  }
0xaa: {  	[dreg:$0x4] =	wrdreg $0xC0  }
0xab: {  	_ =	task [dreg:s7], $0x5FFFF  }
0xac: {  	[dreg:$0x1] =	wrdreg $0xFFFFFFFF  }
0xad: {  	[dreg:$0x0] =	wrdreg $0x60  }
0xae: {  	[dreg:$0x2] =	wrdreg s24  }
0xaf: {  	[dreg:$0x3] =	wrdreg s2  }
0xb0: {  	[dreg:$0x4] =	wrdreg $0x9  }
0xb1: {  	_ =	task.clear_ibuf [dreg:s7], $0x5FFFF;
	_ =	strace $0x90000046  }
0xb2: {  	s29 =	simm.s32 $0x9;
	_ =	strace $0x80000048  }
0xb3: {  	_ =	swait.ge [sflag:s29], $0x1  }
0xb4: {  	[sflag:s29] =	ssyncadd.s32 $0xFFFFFFFF  }
0xb5: {  	_ =	strace $0x90000048  }
0xb6: {  	_ =	sfence  }
0xb7: {  	s30 =	sld [smem:$0x0];
	_ =	sdelay $0x2  }
0xb8: {  	s31 =	sshll.u32 s1, $0xD;
	s1 =	sshrl.u32 s1, $0x2  }
0xb9: {  	s3 =	sand.u32 $0x4000, s31;
	s1 =	sadd.s32 s1, s30  }
0xba: {  	s0 =	sor.u32 s3, s0;
	s1 =	sshll.u32 s1, $0x11  }
0xbb: {  	s0 =	sor.u32 s1, s0  }
0xbc: {  	s0 =	sadd.s32 $0x8F2B, s0  }
0xbd: {  	[sflag:s0] =	ssyncadd.remote.s32 $0x1  }
0xbe: {  	_ =	sfence.sel $0xFFFF  }
0xbf: {  	[dreg:$0x0] =	wrdreg $0xFFFFFFFF;
	(pc) =	sbr.abs _section_cstart, $3  }
0xc0: {  	[dreg:$0x1] =	wrdreg $0xFFFFFFFF  }
0xc1: {  	_ =	task.clear_ibuf [dreg:s7], $0x2FFFF;
	_ =	strace $0x9FFFFFFF  }
0xc2: {  	(tm) =	ssettm $0x7FFFFFFF  }
0xc3: {  	_ =	shalt  }
tec
execute0_lowered:
.L_overlay_start_1:
0x0: {  	(tag) =	ssettag $0x1  }
0x1: {  	s0 =	rddreg [dreg:$0x0]  }
0x2: {  	s2 =	rddreg [dreg:$0x1]  }
0x3: {  	s1 =	simm.s32 $0x0;
	s3 =	srdreg.scid;
	s8 =	stileid.u32  }
0x4: {  	s28 =	simm.s32 $0x1;
	s29 =	simm.s32 $0x1E00;
	s30 =	simm.s32 $0x3C00  }
0x5: {  	s31 =	simm.s32 $0x5A00;
	[smem:$0x7FF] =	sst s1;
	s3 =	sand.u32 $0x1, s3  }
0x6: {  	s4 =	sadd.s32 $0x5C400, s0;
	s6 =	sadd.s32 $0x72C00, s0;
	s5 =	sshll.u32 s3, $0x4  }
0x7: {  	s7 =	sadd.s32 $0x2F400, s0;
	s9 =	sadd.s32 $0x2400, s0;
	s5 =	sor.u32 s8, s5  }
0x8: {  	s11 =	sadd.s32 $0x18C00, s0;
	_ =	strace $0x80000047;
	s12 =	smul.u32 $0xB40, s5  }
0x9: {  	s3 =	ssub.s32 $0x2, s3;
	s8 =	sadd.s32 $0x45C00, s0;
	s0 =	sadd.s32 $0x89400, s0  }
0xa: {  	s17 =	sshrl.u32 s3, $0x1;
	[dreg:$0x3] =	wrdreg s0;
	s18 =	sadd.s32 s4, s12  }
0xb: {  	s10 =	smul.u32 $0x480, s5;
	s13 =	sadd.s32 s6, s12;
	[dreg:$0x4] =	wrdreg s18  }
0xc: {  	s0 =	ssub.s32 s3, s17;
	s20 =	sadd.s32 s7, s12;
	[dreg:$0x5] =	wrdreg s13  }
0xd: {  	s5 =	smul.u32 $0x5A00, s5;
	s21 =	sadd.s32 s8, s12;
	[dreg:$0x6] =	wrdreg s20  }
0xe: {  	v7 =	vimm.s32 $0x8;
	v8 =	vimm.s32 $0x9;
	v9 =	vimm.s32 $0xA;
	s15 =	sadd.s32 $0x180, s10;
	s22 =	sadd.s32 s9, s12;
	[dreg:$0x7] =	wrdreg s21  }
0xf: {  	v10 =	vimm.s32 $0xB;
	v11 =	vimm.s32 $0xC;
	v12 =	vimm.s32 $0xD;
	s12 =	sadd.s32 s11, s12;
	s10 =	sadd.s32 s2, s10;
	[dreg:$0x8] =	wrdreg s22  }
0x10: {  	v13 =	vimm.s32 $0xE;
	v14 =	vimm.s32 $0xF;
	v15 =	vlaneseq.u32;
	s5 =	sadd.s32 $0x3C00, s5;
	s19 =	smul.u32 $0x14, s15;
	[dreg:$0x9] =	wrdreg s12  }
0x11: {  	v16 =	vimm.s32 $0x10;
	v17 =	vimm.s32 $0x11;
	v18 =	vmul.u32 $0x14, v15;
	s15 =	sadd.s32 s2, s15;
	s26 =	sshrl.u32 s5, $0x3;
	s2 =	simm.s32 $0x9600  }
0x12: {  	v19 =	vimm.s32 $0x12;
	v20 =	vimm.s32 $0x13;
	v21 =	vimm.s32 $0x14;
	s5 =	simm.s32 $0x48000;
	s18 =	sadd.s32 s4, s26;
	s20 =	sadd.s32 s7, s26  }
0x13: {  	v22 =	vimm.f32 $0.0e+00;
	v23 =	vimm.s32 $0x80;
	v24 =	vor.u32 $0x1, v18;
	s21 =	sadd.s32 s8, s26;
	s22 =	sadd.s32 s9, s26;
	s3 =	sshrl.u32 s19, $0x3  }
0x14: {  	v25 =	vor.u32 $0x2, v18;
	v26 =	vor.u32 $0x3, v18;
	v27 =	vadd.s32 $0x4, v18;
	s19 =	sadd.s32 s6, s26;
	s23 =	sadd.s32 s4, s3;
	s24 =	sadd.s32 s6, s3  }
0x15: {  	v28 =	vadd.s32 $0x5, v18;
	v29 =	vadd.s32 $0x6, v18;
	v30 =	vadd.s32 $0x7, v18;
	s25 =	sadd.s32 s7, s3;
	s14 =	sadd.s32 s8, s3;
	s16 =	sadd.s32 s9, s3  }
0x16: {  	v31 =	vadd.s32 $0x8, v18;
	v32 =	vadd.s32 $0x9, v18;
	v33 =	vadd.s32 $0xA, v18;
	s17 =	sadd.s32 s11, s3;
	s3 =	simm.s32 $0xB480;
	[dreg:$0xa] =	wrdreg s23  }
0x17: {  	v34 =	vadd.s32 $0xB, v18;
	v35 =	vadd.s32 $0xC, v18;
	v36 =	vadd.s32 $0xD, v18;
	s4 =	simm.s32 $0xC00;
	s6 =	simm.s32 $0x0;
	[dreg:$0xb] =	wrdreg s24  }
0x18: {  	v37 =	vadd.s32 $0xE, v18;
	v38 =	vadd.s32 $0xF, v18;
	v39 =	vadd.s32 $0x10, v18;
	[dreg:$0xc] =	wrdreg s25;
	s23 =	sadd.s32 s11, s26;
	s24 =	sadd.s32 $0x300, s10  }
0x19: {  	v40 =	vadd.s32 $0x11, v18;
	v41 =	vadd.s32 $0x12, v18;
	v42 =	vadd.s32 $0x13, v18;
	s25 =	smax.u32 s0, $0x1;
	s26 =	simm.s32 $0xB400;
	s0 =	simm.s32 $0x7800  }
.LBB2_1:
0x1a: {  	s7 =	rddreg [dreg:$0x3];
	v0 =	vimm.s32 $0x1  }
0x1b: {  	v58 =	vimm.s32 $0x2;
	[tilespmem:s26], [sflag:$0x1] =	stream.linear.gather [hbm4b:s7+s1], $0x80, $0x38;
	[tilespmem:$0xD880] =	vst v63  }
0x1c: {  	v59 =	vimm.s32 $0x3;
	_ =	swait.ge [sflag:s28], $0x80  }
0x1d: {  	v60 =	vimm.s32 $0x4;
	[sflag:s28] =	ssyncset.done $0x0  }
0x1e: {  	v61 =	vimm.s32 $0x5;
	[sflag:s28] =	ssyncadd.s32 $0xFFFFFF80  }
0x1f: {  	v62 =	vimm.s32 $0x6;
	v43 =	vld.idx.msk [tilespmem:v0+s26+$0x0], $0xffff  }
0x20: {  	v63 =	vimm.s32 $0x7;
	v44 =	vld.idx.msk [tilespmem:v58+s26+$0x0], $0xffff  }
0x21: {  	v45 =	vld.idx.msk [tilespmem:v59+s26+$0x0], $0xffff  }
0x22: {  	v46 =	vld.idx.msk [tilespmem:v60+s26+$0x0], $0xffff  }
0x23: {  	v47 =	vld.idx.msk [tilespmem:v61+s26+$0x0], $0xffff  }
0x24: {  	v48 =	vld.idx.msk [tilespmem:v62+s26+$0x0], $0xffff  }
0x25: {  	v49 =	vld.idx.msk [tilespmem:v63+s26+$0x0], $0xffff  }
0x26: {  	v50 =	vld.idx.msk [tilespmem:v7+s26+$0x0], $0xffff  }
0x27: {  	v51 =	vld.idx.msk [tilespmem:v8+s26+$0x0], $0xffff  }
0x28: {  	v52 =	vld.idx.msk [tilespmem:v9+s26+$0x0], $0xffff  }
0x29: {  	v53 =	vld.idx.msk [tilespmem:v10+s26+$0x0], $0xffff  }
0x2a: {  	v54 =	vld.idx.msk [tilespmem:v11+s26+$0x0], $0xffff  }
0x2b: {  	v55 =	vld.idx.msk [tilespmem:v12+s26+$0x0], $0xffff  }
0x2c: {  	v56 =	vld.idx.msk [tilespmem:v13+s26+$0x0], $0xffff  }
0x2d: {  	v57 =	vld.idx.msk [tilespmem:v14+s26+$0x0], $0xffff  }
0x2e: {  	v58 =	vld.idx.msk [tilespmem:v16+s26+$0x0], $0xffff  }
0x2f: {  	v59 =	vld.idx.msk [tilespmem:v17+s26+$0x0], $0xffff  }
0x30: {  	v60 =	vld.idx.msk [tilespmem:v19+s26+$0x0], $0xffff  }
0x31: {  	s12 =	rddreg [dreg:$0x4];
	v61 =	vld.idx.msk [tilespmem:v20+s26+$0x0], $0xffff  }
0x32: {  	v62 =	vld.idx.msk [tilespmem:v21+s26+$0x0], $0xffff;
	[tilespmem:s1], [sflag:$0x1] =	stream.linear.gather [hbm4b:s12+s1], $0x1E00, $0x38  }
0x33: {  	_ =	swait.ge [sflag:s28], $0x1E00  }
0x34: {  	[sflag:s28] =	ssyncset.done $0x0  }
0x35: {  	s13 =	rddreg [dreg:$0x5];
	[sflag:s28] =	ssyncadd.s32 $0xFFFFE200  }
0x36: {  	[tilespmem:s29], [sflag:$0x1] =	stream.linear.gather [hbm4b:s13+s1], $0x1E00, $0x38;
	[tilespmem:$0xD880] =	vst v63  }
0x37: {  	_ =	swait.ge [sflag:s28], $0x1E00  }
0x38: {  	[sflag:s28] =	ssyncset.done $0x0  }
0x39: {  	s8 =	rddreg [dreg:$0x6];
	[sflag:s28] =	ssyncadd.s32 $0xFFFFE200  }
0x3a: {  	[tilespmem:s30], [sflag:$0x1] =	stream.linear.gather [hbm4b:s8+s1], $0x1E00, $0x38;
	[tilespmem:$0xD880] =	vst v63  }
0x3b: {  	_ =	swait.ge [sflag:s28], $0x1E00  }
0x3c: {  	[sflag:s28] =	ssyncset.done $0x0  }
0x3d: {  	s9 =	rddreg [dreg:$0x7];
	[sflag:s28] =	ssyncadd.s32 $0xFFFFE200  }
0x3e: {  	[tilespmem:s31], [sflag:$0x1] =	stream.linear.gather [hbm4b:s9+s1], $0x1E00, $0x38;
	[tilespmem:$0xD880] =	vst v63  }
0x3f: {  	_ =	swait.ge [sflag:s28], $0x1E00  }
0x40: {  	[sflag:s28] =	ssyncset.done $0x0  }
0x41: {  	s11 =	rddreg [dreg:$0x8];
	[sflag:s28] =	ssyncadd.s32 $0xFFFFE200  }
0x42: {  	[tilespmem:s0], [sflag:$0x1] =	stream.linear.gather [hbm4b:s11+s1], $0x1E00, $0x38;
	[tilespmem:$0xD880] =	vst v63  }
0x43: {  	_ =	swait.ge [sflag:s28], $0x1E00  }
0x44: {  	[sflag:s28] =	ssyncset.done $0x0  }
0x45: {  	s12 =	rddreg [dreg:$0x9];
	[sflag:s28] =	ssyncadd.s32 $0xFFFFE200  }
0x46: {  	[tilespmem:s2], [sflag:$0x1] =	stream.linear.gather [hbm4b:s12+s1], $0x1E00, $0x38;
	[tilespmem:$0xD880] =	vst v63  }
0x47: {  	_ =	swait.ge [sflag:s28], $0x1E00  }
0x48: {  	s13 =	sand.u32 $0x70, s1;
	s8 =	sand.u32 $0xC00, s1;
	[sflag:s28] =	ssyncset.done $0x0  }
0x49: {  	s7 =	sor.u32 s13, s8;
	[sflag:s28] =	ssyncadd.s32 $0xFFFFE200  }
0x4a: {  	[tilespmem:s7+$0xB500] =	vst v22  }
0x4b: {  	[tilespmem:s7+$0xB580] =	vst v22  }
0x4c: {  	[tilespmem:s7+$0xB600] =	vst v22  }
0x4d: {  	[tilespmem:s7+$0xB680] =	vst v22  }
0x4e: {  	[tilespmem:s7+$0xB700] =	vst v22  }
0x4f: {  	s8 =	simm.s32 $0x10;
	s9 =	simm.s32 $0x0;
	s11 =	sor.u32 s1, s1;
	[tilespmem:s7+$0xB780] =	vst v22  }
.LBB2_2:
0x50: {  	p0 =	sne.s32 s8, $0x170;
	[tilespmem:s7+$0xB480] =	vst v22;
	s11 =	sor.u32 $0x380, s11  }
0x51: {  	[tilespmem:s11+$0xB480] =	vst v22  }
0x52: {  	[tilespmem:s7+$0xC080] =	vst v22  }
0x53: {  	[tilespmem:s7+$0xC100] =	vst v22  }
0x54: {  	[tilespmem:s7+$0xC180] =	vst v22  }
0x55: {  	[tilespmem:s7+$0xC200] =	vst v22  }
0x56: {  	[tilespmem:s7+$0xC280] =	vst v22  }
0x57: {  	[tilespmem:s7+$0xC300] =	vst v22  }
0x58: {  	[tilespmem:s7+$0xC380] =	vst v22  }
0x59: {  	[tilespmem:s7+$0xC400] =	vst v22  }
0x5a: {  	[tilespmem:s7+$0xCC80] =	vst v22  }
0x5b: {  	s9 =	sadd.s32 $0x80, s9;
	[tilespmem:s7+$0xCD00] =	vst v22  }
0x5c: {  	s11 =	sand.u32 $0x70, s8;
	s12 =	sand.u32 $0xC00, s9;
	[tilespmem:s7+$0xCD80] =	vst v22  }
0x5d: {  	[tilespmem:s7+$0xCE00] =	vst v22;
	s7 =	sor.u32 s11, s12  }
0x5e: {  	[tilespmem:s7+$0xB500] =	vst v22  }
.Ltmp0:
0x5f: {  	[tilespmem:s7+$0xB580] =	vst v22;
	(pc) =	sbr.rel @p0 .LBB2_2-.Ltmp0, $4  }
0x60: {  	[tilespmem:s7+$0xB600] =	vst v22  }
0x61: {  	[tilespmem:s7+$0xB680] =	vst v22  }
0x62: {  	[tilespmem:s7+$0xB700] =	vst v22  }
0x63: {  	s11 =	sor.u32 s9, s8;
	s8 =	sadd.s32 $0x10, s8;
	[tilespmem:s7+$0xB780] =	vst v22  }
0x64: {  	[tilespmem:s7+$0xB480] =	vst v22;
	s8 =	sor.u32 $0x380, s11  }
0x65: {  	[tilespmem:s8+$0xB480] =	vst v22  }
0x66: {  	[tilespmem:s7+$0xC080] =	vst v22  }
0x67: {  	[tilespmem:s7+$0xC100] =	vst v22  }
0x68: {  	[tilespmem:s7+$0xC180] =	vst v22  }
0x69: {  	[tilespmem:s7+$0xC200] =	vst v22  }
0x6a: {  	[tilespmem:s7+$0xC280] =	vst v22  }
0x6b: {  	[tilespmem:s7+$0xC300] =	vst v22  }
0x6c: {  	[tilespmem:s7+$0xC380] =	vst v22  }
0x6d: {  	[tilespmem:s7+$0xC400] =	vst v22  }
0x6e: {  	[tilespmem:s7+$0xCC80] =	vst v22  }
0x6f: {  	[tilespmem:s7+$0xCD00] =	vst v22  }
0x70: {  	[tilespmem:s7+$0xCD80] =	vst v22  }
0x71: {  	s8 =	simm.s32 $0x0;
	[tilespmem:s7+$0xCE00] =	vst v22;
	s7 =	simm.s32 $0x0  }
.LBB2_4:
0x72: {  	v3 =	vadd.s32 s7, v18;
	_ =	sdelay $0x4  }
0x73: {  	v1 =	vld.idx.msk [tilespmem:v3+s1+$0x0], $0xffff;
	_ =	sdelay $0x4  }
0x74: {  	v0 =	vmov s8;
	v2 =	vshrl.u32 v1, $0x3  }
0x75: {  	v0 =	vshll.u32 v0, $0x3;
	v2 =	vmul.u32 $0xC00, v2  }
0x76: {  	v0 =	vand.u32 $0xC00, v0;
	v1 =	vshll.u32 v1, $0x7  }
0x77: {  	v63 =	vor.u32 s8, v15;
	v1 =	vand.u32 $0x380, v1;
	v2 =	vadd.s32 v0, v2  }
0x78: {  	v63 =	vand.u32 $0x7F, v63;
	v1 =	vor.u32 v1, v2  }
0x79: {  	v1 =	vor.u32 v63, v1;
	_ =	sdelay $0x4  }
0x7a: {  	[tilespmem:v1+s3+$0x0] =	vst.idx.add.f32.msk $0xffff, v43  }
0x7b: {  	v1 =	vld.idx.msk [tilespmem:v3+s29+$0x0], $0xffff;
	_ =	sdelay $0x4  }
0x7c: {  	v1 =	vadd.s32 $0x6, v1  }
0x7d: {  	v2 =	vshrl.u32 v1, $0x3  }
0x7e: {  	v2 =	vmul.u32 $0xC00, v2  }
0x7f: {  	v1 =	vshll.u32 v1, $0x7  }
0x80: {  	v1 =	vand.u32 $0x380, v1;
	v2 =	vadd.s32 v0, v2  }
0x81: {  	v1 =	vor.u32 v1, v2  }
0x82: {  	v1 =	vor.u32 v63, v1;
	_ =	sdelay $0x4  }
0x83: {  	[tilespmem:v1+s3+$0x0] =	vst.idx.add.f32.msk $0xffff, v43  }
0x84: {  	v1 =	vld.idx.msk [tilespmem:v3+s30+$0x0], $0xffff;
	_ =	sdelay $0x4  }
0x85: {  	v1 =	vadd.s32 $0xB, v1  }
0x86: {  	v2 =	vshrl.u32 v1, $0x3  }
0x87: {  	v2 =	vmul.u32 $0xC00, v2  }
0x88: {  	v1 =	vshll.u32 v1, $0x7  }
0x89: {  	v1 =	vand.u32 $0x380, v1;
	v2 =	vadd.s32 v0, v2  }
0x8a: {  	v1 =	vor.u32 v1, v2  }
0x8b: {  	v1 =	vor.u32 v63, v1;
	_ =	sdelay $0x4  }
0x8c: {  	[tilespmem:v1+s3+$0x0] =	vst.idx.add.f32.msk $0xffff, v43  }
0x8d: {  	v1 =	vld.idx.msk [tilespmem:v3+s31+$0x0], $0xffff;
	_ =	sdelay $0x4  }
0x8e: {  	vm0 =	veq.s32 v1, $0x0  }
0x8f: {  	v2 =	vsel vm0, $0x0, v23  }
0x90: {  	v1 =	vadd.s32 $0x1800, v0;
	v2 =	vor.u32 v2, v63  }
0x91: {  	v2 =	vor.u32 v1, v2;
	_ =	sdelay $0x4  }
0x92: {  	[tilespmem:v2+s3+$0x0] =	vst.idx.add.f32.msk $0xffff, v43  }
0x93: {  	v4 =	vld.idx.msk [tilespmem:v3+s0+$0x0], $0xffff  }
0x94: {  	v5 =	vor.u32 v63, v0  }
0x95: {  	v2 =	vadd.s32 $0x1900, v5;
	_ =	sdelay $0x2  }
0x96: {  	v4 =	vmul.f32 v4, v43;
	_ =	sdelay $0x1  }
0x97: {  	[tilespmem:v2+s3+$0x0] =	vst.idx.add.f32.msk $0xffff, v4  }
0x98: {  	v4 =	vld.idx.msk [tilespmem:v3+s2+$0x0], $0xffff;
	_ =	sdelay $0x1  }
0x99: {  	v3 =	vadd.s32 $0x1980, v5  }
0x9a: {  	v5 =	vadd.s32 s7, v24;
	_ =	sdelay $0x1  }
0x9b: {  	v4 =	vmul.f32 v4, v43;
	_ =	sdelay $0x1  }
0x9c: {  	[tilespmem:v3+s3+$0x0] =	vst.idx.add.f32.msk $0xffff, v4  }
0x9d: {  	v4 =	vld.idx.msk [tilespmem:v5+s1+$0x0], $0xffff;
	_ =	sdelay $0x4  }
0x9e: {  	v6 =	vshrl.u32 v4, $0x3  }
0x9f: {  	v6 =	vmul.u32 $0xC00, v6  }
0xa0: {  	v4 =	vshll.u32 v4, $0x7  }
0xa1: {  	v4 =	vand.u32 $0x380, v4;
	v6 =	vadd.s32 v0, v6  }
0xa2: {  	v4 =	vor.u32 v4, v6  }
0xa3: {  	v4 =	vor.u32 v63, v4;
	_ =	sdelay $0x4  }
0xa4: {  	[tilespmem:v4+s3+$0x0] =	vst.idx.add.f32.msk $0xffff, v44  }
0xa5: {  	v4 =	vld.idx.msk [tilespmem:v5+s29+$0x0], $0xffff;
	_ =	sdelay $0x4  }
0xa6: {  	v4 =	vadd.s32 $0x6, v4  }
0xa7: {  	v6 =	vshrl.u32 v4, $0x3  }
0xa8: {  	v6 =	vmul.u32 $0xC00, v6  }
0xa9: {  	v4 =	vshll.u32 v4, $0x7  }
0xaa: {  	v4 =	vand.u32 $0x380, v4;
	v6 =	vadd.s32 v0, v6  }
0xab: {  	v4 =	vor.u32 v4, v6  }
0xac: {  	v4 =	vor.u32 v63, v4;
	_ =	sdelay $0x4  }
0xad: {  	[tilespmem:v4+s3+$0x0] =	vst.idx.add.f32.msk $0xffff, v44  }
0xae: {  	v4 =	vld.idx.msk [tilespmem:v5+s30+$0x0], $0xffff;
	_ =	sdelay $0x4  }
0xaf: {  	v4 =	vadd.s32 $0xB, v4  }
0xb0: {  	v6 =	vshrl.u32 v4, $0x3  }
0xb1: {  	v6 =	vmul.u32 $0xC00, v6  }
0xb2: {  	v4 =	vshll.u32 v4, $0x7  }
0xb3: {  	v4 =	vand.u32 $0x380, v4;
	v6 =	vadd.s32 v0, v6  }
0xb4: {  	v4 =	vor.u32 v4, v6  }
0xb5: {  	v4 =	vor.u32 v63, v4;
	_ =	sdelay $0x4  }
0xb6: {  	[tilespmem:v4+s3+$0x0] =	vst.idx.add.f32.msk $0xffff, v44  }
0xb7: {  	v4 =	vld.idx.msk [tilespmem:v5+s31+$0x0], $0xffff;
	_ =	sdelay $0x4  }
0xb8: {  	vm9 =	veq.s32 v4, $0x0  }
0xb9: {  	v4 =	vsel vm9, $0x0, v23  }
0xba: {  	v4 =	vor.u32 v4, v63  }
0xbb: {  	v4 =	vor.u32 v1, v4;
	_ =	sdelay $0x4  }
0xbc: {  	[tilespmem:v4+s3+$0x0] =	vst.idx.add.f32.msk $0xffff, v44  }
0xbd: {  	v4 =	vld.idx.msk [tilespmem:v5+s0+$0x0], $0xffff;
	_ =	sdelay $0x4  }
0xbe: {  	v4 =	vmul.f32 v4, v44;
	_ =	sdelay $0x1  }
0xbf: {  	[tilespmem:v2+s3+$0x0] =	vst.idx.add.f32.msk $0xffff, v4  }
0xc0: {  	v4 =	vld.idx.msk [tilespmem:v5+s2+$0x0], $0xffff;
	_ =	sdelay $0x2  }
0xc1: {  	v5 =	vadd.s32 s7, v25;
	_ =	sdelay $0x1  }
0xc2: {  	v4 =	vmul.f32 v4, v44;
	_ =	sdelay $0x1  }
0xc3: {  	[tilespmem:v3+s3+$0x0] =	vst.idx.add.f32.msk $0xffff, v4  }
0xc4: {  	v4 =	vld.idx.msk [tilespmem:v5+s1+$0x0], $0xffff;
	_ =	sdelay $0x4  }
0xc5: {  	v6 =	vshrl.u32 v4, $0x3  }
0xc6: {  	v6 =	vmul.u32 $0xC00, v6  }
0xc7: {  	v4 =	vshll.u32 v4, $0x7  }
0xc8: {  	v4 =	vand.u32 $0x380, v4;
	v6 =	vadd.s32 v0, v6  }
0xc9: {  	v4 =	vor.u32 v4, v6  }
0xca: {  	v4 =	vor.u32 v63, v4;
	_ =	sdelay $0x4  }
0xcb: {  	[tilespmem:v4+s3+$0x0] =	vst.idx.add.f32.msk $0xffff, v45  }
0xcc: {  	v4 =	vld.idx.msk [tilespmem:v5+s29+$0x0], $0xffff;
	_ =	sdelay $0x4  }
0xcd: {  	v4 =	vadd.s32 $0x6, v4  }
0xce: {  	v6 =	vshrl.u32 v4, $0x3  }
0xcf: {  	v6 =	vmul.u32 $0xC00, v6  }
0xd0: {  	v4 =	vshll.u32 v4, $0x7  }
0xd1: {  	v4 =	vand.u32 $0x380, v4;
	v6 =	vadd.s32 v0, v6  }
0xd2: {  	v4 =	vor.u32 v4, v6  }
0xd3: {  	v4 =	vor.u32 v63, v4;
	_ =	sdelay $0x4  }
0xd4: {  	[tilespmem:v4+s3+$0x0] =	vst.idx.add.f32.msk $0xffff, v45  }
0xd5: {  	v4 =	vld.idx.msk [tilespmem:v5+s30+$0x0], $0xffff;
	_ =	sdelay $0x4  }
0xd6: {  	v4 =	vadd.s32 $0xB, v4  }
0xd7: {  	v6 =	vshrl.u32 v4, $0x3  }
0xd8: {  	v6 =	vmul.u32 $0xC00, v6  }
0xd9: {  	v4 =	vshll.u32 v4, $0x7  }
0xda: {  	v4 =	vand.u32 $0x380, v4;
	v6 =	vadd.s32 v0, v6  }
0xdb: {  	v4 =	vor.u32 v4, v6  }
0xdc: {  	v4 =	vor.u32 v63, v4;
	_ =	sdelay $0x4  }
0xdd: {  	[tilespmem:v4+s3+$0x0] =	vst.idx.add.f32.msk $0xffff, v45  }
0xde: {  	v4 =	vld.idx.msk [tilespmem:v5+s31+$0x0], $0xffff;
	_ =	sdelay $0x4  }
0xdf: {  	vm10 =	veq.s32 v4, $0x0  }
0xe0: {  	v4 =	vsel vm10, $0x0, v23  }
0xe1: {  	v4 =	vor.u32 v4, v63  }
0xe2: {  	v4 =	vor.u32 v1, v4;
	_ =	sdelay $0x4  }
0xe3: {  	[tilespmem:v4+s3+$0x0] =	vst.idx.add.f32.msk $0xffff, v45  }
0xe4: {  	v4 =	vld.idx.msk [tilespmem:v5+s0+$0x0], $0xffff;
	_ =	sdelay $0x4  }
0xe5: {  	v4 =	vmul.f32 v4, v45;
	_ =	sdelay $0x1  }
0xe6: {  	[tilespmem:v2+s3+$0x0] =	vst.idx.add.f32.msk $0xffff, v4  }
0xe7: {  	v4 =	vld.idx.msk [tilespmem:v5+s2+$0x0], $0xffff;
	_ =	sdelay $0x2  }
0xe8: {  	v5 =	vadd.s32 s7, v26;
	_ =	sdelay $0x1  }
0xe9: {  	v4 =	vmul.f32 v4, v45;
	_ =	sdelay $0x1  }
0xea: {  	[tilespmem:v3+s3+$0x0] =	vst.idx.add.f32.msk $0xffff, v4  }
0xeb: {  	v4 =	vld.idx.msk [tilespmem:v5+s1+$0x0], $0xffff;
	_ =	sdelay $0x4  }
0xec: {  	v6 =	vshrl.u32 v4, $0x3  }
0xed: {  	v6 =	vmul.u32 $0xC00, v6  }
0xee: {  	v4 =	vshll.u32 v4, $0x7  }
0xef: {  	v4 =	vand.u32 $0x380, v4;
	v6 =	vadd.s32 v0, v6  }
0xf0: {  	v4 =	vor.u32 v4, v6  }
0xf1: {  	v4 =	vor.u32 v63, v4;
	_ =	sdelay $0x4  }
0xf2: {  	[tilespmem:v4+s3+$0x0] =	vst.idx.add.f32.msk $0xffff, v46  }
0xf3: {  	v4 =	vld.idx.msk [tilespmem:v5+s29+$0x0], $0xffff;
	_ =	sdelay $0x4  }
0xf4: {  	v4 =	vadd.s32 $0x6, v4  }
0xf5: {  	v6 =	vshrl.u32 v4, $0x3  }
0xf6: {  	v6 =	vmul.u32 $0xC00, v6  }
0xf7: {  	v4 =	vshll.u32 v4, $0x7  }
0xf8: {  	v4 =	vand.u32 $0x380, v4;
	v6 =	vadd.s32 v0, v6  }
0xf9: {  	v4 =	vor.u32 v4, v6  }
0xfa: {  	v4 =	vor.u32 v63, v4;
	_ =	sdelay $0x4  }
0xfb: {  	[tilespmem:v4+s3+$0x0] =	vst.idx.add.f32.msk $0xffff, v46  }
0xfc: {  	v4 =	vld.idx.msk [tilespmem:v5+s30+$0x0], $0xffff;
	_ =	sdelay $0x4  }
0xfd: {  	v4 =	vadd.s32 $0xB, v4  }
0xfe: {  	v6 =	vshrl.u32 v4, $0x3  }
0xff: {  	v6 =	vmul.u32 $0xC00, v6  }
0x100: {  	v4 =	vshll.u32 v4, $0x7  }
0x101: {  	v4 =	vand.u32 $0x380, v4;
	v6 =	vadd.s32 v0, v6  }
0x102: {  	v4 =	vor.u32 v4, v6  }
0x103: {  	v4 =	vor.u32 v63, v4;
	_ =	sdelay $0x4  }
0x104: {  	[tilespmem:v4+s3+$0x0] =	vst.idx.add.f32.msk $0xffff, v46  }
0x105: {  	v4 =	vld.idx.msk [tilespmem:v5+s31+$0x0], $0xffff;
	_ =	sdelay $0x4  }
0x106: {  	vm11 =	veq.s32 v4, $0x0  }
0x107: {  	v4 =	vsel vm11, $0x0, v23  }
0x108: {  	v4 =	vor.u32 v4, v63  }
0x109: {  	v4 =	vor.u32 v1, v4;
	_ =	sdelay $0x4  }
0x10a: {  	[tilespmem:v4+s3+$0x0] =	vst.idx.add.f32.msk $0xffff, v46  }
0x10b: {  	v4 =	vld.idx.msk [tilespmem:v5+s0+$0x0], $0xffff;
	_ =	sdelay $0x4  }
0x10c: {  	v4 =	vmul.f32 v4, v46;
	_ =	sdelay $0x1  }
0x10d: {  	[tilespmem:v2+s3+$0x0] =	vst.idx.add.f32.msk $0xffff, v4  }
0x10e: {  	v4 =	vld.idx.msk [tilespmem:v5+s2+$0x0], $0xffff;
	_ =	sdelay $0x2  }
0x10f: {  	v5 =	vadd.s32 s7, v27;
	_ =	sdelay $0x1  }
0x110: {  	v4 =	vmul.f32 v4, v46;
	_ =	sdelay $0x1  }
0x111: {  	[tilespmem:v3+s3+$0x0] =	vst.idx.add.f32.msk $0xffff, v4  }
0x112: {  	v4 =	vld.idx.msk [tilespmem:v5+s1+$0x0], $0xffff;
	_ =	sdelay $0x4  }
0x113: {  	v6 =	vshrl.u32 v4, $0x3  }
0x114: {  	v6 =	vmul.u32 $0xC00, v6  }
0x115: {  	v4 =	vshll.u32 v4, $0x7  }
0x116: {  	v4 =	vand.u32 $0x380, v4;
	v6 =	vadd.s32 v0, v6  }
0x117: {  	v4 =	vor.u32 v4, v6  }
0x118: {  	v4 =	vor.u32 v63, v4;
	_ =	sdelay $0x4  }
0x119: {  	[tilespmem:v4+s3+$0x0] =	vst.idx.add.f32.msk $0xffff, v47  }
0x11a: {  	v4 =	vld.idx.msk [tilespmem:v5+s29+$0x0], $0xffff;
	_ =	sdelay $0x4  }
0x11b: {  	v4 =	vadd.s32 $0x6, v4  }
0x11c: {  	v6 =	vshrl.u32 v4, $0x3  }
0x11d: {  	v6 =	vmul.u32 $0xC00, v6  }
0x11e: {  	v4 =	vshll.u32 v4, $0x7  }
0x11f: {  	v4 =	vand.u32 $0x380, v4;
	v6 =	vadd.s32 v0, v6  }
0x120: {  	v4 =	vor.u32 v4, v6  }
0x121: {  	v4 =	vor.u32 v63, v4;
	_ =	sdelay $0x4  }
0x122: {  	[tilespmem:v4+s3+$0x0] =	vst.idx.add.f32.msk $0xffff, v47  }
0x123: {  	v4 =	vld.idx.msk [tilespmem:v5+s30+$0x0], $0xffff;
	_ =	sdelay $0x4  }
0x124: {  	v4 =	vadd.s32 $0xB, v4  }
0x125: {  	v6 =	vshrl.u32 v4, $0x3  }
0x126: {  	v6 =	vmul.u32 $0xC00, v6  }
0x127: {  	v4 =	vshll.u32 v4, $0x7  }
0x128: {  	v4 =	vand.u32 $0x380, v4;
	v6 =	vadd.s32 v0, v6  }
0x129: {  	v4 =	vor.u32 v4, v6  }
0x12a: {  	v4 =	vor.u32 v63, v4;
	_ =	sdelay $0x4  }
0x12b: {  	[tilespmem:v4+s3+$0x0] =	vst.idx.add.f32.msk $0xffff, v47  }
0x12c: {  	v4 =	vld.idx.msk [tilespmem:v5+s31+$0x0], $0xffff;
	_ =	sdelay $0x4  }
0x12d: {  	vm12 =	veq.s32 v4, $0x0  }
0x12e: {  	v4 =	vsel vm12, $0x0, v23  }
0x12f: {  	v4 =	vor.u32 v4, v63  }
0x130: {  	v4 =	vor.u32 v1, v4;
	_ =	sdelay $0x4  }
0x131: {  	[tilespmem:v4+s3+$0x0] =	vst.idx.add.f32.msk $0xffff, v47  }
0x132: {  	v4 =	vld.idx.msk [tilespmem:v5+s0+$0x0], $0xffff;
	_ =	sdelay $0x4  }
0x133: {  	v4 =	vmul.f32 v4, v47;
	_ =	sdelay $0x1  }
0x134: {  	[tilespmem:v2+s3+$0x0] =	vst.idx.add.f32.msk $0xffff, v4  }
0x135: {  	v4 =	vld.idx.msk [tilespmem:v5+s2+$0x0], $0xffff;
	_ =	sdelay $0x2  }
0x136: {  	v5 =	vadd.s32 s7, v28;
	_ =	sdelay $0x1  }
0x137: {  	v4 =	vmul.f32 v4, v47;
	_ =	sdelay $0x1  }
0x138: {  	[tilespmem:v3+s3+$0x0] =	vst.idx.add.f32.msk $0xffff, v4  }
0x139: {  	v4 =	vld.idx.msk [tilespmem:v5+s1+$0x0], $0xffff;
	_ =	sdelay $0x4  }
0x13a: {  	v6 =	vshrl.u32 v4, $0x3  }
0x13b: {  	v6 =	vmul.u32 $0xC00, v6  }
0x13c: {  	v4 =	vshll.u32 v4, $0x7  }
0x13d: {  	v4 =	vand.u32 $0x380, v4;
	v6 =	vadd.s32 v0, v6  }
0x13e: {  	v4 =	vor.u32 v4, v6  }
0x13f: {  	v4 =	vor.u32 v63, v4;
	_ =	sdelay $0x4  }
0x140: {  	[tilespmem:v4+s3+$0x0] =	vst.idx.add.f32.msk $0xffff, v48  }
0x141: {  	v4 =	vld.idx.msk [tilespmem:v5+s29+$0x0], $0xffff;
	_ =	sdelay $0x4  }
0x142: {  	v4 =	vadd.s32 $0x6, v4  }
0x143: {  	v6 =	vshrl.u32 v4, $0x3  }
0x144: {  	v6 =	vmul.u32 $0xC00, v6  }
0x145: {  	v4 =	vshll.u32 v4, $0x7  }
0x146: {  	v4 =	vand.u32 $0x380, v4;
	v6 =	vadd.s32 v0, v6  }
0x147: {  	v4 =	vor.u32 v4, v6  }
0x148: {  	v4 =	vor.u32 v63, v4;
	_ =	sdelay $0x4  }
0x149: {  	[tilespmem:v4+s3+$0x0] =	vst.idx.add.f32.msk $0xffff, v48  }
0x14a: {  	v4 =	vld.idx.msk [tilespmem:v5+s30+$0x0], $0xffff;
	_ =	sdelay $0x4  }
0x14b: {  	v4 =	vadd.s32 $0xB, v4  }
0x14c: {  	v6 =	vshrl.u32 v4, $0x3  }
0x14d: {  	v6 =	vmul.u32 $0xC00, v6  }
0x14e: {  	v4 =	vshll.u32 v4, $0x7  }
0x14f: {  	v4 =	vand.u32 $0x380, v4;
	v6 =	vadd.s32 v0, v6  }
0x150: {  	v4 =	vor.u32 v4, v6  }
0x151: {  	v4 =	vor.u32 v63, v4;
	_ =	sdelay $0x4  }
0x152: {  	[tilespmem:v4+s3+$0x0] =	vst.idx.add.f32.msk $0xffff, v48  }
0x153: {  	v4 =	vld.idx.msk [tilespmem:v5+s31+$0x0], $0xffff;
	_ =	sdelay $0x4  }
0x154: {  	vm13 =	veq.s32 v4, $0x0  }
0x155: {  	v4 =	vsel vm13, $0x0, v23  }
0x156: {  	v4 =	vor.u32 v4, v63  }
0x157: {  	v4 =	vor.u32 v1, v4;
	_ =	sdelay $0x4  }
0x158: {  	[tilespmem:v4+s3+$0x0] =	vst.idx.add.f32.msk $0xffff, v48  }
0x159: {  	v4 =	vld.idx.msk [tilespmem:v5+s0+$0x0], $0xffff;
	_ =	sdelay $0x4  }
0x15a: {  	v4 =	vmul.f32 v4, v48;
	_ =	sdelay $0x1  }
0x15b: {  	[tilespmem:v2+s3+$0x0] =	vst.idx.add.f32.msk $0xffff, v4  }
0x15c: {  	v4 =	vld.idx.msk [tilespmem:v5+s2+$0x0], $0xffff;
	_ =	sdelay $0x2  }
0x15d: {  	v5 =	vadd.s32 s7, v29;
	_ =	sdelay $0x1  }
0x15e: {  	v4 =	vmul.f32 v4, v48;
	_ =	sdelay $0x1  }
0x15f: {  	[tilespmem:v3+s3+$0x0] =	vst.idx.add.f32.msk $0xffff, v4  }
0x160: {  	v4 =	vld.idx.msk [tilespmem:v5+s1+$0x0], $0xffff;
	_ =	sdelay $0x4  }
0x161: {  	v6 =	vshrl.u32 v4, $0x3  }
0x162: {  	v6 =	vmul.u32 $0xC00, v6  }
0x163: {  	v4 =	vshll.u32 v4, $0x7  }
0x164: {  	v4 =	vand.u32 $0x380, v4;
	v6 =	vadd.s32 v0, v6  }
0x165: {  	v4 =	vor.u32 v4, v6  }
0x166: {  	v4 =	vor.u32 v63, v4;
	_ =	sdelay $0x4  }
0x167: {  	[tilespmem:v4+s3+$0x0] =	vst.idx.add.f32.msk $0xffff, v49  }
0x168: {  	v4 =	vld.idx.msk [tilespmem:v5+s29+$0x0], $0xffff;
	_ =	sdelay $0x4  }
0x169: {  	v4 =	vadd.s32 $0x6, v4  }
0x16a: {  	v6 =	vshrl.u32 v4, $0x3  }
0x16b: {  	v6 =	vmul.u32 $0xC00, v6  }
0x16c: {  	v4 =	vshll.u32 v4, $0x7  }
0x16d: {  	v4 =	vand.u32 $0x380, v4;
	v6 =	vadd.s32 v0, v6  }
0x16e: {  	v4 =	vor.u32 v4, v6  }
0x16f: {  	v4 =	vor.u32 v63, v4;
	_ =	sdelay $0x4  }
0x170: {  	[tilespmem:v4+s3+$0x0] =	vst.idx.add.f32.msk $0xffff, v49  }
0x171: {  	v4 =	vld.idx.msk [tilespmem:v5+s30+$0x0], $0xffff;
	_ =	sdelay $0x4  }
0x172: {  	v4 =	vadd.s32 $0xB, v4  }
0x173: {  	v6 =	vshrl.u32 v4, $0x3  }
0x174: {  	v6 =	vmul.u32 $0xC00, v6  }
0x175: {  	v4 =	vshll.u32 v4, $0x7  }
0x176: {  	v4 =	vand.u32 $0x380, v4;
	v6 =	vadd.s32 v0, v6  }
0x177: {  	v4 =	vor.u32 v4, v6  }
0x178: {  	v4 =	vor.u32 v63, v4;
	_ =	sdelay $0x4  }
0x179: {  	[tilespmem:v4+s3+$0x0] =	vst.idx.add.f32.msk $0xffff, v49  }
0x17a: {  	v4 =	vld.idx.msk [tilespmem:v5+s31+$0x0], $0xffff;
	_ =	sdelay $0x4  }
0x17b: {  	vm14 =	veq.s32 v4, $0x0  }
0x17c: {  	v4 =	vsel vm14, $0x0, v23  }
0x17d: {  	v4 =	vor.u32 v4, v63  }
0x17e: {  	v4 =	vor.u32 v1, v4;
	_ =	sdelay $0x4  }
0x17f: {  	[tilespmem:v4+s3+$0x0] =	vst.idx.add.f32.msk $0xffff, v49  }
0x180: {  	v4 =	vld.idx.msk [tilespmem:v5+s0+$0x0], $0xffff;
	_ =	sdelay $0x4  }
0x181: {  	v4 =	vmul.f32 v4, v49;
	_ =	sdelay $0x1  }
0x182: {  	[tilespmem:v2+s3+$0x0] =	vst.idx.add.f32.msk $0xffff, v4  }
0x183: {  	v4 =	vld.idx.msk [tilespmem:v5+s2+$0x0], $0xffff;
	_ =	sdelay $0x2  }
0x184: {  	v5 =	vadd.s32 s7, v30;
	_ =	sdelay $0x1  }
0x185: {  	v4 =	vmul.f32 v4, v49;
	_ =	sdelay $0x1  }
0x186: {  	[tilespmem:v3+s3+$0x0] =	vst.idx.add.f32.msk $0xffff, v4  }
0x187: {  	v4 =	vld.idx.msk [tilespmem:v5+s1+$0x0], $0xffff;
	_ =	sdelay $0x4  }
0x188: {  	v6 =	vshrl.u32 v4, $0x3  }
0x189: {  	v6 =	vmul.u32 $0xC00, v6  }
0x18a: {  	v4 =	vshll.u32 v4, $0x7  }
0x18b: {  	v4 =	vand.u32 $0x380, v4;
	v6 =	vadd.s32 v0, v6  }
0x18c: {  	v4 =	vor.u32 v4, v6  }
0x18d: {  	v4 =	vor.u32 v63, v4;
	_ =	sdelay $0x4  }
0x18e: {  	[tilespmem:v4+s3+$0x0] =	vst.idx.add.f32.msk $0xffff, v50  }
0x18f: {  	v4 =	vld.idx.msk [tilespmem:v5+s29+$0x0], $0xffff;
	_ =	sdelay $0x4  }
0x190: {  	v4 =	vadd.s32 $0x6, v4  }
0x191: {  	v6 =	vshrl.u32 v4, $0x3  }
0x192: {  	v6 =	vmul.u32 $0xC00, v6  }
0x193: {  	v4 =	vshll.u32 v4, $0x7  }
0x194: {  	v4 =	vand.u32 $0x380, v4;
	v6 =	vadd.s32 v0, v6  }
0x195: {  	v4 =	vor.u32 v4, v6  }
0x196: {  	v4 =	vor.u32 v63, v4;
	_ =	sdelay $0x4  }
0x197: {  	[tilespmem:v4+s3+$0x0] =	vst.idx.add.f32.msk $0xffff, v50  }
0x198: {  	v4 =	vld.idx.msk [tilespmem:v5+s30+$0x0], $0xffff;
	_ =	sdelay $0x4  }
0x199: {  	v4 =	vadd.s32 $0xB, v4  }
0x19a: {  	v6 =	vshrl.u32 v4, $0x3  }
0x19b: {  	v6 =	vmul.u32 $0xC00, v6  }
0x19c: {  	v4 =	vshll.u32 v4, $0x7  }
0x19d: {  	v4 =	vand.u32 $0x380, v4;
	v6 =	vadd.s32 v0, v6  }
0x19e: {  	v4 =	vor.u32 v4, v6  }
0x19f: {  	v4 =	vor.u32 v63, v4;
	_ =	sdelay $0x4  }
0x1a0: {  	[tilespmem:v4+s3+$0x0] =	vst.idx.add.f32.msk $0xffff, v50  }
0x1a1: {  	v4 =	vld.idx.msk [tilespmem:v5+s31+$0x0], $0xffff;
	_ =	sdelay $0x4  }
0x1a2: {  	vm15 =	veq.s32 v4, $0x0  }
0x1a3: {  	v4 =	vsel vm15, $0x0, v23  }
0x1a4: {  	v4 =	vor.u32 v4, v63  }
0x1a5: {  	v4 =	vor.u32 v1, v4;
	_ =	sdelay $0x4  }
0x1a6: {  	[tilespmem:v4+s3+$0x0] =	vst.idx.add.f32.msk $0xffff, v50  }
0x1a7: {  	v4 =	vld.idx.msk [tilespmem:v5+s0+$0x0], $0xffff;
	_ =	sdelay $0x4  }
0x1a8: {  	v4 =	vmul.f32 v4, v50;
	_ =	sdelay $0x1  }
0x1a9: {  	[tilespmem:v2+s3+$0x0] =	vst.idx.add.f32.msk $0xffff, v4  }
0x1aa: {  	v4 =	vld.idx.msk [tilespmem:v5+s2+$0x0], $0xffff;
	_ =	sdelay $0x2  }
0x1ab: {  	v5 =	vadd.s32 s7, v31;
	_ =	sdelay $0x1  }
0x1ac: {  	v4 =	vmul.f32 v4, v50;
	_ =	sdelay $0x1  }
0x1ad: {  	[tilespmem:v3+s3+$0x0] =	vst.idx.add.f32.msk $0xffff, v4  }
0x1ae: {  	v4 =	vld.idx.msk [tilespmem:v5+s1+$0x0], $0xffff;
	_ =	sdelay $0x4  }
0x1af: {  	v6 =	vshrl.u32 v4, $0x3  }
0x1b0: {  	v6 =	vmul.u32 $0xC00, v6  }
0x1b1: {  	v4 =	vshll.u32 v4, $0x7  }
0x1b2: {  	v4 =	vand.u32 $0x380, v4;
	v6 =	vadd.s32 v0, v6  }
0x1b3: {  	v4 =	vor.u32 v4, v6  }
0x1b4: {  	v4 =	vor.u32 v63, v4;
	_ =	sdelay $0x4  }
0x1b5: {  	[tilespmem:v4+s3+$0x0] =	vst.idx.add.f32.msk $0xffff, v51  }
0x1b6: {  	v4 =	vld.idx.msk [tilespmem:v5+s29+$0x0], $0xffff;
	_ =	sdelay $0x4  }
0x1b7: {  	v4 =	vadd.s32 $0x6, v4  }
0x1b8: {  	v6 =	vshrl.u32 v4, $0x3  }
0x1b9: {  	v6 =	vmul.u32 $0xC00, v6  }
0x1ba: {  	v4 =	vshll.u32 v4, $0x7  }
0x1bb: {  	v4 =	vand.u32 $0x380, v4;
	v6 =	vadd.s32 v0, v6  }
0x1bc: {  	v4 =	vor.u32 v4, v6  }
0x1bd: {  	v4 =	vor.u32 v63, v4;
	_ =	sdelay $0x4  }
0x1be: {  	[tilespmem:v4+s3+$0x0] =	vst.idx.add.f32.msk $0xffff, v51  }
0x1bf: {  	v4 =	vld.idx.msk [tilespmem:v5+s30+$0x0], $0xffff;
	_ =	sdelay $0x4  }
0x1c0: {  	v4 =	vadd.s32 $0xB, v4  }
0x1c1: {  	v6 =	vshrl.u32 v4, $0x3  }
0x1c2: {  	v6 =	vmul.u32 $0xC00, v6  }
0x1c3: {  	v4 =	vshll.u32 v4, $0x7  }
0x1c4: {  	v4 =	vand.u32 $0x380, v4;
	v6 =	vadd.s32 v0, v6  }
0x1c5: {  	v4 =	vor.u32 v4, v6  }
0x1c6: {  	v4 =	vor.u32 v63, v4;
	_ =	sdelay $0x4  }
0x1c7: {  	[tilespmem:v4+s3+$0x0] =	vst.idx.add.f32.msk $0xffff, v51  }
0x1c8: {  	v4 =	vld.idx.msk [tilespmem:v5+s31+$0x0], $0xffff;
	_ =	sdelay $0x4  }
0x1c9: {  	vm4 =	veq.s32 v4, $0x0  }
0x1ca: {  	v4 =	vsel vm4, $0x0, v23  }
0x1cb: {  	v4 =	vor.u32 v4, v63  }
0x1cc: {  	v4 =	vor.u32 v1, v4;
	_ =	sdelay $0x4  }
0x1cd: {  	[tilespmem:v4+s3+$0x0] =	vst.idx.add.f32.msk $0xffff, v51  }
0x1ce: {  	v4 =	vld.idx.msk [tilespmem:v5+s0+$0x0], $0xffff;
	_ =	sdelay $0x4  }
0x1cf: {  	v4 =	vmul.f32 v4, v51;
	_ =	sdelay $0x1  }
0x1d0: {  	[tilespmem:v2+s3+$0x0] =	vst.idx.add.f32.msk $0xffff, v4  }
0x1d1: {  	v4 =	vld.idx.msk [tilespmem:v5+s2+$0x0], $0xffff;
	_ =	sdelay $0x2  }
0x1d2: {  	v5 =	vadd.s32 s7, v32;
	_ =	sdelay $0x1  }
0x1d3: {  	v4 =	vmul.f32 v4, v51;
	_ =	sdelay $0x1  }
0x1d4: {  	[tilespmem:v3+s3+$0x0] =	vst.idx.add.f32.msk $0xffff, v4  }
0x1d5: {  	v4 =	vld.idx.msk [tilespmem:v5+s1+$0x0], $0xffff;
	_ =	sdelay $0x4  }
0x1d6: {  	v6 =	vshrl.u32 v4, $0x3  }
0x1d7: {  	v6 =	vmul.u32 $0xC00, v6  }
0x1d8: {  	v4 =	vshll.u32 v4, $0x7  }
0x1d9: {  	v4 =	vand.u32 $0x380, v4;
	v6 =	vadd.s32 v0, v6  }
0x1da: {  	v4 =	vor.u32 v4, v6  }
0x1db: {  	v4 =	vor.u32 v63, v4;
	_ =	sdelay $0x4  }
0x1dc: {  	[tilespmem:v4+s3+$0x0] =	vst.idx.add.f32.msk $0xffff, v52  }
0x1dd: {  	v4 =	vld.idx.msk [tilespmem:v5+s29+$0x0], $0xffff;
	_ =	sdelay $0x4  }
0x1de: {  	v4 =	vadd.s32 $0x6, v4  }
0x1df: {  	v6 =	vshrl.u32 v4, $0x3  }
0x1e0: {  	v6 =	vmul.u32 $0xC00, v6  }
0x1e1: {  	v4 =	vshll.u32 v4, $0x7  }
0x1e2: {  	v4 =	vand.u32 $0x380, v4;
	v6 =	vadd.s32 v0, v6  }
0x1e3: {  	v4 =	vor.u32 v4, v6  }
0x1e4: {  	v4 =	vor.u32 v63, v4;
	_ =	sdelay $0x4  }
0x1e5: {  	[tilespmem:v4+s3+$0x0] =	vst.idx.add.f32.msk $0xffff, v52  }
0x1e6: {  	v4 =	vld.idx.msk [tilespmem:v5+s30+$0x0], $0xffff;
	_ =	sdelay $0x4  }
0x1e7: {  	v4 =	vadd.s32 $0xB, v4  }
0x1e8: {  	v6 =	vshrl.u32 v4, $0x3  }
0x1e9: {  	v6 =	vmul.u32 $0xC00, v6  }
0x1ea: {  	v4 =	vshll.u32 v4, $0x7  }
0x1eb: {  	v4 =	vand.u32 $0x380, v4;
	v6 =	vadd.s32 v0, v6  }
0x1ec: {  	v4 =	vor.u32 v4, v6  }
0x1ed: {  	v4 =	vor.u32 v63, v4;
	_ =	sdelay $0x4  }
0x1ee: {  	[tilespmem:v4+s3+$0x0] =	vst.idx.add.f32.msk $0xffff, v52  }
0x1ef: {  	v4 =	vld.idx.msk [tilespmem:v5+s31+$0x0], $0xffff;
	_ =	sdelay $0x4  }
0x1f0: {  	vm5 =	veq.s32 v4, $0x0  }
0x1f1: {  	v4 =	vsel vm5, $0x0, v23  }
0x1f2: {  	v4 =	vor.u32 v4, v63  }
0x1f3: {  	v4 =	vor.u32 v1, v4;
	_ =	sdelay $0x4  }
0x1f4: {  	[tilespmem:v4+s3+$0x0] =	vst.idx.add.f32.msk $0xffff, v52  }
0x1f5: {  	v4 =	vld.idx.msk [tilespmem:v5+s0+$0x0], $0xffff;
	_ =	sdelay $0x4  }
0x1f6: {  	v4 =	vmul.f32 v4, v52;
	_ =	sdelay $0x1  }
0x1f7: {  	[tilespmem:v2+s3+$0x0] =	vst.idx.add.f32.msk $0xffff, v4  }
0x1f8: {  	v4 =	vld.idx.msk [tilespmem:v5+s2+$0x0], $0xffff;
	_ =	sdelay $0x2  }
0x1f9: {  	v5 =	vadd.s32 s7, v33;
	_ =	sdelay $0x1  }
0x1fa: {  	v4 =	vmul.f32 v4, v52;
	_ =	sdelay $0x1  }
0x1fb: {  	[tilespmem:v3+s3+$0x0] =	vst.idx.add.f32.msk $0xffff, v4  }
0x1fc: {  	v4 =	vld.idx.msk [tilespmem:v5+s1+$0x0], $0xffff;
	_ =	sdelay $0x4  }
0x1fd: {  	v6 =	vshrl.u32 v4, $0x3  }
0x1fe: {  	v6 =	vmul.u32 $0xC00, v6  }
0x1ff: {  	v4 =	vshll.u32 v4, $0x7  }
0x200: {  	v4 =	vand.u32 $0x380, v4;
	v6 =	vadd.s32 v0, v6  }
0x201: {  	v4 =	vor.u32 v4, v6  }
0x202: {  	v4 =	vor.u32 v63, v4;
	_ =	sdelay $0x4  }
0x203: {  	[tilespmem:v4+s3+$0x0] =	vst.idx.add.f32.msk $0xffff, v53  }
0x204: {  	v4 =	vld.idx.msk [tilespmem:v5+s29+$0x0], $0xffff;
	_ =	sdelay $0x4  }
0x205: {  	v4 =	vadd.s32 $0x6, v4  }
0x206: {  	v6 =	vshrl.u32 v4, $0x3  }
0x207: {  	v6 =	vmul.u32 $0xC00, v6  }
0x208: {  	v4 =	vshll.u32 v4, $0x7  }
0x209: {  	v4 =	vand.u32 $0x380, v4;
	v6 =	vadd.s32 v0, v6  }
0x20a: {  	v4 =	vor.u32 v4, v6  }
0x20b: {  	v4 =	vor.u32 v63, v4;
	_ =	sdelay $0x4  }
0x20c: {  	[tilespmem:v4+s3+$0x0] =	vst.idx.add.f32.msk $0xffff, v53  }
0x20d: {  	v4 =	vld.idx.msk [tilespmem:v5+s30+$0x0], $0xffff;
	_ =	sdelay $0x4  }
0x20e: {  	v4 =	vadd.s32 $0xB, v4  }
0x20f: {  	v6 =	vshrl.u32 v4, $0x3  }
0x210: {  	v6 =	vmul.u32 $0xC00, v6  }
0x211: {  	v4 =	vshll.u32 v4, $0x7  }
0x212: {  	v4 =	vand.u32 $0x380, v4;
	v6 =	vadd.s32 v0, v6  }
0x213: {  	v4 =	vor.u32 v4, v6  }
0x214: {  	v4 =	vor.u32 v63, v4;
	_ =	sdelay $0x4  }
0x215: {  	[tilespmem:v4+s3+$0x0] =	vst.idx.add.f32.msk $0xffff, v53  }
0x216: {  	v4 =	vld.idx.msk [tilespmem:v5+s31+$0x0], $0xffff;
	_ =	sdelay $0x4  }
0x217: {  	vm6 =	veq.s32 v4, $0x0  }
0x218: {  	v4 =	vsel vm6, $0x0, v23  }
0x219: {  	v4 =	vor.u32 v4, v63  }
0x21a: {  	v4 =	vor.u32 v1, v4;
	_ =	sdelay $0x4  }
0x21b: {  	[tilespmem:v4+s3+$0x0] =	vst.idx.add.f32.msk $0xffff, v53  }
0x21c: {  	v4 =	vld.idx.msk [tilespmem:v5+s0+$0x0], $0xffff;
	_ =	sdelay $0x4  }
0x21d: {  	v4 =	vmul.f32 v4, v53;
	_ =	sdelay $0x1  }
0x21e: {  	[tilespmem:v2+s3+$0x0] =	vst.idx.add.f32.msk $0xffff, v4  }
0x21f: {  	v4 =	vld.idx.msk [tilespmem:v5+s2+$0x0], $0xffff;
	_ =	sdelay $0x2  }
0x220: {  	v5 =	vadd.s32 s7, v34;
	_ =	sdelay $0x1  }
0x221: {  	v4 =	vmul.f32 v4, v53;
	_ =	sdelay $0x1  }
0x222: {  	[tilespmem:v3+s3+$0x0] =	vst.idx.add.f32.msk $0xffff, v4  }
0x223: {  	v4 =	vld.idx.msk [tilespmem:v5+s1+$0x0], $0xffff;
	_ =	sdelay $0x4  }
0x224: {  	v6 =	vshrl.u32 v4, $0x3  }
0x225: {  	v6 =	vmul.u32 $0xC00, v6  }
0x226: {  	v4 =	vshll.u32 v4, $0x7  }
0x227: {  	v4 =	vand.u32 $0x380, v4;
	v6 =	vadd.s32 v0, v6  }
0x228: {  	v4 =	vor.u32 v4, v6  }
0x229: {  	v4 =	vor.u32 v63, v4;
	_ =	sdelay $0x4  }
0x22a: {  	[tilespmem:v4+s3+$0x0] =	vst.idx.add.f32.msk $0xffff, v54  }
0x22b: {  	v4 =	vld.idx.msk [tilespmem:v5+s29+$0x0], $0xffff;
	_ =	sdelay $0x4  }
0x22c: {  	v4 =	vadd.s32 $0x6, v4  }
0x22d: {  	v6 =	vshrl.u32 v4, $0x3  }
0x22e: {  	v6 =	vmul.u32 $0xC00, v6  }
0x22f: {  	v4 =	vshll.u32 v4, $0x7  }
0x230: {  	v4 =	vand.u32 $0x380, v4;
	v6 =	vadd.s32 v0, v6  }
0x231: {  	v4 =	vor.u32 v4, v6  }
0x232: {  	v4 =	vor.u32 v63, v4;
	_ =	sdelay $0x4  }
0x233: {  	[tilespmem:v4+s3+$0x0] =	vst.idx.add.f32.msk $0xffff, v54  }
0x234: {  	v4 =	vld.idx.msk [tilespmem:v5+s30+$0x0], $0xffff;
	_ =	sdelay $0x4  }
0x235: {  	v4 =	vadd.s32 $0xB, v4  }
0x236: {  	v6 =	vshrl.u32 v4, $0x3  }
0x237: {  	v6 =	vmul.u32 $0xC00, v6  }
0x238: {  	v4 =	vshll.u32 v4, $0x7  }
0x239: {  	v4 =	vand.u32 $0x380, v4;
	v6 =	vadd.s32 v0, v6  }
0x23a: {  	v4 =	vor.u32 v4, v6  }
0x23b: {  	v4 =	vor.u32 v63, v4;
	_ =	sdelay $0x4  }
0x23c: {  	[tilespmem:v4+s3+$0x0] =	vst.idx.add.f32.msk $0xffff, v54  }
0x23d: {  	v4 =	vld.idx.msk [tilespmem:v5+s31+$0x0], $0xffff;
	_ =	sdelay $0x4  }
0x23e: {  	vm7 =	veq.s32 v4, $0x0  }
0x23f: {  	v4 =	vsel vm7, $0x0, v23  }
0x240: {  	v4 =	vor.u32 v4, v63  }
0x241: {  	v4 =	vor.u32 v1, v4;
	_ =	sdelay $0x4  }
0x242: {  	[tilespmem:v4+s3+$0x0] =	vst.idx.add.f32.msk $0xffff, v54  }
0x243: {  	v4 =	vld.idx.msk [tilespmem:v5+s0+$0x0], $0xffff;
	_ =	sdelay $0x4  }
0x244: {  	v4 =	vmul.f32 v4, v54;
	_ =	sdelay $0x1  }
0x245: {  	[tilespmem:v2+s3+$0x0] =	vst.idx.add.f32.msk $0xffff, v4  }
0x246: {  	v4 =	vld.idx.msk [tilespmem:v5+s2+$0x0], $0xffff;
	_ =	sdelay $0x2  }
0x247: {  	v5 =	vadd.s32 s7, v35;
	_ =	sdelay $0x1  }
0x248: {  	v4 =	vmul.f32 v4, v54;
	_ =	sdelay $0x1  }
0x249: {  	[tilespmem:v3+s3+$0x0] =	vst.idx.add.f32.msk $0xffff, v4  }
0x24a: {  	v4 =	vld.idx.msk [tilespmem:v5+s1+$0x0], $0xffff;
	_ =	sdelay $0x4  }
0x24b: {  	v6 =	vshrl.u32 v4, $0x3  }
0x24c: {  	v6 =	vmul.u32 $0xC00, v6  }
0x24d: {  	v4 =	vshll.u32 v4, $0x7  }
0x24e: {  	v4 =	vand.u32 $0x380, v4;
	v6 =	vadd.s32 v0, v6  }
0x24f: {  	v4 =	vor.u32 v4, v6  }
0x250: {  	v4 =	vor.u32 v63, v4;
	_ =	sdelay $0x4  }
0x251: {  	[tilespmem:v4+s3+$0x0] =	vst.idx.add.f32.msk $0xffff, v55  }
0x252: {  	v4 =	vld.idx.msk [tilespmem:v5+s29+$0x0], $0xffff;
	_ =	sdelay $0x4  }
0x253: {  	v4 =	vadd.s32 $0x6, v4  }
0x254: {  	v6 =	vshrl.u32 v4, $0x3  }
0x255: {  	v6 =	vmul.u32 $0xC00, v6  }
0x256: {  	v4 =	vshll.u32 v4, $0x7  }
0x257: {  	v4 =	vand.u32 $0x380, v4;
	v6 =	vadd.s32 v0, v6  }
0x258: {  	v4 =	vor.u32 v4, v6  }
0x259: {  	v4 =	vor.u32 v63, v4;
	_ =	sdelay $0x4  }
0x25a: {  	[tilespmem:v4+s3+$0x0] =	vst.idx.add.f32.msk $0xffff, v55  }
0x25b: {  	v4 =	vld.idx.msk [tilespmem:v5+s30+$0x0], $0xffff;
	_ =	sdelay $0x4  }
0x25c: {  	v4 =	vadd.s32 $0xB, v4  }
0x25d: {  	v6 =	vshrl.u32 v4, $0x3  }
0x25e: {  	v6 =	vmul.u32 $0xC00, v6  }
0x25f: {  	v4 =	vshll.u32 v4, $0x7  }
0x260: {  	v4 =	vand.u32 $0x380, v4;
	v6 =	vadd.s32 v0, v6  }
0x261: {  	v4 =	vor.u32 v4, v6  }
0x262: {  	v4 =	vor.u32 v63, v4;
	_ =	sdelay $0x4  }
0x263: {  	[tilespmem:v4+s3+$0x0] =	vst.idx.add.f32.msk $0xffff, v55  }
0x264: {  	v4 =	vld.idx.msk [tilespmem:v5+s31+$0x0], $0xffff;
	_ =	sdelay $0x4  }
0x265: {  	vm8 =	veq.s32 v4, $0x0  }
0x266: {  	v4 =	vsel vm8, $0x0, v23  }
0x267: {  	v4 =	vor.u32 v4, v63  }
0x268: {  	v4 =	vor.u32 v1, v4;
	_ =	sdelay $0x4  }
0x269: {  	[tilespmem:v4+s3+$0x0] =	vst.idx.add.f32.msk $0xffff, v55  }
0x26a: {  	v4 =	vld.idx.msk [tilespmem:v5+s0+$0x0], $0xffff;
	_ =	sdelay $0x4  }
0x26b: {  	v4 =	vmul.f32 v4, v55;
	_ =	sdelay $0x1  }
0x26c: {  	[tilespmem:v2+s3+$0x0] =	vst.idx.add.f32.msk $0xffff, v4  }
0x26d: {  	v4 =	vld.idx.msk [tilespmem:v5+s2+$0x0], $0xffff;
	_ =	sdelay $0x2  }
0x26e: {  	v5 =	vadd.s32 s7, v36;
	_ =	sdelay $0x1  }
0x26f: {  	v4 =	vmul.f32 v4, v55;
	_ =	sdelay $0x1  }
0x270: {  	[tilespmem:v3+s3+$0x0] =	vst.idx.add.f32.msk $0xffff, v4  }
0x271: {  	v4 =	vld.idx.msk [tilespmem:v5+s1+$0x0], $0xffff;
	_ =	sdelay $0x4  }
0x272: {  	v6 =	vshrl.u32 v4, $0x3  }
0x273: {  	v6 =	vmul.u32 $0xC00, v6  }
0x274: {  	v4 =	vshll.u32 v4, $0x7  }
0x275: {  	v4 =	vand.u32 $0x380, v4;
	v6 =	vadd.s32 v0, v6  }
0x276: {  	v4 =	vor.u32 v4, v6  }
0x277: {  	v4 =	vor.u32 v63, v4;
	_ =	sdelay $0x4  }
0x278: {  	[tilespmem:v4+s3+$0x0] =	vst.idx.add.f32.msk $0xffff, v56  }
0x279: {  	v4 =	vld.idx.msk [tilespmem:v5+s29+$0x0], $0xffff;
	_ =	sdelay $0x4  }
0x27a: {  	v4 =	vadd.s32 $0x6, v4  }
0x27b: {  	v6 =	vshrl.u32 v4, $0x3  }
0x27c: {  	v6 =	vmul.u32 $0xC00, v6  }
0x27d: {  	v4 =	vshll.u32 v4, $0x7  }
0x27e: {  	v4 =	vand.u32 $0x380, v4;
	v6 =	vadd.s32 v0, v6  }
0x27f: {  	v4 =	vor.u32 v4, v6  }
0x280: {  	v4 =	vor.u32 v63, v4;
	_ =	sdelay $0x4  }
0x281: {  	[tilespmem:v4+s3+$0x0] =	vst.idx.add.f32.msk $0xffff, v56  }
0x282: {  	v4 =	vld.idx.msk [tilespmem:v5+s30+$0x0], $0xffff;
	_ =	sdelay $0x4  }
0x283: {  	v4 =	vadd.s32 $0xB, v4  }
0x284: {  	v6 =	vshrl.u32 v4, $0x3  }
0x285: {  	v6 =	vmul.u32 $0xC00, v6  }
0x286: {  	v4 =	vshll.u32 v4, $0x7  }
0x287: {  	v4 =	vand.u32 $0x380, v4;
	v6 =	vadd.s32 v0, v6  }
0x288: {  	v4 =	vor.u32 v4, v6  }
0x289: {  	v4 =	vor.u32 v63, v4;
	_ =	sdelay $0x4  }
0x28a: {  	[tilespmem:v4+s3+$0x0] =	vst.idx.add.f32.msk $0xffff, v56  }
0x28b: {  	v4 =	vld.idx.msk [tilespmem:v5+s31+$0x0], $0xffff;
	_ =	sdelay $0x4  }
0x28c: {  	vm9 =	veq.s32 v4, $0x0  }
0x28d: {  	v4 =	vsel vm9, $0x0, v23  }
0x28e: {  	v4 =	vor.u32 v4, v63  }
0x28f: {  	v4 =	vor.u32 v1, v4;
	_ =	sdelay $0x4  }
0x290: {  	[tilespmem:v4+s3+$0x0] =	vst.idx.add.f32.msk $0xffff, v56  }
0x291: {  	v4 =	vld.idx.msk [tilespmem:v5+s0+$0x0], $0xffff;
	_ =	sdelay $0x4  }
0x292: {  	v4 =	vmul.f32 v4, v56;
	_ =	sdelay $0x1  }
0x293: {  	[tilespmem:v2+s3+$0x0] =	vst.idx.add.f32.msk $0xffff, v4  }
0x294: {  	v4 =	vld.idx.msk [tilespmem:v5+s2+$0x0], $0xffff;
	_ =	sdelay $0x2  }
0x295: {  	v5 =	vadd.s32 s7, v37;
	_ =	sdelay $0x1  }
0x296: {  	v4 =	vmul.f32 v4, v56;
	_ =	sdelay $0x1  }
0x297: {  	[tilespmem:v3+s3+$0x0] =	vst.idx.add.f32.msk $0xffff, v4  }
0x298: {  	v4 =	vld.idx.msk [tilespmem:v5+s1+$0x0], $0xffff;
	_ =	sdelay $0x4  }
0x299: {  	v6 =	vshrl.u32 v4, $0x3  }
0x29a: {  	v6 =	vmul.u32 $0xC00, v6  }
0x29b: {  	v4 =	vshll.u32 v4, $0x7  }
0x29c: {  	v4 =	vand.u32 $0x380, v4;
	v6 =	vadd.s32 v0, v6  }
0x29d: {  	v4 =	vor.u32 v4, v6  }
0x29e: {  	v4 =	vor.u32 v63, v4;
	_ =	sdelay $0x4  }
0x29f: {  	[tilespmem:v4+s3+$0x0] =	vst.idx.add.f32.msk $0xffff, v57  }
0x2a0: {  	v4 =	vld.idx.msk [tilespmem:v5+s29+$0x0], $0xffff;
	_ =	sdelay $0x4  }
0x2a1: {  	v4 =	vadd.s32 $0x6, v4  }
0x2a2: {  	v6 =	vshrl.u32 v4, $0x3  }
0x2a3: {  	v6 =	vmul.u32 $0xC00, v6  }
0x2a4: {  	v4 =	vshll.u32 v4, $0x7  }
0x2a5: {  	v4 =	vand.u32 $0x380, v4;
	v6 =	vadd.s32 v0, v6  }
0x2a6: {  	v4 =	vor.u32 v4, v6  }
0x2a7: {  	v4 =	vor.u32 v63, v4;
	_ =	sdelay $0x4  }
0x2a8: {  	[tilespmem:v4+s3+$0x0] =	vst.idx.add.f32.msk $0xffff, v57  }
0x2a9: {  	v4 =	vld.idx.msk [tilespmem:v5+s30+$0x0], $0xffff;
	_ =	sdelay $0x4  }
0x2aa: {  	v4 =	vadd.s32 $0xB, v4  }
0x2ab: {  	v6 =	vshrl.u32 v4, $0x3  }
0x2ac: {  	v6 =	vmul.u32 $0xC00, v6  }
0x2ad: {  	v4 =	vshll.u32 v4, $0x7  }
0x2ae: {  	v4 =	vand.u32 $0x380, v4;
	v6 =	vadd.s32 v0, v6  }
0x2af: {  	v4 =	vor.u32 v4, v6  }
0x2b0: {  	v4 =	vor.u32 v63, v4;
	_ =	sdelay $0x4  }
0x2b1: {  	[tilespmem:v4+s3+$0x0] =	vst.idx.add.f32.msk $0xffff, v57  }
0x2b2: {  	v4 =	vld.idx.msk [tilespmem:v5+s31+$0x0], $0xffff;
	_ =	sdelay $0x4  }
0x2b3: {  	vm10 =	veq.s32 v4, $0x0  }
0x2b4: {  	v4 =	vsel vm10, $0x0, v23  }
0x2b5: {  	v4 =	vor.u32 v4, v63  }
0x2b6: {  	v4 =	vor.u32 v1, v4;
	_ =	sdelay $0x4  }
0x2b7: {  	[tilespmem:v4+s3+$0x0] =	vst.idx.add.f32.msk $0xffff, v57  }
0x2b8: {  	v4 =	vld.idx.msk [tilespmem:v5+s0+$0x0], $0xffff;
	_ =	sdelay $0x4  }
0x2b9: {  	v4 =	vmul.f32 v4, v57;
	_ =	sdelay $0x1  }
0x2ba: {  	[tilespmem:v2+s3+$0x0] =	vst.idx.add.f32.msk $0xffff, v4  }
0x2bb: {  	v4 =	vld.idx.msk [tilespmem:v5+s2+$0x0], $0xffff;
	_ =	sdelay $0x2  }
0x2bc: {  	v5 =	vadd.s32 s7, v38;
	_ =	sdelay $0x1  }
0x2bd: {  	v4 =	vmul.f32 v4, v57;
	_ =	sdelay $0x1  }
0x2be: {  	[tilespmem:v3+s3+$0x0] =	vst.idx.add.f32.msk $0xffff, v4  }
0x2bf: {  	v4 =	vld.idx.msk [tilespmem:v5+s1+$0x0], $0xffff;
	_ =	sdelay $0x4  }
0x2c0: {  	v6 =	vshrl.u32 v4, $0x3  }
0x2c1: {  	v6 =	vmul.u32 $0xC00, v6  }
0x2c2: {  	v4 =	vshll.u32 v4, $0x7  }
0x2c3: {  	v4 =	vand.u32 $0x380, v4;
	v6 =	vadd.s32 v0, v6  }
0x2c4: {  	v4 =	vor.u32 v4, v6  }
0x2c5: {  	v4 =	vor.u32 v63, v4;
	_ =	sdelay $0x4  }
0x2c6: {  	[tilespmem:v4+s3+$0x0] =	vst.idx.add.f32.msk $0xffff, v58  }
0x2c7: {  	v4 =	vld.idx.msk [tilespmem:v5+s29+$0x0], $0xffff;
	_ =	sdelay $0x4  }
0x2c8: {  	v4 =	vadd.s32 $0x6, v4  }
0x2c9: {  	v6 =	vshrl.u32 v4, $0x3  }
0x2ca: {  	v6 =	vmul.u32 $0xC00, v6  }
0x2cb: {  	v4 =	vshll.u32 v4, $0x7  }
0x2cc: {  	v4 =	vand.u32 $0x380, v4;
	v6 =	vadd.s32 v0, v6  }
0x2cd: {  	v4 =	vor.u32 v4, v6  }
0x2ce: {  	v4 =	vor.u32 v63, v4;
	_ =	sdelay $0x4  }
0x2cf: {  	[tilespmem:v4+s3+$0x0] =	vst.idx.add.f32.msk $0xffff, v58  }
0x2d0: {  	v4 =	vld.idx.msk [tilespmem:v5+s30+$0x0], $0xffff;
	_ =	sdelay $0x4  }
0x2d1: {  	v4 =	vadd.s32 $0xB, v4  }
0x2d2: {  	v6 =	vshrl.u32 v4, $0x3  }
0x2d3: {  	v6 =	vmul.u32 $0xC00, v6  }
0x2d4: {  	v4 =	vshll.u32 v4, $0x7  }
0x2d5: {  	v4 =	vand.u32 $0x380, v4;
	v6 =	vadd.s32 v0, v6  }
0x2d6: {  	v4 =	vor.u32 v4, v6  }
0x2d7: {  	v4 =	vor.u32 v63, v4;
	_ =	sdelay $0x4  }
0x2d8: {  	[tilespmem:v4+s3+$0x0] =	vst.idx.add.f32.msk $0xffff, v58  }
0x2d9: {  	v4 =	vld.idx.msk [tilespmem:v5+s31+$0x0], $0xffff;
	_ =	sdelay $0x4  }
0x2da: {  	vm11 =	veq.s32 v4, $0x0  }
0x2db: {  	v4 =	vsel vm11, $0x0, v23  }
0x2dc: {  	v4 =	vor.u32 v4, v63  }
0x2dd: {  	v4 =	vor.u32 v1, v4;
	_ =	sdelay $0x4  }
0x2de: {  	[tilespmem:v4+s3+$0x0] =	vst.idx.add.f32.msk $0xffff, v58  }
0x2df: {  	v4 =	vld.idx.msk [tilespmem:v5+s0+$0x0], $0xffff;
	_ =	sdelay $0x4  }
0x2e0: {  	v4 =	vmul.f32 v4, v58;
	_ =	sdelay $0x1  }
0x2e1: {  	[tilespmem:v2+s3+$0x0] =	vst.idx.add.f32.msk $0xffff, v4  }
0x2e2: {  	v4 =	vld.idx.msk [tilespmem:v5+s2+$0x0], $0xffff;
	_ =	sdelay $0x2  }
0x2e3: {  	v5 =	vadd.s32 s7, v39;
	_ =	sdelay $0x1  }
0x2e4: {  	v4 =	vmul.f32 v4, v58;
	_ =	sdelay $0x1  }
0x2e5: {  	[tilespmem:v3+s3+$0x0] =	vst.idx.add.f32.msk $0xffff, v4  }
0x2e6: {  	v4 =	vld.idx.msk [tilespmem:v5+s1+$0x0], $0xffff;
	_ =	sdelay $0x4  }
0x2e7: {  	v6 =	vshrl.u32 v4, $0x3  }
0x2e8: {  	v6 =	vmul.u32 $0xC00, v6  }
0x2e9: {  	v4 =	vshll.u32 v4, $0x7  }
0x2ea: {  	v4 =	vand.u32 $0x380, v4;
	v6 =	vadd.s32 v0, v6  }
0x2eb: {  	v4 =	vor.u32 v4, v6  }
0x2ec: {  	v4 =	vor.u32 v63, v4;
	_ =	sdelay $0x4  }
0x2ed: {  	[tilespmem:v4+s3+$0x0] =	vst.idx.add.f32.msk $0xffff, v59  }
0x2ee: {  	v4 =	vld.idx.msk [tilespmem:v5+s29+$0x0], $0xffff;
	_ =	sdelay $0x4  }
0x2ef: {  	v4 =	vadd.s32 $0x6, v4  }
0x2f0: {  	v6 =	vshrl.u32 v4, $0x3  }
0x2f1: {  	v6 =	vmul.u32 $0xC00, v6  }
0x2f2: {  	v4 =	vshll.u32 v4, $0x7  }
0x2f3: {  	v4 =	vand.u32 $0x380, v4;
	v6 =	vadd.s32 v0, v6  }
0x2f4: {  	v4 =	vor.u32 v4, v6  }
0x2f5: {  	v4 =	vor.u32 v63, v4;
	_ =	sdelay $0x4  }
0x2f6: {  	[tilespmem:v4+s3+$0x0] =	vst.idx.add.f32.msk $0xffff, v59  }
0x2f7: {  	v4 =	vld.idx.msk [tilespmem:v5+s30+$0x0], $0xffff;
	_ =	sdelay $0x4  }
0x2f8: {  	v4 =	vadd.s32 $0xB, v4  }
0x2f9: {  	v6 =	vshrl.u32 v4, $0x3  }
0x2fa: {  	v6 =	vmul.u32 $0xC00, v6  }
0x2fb: {  	v4 =	vshll.u32 v4, $0x7  }
0x2fc: {  	v4 =	vand.u32 $0x380, v4;
	v6 =	vadd.s32 v0, v6  }
0x2fd: {  	v4 =	vor.u32 v4, v6  }
0x2fe: {  	v4 =	vor.u32 v63, v4;
	_ =	sdelay $0x4  }
0x2ff: {  	[tilespmem:v4+s3+$0x0] =	vst.idx.add.f32.msk $0xffff, v59  }
0x300: {  	v4 =	vld.idx.msk [tilespmem:v5+s31+$0x0], $0xffff;
	_ =	sdelay $0x4  }
0x301: {  	vm12 =	veq.s32 v4, $0x0  }
0x302: {  	v4 =	vsel vm12, $0x0, v23  }
0x303: {  	v4 =	vor.u32 v4, v63  }
0x304: {  	v4 =	vor.u32 v1, v4;
	_ =	sdelay $0x4  }
0x305: {  	[tilespmem:v4+s3+$0x0] =	vst.idx.add.f32.msk $0xffff, v59  }
0x306: {  	v4 =	vld.idx.msk [tilespmem:v5+s0+$0x0], $0xffff;
	_ =	sdelay $0x4  }
0x307: {  	v4 =	vmul.f32 v4, v59;
	_ =	sdelay $0x1  }
0x308: {  	[tilespmem:v2+s3+$0x0] =	vst.idx.add.f32.msk $0xffff, v4  }
0x309: {  	v4 =	vld.idx.msk [tilespmem:v5+s2+$0x0], $0xffff;
	_ =	sdelay $0x2  }
0x30a: {  	v5 =	vadd.s32 s7, v40;
	_ =	sdelay $0x1  }
0x30b: {  	v4 =	vmul.f32 v4, v59;
	_ =	sdelay $0x1  }
0x30c: {  	[tilespmem:v3+s3+$0x0] =	vst.idx.add.f32.msk $0xffff, v4  }
0x30d: {  	v4 =	vld.idx.msk [tilespmem:v5+s1+$0x0], $0xffff;
	_ =	sdelay $0x4  }
0x30e: {  	v6 =	vshrl.u32 v4, $0x3  }
0x30f: {  	v6 =	vmul.u32 $0xC00, v6  }
0x310: {  	v4 =	vshll.u32 v4, $0x7  }
0x311: {  	v4 =	vand.u32 $0x380, v4;
	v6 =	vadd.s32 v0, v6  }
0x312: {  	v4 =	vor.u32 v4, v6  }
0x313: {  	v4 =	vor.u32 v63, v4;
	_ =	sdelay $0x4  }
0x314: {  	[tilespmem:v4+s3+$0x0] =	vst.idx.add.f32.msk $0xffff, v60  }
0x315: {  	v4 =	vld.idx.msk [tilespmem:v5+s29+$0x0], $0xffff;
	_ =	sdelay $0x4  }
0x316: {  	v4 =	vadd.s32 $0x6, v4  }
0x317: {  	v6 =	vshrl.u32 v4, $0x3  }
0x318: {  	v6 =	vmul.u32 $0xC00, v6  }
0x319: {  	v4 =	vshll.u32 v4, $0x7  }
0x31a: {  	v4 =	vand.u32 $0x380, v4;
	v6 =	vadd.s32 v0, v6  }
0x31b: {  	v4 =	vor.u32 v4, v6  }
0x31c: {  	v4 =	vor.u32 v63, v4;
	_ =	sdelay $0x4  }
0x31d: {  	[tilespmem:v4+s3+$0x0] =	vst.idx.add.f32.msk $0xffff, v60  }
0x31e: {  	v4 =	vld.idx.msk [tilespmem:v5+s30+$0x0], $0xffff;
	_ =	sdelay $0x4  }
0x31f: {  	v4 =	vadd.s32 $0xB, v4  }
0x320: {  	v6 =	vshrl.u32 v4, $0x3  }
0x321: {  	v6 =	vmul.u32 $0xC00, v6  }
0x322: {  	v4 =	vshll.u32 v4, $0x7  }
0x323: {  	v4 =	vand.u32 $0x380, v4;
	v6 =	vadd.s32 v0, v6  }
0x324: {  	v4 =	vor.u32 v4, v6  }
0x325: {  	v4 =	vor.u32 v63, v4;
	_ =	sdelay $0x4  }
0x326: {  	[tilespmem:v4+s3+$0x0] =	vst.idx.add.f32.msk $0xffff, v60  }
0x327: {  	v4 =	vld.idx.msk [tilespmem:v5+s31+$0x0], $0xffff;
	_ =	sdelay $0x4  }
0x328: {  	vm13 =	veq.s32 v4, $0x0  }
0x329: {  	v4 =	vsel vm13, $0x0, v23  }
0x32a: {  	v4 =	vor.u32 v4, v63  }
0x32b: {  	v4 =	vor.u32 v1, v4;
	_ =	sdelay $0x4  }
0x32c: {  	[tilespmem:v4+s3+$0x0] =	vst.idx.add.f32.msk $0xffff, v60  }
0x32d: {  	v4 =	vld.idx.msk [tilespmem:v5+s0+$0x0], $0xffff;
	_ =	sdelay $0x4  }
0x32e: {  	v4 =	vmul.f32 v4, v60;
	_ =	sdelay $0x1  }
0x32f: {  	[tilespmem:v2+s3+$0x0] =	vst.idx.add.f32.msk $0xffff, v4  }
0x330: {  	v4 =	vld.idx.msk [tilespmem:v5+s2+$0x0], $0xffff;
	_ =	sdelay $0x2  }
0x331: {  	v5 =	vadd.s32 s7, v41;
	_ =	sdelay $0x1  }
0x332: {  	v4 =	vmul.f32 v4, v60;
	_ =	sdelay $0x1  }
0x333: {  	[tilespmem:v3+s3+$0x0] =	vst.idx.add.f32.msk $0xffff, v4  }
0x334: {  	v4 =	vld.idx.msk [tilespmem:v5+s1+$0x0], $0xffff;
	_ =	sdelay $0x4  }
0x335: {  	v6 =	vshrl.u32 v4, $0x3  }
0x336: {  	v6 =	vmul.u32 $0xC00, v6  }
0x337: {  	v4 =	vshll.u32 v4, $0x7  }
0x338: {  	v4 =	vand.u32 $0x380, v4;
	v6 =	vadd.s32 v0, v6  }
0x339: {  	v4 =	vor.u32 v4, v6  }
0x33a: {  	v4 =	vor.u32 v63, v4;
	_ =	sdelay $0x4  }
0x33b: {  	[tilespmem:v4+s3+$0x0] =	vst.idx.add.f32.msk $0xffff, v61  }
0x33c: {  	v4 =	vld.idx.msk [tilespmem:v5+s29+$0x0], $0xffff;
	_ =	sdelay $0x4  }
0x33d: {  	v4 =	vadd.s32 $0x6, v4  }
0x33e: {  	v6 =	vshrl.u32 v4, $0x3  }
0x33f: {  	v6 =	vmul.u32 $0xC00, v6  }
0x340: {  	v4 =	vshll.u32 v4, $0x7  }
0x341: {  	v4 =	vand.u32 $0x380, v4;
	v6 =	vadd.s32 v0, v6  }
0x342: {  	v4 =	vor.u32 v4, v6  }
0x343: {  	v4 =	vor.u32 v63, v4;
	_ =	sdelay $0x4  }
0x344: {  	[tilespmem:v4+s3+$0x0] =	vst.idx.add.f32.msk $0xffff, v61  }
0x345: {  	v4 =	vld.idx.msk [tilespmem:v5+s30+$0x0], $0xffff;
	_ =	sdelay $0x4  }
0x346: {  	v4 =	vadd.s32 $0xB, v4  }
0x347: {  	v6 =	vshrl.u32 v4, $0x3  }
0x348: {  	v6 =	vmul.u32 $0xC00, v6  }
0x349: {  	v4 =	vshll.u32 v4, $0x7  }
0x34a: {  	v4 =	vand.u32 $0x380, v4;
	v6 =	vadd.s32 v0, v6  }
0x34b: {  	v4 =	vor.u32 v4, v6  }
0x34c: {  	v4 =	vor.u32 v63, v4;
	_ =	sdelay $0x4  }
0x34d: {  	[tilespmem:v4+s3+$0x0] =	vst.idx.add.f32.msk $0xffff, v61  }
0x34e: {  	v4 =	vld.idx.msk [tilespmem:v5+s31+$0x0], $0xffff;
	_ =	sdelay $0x4  }
0x34f: {  	vm14 =	veq.s32 v4, $0x0  }
0x350: {  	v4 =	vsel vm14, $0x0, v23  }
0x351: {  	v4 =	vor.u32 v4, v63  }
0x352: {  	v4 =	vor.u32 v1, v4;
	_ =	sdelay $0x4  }
0x353: {  	[tilespmem:v4+s3+$0x0] =	vst.idx.add.f32.msk $0xffff, v61  }
0x354: {  	v4 =	vld.idx.msk [tilespmem:v5+s0+$0x0], $0xffff;
	_ =	sdelay $0x4  }
0x355: {  	v4 =	vmul.f32 v4, v61;
	_ =	sdelay $0x1  }
0x356: {  	[tilespmem:v2+s3+$0x0] =	vst.idx.add.f32.msk $0xffff, v4  }
0x357: {  	v4 =	vld.idx.msk [tilespmem:v5+s2+$0x0], $0xffff;
	_ =	sdelay $0x2  }
0x358: {  	v5 =	vadd.s32 s7, v42;
	_ =	sdelay $0x1  }
0x359: {  	v4 =	vmul.f32 v4, v61;
	_ =	sdelay $0x1  }
0x35a: {  	[tilespmem:v3+s3+$0x0] =	vst.idx.add.f32.msk $0xffff, v4  }
0x35b: {  	v4 =	vld.idx.msk [tilespmem:v5+s1+$0x0], $0xffff;
	_ =	sdelay $0x4  }
0x35c: {  	v6 =	vshrl.u32 v4, $0x3  }
0x35d: {  	v6 =	vmul.u32 $0xC00, v6  }
0x35e: {  	v4 =	vshll.u32 v4, $0x7  }
0x35f: {  	v4 =	vand.u32 $0x380, v4;
	v6 =	vadd.s32 v0, v6  }
0x360: {  	v4 =	vor.u32 v4, v6  }
0x361: {  	v4 =	vor.u32 v63, v4;
	_ =	sdelay $0x4  }
0x362: {  	[tilespmem:v4+s3+$0x0] =	vst.idx.add.f32.msk $0xffff, v62  }
0x363: {  	v4 =	vld.idx.msk [tilespmem:v5+s29+$0x0], $0xffff;
	_ =	sdelay $0x4  }
0x364: {  	v4 =	vadd.s32 $0x6, v4  }
0x365: {  	v6 =	vshrl.u32 v4, $0x3  }
0x366: {  	v6 =	vmul.u32 $0xC00, v6  }
0x367: {  	v4 =	vshll.u32 v4, $0x7  }
0x368: {  	v4 =	vand.u32 $0x380, v4;
	v6 =	vadd.s32 v0, v6  }
0x369: {  	v4 =	vor.u32 v4, v6  }
0x36a: {  	v4 =	vor.u32 v63, v4;
	_ =	sdelay $0x4  }
0x36b: {  	[tilespmem:v4+s3+$0x0] =	vst.idx.add.f32.msk $0xffff, v62  }
0x36c: {  	v4 =	vld.idx.msk [tilespmem:v5+s30+$0x0], $0xffff;
	_ =	sdelay $0x4  }
0x36d: {  	v4 =	vadd.s32 $0xB, v4  }
0x36e: {  	v6 =	vshrl.u32 v4, $0x3  }
0x36f: {  	v6 =	vmul.u32 $0xC00, v6  }
0x370: {  	v4 =	vshll.u32 v4, $0x7  }
0x371: {  	v4 =	vand.u32 $0x380, v4;
	v0 =	vadd.s32 v0, v6  }
0x372: {  	v0 =	vor.u32 v4, v0  }
0x373: {  	v0 =	vor.u32 v63, v0;
	_ =	sdelay $0x4  }
0x374: {  	[tilespmem:v0+s3+$0x0] =	vst.idx.add.f32.msk $0xffff, v62  }
0x375: {  	v0 =	vld.idx.msk [tilespmem:v5+s31+$0x0], $0xffff;
	_ =	sdelay $0x4  }
0x376: {  	vm15 =	veq.s32 v0, $0x0  }
0x377: {  	v0 =	vsel vm15, $0x0, v23  }
0x378: {  	v0 =	vor.u32 v0, v63  }
0x379: {  	v0 =	vor.u32 v1, v0;
	_ =	sdelay $0x4  }
0x37a: {  	[tilespmem:v0+s3+$0x0] =	vst.idx.add.f32.msk $0xffff, v62  }
0x37b: {  	v0 =	vld.idx.msk [tilespmem:v5+s0+$0x0], $0xffff;
	_ =	sdelay $0x4  }
0x37c: {  	v0 =	vmul.f32 v0, v62;
	_ =	sdelay $0x1  }
0x37d: {  	[tilespmem:v2+s3+$0x0] =	vst.idx.add.f32.msk $0xffff, v0  }
0x37e: {  	v0 =	vld.idx.msk [tilespmem:v5+s2+$0x0], $0xffff;
	_ =	sdelay $0x1  }
0x37f: {  	p0 =	sne.s32 s8, $0x170  }
.Ltmp1:
0x380: {  	_ = 	snop;
	(pc) =	sbr.rel @p0 .LBB2_4-.Ltmp1, $3  }
0x381: {  	_ = 	snop  }
0x382: {  	v0 =	vmul.f32 v0, v62;
	_ =	sdelay $0x1  }
0x383: {  	s8 =	sadd.s32 $0x10, s8;
	s7 =	sadd.s32 $0x140, s7;
	[tilespmem:v3+s3+$0x0] =	vst.idx.add.f32.msk $0xffff, v0  }
0x384: {  	[hbm4b:s10+s4] =	stream.strided.scatter [tilespmem:s3], [sflag:$0x1], $0x2400, s5, s4, $0x38;
	[tilespmem:$0xD880] =	vst v63  }
0x385: {  	_ =	swait.ge [sflag:s28], $0x2400  }
0x386: {  	[sflag:s28] =	ssyncset.done $0x0  }
0x387: {  	s7 =	simm.s32 $0x0;
	s8 =	rddreg [dreg:$0xa];
	[sflag:s28] =	ssyncadd.s32 $0xFFFFDC00  }
0x388: {  	[tilespmem:s7], [sflag:$0x1] =	stream.linear.gather [hbm4b:s8+s7], $0x1E00, $0x38;
	[tilespmem:$0xD880] =	vst v63  }
0x389: {  	_ =	swait.ge [sflag:s28], $0x1E00  }
0x38a: {  	[sflag:s28] =	ssyncset.done $0x0  }
0x38b: {  	s11 =	rddreg [dreg:$0xb];
	[sflag:s28] =	ssyncadd.s32 $0xFFFFE200  }
0x38c: {  	[tilespmem:s29], [sflag:$0x1] =	stream.linear.gather [hbm4b:s11+s7], $0x1E00, $0x38;
	[tilespmem:$0xD880] =	vst v63  }
0x38d: {  	_ =	swait.ge [sflag:s28], $0x1E00  }
0x38e: {  	[sflag:s28] =	ssyncset.done $0x0  }
0x38f: {  	s12 =	rddreg [dreg:$0xc];
	[sflag:s28] =	ssyncadd.s32 $0xFFFFE200  }
0x390: {  	[tilespmem:s30], [sflag:$0x1] =	stream.linear.gather [hbm4b:s12+s7], $0x1E00, $0x38;
	[tilespmem:$0xD880] =	vst v63  }
0x391: {  	_ =	swait.ge [sflag:s28], $0x1E00  }
0x392: {  	[sflag:s28] =	ssyncset.done $0x0  }
0x393: {  	[sflag:s28] =	ssyncadd.s32 $0xFFFFE200  }
0x394: {  	[tilespmem:s31], [sflag:$0x1] =	stream.linear.gather [hbm4b:s14+s7], $0x1E00, $0x38;
	[tilespmem:$0xD880] =	vst v63  }
0x395: {  	_ =	swait.ge [sflag:s28], $0x1E00  }
0x396: {  	[sflag:s28] =	ssyncset.done $0x0  }
0x397: {  	[sflag:s28] =	ssyncadd.s32 $0xFFFFE200  }
0x398: {  	[tilespmem:s0], [sflag:$0x1] =	stream.linear.gather [hbm4b:s16+s7], $0x1E00, $0x38;
	[tilespmem:$0xD880] =	vst v63  }
0x399: {  	_ =	swait.ge [sflag:s28], $0x1E00  }
0x39a: {  	[sflag:s28] =	ssyncset.done $0x0  }
0x39b: {  	[sflag:s28] =	ssyncadd.s32 $0xFFFFE200  }
0x39c: {  	[tilespmem:s2], [sflag:$0x1] =	stream.linear.gather [hbm4b:s17+s7], $0x1E00, $0x38;
	[tilespmem:$0xD880] =	vst v63  }
0x39d: {  	_ =	swait.ge [sflag:s28], $0x1E00  }
0x39e: {  	s13 =	sand.u32 $0x70, s7;
	s9 =	sand.u32 $0xC00, s7;
	[sflag:s28] =	ssyncset.done $0x0  }
0x39f: {  	s8 =	sor.u32 s13, s9;
	[sflag:s28] =	ssyncadd.s32 $0xFFFFE200  }
0x3a0: {  	[tilespmem:s8+$0xB500] =	vst v22  }
0x3a1: {  	[tilespmem:s8+$0xB580] =	vst v22  }
0x3a2: {  	[tilespmem:s8+$0xB600] =	vst v22  }
0x3a3: {  	[tilespmem:s8+$0xB680] =	vst v22  }
0x3a4: {  	[tilespmem:s8+$0xB700] =	vst v22  }
0x3a5: {  	s9 =	simm.s32 $0x10;
	s11 =	simm.s32 $0x0;
	s12 =	sor.u32 s7, s7;
	[tilespmem:s8+$0xB780] =	vst v22  }
.LBB2_6:
0x3a6: {  	p0 =	sne.s32 s9, $0x170;
	[tilespmem:s8+$0xB480] =	vst v22;
	s12 =	sor.u32 $0x380, s12  }
0x3a7: {  	[tilespmem:s12+$0xB480] =	vst v22  }
0x3a8: {  	[tilespmem:s8+$0xC080] =	vst v22  }
0x3a9: {  	[tilespmem:s8+$0xC100] =	vst v22  }
0x3aa: {  	[tilespmem:s8+$0xC180] =	vst v22  }
0x3ab: {  	[tilespmem:s8+$0xC200] =	vst v22  }
0x3ac: {  	[tilespmem:s8+$0xC280] =	vst v22  }
0x3ad: {  	[tilespmem:s8+$0xC300] =	vst v22  }
0x3ae: {  	[tilespmem:s8+$0xC380] =	vst v22  }
0x3af: {  	[tilespmem:s8+$0xC400] =	vst v22  }
0x3b0: {  	[tilespmem:s8+$0xCC80] =	vst v22  }
0x3b1: {  	s11 =	sadd.s32 $0x80, s11;
	[tilespmem:s8+$0xCD00] =	vst v22  }
0x3b2: {  	s12 =	sand.u32 $0x70, s9;
	s13 =	sand.u32 $0xC00, s11;
	[tilespmem:s8+$0xCD80] =	vst v22  }
0x3b3: {  	[tilespmem:s8+$0xCE00] =	vst v22;
	s8 =	sor.u32 s12, s13  }
0x3b4: {  	[tilespmem:s8+$0xB500] =	vst v22  }
.Ltmp2:
0x3b5: {  	[tilespmem:s8+$0xB580] =	vst v22;
	(pc) =	sbr.rel @p0 .LBB2_6-.Ltmp2, $4  }
0x3b6: {  	[tilespmem:s8+$0xB600] =	vst v22  }
0x3b7: {  	[tilespmem:s8+$0xB680] =	vst v22  }
0x3b8: {  	[tilespmem:s8+$0xB700] =	vst v22  }
0x3b9: {  	s12 =	sor.u32 s11, s9;
	s9 =	sadd.s32 $0x10, s9;
	[tilespmem:s8+$0xB780] =	vst v22  }
0x3ba: {  	[tilespmem:s8+$0xB480] =	vst v22;
	s9 =	sor.u32 $0x380, s12  }
0x3bb: {  	[tilespmem:s9+$0xB480] =	vst v22  }
0x3bc: {  	[tilespmem:s8+$0xC080] =	vst v22  }
0x3bd: {  	[tilespmem:s8+$0xC100] =	vst v22  }
0x3be: {  	[tilespmem:s8+$0xC180] =	vst v22  }
0x3bf: {  	[tilespmem:s8+$0xC200] =	vst v22  }
0x3c0: {  	[tilespmem:s8+$0xC280] =	vst v22  }
0x3c1: {  	[tilespmem:s8+$0xC300] =	vst v22  }
0x3c2: {  	[tilespmem:s8+$0xC380] =	vst v22  }
0x3c3: {  	[tilespmem:s8+$0xC400] =	vst v22  }
0x3c4: {  	[tilespmem:s8+$0xCC80] =	vst v22  }
0x3c5: {  	[tilespmem:s8+$0xCD00] =	vst v22  }
0x3c6: {  	[tilespmem:s8+$0xCD80] =	vst v22  }
0x3c7: {  	[tilespmem:s8+$0xCE00] =	vst v22;
	s8 =	simm.s32 $0x0  }
.LBB2_8:
0x3c8: {  	v3 =	vadd.s32 s7, v18;
	_ =	sdelay $0x4  }
0x3c9: {  	v1 =	vld.idx.msk [tilespmem:v3+s1+$0x0], $0xffff;
	_ =	sdelay $0x4  }
0x3ca: {  	v0 =	vmov s8;
	v2 =	vshrl.u32 v1, $0x3  }
0x3cb: {  	v0 =	vshll.u32 v0, $0x3;
	v2 =	vmul.u32 $0xC00, v2  }
0x3cc: {  	v0 =	vand.u32 $0xC00, v0;
	v1 =	vshll.u32 v1, $0x7  }
0x3cd: {  	v4 =	vor.u32 s8, v15;
	v1 =	vand.u32 $0x380, v1;
	v2 =	vadd.s32 v0, v2  }
0x3ce: {  	v63 =	vand.u32 $0x7F, v4;
	v1 =	vor.u32 v1, v2  }
0x3cf: {  	v1 =	vor.u32 v63, v1;
	_ =	sdelay $0x4  }
0x3d0: {  	[tilespmem:v1+s3+$0x0] =	vst.idx.add.f32.msk $0xffff, v43  }
0x3d1: {  	v1 =	vld.idx.msk [tilespmem:v3+s29+$0x0], $0xffff;
	_ =	sdelay $0x4  }
0x3d2: {  	v1 =	vadd.s32 $0x6, v1  }
0x3d3: {  	v2 =	vshrl.u32 v1, $0x3  }
0x3d4: {  	v2 =	vmul.u32 $0xC00, v2  }
0x3d5: {  	v1 =	vshll.u32 v1, $0x7  }
0x3d6: {  	v1 =	vand.u32 $0x380, v1;
	v2 =	vadd.s32 v0, v2  }
0x3d7: {  	v1 =	vor.u32 v1, v2  }
0x3d8: {  	v1 =	vor.u32 v63, v1;
	_ =	sdelay $0x4  }
0x3d9: {  	[tilespmem:v1+s3+$0x0] =	vst.idx.add.f32.msk $0xffff, v43  }
0x3da: {  	v1 =	vld.idx.msk [tilespmem:v3+s30+$0x0], $0xffff;
	_ =	sdelay $0x4  }
0x3db: {  	v1 =	vadd.s32 $0xB, v1  }
0x3dc: {  	v2 =	vshrl.u32 v1, $0x3  }
0x3dd: {  	v2 =	vmul.u32 $0xC00, v2  }
0x3de: {  	v1 =	vshll.u32 v1, $0x7  }
0x3df: {  	v1 =	vand.u32 $0x380, v1;
	v2 =	vadd.s32 v0, v2  }
0x3e0: {  	v1 =	vor.u32 v1, v2  }
0x3e1: {  	v1 =	vor.u32 v63, v1;
	_ =	sdelay $0x4  }
0x3e2: {  	[tilespmem:v1+s3+$0x0] =	vst.idx.add.f32.msk $0xffff, v43  }
0x3e3: {  	v1 =	vld.idx.msk [tilespmem:v3+s31+$0x0], $0xffff;
	_ =	sdelay $0x4  }
0x3e4: {  	vm0 =	veq.s32 v1, $0x0  }
0x3e5: {  	v2 =	vsel vm0, $0x0, v23  }
0x3e6: {  	v1 =	vadd.s32 $0x1800, v0;
	v2 =	vor.u32 v2, v63  }
0x3e7: {  	v2 =	vor.u32 v1, v2;
	_ =	sdelay $0x4  }
0x3e8: {  	[tilespmem:v2+s3+$0x0] =	vst.idx.add.f32.msk $0xffff, v43  }
0x3e9: {  	v4 =	vld.idx.msk [tilespmem:v3+s0+$0x0], $0xffff  }
0x3ea: {  	v5 =	vor.u32 v63, v0  }
0x3eb: {  	v2 =	vadd.s32 $0x1900, v5;
	_ =	sdelay $0x2  }
0x3ec: {  	v4 =	vmul.f32 v4, v43;
	_ =	sdelay $0x1  }
0x3ed: {  	[tilespmem:v2+s3+$0x0] =	vst.idx.add.f32.msk $0xffff, v4  }
0x3ee: {  	v4 =	vld.idx.msk [tilespmem:v3+s2+$0x0], $0xffff;
	_ =	sdelay $0x1  }
0x3ef: {  	v3 =	vadd.s32 $0x1980, v5  }
0x3f0: {  	v5 =	vadd.s32 s7, v24;
	_ =	sdelay $0x1  }
0x3f1: {  	v4 =	vmul.f32 v4, v43;
	_ =	sdelay $0x1  }
0x3f2: {  	[tilespmem:v3+s3+$0x0] =	vst.idx.add.f32.msk $0xffff, v4  }
0x3f3: {  	v4 =	vld.idx.msk [tilespmem:v5+s1+$0x0], $0xffff;
	_ =	sdelay $0x4  }
0x3f4: {  	v6 =	vshrl.u32 v4, $0x3  }
0x3f5: {  	v6 =	vmul.u32 $0xC00, v6  }
0x3f6: {  	v4 =	vshll.u32 v4, $0x7  }
0x3f7: {  	v4 =	vand.u32 $0x380, v4;
	v6 =	vadd.s32 v0, v6  }
0x3f8: {  	v4 =	vor.u32 v4, v6  }
0x3f9: {  	v4 =	vor.u32 v63, v4;
	_ =	sdelay $0x4  }
0x3fa: {  	[tilespmem:v4+s3+$0x0] =	vst.idx.add.f32.msk $0xffff, v44  }
0x3fb: {  	v4 =	vld.idx.msk [tilespmem:v5+s29+$0x0], $0xffff;
	_ =	sdelay $0x4  }
0x3fc: {  	v4 =	vadd.s32 $0x6, v4  }
0x3fd: {  	v6 =	vshrl.u32 v4, $0x3  }
0x3fe: {  	v6 =	vmul.u32 $0xC00, v6  }
0x3ff: {  	v4 =	vshll.u32 v4, $0x7  }
0x400: {  	v4 =	vand.u32 $0x380, v4;
	v6 =	vadd.s32 v0, v6  }
0x401: {  	v4 =	vor.u32 v4, v6  }
0x402: {  	v4 =	vor.u32 v63, v4;
	_ =	sdelay $0x4  }
0x403: {  	[tilespmem:v4+s3+$0x0] =	vst.idx.add.f32.msk $0xffff, v44  }
0x404: {  	v4 =	vld.idx.msk [tilespmem:v5+s30+$0x0], $0xffff;
	_ =	sdelay $0x4  }
0x405: {  	v4 =	vadd.s32 $0xB, v4  }
0x406: {  	v6 =	vshrl.u32 v4, $0x3  }
0x407: {  	v6 =	vmul.u32 $0xC00, v6  }
0x408: {  	v4 =	vshll.u32 v4, $0x7  }
0x409: {  	v4 =	vand.u32 $0x380, v4;
	v6 =	vadd.s32 v0, v6  }
0x40a: {  	v4 =	vor.u32 v4, v6  }
0x40b: {  	v4 =	vor.u32 v63, v4;
	_ =	sdelay $0x4  }
0x40c: {  	[tilespmem:v4+s3+$0x0] =	vst.idx.add.f32.msk $0xffff, v44  }
0x40d: {  	v4 =	vld.idx.msk [tilespmem:v5+s31+$0x0], $0xffff;
	_ =	sdelay $0x4  }
0x40e: {  	vm9 =	veq.s32 v4, $0x0  }
0x40f: {  	v4 =	vsel vm9, $0x0, v23  }
0x410: {  	v4 =	vor.u32 v4, v63  }
0x411: {  	v4 =	vor.u32 v1, v4;
	_ =	sdelay $0x4  }
0x412: {  	[tilespmem:v4+s3+$0x0] =	vst.idx.add.f32.msk $0xffff, v44  }
0x413: {  	v4 =	vld.idx.msk [tilespmem:v5+s0+$0x0], $0xffff;
	_ =	sdelay $0x4  }
0x414: {  	v4 =	vmul.f32 v4, v44;
	_ =	sdelay $0x1  }
0x415: {  	[tilespmem:v2+s3+$0x0] =	vst.idx.add.f32.msk $0xffff, v4  }
0x416: {  	v4 =	vld.idx.msk [tilespmem:v5+s2+$0x0], $0xffff;
	_ =	sdelay $0x2  }
0x417: {  	v5 =	vadd.s32 s7, v25;
	_ =	sdelay $0x1  }
0x418: {  	v4 =	vmul.f32 v4, v44;
	_ =	sdelay $0x1  }
0x419: {  	[tilespmem:v3+s3+$0x0] =	vst.idx.add.f32.msk $0xffff, v4  }
0x41a: {  	v4 =	vld.idx.msk [tilespmem:v5+s1+$0x0], $0xffff;
	_ =	sdelay $0x4  }
0x41b: {  	v6 =	vshrl.u32 v4, $0x3  }
0x41c: {  	v6 =	vmul.u32 $0xC00, v6  }
0x41d: {  	v4 =	vshll.u32 v4, $0x7  }
0x41e: {  	v4 =	vand.u32 $0x380, v4;
	v6 =	vadd.s32 v0, v6  }
0x41f: {  	v4 =	vor.u32 v4, v6  }
0x420: {  	v4 =	vor.u32 v63, v4;
	_ =	sdelay $0x4  }
0x421: {  	[tilespmem:v4+s3+$0x0] =	vst.idx.add.f32.msk $0xffff, v45  }
0x422: {  	v4 =	vld.idx.msk [tilespmem:v5+s29+$0x0], $0xffff;
	_ =	sdelay $0x4  }
0x423: {  	v4 =	vadd.s32 $0x6, v4  }
0x424: {  	v6 =	vshrl.u32 v4, $0x3  }
0x425: {  	v6 =	vmul.u32 $0xC00, v6  }
0x426: {  	v4 =	vshll.u32 v4, $0x7  }
0x427: {  	v4 =	vand.u32 $0x380, v4;
	v6 =	vadd.s32 v0, v6  }
0x428: {  	v4 =	vor.u32 v4, v6  }
0x429: {  	v4 =	vor.u32 v63, v4;
	_ =	sdelay $0x4  }
0x42a: {  	[tilespmem:v4+s3+$0x0] =	vst.idx.add.f32.msk $0xffff, v45  }
0x42b: {  	v4 =	vld.idx.msk [tilespmem:v5+s30+$0x0], $0xffff;
	_ =	sdelay $0x4  }
0x42c: {  	v4 =	vadd.s32 $0xB, v4  }
0x42d: {  	v6 =	vshrl.u32 v4, $0x3  }
0x42e: {  	v6 =	vmul.u32 $0xC00, v6  }
0x42f: {  	v4 =	vshll.u32 v4, $0x7  }
0x430: {  	v4 =	vand.u32 $0x380, v4;
	v6 =	vadd.s32 v0, v6  }
0x431: {  	v4 =	vor.u32 v4, v6  }
0x432: {  	v4 =	vor.u32 v63, v4;
	_ =	sdelay $0x4  }
0x433: {  	[tilespmem:v4+s3+$0x0] =	vst.idx.add.f32.msk $0xffff, v45  }
0x434: {  	v4 =	vld.idx.msk [tilespmem:v5+s31+$0x0], $0xffff;
	_ =	sdelay $0x4  }
0x435: {  	vm10 =	veq.s32 v4, $0x0  }
0x436: {  	v4 =	vsel vm10, $0x0, v23  }
0x437: {  	v4 =	vor.u32 v4, v63  }
0x438: {  	v4 =	vor.u32 v1, v4;
	_ =	sdelay $0x4  }
0x439: {  	[tilespmem:v4+s3+$0x0] =	vst.idx.add.f32.msk $0xffff, v45  }
0x43a: {  	v4 =	vld.idx.msk [tilespmem:v5+s0+$0x0], $0xffff;
	_ =	sdelay $0x4  }
0x43b: {  	v4 =	vmul.f32 v4, v45;
	_ =	sdelay $0x1  }
0x43c: {  	[tilespmem:v2+s3+$0x0] =	vst.idx.add.f32.msk $0xffff, v4  }
0x43d: {  	v4 =	vld.idx.msk [tilespmem:v5+s2+$0x0], $0xffff;
	_ =	sdelay $0x2  }
0x43e: {  	v5 =	vadd.s32 s7, v26;
	_ =	sdelay $0x1  }
0x43f: {  	v4 =	vmul.f32 v4, v45;
	_ =	sdelay $0x1  }
0x440: {  	[tilespmem:v3+s3+$0x0] =	vst.idx.add.f32.msk $0xffff, v4  }
0x441: {  	v4 =	vld.idx.msk [tilespmem:v5+s1+$0x0], $0xffff;
	_ =	sdelay $0x4  }
0x442: {  	v6 =	vshrl.u32 v4, $0x3  }
0x443: {  	v6 =	vmul.u32 $0xC00, v6  }
0x444: {  	v4 =	vshll.u32 v4, $0x7  }
0x445: {  	v4 =	vand.u32 $0x380, v4;
	v6 =	vadd.s32 v0, v6  }
0x446: {  	v4 =	vor.u32 v4, v6  }
0x447: {  	v4 =	vor.u32 v63, v4;
	_ =	sdelay $0x4  }
0x448: {  	[tilespmem:v4+s3+$0x0] =	vst.idx.add.f32.msk $0xffff, v46  }
0x449: {  	v4 =	vld.idx.msk [tilespmem:v5+s29+$0x0], $0xffff;
	_ =	sdelay $0x4  }
0x44a: {  	v4 =	vadd.s32 $0x6, v4  }
0x44b: {  	v6 =	vshrl.u32 v4, $0x3  }
0x44c: {  	v6 =	vmul.u32 $0xC00, v6  }
0x44d: {  	v4 =	vshll.u32 v4, $0x7  }
0x44e: {  	v4 =	vand.u32 $0x380, v4;
	v6 =	vadd.s32 v0, v6  }
0x44f: {  	v4 =	vor.u32 v4, v6  }
0x450: {  	v4 =	vor.u32 v63, v4;
	_ =	sdelay $0x4  }
0x451: {  	[tilespmem:v4+s3+$0x0] =	vst.idx.add.f32.msk $0xffff, v46  }
0x452: {  	v4 =	vld.idx.msk [tilespmem:v5+s30+$0x0], $0xffff;
	_ =	sdelay $0x4  }
0x453: {  	v4 =	vadd.s32 $0xB, v4  }
0x454: {  	v6 =	vshrl.u32 v4, $0x3  }
0x455: {  	v6 =	vmul.u32 $0xC00, v6  }
0x456: {  	v4 =	vshll.u32 v4, $0x7  }
0x457: {  	v4 =	vand.u32 $0x380, v4;
	v6 =	vadd.s32 v0, v6  }
0x458: {  	v4 =	vor.u32 v4, v6  }
0x459: {  	v4 =	vor.u32 v63, v4;
	_ =	sdelay $0x4  }
0x45a: {  	[tilespmem:v4+s3+$0x0] =	vst.idx.add.f32.msk $0xffff, v46  }
0x45b: {  	v4 =	vld.idx.msk [tilespmem:v5+s31+$0x0], $0xffff;
	_ =	sdelay $0x4  }
0x45c: {  	vm11 =	veq.s32 v4, $0x0  }
0x45d: {  	v4 =	vsel vm11, $0x0, v23  }
0x45e: {  	v4 =	vor.u32 v4, v63  }
0x45f: {  	v4 =	vor.u32 v1, v4;
	_ =	sdelay $0x4  }
0x460: {  	[tilespmem:v4+s3+$0x0] =	vst.idx.add.f32.msk $0xffff, v46  }
0x461: {  	v4 =	vld.idx.msk [tilespmem:v5+s0+$0x0], $0xffff;
	_ =	sdelay $0x4  }
0x462: {  	v4 =	vmul.f32 v4, v46;
	_ =	sdelay $0x1  }
0x463: {  	[tilespmem:v2+s3+$0x0] =	vst.idx.add.f32.msk $0xffff, v4  }
0x464: {  	v4 =	vld.idx.msk [tilespmem:v5+s2+$0x0], $0xffff;
	_ =	sdelay $0x2  }
0x465: {  	v5 =	vadd.s32 s7, v27;
	_ =	sdelay $0x1  }
0x466: {  	v4 =	vmul.f32 v4, v46;
	_ =	sdelay $0x1  }
0x467: {  	[tilespmem:v3+s3+$0x0] =	vst.idx.add.f32.msk $0xffff, v4  }
0x468: {  	v4 =	vld.idx.msk [tilespmem:v5+s1+$0x0], $0xffff;
	_ =	sdelay $0x4  }
0x469: {  	v6 =	vshrl.u32 v4, $0x3  }
0x46a: {  	v6 =	vmul.u32 $0xC00, v6  }
0x46b: {  	v4 =	vshll.u32 v4, $0x7  }
0x46c: {  	v4 =	vand.u32 $0x380, v4;
	v6 =	vadd.s32 v0, v6  }
0x46d: {  	v4 =	vor.u32 v4, v6  }
0x46e: {  	v4 =	vor.u32 v63, v4;
	_ =	sdelay $0x4  }
0x46f: {  	[tilespmem:v4+s3+$0x0] =	vst.idx.add.f32.msk $0xffff, v47  }
0x470: {  	v4 =	vld.idx.msk [tilespmem:v5+s29+$0x0], $0xffff;
	_ =	sdelay $0x4  }
0x471: {  	v4 =	vadd.s32 $0x6, v4  }
0x472: {  	v6 =	vshrl.u32 v4, $0x3  }
0x473: {  	v6 =	vmul.u32 $0xC00, v6  }
0x474: {  	v4 =	vshll.u32 v4, $0x7  }
0x475: {  	v4 =	vand.u32 $0x380, v4;
	v6 =	vadd.s32 v0, v6  }
0x476: {  	v4 =	vor.u32 v4, v6  }
0x477: {  	v4 =	vor.u32 v63, v4;
	_ =	sdelay $0x4  }
0x478: {  	[tilespmem:v4+s3+$0x0] =	vst.idx.add.f32.msk $0xffff, v47  }
0x479: {  	v4 =	vld.idx.msk [tilespmem:v5+s30+$0x0], $0xffff;
	_ =	sdelay $0x4  }
0x47a: {  	v4 =	vadd.s32 $0xB, v4  }
0x47b: {  	v6 =	vshrl.u32 v4, $0x3  }
0x47c: {  	v6 =	vmul.u32 $0xC00, v6  }
0x47d: {  	v4 =	vshll.u32 v4, $0x7  }
0x47e: {  	v4 =	vand.u32 $0x380, v4;
	v6 =	vadd.s32 v0, v6  }
0x47f: {  	v4 =	vor.u32 v4, v6  }
0x480: {  	v4 =	vor.u32 v63, v4;
	_ =	sdelay $0x4  }
0x481: {  	[tilespmem:v4+s3+$0x0] =	vst.idx.add.f32.msk $0xffff, v47  }
0x482: {  	v4 =	vld.idx.msk [tilespmem:v5+s31+$0x0], $0xffff;
	_ =	sdelay $0x4  }
0x483: {  	vm12 =	veq.s32 v4, $0x0  }
0x484: {  	v4 =	vsel vm12, $0x0, v23  }
0x485: {  	v4 =	vor.u32 v4, v63  }
0x486: {  	v4 =	vor.u32 v1, v4;
	_ =	sdelay $0x4  }
0x487: {  	[tilespmem:v4+s3+$0x0] =	vst.idx.add.f32.msk $0xffff, v47  }
0x488: {  	v4 =	vld.idx.msk [tilespmem:v5+s0+$0x0], $0xffff;
	_ =	sdelay $0x4  }
0x489: {  	v4 =	vmul.f32 v4, v47;
	_ =	sdelay $0x1  }
0x48a: {  	[tilespmem:v2+s3+$0x0] =	vst.idx.add.f32.msk $0xffff, v4  }
0x48b: {  	v4 =	vld.idx.msk [tilespmem:v5+s2+$0x0], $0xffff;
	_ =	sdelay $0x2  }
0x48c: {  	v5 =	vadd.s32 s7, v28;
	_ =	sdelay $0x1  }
0x48d: {  	v4 =	vmul.f32 v4, v47;
	_ =	sdelay $0x1  }
0x48e: {  	[tilespmem:v3+s3+$0x0] =	vst.idx.add.f32.msk $0xffff, v4  }
0x48f: {  	v4 =	vld.idx.msk [tilespmem:v5+s1+$0x0], $0xffff;
	_ =	sdelay $0x4  }
0x490: {  	v6 =	vshrl.u32 v4, $0x3  }
0x491: {  	v6 =	vmul.u32 $0xC00, v6  }
0x492: {  	v4 =	vshll.u32 v4, $0x7  }
0x493: {  	v4 =	vand.u32 $0x380, v4;
	v6 =	vadd.s32 v0, v6  }
0x494: {  	v4 =	vor.u32 v4, v6  }
0x495: {  	v4 =	vor.u32 v63, v4;
	_ =	sdelay $0x4  }
0x496: {  	[tilespmem:v4+s3+$0x0] =	vst.idx.add.f32.msk $0xffff, v48  }
0x497: {  	v4 =	vld.idx.msk [tilespmem:v5+s29+$0x0], $0xffff;
	_ =	sdelay $0x4  }
0x498: {  	v4 =	vadd.s32 $0x6, v4  }
0x499: {  	v6 =	vshrl.u32 v4, $0x3  }
0x49a: {  	v6 =	vmul.u32 $0xC00, v6  }
0x49b: {  	v4 =	vshll.u32 v4, $0x7  }
0x49c: {  	v4 =	vand.u32 $0x380, v4;
	v6 =	vadd.s32 v0, v6  }
0x49d: {  	v4 =	vor.u32 v4, v6  }
0x49e: {  	v4 =	vor.u32 v63, v4;
	_ =	sdelay $0x4  }
0x49f: {  	[tilespmem:v4+s3+$0x0] =	vst.idx.add.f32.msk $0xffff, v48  }
0x4a0: {  	v4 =	vld.idx.msk [tilespmem:v5+s30+$0x0], $0xffff;
	_ =	sdelay $0x4  }
0x4a1: {  	v4 =	vadd.s32 $0xB, v4  }
0x4a2: {  	v6 =	vshrl.u32 v4, $0x3  }
0x4a3: {  	v6 =	vmul.u32 $0xC00, v6  }
0x4a4: {  	v4 =	vshll.u32 v4, $0x7  }
0x4a5: {  	v4 =	vand.u32 $0x380, v4;
	v6 =	vadd.s32 v0, v6  }
0x4a6: {  	v4 =	vor.u32 v4, v6  }
0x4a7: {  	v4 =	vor.u32 v63, v4;
	_ =	sdelay $0x4  }
0x4a8: {  	[tilespmem:v4+s3+$0x0] =	vst.idx.add.f32.msk $0xffff, v48  }
0x4a9: {  	v4 =	vld.idx.msk [tilespmem:v5+s31+$0x0], $0xffff;
	_ =	sdelay $0x4  }
0x4aa: {  	vm13 =	veq.s32 v4, $0x0  }
0x4ab: {  	v4 =	vsel vm13, $0x0, v23  }
0x4ac: {  	v4 =	vor.u32 v4, v63  }
0x4ad: {  	v4 =	vor.u32 v1, v4;
	_ =	sdelay $0x4  }
0x4ae: {  	[tilespmem:v4+s3+$0x0] =	vst.idx.add.f32.msk $0xffff, v48  }
0x4af: {  	v4 =	vld.idx.msk [tilespmem:v5+s0+$0x0], $0xffff;
	_ =	sdelay $0x4  }
0x4b0: {  	v4 =	vmul.f32 v4, v48;
	_ =	sdelay $0x1  }
0x4b1: {  	[tilespmem:v2+s3+$0x0] =	vst.idx.add.f32.msk $0xffff, v4  }
0x4b2: {  	v4 =	vld.idx.msk [tilespmem:v5+s2+$0x0], $0xffff;
	_ =	sdelay $0x2  }
0x4b3: {  	v5 =	vadd.s32 s7, v29;
	_ =	sdelay $0x1  }
0x4b4: {  	v4 =	vmul.f32 v4, v48;
	_ =	sdelay $0x1  }
0x4b5: {  	[tilespmem:v3+s3+$0x0] =	vst.idx.add.f32.msk $0xffff, v4  }
0x4b6: {  	v4 =	vld.idx.msk [tilespmem:v5+s1+$0x0], $0xffff;
	_ =	sdelay $0x4  }
0x4b7: {  	v6 =	vshrl.u32 v4, $0x3  }
0x4b8: {  	v6 =	vmul.u32 $0xC00, v6  }
0x4b9: {  	v4 =	vshll.u32 v4, $0x7  }
0x4ba: {  	v4 =	vand.u32 $0x380, v4;
	v6 =	vadd.s32 v0, v6  }
0x4bb: {  	v4 =	vor.u32 v4, v6  }
0x4bc: {  	v4 =	vor.u32 v63, v4;
	_ =	sdelay $0x4  }
0x4bd: {  	[tilespmem:v4+s3+$0x0] =	vst.idx.add.f32.msk $0xffff, v49  }
0x4be: {  	v4 =	vld.idx.msk [tilespmem:v5+s29+$0x0], $0xffff;
	_ =	sdelay $0x4  }
0x4bf: {  	v4 =	vadd.s32 $0x6, v4  }
0x4c0: {  	v6 =	vshrl.u32 v4, $0x3  }
0x4c1: {  	v6 =	vmul.u32 $0xC00, v6  }
0x4c2: {  	v4 =	vshll.u32 v4, $0x7  }
0x4c3: {  	v4 =	vand.u32 $0x380, v4;
	v6 =	vadd.s32 v0, v6  }
0x4c4: {  	v4 =	vor.u32 v4, v6  }
0x4c5: {  	v4 =	vor.u32 v63, v4;
	_ =	sdelay $0x4  }
0x4c6: {  	[tilespmem:v4+s3+$0x0] =	vst.idx.add.f32.msk $0xffff, v49  }
0x4c7: {  	v4 =	vld.idx.msk [tilespmem:v5+s30+$0x0], $0xffff;
	_ =	sdelay $0x4  }
0x4c8: {  	v4 =	vadd.s32 $0xB, v4  }
0x4c9: {  	v6 =	vshrl.u32 v4, $0x3  }
0x4ca: {  	v6 =	vmul.u32 $0xC00, v6  }
0x4cb: {  	v4 =	vshll.u32 v4, $0x7  }
0x4cc: {  	v4 =	vand.u32 $0x380, v4;
	v6 =	vadd.s32 v0, v6  }
0x4cd: {  	v4 =	vor.u32 v4, v6  }
0x4ce: {  	v4 =	vor.u32 v63, v4;
	_ =	sdelay $0x4  }
0x4cf: {  	[tilespmem:v4+s3+$0x0] =	vst.idx.add.f32.msk $0xffff, v49  }
0x4d0: {  	v4 =	vld.idx.msk [tilespmem:v5+s31+$0x0], $0xffff;
	_ =	sdelay $0x4  }
0x4d1: {  	vm14 =	veq.s32 v4, $0x0  }
0x4d2: {  	v4 =	vsel vm14, $0x0, v23  }
0x4d3: {  	v4 =	vor.u32 v4, v63  }
0x4d4: {  	v4 =	vor.u32 v1, v4;
	_ =	sdelay $0x4  }
0x4d5: {  	[tilespmem:v4+s3+$0x0] =	vst.idx.add.f32.msk $0xffff, v49  }
0x4d6: {  	v4 =	vld.idx.msk [tilespmem:v5+s0+$0x0], $0xffff;
	_ =	sdelay $0x4  }
0x4d7: {  	v4 =	vmul.f32 v4, v49;
	_ =	sdelay $0x1  }
0x4d8: {  	[tilespmem:v2+s3+$0x0] =	vst.idx.add.f32.msk $0xffff, v4  }
0x4d9: {  	v4 =	vld.idx.msk [tilespmem:v5+s2+$0x0], $0xffff;
	_ =	sdelay $0x2  }
0x4da: {  	v5 =	vadd.s32 s7, v30;
	_ =	sdelay $0x1  }
0x4db: {  	v4 =	vmul.f32 v4, v49;
	_ =	sdelay $0x1  }
0x4dc: {  	[tilespmem:v3+s3+$0x0] =	vst.idx.add.f32.msk $0xffff, v4  }
0x4dd: {  	v4 =	vld.idx.msk [tilespmem:v5+s1+$0x0], $0xffff;
	_ =	sdelay $0x4  }
0x4de: {  	v6 =	vshrl.u32 v4, $0x3  }
0x4df: {  	v6 =	vmul.u32 $0xC00, v6  }
0x4e0: {  	v4 =	vshll.u32 v4, $0x7  }
0x4e1: {  	v4 =	vand.u32 $0x380, v4;
	v6 =	vadd.s32 v0, v6  }
0x4e2: {  	v4 =	vor.u32 v4, v6  }
0x4e3: {  	v4 =	vor.u32 v63, v4;
	_ =	sdelay $0x4  }
0x4e4: {  	[tilespmem:v4+s3+$0x0] =	vst.idx.add.f32.msk $0xffff, v50  }
0x4e5: {  	v4 =	vld.idx.msk [tilespmem:v5+s29+$0x0], $0xffff;
	_ =	sdelay $0x4  }
0x4e6: {  	v4 =	vadd.s32 $0x6, v4  }
0x4e7: {  	v6 =	vshrl.u32 v4, $0x3  }
0x4e8: {  	v6 =	vmul.u32 $0xC00, v6  }
0x4e9: {  	v4 =	vshll.u32 v4, $0x7  }
0x4ea: {  	v4 =	vand.u32 $0x380, v4;
	v6 =	vadd.s32 v0, v6  }
0x4eb: {  	v4 =	vor.u32 v4, v6  }
0x4ec: {  	v4 =	vor.u32 v63, v4;
	_ =	sdelay $0x4  }
0x4ed: {  	[tilespmem:v4+s3+$0x0] =	vst.idx.add.f32.msk $0xffff, v50  }
0x4ee: {  	v4 =	vld.idx.msk [tilespmem:v5+s30+$0x0], $0xffff;
	_ =	sdelay $0x4  }
0x4ef: {  	v4 =	vadd.s32 $0xB, v4  }
0x4f0: {  	v6 =	vshrl.u32 v4, $0x3  }
0x4f1: {  	v6 =	vmul.u32 $0xC00, v6  }
0x4f2: {  	v4 =	vshll.u32 v4, $0x7  }
0x4f3: {  	v4 =	vand.u32 $0x380, v4;
	v6 =	vadd.s32 v0, v6  }
0x4f4: {  	v4 =	vor.u32 v4, v6  }
0x4f5: {  	v4 =	vor.u32 v63, v4;
	_ =	sdelay $0x4  }
0x4f6: {  	[tilespmem:v4+s3+$0x0] =	vst.idx.add.f32.msk $0xffff, v50  }
0x4f7: {  	v4 =	vld.idx.msk [tilespmem:v5+s31+$0x0], $0xffff;
	_ =	sdelay $0x4  }
0x4f8: {  	vm15 =	veq.s32 v4, $0x0  }
0x4f9: {  	v4 =	vsel vm15, $0x0, v23  }
0x4fa: {  	v4 =	vor.u32 v4, v63  }
0x4fb: {  	v4 =	vor.u32 v1, v4;
	_ =	sdelay $0x4  }
0x4fc: {  	[tilespmem:v4+s3+$0x0] =	vst.idx.add.f32.msk $0xffff, v50  }
0x4fd: {  	v4 =	vld.idx.msk [tilespmem:v5+s0+$0x0], $0xffff;
	_ =	sdelay $0x4  }
0x4fe: {  	v4 =	vmul.f32 v4, v50;
	_ =	sdelay $0x1  }
0x4ff: {  	[tilespmem:v2+s3+$0x0] =	vst.idx.add.f32.msk $0xffff, v4  }
0x500: {  	v4 =	vld.idx.msk [tilespmem:v5+s2+$0x0], $0xffff;
	_ =	sdelay $0x2  }
0x501: {  	v5 =	vadd.s32 s7, v31;
	_ =	sdelay $0x1  }
0x502: {  	v4 =	vmul.f32 v4, v50;
	_ =	sdelay $0x1  }
0x503: {  	[tilespmem:v3+s3+$0x0] =	vst.idx.add.f32.msk $0xffff, v4  }
0x504: {  	v4 =	vld.idx.msk [tilespmem:v5+s1+$0x0], $0xffff;
	_ =	sdelay $0x4  }
0x505: {  	v6 =	vshrl.u32 v4, $0x3  }
0x506: {  	v6 =	vmul.u32 $0xC00, v6  }
0x507: {  	v4 =	vshll.u32 v4, $0x7  }
0x508: {  	v4 =	vand.u32 $0x380, v4;
	v6 =	vadd.s32 v0, v6  }
0x509: {  	v4 =	vor.u32 v4, v6  }
0x50a: {  	v4 =	vor.u32 v63, v4;
	_ =	sdelay $0x4  }
0x50b: {  	[tilespmem:v4+s3+$0x0] =	vst.idx.add.f32.msk $0xffff, v51  }
0x50c: {  	v4 =	vld.idx.msk [tilespmem:v5+s29+$0x0], $0xffff;
	_ =	sdelay $0x4  }
0x50d: {  	v4 =	vadd.s32 $0x6, v4  }
0x50e: {  	v6 =	vshrl.u32 v4, $0x3  }
0x50f: {  	v6 =	vmul.u32 $0xC00, v6  }
0x510: {  	v4 =	vshll.u32 v4, $0x7  }
0x511: {  	v4 =	vand.u32 $0x380, v4;
	v6 =	vadd.s32 v0, v6  }
0x512: {  	v4 =	vor.u32 v4, v6  }
0x513: {  	v4 =	vor.u32 v63, v4;
	_ =	sdelay $0x4  }
0x514: {  	[tilespmem:v4+s3+$0x0] =	vst.idx.add.f32.msk $0xffff, v51  }
0x515: {  	v4 =	vld.idx.msk [tilespmem:v5+s30+$0x0], $0xffff;
	_ =	sdelay $0x4  }
0x516: {  	v4 =	vadd.s32 $0xB, v4  }
0x517: {  	v6 =	vshrl.u32 v4, $0x3  }
0x518: {  	v6 =	vmul.u32 $0xC00, v6  }
0x519: {  	v4 =	vshll.u32 v4, $0x7  }
0x51a: {  	v4 =	vand.u32 $0x380, v4;
	v6 =	vadd.s32 v0, v6  }
0x51b: {  	v4 =	vor.u32 v4, v6  }
0x51c: {  	v4 =	vor.u32 v63, v4;
	_ =	sdelay $0x4  }
0x51d: {  	[tilespmem:v4+s3+$0x0] =	vst.idx.add.f32.msk $0xffff, v51  }
0x51e: {  	v4 =	vld.idx.msk [tilespmem:v5+s31+$0x0], $0xffff;
	_ =	sdelay $0x4  }
0x51f: {  	vm4 =	veq.s32 v4, $0x0  }
0x520: {  	v4 =	vsel vm4, $0x0, v23  }
0x521: {  	v4 =	vor.u32 v4, v63  }
0x522: {  	v4 =	vor.u32 v1, v4;
	_ =	sdelay $0x4  }
0x523: {  	[tilespmem:v4+s3+$0x0] =	vst.idx.add.f32.msk $0xffff, v51  }
0x524: {  	v4 =	vld.idx.msk [tilespmem:v5+s0+$0x0], $0xffff;
	_ =	sdelay $0x4  }
0x525: {  	v4 =	vmul.f32 v4, v51;
	_ =	sdelay $0x1  }
0x526: {  	[tilespmem:v2+s3+$0x0] =	vst.idx.add.f32.msk $0xffff, v4  }
0x527: {  	v4 =	vld.idx.msk [tilespmem:v5+s2+$0x0], $0xffff;
	_ =	sdelay $0x2  }
0x528: {  	v5 =	vadd.s32 s7, v32;
	_ =	sdelay $0x1  }
0x529: {  	v4 =	vmul.f32 v4, v51;
	_ =	sdelay $0x1  }
0x52a: {  	[tilespmem:v3+s3+$0x0] =	vst.idx.add.f32.msk $0xffff, v4  }
0x52b: {  	v4 =	vld.idx.msk [tilespmem:v5+s1+$0x0], $0xffff;
	_ =	sdelay $0x4  }
0x52c: {  	v6 =	vshrl.u32 v4, $0x3  }
0x52d: {  	v6 =	vmul.u32 $0xC00, v6  }
0x52e: {  	v4 =	vshll.u32 v4, $0x7  }
0x52f: {  	v4 =	vand.u32 $0x380, v4;
	v6 =	vadd.s32 v0, v6  }
0x530: {  	v4 =	vor.u32 v4, v6  }
0x531: {  	v4 =	vor.u32 v63, v4;
	_ =	sdelay $0x4  }
0x532: {  	[tilespmem:v4+s3+$0x0] =	vst.idx.add.f32.msk $0xffff, v52  }
0x533: {  	v4 =	vld.idx.msk [tilespmem:v5+s29+$0x0], $0xffff;
	_ =	sdelay $0x4  }
0x534: {  	v4 =	vadd.s32 $0x6, v4  }
0x535: {  	v6 =	vshrl.u32 v4, $0x3  }
0x536: {  	v6 =	vmul.u32 $0xC00, v6  }
0x537: {  	v4 =	vshll.u32 v4, $0x7  }
0x538: {  	v4 =	vand.u32 $0x380, v4;
	v6 =	vadd.s32 v0, v6  }
0x539: {  	v4 =	vor.u32 v4, v6  }
0x53a: {  	v4 =	vor.u32 v63, v4;
	_ =	sdelay $0x4  }
0x53b: {  	[tilespmem:v4+s3+$0x0] =	vst.idx.add.f32.msk $0xffff, v52  }
0x53c: {  	v4 =	vld.idx.msk [tilespmem:v5+s30+$0x0], $0xffff;
	_ =	sdelay $0x4  }
0x53d: {  	v4 =	vadd.s32 $0xB, v4  }
0x53e: {  	v6 =	vshrl.u32 v4, $0x3  }
0x53f: {  	v6 =	vmul.u32 $0xC00, v6  }
0x540: {  	v4 =	vshll.u32 v4, $0x7  }
0x541: {  	v4 =	vand.u32 $0x380, v4;
	v6 =	vadd.s32 v0, v6  }
0x542: {  	v4 =	vor.u32 v4, v6  }
0x543: {  	v4 =	vor.u32 v63, v4;
	_ =	sdelay $0x4  }
0x544: {  	[tilespmem:v4+s3+$0x0] =	vst.idx.add.f32.msk $0xffff, v52  }
0x545: {  	v4 =	vld.idx.msk [tilespmem:v5+s31+$0x0], $0xffff;
	_ =	sdelay $0x4  }
0x546: {  	vm5 =	veq.s32 v4, $0x0  }
0x547: {  	v4 =	vsel vm5, $0x0, v23  }
0x548: {  	v4 =	vor.u32 v4, v63  }
0x549: {  	v4 =	vor.u32 v1, v4;
	_ =	sdelay $0x4  }
0x54a: {  	[tilespmem:v4+s3+$0x0] =	vst.idx.add.f32.msk $0xffff, v52  }
0x54b: {  	v4 =	vld.idx.msk [tilespmem:v5+s0+$0x0], $0xffff;
	_ =	sdelay $0x4  }
0x54c: {  	v4 =	vmul.f32 v4, v52;
	_ =	sdelay $0x1  }
0x54d: {  	[tilespmem:v2+s3+$0x0] =	vst.idx.add.f32.msk $0xffff, v4  }
0x54e: {  	v4 =	vld.idx.msk [tilespmem:v5+s2+$0x0], $0xffff;
	_ =	sdelay $0x2  }
0x54f: {  	v5 =	vadd.s32 s7, v33;
	_ =	sdelay $0x1  }
0x550: {  	v4 =	vmul.f32 v4, v52;
	_ =	sdelay $0x1  }
0x551: {  	[tilespmem:v3+s3+$0x0] =	vst.idx.add.f32.msk $0xffff, v4  }
0x552: {  	v4 =	vld.idx.msk [tilespmem:v5+s1+$0x0], $0xffff;
	_ =	sdelay $0x4  }
0x553: {  	v6 =	vshrl.u32 v4, $0x3  }
0x554: {  	v6 =	vmul.u32 $0xC00, v6  }
0x555: {  	v4 =	vshll.u32 v4, $0x7  }
0x556: {  	v4 =	vand.u32 $0x380, v4;
	v6 =	vadd.s32 v0, v6  }
0x557: {  	v4 =	vor.u32 v4, v6  }
0x558: {  	v4 =	vor.u32 v63, v4;
	_ =	sdelay $0x4  }
0x559: {  	[tilespmem:v4+s3+$0x0] =	vst.idx.add.f32.msk $0xffff, v53  }
0x55a: {  	v4 =	vld.idx.msk [tilespmem:v5+s29+$0x0], $0xffff;
	_ =	sdelay $0x4  }
0x55b: {  	v4 =	vadd.s32 $0x6, v4  }
0x55c: {  	v6 =	vshrl.u32 v4, $0x3  }
0x55d: {  	v6 =	vmul.u32 $0xC00, v6  }
0x55e: {  	v4 =	vshll.u32 v4, $0x7  }
0x55f: {  	v4 =	vand.u32 $0x380, v4;
	v6 =	vadd.s32 v0, v6  }
0x560: {  	v4 =	vor.u32 v4, v6  }
0x561: {  	v4 =	vor.u32 v63, v4;
	_ =	sdelay $0x4  }
0x562: {  	[tilespmem:v4+s3+$0x0] =	vst.idx.add.f32.msk $0xffff, v53  }
0x563: {  	v4 =	vld.idx.msk [tilespmem:v5+s30+$0x0], $0xffff;
	_ =	sdelay $0x4  }
0x564: {  	v4 =	vadd.s32 $0xB, v4  }
0x565: {  	v6 =	vshrl.u32 v4, $0x3  }
0x566: {  	v6 =	vmul.u32 $0xC00, v6  }
0x567: {  	v4 =	vshll.u32 v4, $0x7  }
0x568: {  	v4 =	vand.u32 $0x380, v4;
	v6 =	vadd.s32 v0, v6  }
0x569: {  	v4 =	vor.u32 v4, v6  }
0x56a: {  	v4 =	vor.u32 v63, v4;
	_ =	sdelay $0x4  }
0x56b: {  	[tilespmem:v4+s3+$0x0] =	vst.idx.add.f32.msk $0xffff, v53  }
0x56c: {  	v4 =	vld.idx.msk [tilespmem:v5+s31+$0x0], $0xffff;
	_ =	sdelay $0x4  }
0x56d: {  	vm6 =	veq.s32 v4, $0x0  }
0x56e: {  	v4 =	vsel vm6, $0x0, v23  }
0x56f: {  	v4 =	vor.u32 v4, v63  }
0x570: {  	v4 =	vor.u32 v1, v4;
	_ =	sdelay $0x4  }
0x571: {  	[tilespmem:v4+s3+$0x0] =	vst.idx.add.f32.msk $0xffff, v53  }
0x572: {  	v4 =	vld.idx.msk [tilespmem:v5+s0+$0x0], $0xffff;
	_ =	sdelay $0x4  }
0x573: {  	v4 =	vmul.f32 v4, v53;
	_ =	sdelay $0x1  }
0x574: {  	[tilespmem:v2+s3+$0x0] =	vst.idx.add.f32.msk $0xffff, v4  }
0x575: {  	v4 =	vld.idx.msk [tilespmem:v5+s2+$0x0], $0xffff;
	_ =	sdelay $0x2  }
0x576: {  	v5 =	vadd.s32 s7, v34;
	_ =	sdelay $0x1  }
0x577: {  	v4 =	vmul.f32 v4, v53;
	_ =	sdelay $0x1  }
0x578: {  	[tilespmem:v3+s3+$0x0] =	vst.idx.add.f32.msk $0xffff, v4  }
0x579: {  	v4 =	vld.idx.msk [tilespmem:v5+s1+$0x0], $0xffff;
	_ =	sdelay $0x4  }
0x57a: {  	v6 =	vshrl.u32 v4, $0x3  }
0x57b: {  	v6 =	vmul.u32 $0xC00, v6  }
0x57c: {  	v4 =	vshll.u32 v4, $0x7  }
0x57d: {  	v4 =	vand.u32 $0x380, v4;
	v6 =	vadd.s32 v0, v6  }
0x57e: {  	v4 =	vor.u32 v4, v6  }
0x57f: {  	v4 =	vor.u32 v63, v4;
	_ =	sdelay $0x4  }
0x580: {  	[tilespmem:v4+s3+$0x0] =	vst.idx.add.f32.msk $0xffff, v54  }
0x581: {  	v4 =	vld.idx.msk [tilespmem:v5+s29+$0x0], $0xffff;
	_ =	sdelay $0x4  }
0x582: {  	v4 =	vadd.s32 $0x6, v4  }
0x583: {  	v6 =	vshrl.u32 v4, $0x3  }
0x584: {  	v6 =	vmul.u32 $0xC00, v6  }
0x585: {  	v4 =	vshll.u32 v4, $0x7  }
0x586: {  	v4 =	vand.u32 $0x380, v4;
	v6 =	vadd.s32 v0, v6  }
0x587: {  	v4 =	vor.u32 v4, v6  }
0x588: {  	v4 =	vor.u32 v63, v4;
	_ =	sdelay $0x4  }
0x589: {  	[tilespmem:v4+s3+$0x0] =	vst.idx.add.f32.msk $0xffff, v54  }
0x58a: {  	v4 =	vld.idx.msk [tilespmem:v5+s30+$0x0], $0xffff;
	_ =	sdelay $0x4  }
0x58b: {  	v4 =	vadd.s32 $0xB, v4  }
0x58c: {  	v6 =	vshrl.u32 v4, $0x3  }
0x58d: {  	v6 =	vmul.u32 $0xC00, v6  }
0x58e: {  	v4 =	vshll.u32 v4, $0x7  }
0x58f: {  	v4 =	vand.u32 $0x380, v4;
	v6 =	vadd.s32 v0, v6  }
0x590: {  	v4 =	vor.u32 v4, v6  }
0x591: {  	v4 =	vor.u32 v63, v4;
	_ =	sdelay $0x4  }
0x592: {  	[tilespmem:v4+s3+$0x0] =	vst.idx.add.f32.msk $0xffff, v54  }
0x593: {  	v4 =	vld.idx.msk [tilespmem:v5+s31+$0x0], $0xffff;
	_ =	sdelay $0x4  }
0x594: {  	vm7 =	veq.s32 v4, $0x0  }
0x595: {  	v4 =	vsel vm7, $0x0, v23  }
0x596: {  	v4 =	vor.u32 v4, v63  }
0x597: {  	v4 =	vor.u32 v1, v4;
	_ =	sdelay $0x4  }
0x598: {  	[tilespmem:v4+s3+$0x0] =	vst.idx.add.f32.msk $0xffff, v54  }
0x599: {  	v4 =	vld.idx.msk [tilespmem:v5+s0+$0x0], $0xffff;
	_ =	sdelay $0x4  }
0x59a: {  	v4 =	vmul.f32 v4, v54;
	_ =	sdelay $0x1  }
0x59b: {  	[tilespmem:v2+s3+$0x0] =	vst.idx.add.f32.msk $0xffff, v4  }
0x59c: {  	v4 =	vld.idx.msk [tilespmem:v5+s2+$0x0], $0xffff;
	_ =	sdelay $0x2  }
0x59d: {  	v5 =	vadd.s32 s7, v35;
	_ =	sdelay $0x1  }
0x59e: {  	v4 =	vmul.f32 v4, v54;
	_ =	sdelay $0x1  }
0x59f: {  	[tilespmem:v3+s3+$0x0] =	vst.idx.add.f32.msk $0xffff, v4  }
0x5a0: {  	v4 =	vld.idx.msk [tilespmem:v5+s1+$0x0], $0xffff;
	_ =	sdelay $0x4  }
0x5a1: {  	v6 =	vshrl.u32 v4, $0x3  }
0x5a2: {  	v6 =	vmul.u32 $0xC00, v6  }
0x5a3: {  	v4 =	vshll.u32 v4, $0x7  }
0x5a4: {  	v4 =	vand.u32 $0x380, v4;
	v6 =	vadd.s32 v0, v6  }
0x5a5: {  	v4 =	vor.u32 v4, v6  }
0x5a6: {  	v4 =	vor.u32 v63, v4;
	_ =	sdelay $0x4  }
0x5a7: {  	[tilespmem:v4+s3+$0x0] =	vst.idx.add.f32.msk $0xffff, v55  }
0x5a8: {  	v4 =	vld.idx.msk [tilespmem:v5+s29+$0x0], $0xffff;
	_ =	sdelay $0x4  }
0x5a9: {  	v4 =	vadd.s32 $0x6, v4  }
0x5aa: {  	v6 =	vshrl.u32 v4, $0x3  }
0x5ab: {  	v6 =	vmul.u32 $0xC00, v6  }
0x5ac: {  	v4 =	vshll.u32 v4, $0x7  }
0x5ad: {  	v4 =	vand.u32 $0x380, v4;
	v6 =	vadd.s32 v0, v6  }
0x5ae: {  	v4 =	vor.u32 v4, v6  }
0x5af: {  	v4 =	vor.u32 v63, v4;
	_ =	sdelay $0x4  }
0x5b0: {  	[tilespmem:v4+s3+$0x0] =	vst.idx.add.f32.msk $0xffff, v55  }
0x5b1: {  	v4 =	vld.idx.msk [tilespmem:v5+s30+$0x0], $0xffff;
	_ =	sdelay $0x4  }
0x5b2: {  	v4 =	vadd.s32 $0xB, v4  }
0x5b3: {  	v6 =	vshrl.u32 v4, $0x3  }
0x5b4: {  	v6 =	vmul.u32 $0xC00, v6  }
0x5b5: {  	v4 =	vshll.u32 v4, $0x7  }
0x5b6: {  	v4 =	vand.u32 $0x380, v4;
	v6 =	vadd.s32 v0, v6  }
0x5b7: {  	v4 =	vor.u32 v4, v6  }
0x5b8: {  	v4 =	vor.u32 v63, v4;
	_ =	sdelay $0x4  }
0x5b9: {  	[tilespmem:v4+s3+$0x0] =	vst.idx.add.f32.msk $0xffff, v55  }
0x5ba: {  	v4 =	vld.idx.msk [tilespmem:v5+s31+$0x0], $0xffff;
	_ =	sdelay $0x4  }
0x5bb: {  	vm8 =	veq.s32 v4, $0x0  }
0x5bc: {  	v4 =	vsel vm8, $0x0, v23  }
0x5bd: {  	v4 =	vor.u32 v4, v63  }
0x5be: {  	v4 =	vor.u32 v1, v4;
	_ =	sdelay $0x4  }
0x5bf: {  	[tilespmem:v4+s3+$0x0] =	vst.idx.add.f32.msk $0xffff, v55  }
0x5c0: {  	v4 =	vld.idx.msk [tilespmem:v5+s0+$0x0], $0xffff;
	_ =	sdelay $0x4  }
0x5c1: {  	v4 =	vmul.f32 v4, v55;
	_ =	sdelay $0x1  }
0x5c2: {  	[tilespmem:v2+s3+$0x0] =	vst.idx.add.f32.msk $0xffff, v4  }
0x5c3: {  	v4 =	vld.idx.msk [tilespmem:v5+s2+$0x0], $0xffff;
	_ =	sdelay $0x2  }
0x5c4: {  	v5 =	vadd.s32 s7, v36;
	_ =	sdelay $0x1  }
0x5c5: {  	v4 =	vmul.f32 v4, v55;
	_ =	sdelay $0x1  }
0x5c6: {  	[tilespmem:v3+s3+$0x0] =	vst.idx.add.f32.msk $0xffff, v4  }
0x5c7: {  	v4 =	vld.idx.msk [tilespmem:v5+s1+$0x0], $0xffff;
	_ =	sdelay $0x4  }
0x5c8: {  	v6 =	vshrl.u32 v4, $0x3  }
0x5c9: {  	v6 =	vmul.u32 $0xC00, v6  }
0x5ca: {  	v4 =	vshll.u32 v4, $0x7  }
0x5cb: {  	v4 =	vand.u32 $0x380, v4;
	v6 =	vadd.s32 v0, v6  }
0x5cc: {  	v4 =	vor.u32 v4, v6  }
0x5cd: {  	v4 =	vor.u32 v63, v4;
	_ =	sdelay $0x4  }
0x5ce: {  	[tilespmem:v4+s3+$0x0] =	vst.idx.add.f32.msk $0xffff, v56  }
0x5cf: {  	v4 =	vld.idx.msk [tilespmem:v5+s29+$0x0], $0xffff;
	_ =	sdelay $0x4  }
0x5d0: {  	v4 =	vadd.s32 $0x6, v4  }
0x5d1: {  	v6 =	vshrl.u32 v4, $0x3  }
0x5d2: {  	v6 =	vmul.u32 $0xC00, v6  }
0x5d3: {  	v4 =	vshll.u32 v4, $0x7  }
0x5d4: {  	v4 =	vand.u32 $0x380, v4;
	v6 =	vadd.s32 v0, v6  }
0x5d5: {  	v4 =	vor.u32 v4, v6  }
0x5d6: {  	v4 =	vor.u32 v63, v4;
	_ =	sdelay $0x4  }
0x5d7: {  	[tilespmem:v4+s3+$0x0] =	vst.idx.add.f32.msk $0xffff, v56  }
0x5d8: {  	v4 =	vld.idx.msk [tilespmem:v5+s30+$0x0], $0xffff;
	_ =	sdelay $0x4  }
0x5d9: {  	v4 =	vadd.s32 $0xB, v4  }
0x5da: {  	v6 =	vshrl.u32 v4, $0x3  }
0x5db: {  	v6 =	vmul.u32 $0xC00, v6  }
0x5dc: {  	v4 =	vshll.u32 v4, $0x7  }
0x5dd: {  	v4 =	vand.u32 $0x380, v4;
	v6 =	vadd.s32 v0, v6  }
0x5de: {  	v4 =	vor.u32 v4, v6  }
0x5df: {  	v4 =	vor.u32 v63, v4;
	_ =	sdelay $0x4  }
0x5e0: {  	[tilespmem:v4+s3+$0x0] =	vst.idx.add.f32.msk $0xffff, v56  }
0x5e1: {  	v4 =	vld.idx.msk [tilespmem:v5+s31+$0x0], $0xffff;
	_ =	sdelay $0x4  }
0x5e2: {  	vm9 =	veq.s32 v4, $0x0  }
0x5e3: {  	v4 =	vsel vm9, $0x0, v23  }
0x5e4: {  	v4 =	vor.u32 v4, v63  }
0x5e5: {  	v4 =	vor.u32 v1, v4;
	_ =	sdelay $0x4  }
0x5e6: {  	[tilespmem:v4+s3+$0x0] =	vst.idx.add.f32.msk $0xffff, v56  }
0x5e7: {  	v4 =	vld.idx.msk [tilespmem:v5+s0+$0x0], $0xffff;
	_ =	sdelay $0x4  }
0x5e8: {  	v4 =	vmul.f32 v4, v56;
	_ =	sdelay $0x1  }
0x5e9: {  	[tilespmem:v2+s3+$0x0] =	vst.idx.add.f32.msk $0xffff, v4  }
0x5ea: {  	v4 =	vld.idx.msk [tilespmem:v5+s2+$0x0], $0xffff;
	_ =	sdelay $0x2  }
0x5eb: {  	v5 =	vadd.s32 s7, v37;
	_ =	sdelay $0x1  }
0x5ec: {  	v4 =	vmul.f32 v4, v56;
	_ =	sdelay $0x1  }
0x5ed: {  	[tilespmem:v3+s3+$0x0] =	vst.idx.add.f32.msk $0xffff, v4  }
0x5ee: {  	v4 =	vld.idx.msk [tilespmem:v5+s1+$0x0], $0xffff;
	_ =	sdelay $0x4  }
0x5ef: {  	v6 =	vshrl.u32 v4, $0x3  }
0x5f0: {  	v6 =	vmul.u32 $0xC00, v6  }
0x5f1: {  	v4 =	vshll.u32 v4, $0x7  }
0x5f2: {  	v4 =	vand.u32 $0x380, v4;
	v6 =	vadd.s32 v0, v6  }
0x5f3: {  	v4 =	vor.u32 v4, v6  }
0x5f4: {  	v4 =	vor.u32 v63, v4;
	_ =	sdelay $0x4  }
0x5f5: {  	[tilespmem:v4+s3+$0x0] =	vst.idx.add.f32.msk $0xffff, v57  }
0x5f6: {  	v4 =	vld.idx.msk [tilespmem:v5+s29+$0x0], $0xffff;
	_ =	sdelay $0x4  }
0x5f7: {  	v4 =	vadd.s32 $0x6, v4  }
0x5f8: {  	v6 =	vshrl.u32 v4, $0x3  }
0x5f9: {  	v6 =	vmul.u32 $0xC00, v6  }
0x5fa: {  	v4 =	vshll.u32 v4, $0x7  }
0x5fb: {  	v4 =	vand.u32 $0x380, v4;
	v6 =	vadd.s32 v0, v6  }
0x5fc: {  	v4 =	vor.u32 v4, v6  }
0x5fd: {  	v4 =	vor.u32 v63, v4;
	_ =	sdelay $0x4  }
0x5fe: {  	[tilespmem:v4+s3+$0x0] =	vst.idx.add.f32.msk $0xffff, v57  }
0x5ff: {  	v4 =	vld.idx.msk [tilespmem:v5+s30+$0x0], $0xffff;
	_ =	sdelay $0x4  }
0x600: {  	v4 =	vadd.s32 $0xB, v4  }
0x601: {  	v6 =	vshrl.u32 v4, $0x3  }
0x602: {  	v6 =	vmul.u32 $0xC00, v6  }
0x603: {  	v4 =	vshll.u32 v4, $0x7  }
0x604: {  	v4 =	vand.u32 $0x380, v4;
	v6 =	vadd.s32 v0, v6  }
0x605: {  	v4 =	vor.u32 v4, v6  }
0x606: {  	v4 =	vor.u32 v63, v4;
	_ =	sdelay $0x4  }
0x607: {  	[tilespmem:v4+s3+$0x0] =	vst.idx.add.f32.msk $0xffff, v57  }
0x608: {  	v4 =	vld.idx.msk [tilespmem:v5+s31+$0x0], $0xffff;
	_ =	sdelay $0x4  }
0x609: {  	vm10 =	veq.s32 v4, $0x0  }
0x60a: {  	v4 =	vsel vm10, $0x0, v23  }
0x60b: {  	v4 =	vor.u32 v4, v63  }
0x60c: {  	v4 =	vor.u32 v1, v4;
	_ =	sdelay $0x4  }
0x60d: {  	[tilespmem:v4+s3+$0x0] =	vst.idx.add.f32.msk $0xffff, v57  }
0x60e: {  	v4 =	vld.idx.msk [tilespmem:v5+s0+$0x0], $0xffff;
	_ =	sdelay $0x4  }
0x60f: {  	v4 =	vmul.f32 v4, v57;
	_ =	sdelay $0x1  }
0x610: {  	[tilespmem:v2+s3+$0x0] =	vst.idx.add.f32.msk $0xffff, v4  }
0x611: {  	v4 =	vld.idx.msk [tilespmem:v5+s2+$0x0], $0xffff;
	_ =	sdelay $0x2  }
0x612: {  	v5 =	vadd.s32 s7, v38;
	_ =	sdelay $0x1  }
0x613: {  	v4 =	vmul.f32 v4, v57;
	_ =	sdelay $0x1  }
0x614: {  	[tilespmem:v3+s3+$0x0] =	vst.idx.add.f32.msk $0xffff, v4  }
0x615: {  	v4 =	vld.idx.msk [tilespmem:v5+s1+$0x0], $0xffff;
	_ =	sdelay $0x4  }
0x616: {  	v6 =	vshrl.u32 v4, $0x3  }
0x617: {  	v6 =	vmul.u32 $0xC00, v6  }
0x618: {  	v4 =	vshll.u32 v4, $0x7  }
0x619: {  	v4 =	vand.u32 $0x380, v4;
	v6 =	vadd.s32 v0, v6  }
0x61a: {  	v4 =	vor.u32 v4, v6  }
0x61b: {  	v4 =	vor.u32 v63, v4;
	_ =	sdelay $0x4  }
0x61c: {  	[tilespmem:v4+s3+$0x0] =	vst.idx.add.f32.msk $0xffff, v58  }
0x61d: {  	v4 =	vld.idx.msk [tilespmem:v5+s29+$0x0], $0xffff;
	_ =	sdelay $0x4  }
0x61e: {  	v4 =	vadd.s32 $0x6, v4  }
0x61f: {  	v6 =	vshrl.u32 v4, $0x3  }
0x620: {  	v6 =	vmul.u32 $0xC00, v6  }
0x621: {  	v4 =	vshll.u32 v4, $0x7  }
0x622: {  	v4 =	vand.u32 $0x380, v4;
	v6 =	vadd.s32 v0, v6  }
0x623: {  	v4 =	vor.u32 v4, v6  }
0x624: {  	v4 =	vor.u32 v63, v4;
	_ =	sdelay $0x4  }
0x625: {  	[tilespmem:v4+s3+$0x0] =	vst.idx.add.f32.msk $0xffff, v58  }
0x626: {  	v4 =	vld.idx.msk [tilespmem:v5+s30+$0x0], $0xffff;
	_ =	sdelay $0x4  }
0x627: {  	v4 =	vadd.s32 $0xB, v4  }
0x628: {  	v6 =	vshrl.u32 v4, $0x3  }
0x629: {  	v6 =	vmul.u32 $0xC00, v6  }
0x62a: {  	v4 =	vshll.u32 v4, $0x7  }
0x62b: {  	v4 =	vand.u32 $0x380, v4;
	v6 =	vadd.s32 v0, v6  }
0x62c: {  	v4 =	vor.u32 v4, v6  }
0x62d: {  	v4 =	vor.u32 v63, v4;
	_ =	sdelay $0x4  }
0x62e: {  	[tilespmem:v4+s3+$0x0] =	vst.idx.add.f32.msk $0xffff, v58  }
0x62f: {  	v4 =	vld.idx.msk [tilespmem:v5+s31+$0x0], $0xffff;
	_ =	sdelay $0x4  }
0x630: {  	vm11 =	veq.s32 v4, $0x0  }
0x631: {  	v4 =	vsel vm11, $0x0, v23  }
0x632: {  	v4 =	vor.u32 v4, v63  }
0x633: {  	v4 =	vor.u32 v1, v4;
	_ =	sdelay $0x4  }
0x634: {  	[tilespmem:v4+s3+$0x0] =	vst.idx.add.f32.msk $0xffff, v58  }
0x635: {  	v4 =	vld.idx.msk [tilespmem:v5+s0+$0x0], $0xffff;
	_ =	sdelay $0x4  }
0x636: {  	v4 =	vmul.f32 v4, v58;
	_ =	sdelay $0x1  }
0x637: {  	[tilespmem:v2+s3+$0x0] =	vst.idx.add.f32.msk $0xffff, v4  }
0x638: {  	v4 =	vld.idx.msk [tilespmem:v5+s2+$0x0], $0xffff;
	_ =	sdelay $0x2  }
0x639: {  	v5 =	vadd.s32 s7, v39;
	_ =	sdelay $0x1  }
0x63a: {  	v4 =	vmul.f32 v4, v58;
	_ =	sdelay $0x1  }
0x63b: {  	[tilespmem:v3+s3+$0x0] =	vst.idx.add.f32.msk $0xffff, v4  }
0x63c: {  	v4 =	vld.idx.msk [tilespmem:v5+s1+$0x0], $0xffff;
	_ =	sdelay $0x4  }
0x63d: {  	v6 =	vshrl.u32 v4, $0x3  }
0x63e: {  	v6 =	vmul.u32 $0xC00, v6  }
0x63f: {  	v4 =	vshll.u32 v4, $0x7  }
0x640: {  	v4 =	vand.u32 $0x380, v4;
	v6 =	vadd.s32 v0, v6  }
0x641: {  	v4 =	vor.u32 v4, v6  }
0x642: {  	v4 =	vor.u32 v63, v4;
	_ =	sdelay $0x4  }
0x643: {  	[tilespmem:v4+s3+$0x0] =	vst.idx.add.f32.msk $0xffff, v59  }
0x644: {  	v4 =	vld.idx.msk [tilespmem:v5+s29+$0x0], $0xffff;
	_ =	sdelay $0x4  }
0x645: {  	v4 =	vadd.s32 $0x6, v4  }
0x646: {  	v6 =	vshrl.u32 v4, $0x3  }
0x647: {  	v6 =	vmul.u32 $0xC00, v6  }
0x648: {  	v4 =	vshll.u32 v4, $0x7  }
0x649: {  	v4 =	vand.u32 $0x380, v4;
	v6 =	vadd.s32 v0, v6  }
0x64a: {  	v4 =	vor.u32 v4, v6  }
0x64b: {  	v4 =	vor.u32 v63, v4;
	_ =	sdelay $0x4  }
0x64c: {  	[tilespmem:v4+s3+$0x0] =	vst.idx.add.f32.msk $0xffff, v59  }
0x64d: {  	v4 =	vld.idx.msk [tilespmem:v5+s30+$0x0], $0xffff;
	_ =	sdelay $0x4  }
0x64e: {  	v4 =	vadd.s32 $0xB, v4  }
0x64f: {  	v6 =	vshrl.u32 v4, $0x3  }
0x650: {  	v6 =	vmul.u32 $0xC00, v6  }
0x651: {  	v4 =	vshll.u32 v4, $0x7  }
0x652: {  	v4 =	vand.u32 $0x380, v4;
	v6 =	vadd.s32 v0, v6  }
0x653: {  	v4 =	vor.u32 v4, v6  }
0x654: {  	v4 =	vor.u32 v63, v4;
	_ =	sdelay $0x4  }
0x655: {  	[tilespmem:v4+s3+$0x0] =	vst.idx.add.f32.msk $0xffff, v59  }
0x656: {  	v4 =	vld.idx.msk [tilespmem:v5+s31+$0x0], $0xffff;
	_ =	sdelay $0x4  }
0x657: {  	vm12 =	veq.s32 v4, $0x0  }
0x658: {  	v4 =	vsel vm12, $0x0, v23  }
0x659: {  	v4 =	vor.u32 v4, v63  }
0x65a: {  	v4 =	vor.u32 v1, v4;
	_ =	sdelay $0x4  }
0x65b: {  	[tilespmem:v4+s3+$0x0] =	vst.idx.add.f32.msk $0xffff, v59  }
0x65c: {  	v4 =	vld.idx.msk [tilespmem:v5+s0+$0x0], $0xffff;
	_ =	sdelay $0x4  }
0x65d: {  	v4 =	vmul.f32 v4, v59;
	_ =	sdelay $0x1  }
0x65e: {  	[tilespmem:v2+s3+$0x0] =	vst.idx.add.f32.msk $0xffff, v4  }
0x65f: {  	v4 =	vld.idx.msk [tilespmem:v5+s2+$0x0], $0xffff;
	_ =	sdelay $0x2  }
0x660: {  	v5 =	vadd.s32 s7, v40;
	_ =	sdelay $0x1  }
0x661: {  	v4 =	vmul.f32 v4, v59;
	_ =	sdelay $0x1  }
0x662: {  	[tilespmem:v3+s3+$0x0] =	vst.idx.add.f32.msk $0xffff, v4  }
0x663: {  	v4 =	vld.idx.msk [tilespmem:v5+s1+$0x0], $0xffff;
	_ =	sdelay $0x4  }
0x664: {  	v6 =	vshrl.u32 v4, $0x3  }
0x665: {  	v6 =	vmul.u32 $0xC00, v6  }
0x666: {  	v4 =	vshll.u32 v4, $0x7  }
0x667: {  	v4 =	vand.u32 $0x380, v4;
	v6 =	vadd.s32 v0, v6  }
0x668: {  	v4 =	vor.u32 v4, v6  }
0x669: {  	v4 =	vor.u32 v63, v4;
	_ =	sdelay $0x4  }
0x66a: {  	[tilespmem:v4+s3+$0x0] =	vst.idx.add.f32.msk $0xffff, v60  }
0x66b: {  	v4 =	vld.idx.msk [tilespmem:v5+s29+$0x0], $0xffff;
	_ =	sdelay $0x4  }
0x66c: {  	v4 =	vadd.s32 $0x6, v4  }
0x66d: {  	v6 =	vshrl.u32 v4, $0x3  }
0x66e: {  	v6 =	vmul.u32 $0xC00, v6  }
0x66f: {  	v4 =	vshll.u32 v4, $0x7  }
0x670: {  	v4 =	vand.u32 $0x380, v4;
	v6 =	vadd.s32 v0, v6  }
0x671: {  	v4 =	vor.u32 v4, v6  }
0x672: {  	v4 =	vor.u32 v63, v4;
	_ =	sdelay $0x4  }
0x673: {  	[tilespmem:v4+s3+$0x0] =	vst.idx.add.f32.msk $0xffff, v60  }
0x674: {  	v4 =	vld.idx.msk [tilespmem:v5+s30+$0x0], $0xffff;
	_ =	sdelay $0x4  }
0x675: {  	v4 =	vadd.s32 $0xB, v4  }
0x676: {  	v6 =	vshrl.u32 v4, $0x3  }
0x677: {  	v6 =	vmul.u32 $0xC00, v6  }
0x678: {  	v4 =	vshll.u32 v4, $0x7  }
0x679: {  	v4 =	vand.u32 $0x380, v4;
	v6 =	vadd.s32 v0, v6  }
0x67a: {  	v4 =	vor.u32 v4, v6  }
0x67b: {  	v4 =	vor.u32 v63, v4;
	_ =	sdelay $0x4  }
0x67c: {  	[tilespmem:v4+s3+$0x0] =	vst.idx.add.f32.msk $0xffff, v60  }
0x67d: {  	v4 =	vld.idx.msk [tilespmem:v5+s31+$0x0], $0xffff;
	_ =	sdelay $0x4  }
0x67e: {  	vm13 =	veq.s32 v4, $0x0  }
0x67f: {  	v4 =	vsel vm13, $0x0, v23  }
0x680: {  	v4 =	vor.u32 v4, v63  }
0x681: {  	v4 =	vor.u32 v1, v4;
	_ =	sdelay $0x4  }
0x682: {  	[tilespmem:v4+s3+$0x0] =	vst.idx.add.f32.msk $0xffff, v60  }
0x683: {  	v4 =	vld.idx.msk [tilespmem:v5+s0+$0x0], $0xffff;
	_ =	sdelay $0x4  }
0x684: {  	v4 =	vmul.f32 v4, v60;
	_ =	sdelay $0x1  }
0x685: {  	[tilespmem:v2+s3+$0x0] =	vst.idx.add.f32.msk $0xffff, v4  }
0x686: {  	v4 =	vld.idx.msk [tilespmem:v5+s2+$0x0], $0xffff;
	_ =	sdelay $0x2  }
0x687: {  	v5 =	vadd.s32 s7, v41;
	_ =	sdelay $0x1  }
0x688: {  	v4 =	vmul.f32 v4, v60;
	_ =	sdelay $0x1  }
0x689: {  	[tilespmem:v3+s3+$0x0] =	vst.idx.add.f32.msk $0xffff, v4  }
0x68a: {  	v4 =	vld.idx.msk [tilespmem:v5+s1+$0x0], $0xffff;
	_ =	sdelay $0x4  }
0x68b: {  	v6 =	vshrl.u32 v4, $0x3  }
0x68c: {  	v6 =	vmul.u32 $0xC00, v6  }
0x68d: {  	v4 =	vshll.u32 v4, $0x7  }
0x68e: {  	v4 =	vand.u32 $0x380, v4;
	v6 =	vadd.s32 v0, v6  }
0x68f: {  	v4 =	vor.u32 v4, v6  }
0x690: {  	v4 =	vor.u32 v63, v4;
	_ =	sdelay $0x4  }
0x691: {  	[tilespmem:v4+s3+$0x0] =	vst.idx.add.f32.msk $0xffff, v61  }
0x692: {  	v4 =	vld.idx.msk [tilespmem:v5+s29+$0x0], $0xffff;
	_ =	sdelay $0x4  }
0x693: {  	v4 =	vadd.s32 $0x6, v4  }
0x694: {  	v6 =	vshrl.u32 v4, $0x3  }
0x695: {  	v6 =	vmul.u32 $0xC00, v6  }
0x696: {  	v4 =	vshll.u32 v4, $0x7  }
0x697: {  	v4 =	vand.u32 $0x380, v4;
	v6 =	vadd.s32 v0, v6  }
0x698: {  	v4 =	vor.u32 v4, v6  }
0x699: {  	v4 =	vor.u32 v63, v4;
	_ =	sdelay $0x4  }
0x69a: {  	[tilespmem:v4+s3+$0x0] =	vst.idx.add.f32.msk $0xffff, v61  }
0x69b: {  	v4 =	vld.idx.msk [tilespmem:v5+s30+$0x0], $0xffff;
	_ =	sdelay $0x4  }
0x69c: {  	v4 =	vadd.s32 $0xB, v4  }
0x69d: {  	v6 =	vshrl.u32 v4, $0x3  }
0x69e: {  	v6 =	vmul.u32 $0xC00, v6  }
0x69f: {  	v4 =	vshll.u32 v4, $0x7  }
0x6a0: {  	v4 =	vand.u32 $0x380, v4;
	v6 =	vadd.s32 v0, v6  }
0x6a1: {  	v4 =	vor.u32 v4, v6  }
0x6a2: {  	v4 =	vor.u32 v63, v4;
	_ =	sdelay $0x4  }
0x6a3: {  	[tilespmem:v4+s3+$0x0] =	vst.idx.add.f32.msk $0xffff, v61  }
0x6a4: {  	v4 =	vld.idx.msk [tilespmem:v5+s31+$0x0], $0xffff;
	_ =	sdelay $0x4  }
0x6a5: {  	vm14 =	veq.s32 v4, $0x0  }
0x6a6: {  	v4 =	vsel vm14, $0x0, v23  }
0x6a7: {  	v4 =	vor.u32 v4, v63  }
0x6a8: {  	v4 =	vor.u32 v1, v4;
	_ =	sdelay $0x4  }
0x6a9: {  	[tilespmem:v4+s3+$0x0] =	vst.idx.add.f32.msk $0xffff, v61  }
0x6aa: {  	v4 =	vld.idx.msk [tilespmem:v5+s0+$0x0], $0xffff;
	_ =	sdelay $0x4  }
0x6ab: {  	v4 =	vmul.f32 v4, v61;
	_ =	sdelay $0x1  }
0x6ac: {  	[tilespmem:v2+s3+$0x0] =	vst.idx.add.f32.msk $0xffff, v4  }
0x6ad: {  	v4 =	vld.idx.msk [tilespmem:v5+s2+$0x0], $0xffff;
	_ =	sdelay $0x2  }
0x6ae: {  	v5 =	vadd.s32 s7, v42;
	_ =	sdelay $0x1  }
0x6af: {  	v4 =	vmul.f32 v4, v61;
	_ =	sdelay $0x1  }
0x6b0: {  	[tilespmem:v3+s3+$0x0] =	vst.idx.add.f32.msk $0xffff, v4  }
0x6b1: {  	v4 =	vld.idx.msk [tilespmem:v5+s1+$0x0], $0xffff;
	_ =	sdelay $0x4  }
0x6b2: {  	v6 =	vshrl.u32 v4, $0x3  }
0x6b3: {  	v6 =	vmul.u32 $0xC00, v6  }
0x6b4: {  	v4 =	vshll.u32 v4, $0x7  }
0x6b5: {  	v4 =	vand.u32 $0x380, v4;
	v6 =	vadd.s32 v0, v6  }
0x6b6: {  	v4 =	vor.u32 v4, v6  }
0x6b7: {  	v4 =	vor.u32 v63, v4;
	_ =	sdelay $0x4  }
0x6b8: {  	[tilespmem:v4+s3+$0x0] =	vst.idx.add.f32.msk $0xffff, v62  }
0x6b9: {  	v4 =	vld.idx.msk [tilespmem:v5+s29+$0x0], $0xffff;
	_ =	sdelay $0x4  }
0x6ba: {  	v4 =	vadd.s32 $0x6, v4  }
0x6bb: {  	v6 =	vshrl.u32 v4, $0x3  }
0x6bc: {  	v6 =	vmul.u32 $0xC00, v6  }
0x6bd: {  	v4 =	vshll.u32 v4, $0x7  }
0x6be: {  	v4 =	vand.u32 $0x380, v4;
	v6 =	vadd.s32 v0, v6  }
0x6bf: {  	v4 =	vor.u32 v4, v6  }
0x6c0: {  	v4 =	vor.u32 v63, v4;
	_ =	sdelay $0x4  }
0x6c1: {  	[tilespmem:v4+s3+$0x0] =	vst.idx.add.f32.msk $0xffff, v62  }
0x6c2: {  	v4 =	vld.idx.msk [tilespmem:v5+s30+$0x0], $0xffff;
	_ =	sdelay $0x4  }
0x6c3: {  	v4 =	vadd.s32 $0xB, v4  }
0x6c4: {  	v6 =	vshrl.u32 v4, $0x3  }
0x6c5: {  	v6 =	vmul.u32 $0xC00, v6  }
0x6c6: {  	v4 =	vshll.u32 v4, $0x7  }
0x6c7: {  	v4 =	vand.u32 $0x380, v4;
	v0 =	vadd.s32 v0, v6  }
0x6c8: {  	v0 =	vor.u32 v4, v0  }
0x6c9: {  	v0 =	vor.u32 v63, v0;
	_ =	sdelay $0x4  }
0x6ca: {  	[tilespmem:v0+s3+$0x0] =	vst.idx.add.f32.msk $0xffff, v62  }
0x6cb: {  	v0 =	vld.idx.msk [tilespmem:v5+s31+$0x0], $0xffff;
	_ =	sdelay $0x4  }
0x6cc: {  	vm15 =	veq.s32 v0, $0x0  }
0x6cd: {  	v0 =	vsel vm15, $0x0, v23  }
0x6ce: {  	v0 =	vor.u32 v0, v63  }
0x6cf: {  	v0 =	vor.u32 v1, v0;
	_ =	sdelay $0x4  }
0x6d0: {  	[tilespmem:v0+s3+$0x0] =	vst.idx.add.f32.msk $0xffff, v62  }
0x6d1: {  	v0 =	vld.idx.msk [tilespmem:v5+s0+$0x0], $0xffff;
	_ =	sdelay $0x4  }
0x6d2: {  	v0 =	vmul.f32 v0, v62;
	_ =	sdelay $0x1  }
0x6d3: {  	[tilespmem:v2+s3+$0x0] =	vst.idx.add.f32.msk $0xffff, v0  }
0x6d4: {  	v0 =	vld.idx.msk [tilespmem:v5+s2+$0x0], $0xffff;
	_ =	sdelay $0x1  }
0x6d5: {  	p0 =	sne.s32 s8, $0x170  }
.Ltmp3:
0x6d6: {  	_ = 	snop;
	(pc) =	sbr.rel @p0 .LBB2_8-.Ltmp3, $3  }
0x6d7: {  	_ = 	snop  }
0x6d8: {  	v0 =	vmul.f32 v0, v62;
	_ =	sdelay $0x1  }
0x6d9: {  	s8 =	sadd.s32 $0x10, s8;
	s7 =	sadd.s32 $0x140, s7;
	[tilespmem:v3+s3+$0x0] =	vst.idx.add.f32.msk $0xffff, v0  }
0x6da: {  	[hbm4b:s15+s4] =	stream.strided.scatter [tilespmem:s3], [sflag:$0x1], $0x2400, s5, s4, $0x38;
	[tilespmem:$0xD880] =	vst v63  }
0x6db: {  	_ =	swait.ge [sflag:s28], $0x2400  }
0x6dc: {  	[sflag:s28] =	ssyncset.done $0x0  }
0x6dd: {  	s7 =	simm.s32 $0x0;
	[sflag:s28] =	ssyncadd.s32 $0xFFFFDC00  }
0x6de: {  	[tilespmem:s7], [sflag:$0x1] =	stream.linear.gather [hbm4b:s18+s7], $0x1E00, $0x38;
	[tilespmem:$0xD880] =	vst v63  }
0x6df: {  	_ =	swait.ge [sflag:s28], $0x1E00  }
0x6e0: {  	[sflag:s28] =	ssyncset.done $0x0  }
0x6e1: {  	[sflag:s28] =	ssyncadd.s32 $0xFFFFE200  }
0x6e2: {  	[tilespmem:s29], [sflag:$0x1] =	stream.linear.gather [hbm4b:s19+s7], $0x1E00, $0x38;
	[tilespmem:$0xD880] =	vst v63  }
0x6e3: {  	_ =	swait.ge [sflag:s28], $0x1E00  }
0x6e4: {  	[sflag:s28] =	ssyncset.done $0x0  }
0x6e5: {  	[sflag:s28] =	ssyncadd.s32 $0xFFFFE200  }
0x6e6: {  	[tilespmem:s30], [sflag:$0x1] =	stream.linear.gather [hbm4b:s20+s7], $0x1E00, $0x38;
	[tilespmem:$0xD880] =	vst v63  }
0x6e7: {  	_ =	swait.ge [sflag:s28], $0x1E00  }
0x6e8: {  	[sflag:s28] =	ssyncset.done $0x0  }
0x6e9: {  	[sflag:s28] =	ssyncadd.s32 $0xFFFFE200  }
0x6ea: {  	[tilespmem:s31], [sflag:$0x1] =	stream.linear.gather [hbm4b:s21+s7], $0x1E00, $0x38;
	[tilespmem:$0xD880] =	vst v63  }
0x6eb: {  	_ =	swait.ge [sflag:s28], $0x1E00  }
0x6ec: {  	[sflag:s28] =	ssyncset.done $0x0  }
0x6ed: {  	[sflag:s28] =	ssyncadd.s32 $0xFFFFE200  }
0x6ee: {  	[tilespmem:s0], [sflag:$0x1] =	stream.linear.gather [hbm4b:s22+s7], $0x1E00, $0x38;
	[tilespmem:$0xD880] =	vst v63  }
0x6ef: {  	_ =	swait.ge [sflag:s28], $0x1E00  }
0x6f0: {  	[sflag:s28] =	ssyncset.done $0x0  }
0x6f1: {  	[sflag:s28] =	ssyncadd.s32 $0xFFFFE200  }
0x6f2: {  	[tilespmem:s2], [sflag:$0x1] =	stream.linear.gather [hbm4b:s23+s7], $0x1E00, $0x38;
	[tilespmem:$0xD880] =	vst v63  }
0x6f3: {  	_ =	swait.ge [sflag:s28], $0x1E00  }
0x6f4: {  	s8 =	sand.u32 $0x70, s7;
	s9 =	sand.u32 $0xC00, s7;
	[sflag:s28] =	ssyncset.done $0x0  }
0x6f5: {  	s8 =	sor.u32 s8, s9;
	[sflag:s28] =	ssyncadd.s32 $0xFFFFE200  }
0x6f6: {  	[tilespmem:s8+$0xB500] =	vst v22  }
0x6f7: {  	[tilespmem:s8+$0xB580] =	vst v22  }
0x6f8: {  	[tilespmem:s8+$0xB600] =	vst v22  }
0x6f9: {  	[tilespmem:s8+$0xB680] =	vst v22  }
0x6fa: {  	[tilespmem:s8+$0xB700] =	vst v22  }
0x6fb: {  	s11 =	simm.s32 $0x0;
	s12 =	sor.u32 s7, s7;
	s9 =	simm.s32 $0x10;
	[tilespmem:s8+$0xB780] =	vst v22  }
.LBB2_10:
0x6fc: {  	p0 =	sne.s32 s9, $0x170;
	[tilespmem:s8+$0xB480] =	vst v22;
	s12 =	sor.u32 $0x380, s12  }
0x6fd: {  	[tilespmem:s12+$0xB480] =	vst v22  }
0x6fe: {  	[tilespmem:s8+$0xC080] =	vst v22  }
0x6ff: {  	[tilespmem:s8+$0xC100] =	vst v22  }
0x700: {  	[tilespmem:s8+$0xC180] =	vst v22  }
0x701: {  	[tilespmem:s8+$0xC200] =	vst v22  }
0x702: {  	[tilespmem:s8+$0xC280] =	vst v22  }
0x703: {  	[tilespmem:s8+$0xC300] =	vst v22  }
0x704: {  	[tilespmem:s8+$0xC380] =	vst v22  }
0x705: {  	[tilespmem:s8+$0xC400] =	vst v22  }
0x706: {  	[tilespmem:s8+$0xCC80] =	vst v22  }
0x707: {  	s11 =	sadd.s32 $0x80, s11;
	[tilespmem:s8+$0xCD00] =	vst v22  }
0x708: {  	s12 =	sand.u32 $0x70, s9;
	s13 =	sand.u32 $0xC00, s11;
	[tilespmem:s8+$0xCD80] =	vst v22  }
0x709: {  	[tilespmem:s8+$0xCE00] =	vst v22;
	s8 =	sor.u32 s12, s13  }
0x70a: {  	[tilespmem:s8+$0xB500] =	vst v22  }
.Ltmp4:
0x70b: {  	[tilespmem:s8+$0xB580] =	vst v22;
	(pc) =	sbr.rel @p0 .LBB2_10-.Ltmp4, $4  }
0x70c: {  	[tilespmem:s8+$0xB600] =	vst v22  }
0x70d: {  	[tilespmem:s8+$0xB680] =	vst v22  }
0x70e: {  	[tilespmem:s8+$0xB700] =	vst v22  }
0x70f: {  	s12 =	sor.u32 s11, s9;
	s9 =	sadd.s32 $0x10, s9;
	[tilespmem:s8+$0xB780] =	vst v22  }
0x710: {  	[tilespmem:s8+$0xB480] =	vst v22;
	s9 =	sor.u32 $0x380, s12  }
0x711: {  	[tilespmem:s9+$0xB480] =	vst v22  }
0x712: {  	[tilespmem:s8+$0xC080] =	vst v22  }
0x713: {  	[tilespmem:s8+$0xC100] =	vst v22  }
0x714: {  	[tilespmem:s8+$0xC180] =	vst v22  }
0x715: {  	[tilespmem:s8+$0xC200] =	vst v22  }
0x716: {  	[tilespmem:s8+$0xC280] =	vst v22  }
0x717: {  	[tilespmem:s8+$0xC300] =	vst v22  }
0x718: {  	[tilespmem:s8+$0xC380] =	vst v22  }
0x719: {  	[tilespmem:s8+$0xC400] =	vst v22  }
0x71a: {  	[tilespmem:s8+$0xCC80] =	vst v22  }
0x71b: {  	[tilespmem:s8+$0xCD00] =	vst v22  }
0x71c: {  	[tilespmem:s8+$0xCD80] =	vst v22  }
0x71d: {  	[tilespmem:s8+$0xCE00] =	vst v22;
	s8 =	simm.s32 $0x0  }
.LBB2_12:
0x71e: {  	v3 =	vadd.s32 s7, v18;
	_ =	sdelay $0x4  }
0x71f: {  	v1 =	vld.idx.msk [tilespmem:v3+s1+$0x0], $0xffff;
	_ =	sdelay $0x4  }
0x720: {  	v0 =	vmov s8;
	v2 =	vshrl.u32 v1, $0x3  }
0x721: {  	v0 =	vshll.u32 v0, $0x3;
	v2 =	vmul.u32 $0xC00, v2  }
0x722: {  	v0 =	vand.u32 $0xC00, v0;
	v1 =	vshll.u32 v1, $0x7  }
0x723: {  	v4 =	vor.u32 s8, v15;
	v1 =	vand.u32 $0x380, v1;
	v2 =	vadd.s32 v0, v2  }
0x724: {  	v63 =	vand.u32 $0x7F, v4;
	v1 =	vor.u32 v1, v2  }
0x725: {  	v1 =	vor.u32 v63, v1;
	_ =	sdelay $0x4  }
0x726: {  	[tilespmem:v1+s3+$0x0] =	vst.idx.add.f32.msk $0xffff, v43  }
0x727: {  	v1 =	vld.idx.msk [tilespmem:v3+s29+$0x0], $0xffff;
	_ =	sdelay $0x4  }
0x728: {  	v1 =	vadd.s32 $0x6, v1  }
0x729: {  	v2 =	vshrl.u32 v1, $0x3  }
0x72a: {  	v2 =	vmul.u32 $0xC00, v2  }
0x72b: {  	v1 =	vshll.u32 v1, $0x7  }
0x72c: {  	v1 =	vand.u32 $0x380, v1;
	v2 =	vadd.s32 v0, v2  }
0x72d: {  	v1 =	vor.u32 v1, v2  }
0x72e: {  	v1 =	vor.u32 v63, v1;
	_ =	sdelay $0x4  }
0x72f: {  	[tilespmem:v1+s3+$0x0] =	vst.idx.add.f32.msk $0xffff, v43  }
0x730: {  	v1 =	vld.idx.msk [tilespmem:v3+s30+$0x0], $0xffff;
	_ =	sdelay $0x4  }
0x731: {  	v1 =	vadd.s32 $0xB, v1  }
0x732: {  	v2 =	vshrl.u32 v1, $0x3  }
0x733: {  	v2 =	vmul.u32 $0xC00, v2  }
0x734: {  	v1 =	vshll.u32 v1, $0x7  }
0x735: {  	v1 =	vand.u32 $0x380, v1;
	v2 =	vadd.s32 v0, v2  }
0x736: {  	v1 =	vor.u32 v1, v2  }
0x737: {  	v1 =	vor.u32 v63, v1;
	_ =	sdelay $0x4  }
0x738: {  	[tilespmem:v1+s3+$0x0] =	vst.idx.add.f32.msk $0xffff, v43  }
0x739: {  	v1 =	vld.idx.msk [tilespmem:v3+s31+$0x0], $0xffff;
	_ =	sdelay $0x4  }
0x73a: {  	vm0 =	veq.s32 v1, $0x0  }
0x73b: {  	v2 =	vsel vm0, $0x0, v23  }
0x73c: {  	v1 =	vadd.s32 $0x1800, v0;
	v2 =	vor.u32 v2, v63  }
0x73d: {  	v2 =	vor.u32 v1, v2;
	_ =	sdelay $0x4  }
0x73e: {  	[tilespmem:v2+s3+$0x0] =	vst.idx.add.f32.msk $0xffff, v43  }
0x73f: {  	v4 =	vld.idx.msk [tilespmem:v3+s0+$0x0], $0xffff  }
0x740: {  	v5 =	vor.u32 v63, v0  }
0x741: {  	v2 =	vadd.s32 $0x1900, v5;
	_ =	sdelay $0x2  }
0x742: {  	v4 =	vmul.f32 v4, v43;
	_ =	sdelay $0x1  }
0x743: {  	[tilespmem:v2+s3+$0x0] =	vst.idx.add.f32.msk $0xffff, v4  }
0x744: {  	v4 =	vld.idx.msk [tilespmem:v3+s2+$0x0], $0xffff;
	_ =	sdelay $0x1  }
0x745: {  	v3 =	vadd.s32 $0x1980, v5  }
0x746: {  	v5 =	vadd.s32 s7, v24;
	_ =	sdelay $0x1  }
0x747: {  	v4 =	vmul.f32 v4, v43;
	_ =	sdelay $0x1  }
0x748: {  	[tilespmem:v3+s3+$0x0] =	vst.idx.add.f32.msk $0xffff, v4  }
0x749: {  	v4 =	vld.idx.msk [tilespmem:v5+s1+$0x0], $0xffff;
	_ =	sdelay $0x4  }
0x74a: {  	v6 =	vshrl.u32 v4, $0x3  }
0x74b: {  	v6 =	vmul.u32 $0xC00, v6  }
0x74c: {  	v4 =	vshll.u32 v4, $0x7  }
0x74d: {  	v4 =	vand.u32 $0x380, v4;
	v6 =	vadd.s32 v0, v6  }
0x74e: {  	v4 =	vor.u32 v4, v6  }
0x74f: {  	v4 =	vor.u32 v63, v4;
	_ =	sdelay $0x4  }
0x750: {  	[tilespmem:v4+s3+$0x0] =	vst.idx.add.f32.msk $0xffff, v44  }
0x751: {  	v4 =	vld.idx.msk [tilespmem:v5+s29+$0x0], $0xffff;
	_ =	sdelay $0x4  }
0x752: {  	v4 =	vadd.s32 $0x6, v4  }
0x753: {  	v6 =	vshrl.u32 v4, $0x3  }
0x754: {  	v6 =	vmul.u32 $0xC00, v6  }
0x755: {  	v4 =	vshll.u32 v4, $0x7  }
0x756: {  	v4 =	vand.u32 $0x380, v4;
	v6 =	vadd.s32 v0, v6  }
0x757: {  	v4 =	vor.u32 v4, v6  }
0x758: {  	v4 =	vor.u32 v63, v4;
	_ =	sdelay $0x4  }
0x759: {  	[tilespmem:v4+s3+$0x0] =	vst.idx.add.f32.msk $0xffff, v44  }
0x75a: {  	v4 =	vld.idx.msk [tilespmem:v5+s30+$0x0], $0xffff;
	_ =	sdelay $0x4  }
0x75b: {  	v4 =	vadd.s32 $0xB, v4  }
0x75c: {  	v6 =	vshrl.u32 v4, $0x3  }
0x75d: {  	v6 =	vmul.u32 $0xC00, v6  }
0x75e: {  	v4 =	vshll.u32 v4, $0x7  }
0x75f: {  	v4 =	vand.u32 $0x380, v4;
	v6 =	vadd.s32 v0, v6  }
0x760: {  	v4 =	vor.u32 v4, v6  }
0x761: {  	v4 =	vor.u32 v63, v4;
	_ =	sdelay $0x4  }
0x762: {  	[tilespmem:v4+s3+$0x0] =	vst.idx.add.f32.msk $0xffff, v44  }
0x763: {  	v4 =	vld.idx.msk [tilespmem:v5+s31+$0x0], $0xffff;
	_ =	sdelay $0x4  }
0x764: {  	vm9 =	veq.s32 v4, $0x0  }
0x765: {  	v4 =	vsel vm9, $0x0, v23  }
0x766: {  	v4 =	vor.u32 v4, v63  }
0x767: {  	v4 =	vor.u32 v1, v4;
	_ =	sdelay $0x4  }
0x768: {  	[tilespmem:v4+s3+$0x0] =	vst.idx.add.f32.msk $0xffff, v44  }
0x769: {  	v4 =	vld.idx.msk [tilespmem:v5+s0+$0x0], $0xffff;
	_ =	sdelay $0x4  }
0x76a: {  	v4 =	vmul.f32 v4, v44;
	_ =	sdelay $0x1  }
0x76b: {  	[tilespmem:v2+s3+$0x0] =	vst.idx.add.f32.msk $0xffff, v4  }
0x76c: {  	v4 =	vld.idx.msk [tilespmem:v5+s2+$0x0], $0xffff;
	_ =	sdelay $0x2  }
0x76d: {  	v5 =	vadd.s32 s7, v25;
	_ =	sdelay $0x1  }
0x76e: {  	v4 =	vmul.f32 v4, v44;
	_ =	sdelay $0x1  }
0x76f: {  	[tilespmem:v3+s3+$0x0] =	vst.idx.add.f32.msk $0xffff, v4  }
0x770: {  	v4 =	vld.idx.msk [tilespmem:v5+s1+$0x0], $0xffff;
	_ =	sdelay $0x4  }
0x771: {  	v6 =	vshrl.u32 v4, $0x3  }
0x772: {  	v6 =	vmul.u32 $0xC00, v6  }
0x773: {  	v4 =	vshll.u32 v4, $0x7  }
0x774: {  	v4 =	vand.u32 $0x380, v4;
	v6 =	vadd.s32 v0, v6  }
0x775: {  	v4 =	vor.u32 v4, v6  }
0x776: {  	v4 =	vor.u32 v63, v4;
	_ =	sdelay $0x4  }
0x777: {  	[tilespmem:v4+s3+$0x0] =	vst.idx.add.f32.msk $0xffff, v45  }
0x778: {  	v4 =	vld.idx.msk [tilespmem:v5+s29+$0x0], $0xffff;
	_ =	sdelay $0x4  }
0x779: {  	v4 =	vadd.s32 $0x6, v4  }
0x77a: {  	v6 =	vshrl.u32 v4, $0x3  }
0x77b: {  	v6 =	vmul.u32 $0xC00, v6  }
0x77c: {  	v4 =	vshll.u32 v4, $0x7  }
0x77d: {  	v4 =	vand.u32 $0x380, v4;
	v6 =	vadd.s32 v0, v6  }
0x77e: {  	v4 =	vor.u32 v4, v6  }
0x77f: {  	v4 =	vor.u32 v63, v4;
	_ =	sdelay $0x4  }
0x780: {  	[tilespmem:v4+s3+$0x0] =	vst.idx.add.f32.msk $0xffff, v45  }
0x781: {  	v4 =	vld.idx.msk [tilespmem:v5+s30+$0x0], $0xffff;
	_ =	sdelay $0x4  }
0x782: {  	v4 =	vadd.s32 $0xB, v4  }
0x783: {  	v6 =	vshrl.u32 v4, $0x3  }
0x784: {  	v6 =	vmul.u32 $0xC00, v6  }
0x785: {  	v4 =	vshll.u32 v4, $0x7  }
0x786: {  	v4 =	vand.u32 $0x380, v4;
	v6 =	vadd.s32 v0, v6  }
0x787: {  	v4 =	vor.u32 v4, v6  }
0x788: {  	v4 =	vor.u32 v63, v4;
	_ =	sdelay $0x4  }
0x789: {  	[tilespmem:v4+s3+$0x0] =	vst.idx.add.f32.msk $0xffff, v45  }
0x78a: {  	v4 =	vld.idx.msk [tilespmem:v5+s31+$0x0], $0xffff;
	_ =	sdelay $0x4  }
0x78b: {  	vm10 =	veq.s32 v4, $0x0  }
0x78c: {  	v4 =	vsel vm10, $0x0, v23  }
0x78d: {  	v4 =	vor.u32 v4, v63  }
0x78e: {  	v4 =	vor.u32 v1, v4;
	_ =	sdelay $0x4  }
0x78f: {  	[tilespmem:v4+s3+$0x0] =	vst.idx.add.f32.msk $0xffff, v45  }
0x790: {  	v4 =	vld.idx.msk [tilespmem:v5+s0+$0x0], $0xffff;
	_ =	sdelay $0x4  }
0x791: {  	v4 =	vmul.f32 v4, v45;
	_ =	sdelay $0x1  }
0x792: {  	[tilespmem:v2+s3+$0x0] =	vst.idx.add.f32.msk $0xffff, v4  }
0x793: {  	v4 =	vld.idx.msk [tilespmem:v5+s2+$0x0], $0xffff;
	_ =	sdelay $0x2  }
0x794: {  	v5 =	vadd.s32 s7, v26;
	_ =	sdelay $0x1  }
0x795: {  	v4 =	vmul.f32 v4, v45;
	_ =	sdelay $0x1  }
0x796: {  	[tilespmem:v3+s3+$0x0] =	vst.idx.add.f32.msk $0xffff, v4  }
0x797: {  	v4 =	vld.idx.msk [tilespmem:v5+s1+$0x0], $0xffff;
	_ =	sdelay $0x4  }
0x798: {  	v6 =	vshrl.u32 v4, $0x3  }
0x799: {  	v6 =	vmul.u32 $0xC00, v6  }
0x79a: {  	v4 =	vshll.u32 v4, $0x7  }
0x79b: {  	v4 =	vand.u32 $0x380, v4;
	v6 =	vadd.s32 v0, v6  }
0x79c: {  	v4 =	vor.u32 v4, v6  }
0x79d: {  	v4 =	vor.u32 v63, v4;
	_ =	sdelay $0x4  }
0x79e: {  	[tilespmem:v4+s3+$0x0] =	vst.idx.add.f32.msk $0xffff, v46  }
0x79f: {  	v4 =	vld.idx.msk [tilespmem:v5+s29+$0x0], $0xffff;
	_ =	sdelay $0x4  }
0x7a0: {  	v4 =	vadd.s32 $0x6, v4  }
0x7a1: {  	v6 =	vshrl.u32 v4, $0x3  }
0x7a2: {  	v6 =	vmul.u32 $0xC00, v6  }
0x7a3: {  	v4 =	vshll.u32 v4, $0x7  }
0x7a4: {  	v4 =	vand.u32 $0x380, v4;
	v6 =	vadd.s32 v0, v6  }
0x7a5: {  	v4 =	vor.u32 v4, v6  }
0x7a6: {  	v4 =	vor.u32 v63, v4;
	_ =	sdelay $0x4  }
0x7a7: {  	[tilespmem:v4+s3+$0x0] =	vst.idx.add.f32.msk $0xffff, v46  }
0x7a8: {  	v4 =	vld.idx.msk [tilespmem:v5+s30+$0x0], $0xffff;
	_ =	sdelay $0x4  }
0x7a9: {  	v4 =	vadd.s32 $0xB, v4  }
0x7aa: {  	v6 =	vshrl.u32 v4, $0x3  }
0x7ab: {  	v6 =	vmul.u32 $0xC00, v6  }
0x7ac: {  	v4 =	vshll.u32 v4, $0x7  }
0x7ad: {  	v4 =	vand.u32 $0x380, v4;
	v6 =	vadd.s32 v0, v6  }
0x7ae: {  	v4 =	vor.u32 v4, v6  }
0x7af: {  	v4 =	vor.u32 v63, v4;
	_ =	sdelay $0x4  }
0x7b0: {  	[tilespmem:v4+s3+$0x0] =	vst.idx.add.f32.msk $0xffff, v46  }
0x7b1: {  	v4 =	vld.idx.msk [tilespmem:v5+s31+$0x0], $0xffff;
	_ =	sdelay $0x4  }
0x7b2: {  	vm11 =	veq.s32 v4, $0x0  }
0x7b3: {  	v4 =	vsel vm11, $0x0, v23  }
0x7b4: {  	v4 =	vor.u32 v4, v63  }
0x7b5: {  	v4 =	vor.u32 v1, v4;
	_ =	sdelay $0x4  }
0x7b6: {  	[tilespmem:v4+s3+$0x0] =	vst.idx.add.f32.msk $0xffff, v46  }
0x7b7: {  	v4 =	vld.idx.msk [tilespmem:v5+s0+$0x0], $0xffff;
	_ =	sdelay $0x4  }
0x7b8: {  	v4 =	vmul.f32 v4, v46;
	_ =	sdelay $0x1  }
0x7b9: {  	[tilespmem:v2+s3+$0x0] =	vst.idx.add.f32.msk $0xffff, v4  }
0x7ba: {  	v4 =	vld.idx.msk [tilespmem:v5+s2+$0x0], $0xffff;
	_ =	sdelay $0x2  }
0x7bb: {  	v5 =	vadd.s32 s7, v27;
	_ =	sdelay $0x1  }
0x7bc: {  	v4 =	vmul.f32 v4, v46;
	_ =	sdelay $0x1  }
0x7bd: {  	[tilespmem:v3+s3+$0x0] =	vst.idx.add.f32.msk $0xffff, v4  }
0x7be: {  	v4 =	vld.idx.msk [tilespmem:v5+s1+$0x0], $0xffff;
	_ =	sdelay $0x4  }
0x7bf: {  	v6 =	vshrl.u32 v4, $0x3  }
0x7c0: {  	v6 =	vmul.u32 $0xC00, v6  }
0x7c1: {  	v4 =	vshll.u32 v4, $0x7  }
0x7c2: {  	v4 =	vand.u32 $0x380, v4;
	v6 =	vadd.s32 v0, v6  }
0x7c3: {  	v4 =	vor.u32 v4, v6  }
0x7c4: {  	v4 =	vor.u32 v63, v4;
	_ =	sdelay $0x4  }
0x7c5: {  	[tilespmem:v4+s3+$0x0] =	vst.idx.add.f32.msk $0xffff, v47  }
0x7c6: {  	v4 =	vld.idx.msk [tilespmem:v5+s29+$0x0], $0xffff;
	_ =	sdelay $0x4  }
0x7c7: {  	v4 =	vadd.s32 $0x6, v4  }
0x7c8: {  	v6 =	vshrl.u32 v4, $0x3  }
0x7c9: {  	v6 =	vmul.u32 $0xC00, v6  }
0x7ca: {  	v4 =	vshll.u32 v4, $0x7  }
0x7cb: {  	v4 =	vand.u32 $0x380, v4;
	v6 =	vadd.s32 v0, v6  }
0x7cc: {  	v4 =	vor.u32 v4, v6  }
0x7cd: {  	v4 =	vor.u32 v63, v4;
	_ =	sdelay $0x4  }
0x7ce: {  	[tilespmem:v4+s3+$0x0] =	vst.idx.add.f32.msk $0xffff, v47  }
0x7cf: {  	v4 =	vld.idx.msk [tilespmem:v5+s30+$0x0], $0xffff;
	_ =	sdelay $0x4  }
0x7d0: {  	v4 =	vadd.s32 $0xB, v4  }
0x7d1: {  	v6 =	vshrl.u32 v4, $0x3  }
0x7d2: {  	v6 =	vmul.u32 $0xC00, v6  }
0x7d3: {  	v4 =	vshll.u32 v4, $0x7  }
0x7d4: {  	v4 =	vand.u32 $0x380, v4;
	v6 =	vadd.s32 v0, v6  }
0x7d5: {  	v4 =	vor.u32 v4, v6  }
0x7d6: {  	v4 =	vor.u32 v63, v4;
	_ =	sdelay $0x4  }
0x7d7: {  	[tilespmem:v4+s3+$0x0] =	vst.idx.add.f32.msk $0xffff, v47  }
0x7d8: {  	v4 =	vld.idx.msk [tilespmem:v5+s31+$0x0], $0xffff;
	_ =	sdelay $0x4  }
0x7d9: {  	vm12 =	veq.s32 v4, $0x0  }
0x7da: {  	v4 =	vsel vm12, $0x0, v23  }
0x7db: {  	v4 =	vor.u32 v4, v63  }
0x7dc: {  	v4 =	vor.u32 v1, v4;
	_ =	sdelay $0x4  }
0x7dd: {  	[tilespmem:v4+s3+$0x0] =	vst.idx.add.f32.msk $0xffff, v47  }
0x7de: {  	v4 =	vld.idx.msk [tilespmem:v5+s0+$0x0], $0xffff;
	_ =	sdelay $0x4  }
0x7df: {  	v4 =	vmul.f32 v4, v47;
	_ =	sdelay $0x1  }
0x7e0: {  	[tilespmem:v2+s3+$0x0] =	vst.idx.add.f32.msk $0xffff, v4  }
0x7e1: {  	v4 =	vld.idx.msk [tilespmem:v5+s2+$0x0], $0xffff;
	_ =	sdelay $0x2  }
0x7e2: {  	v5 =	vadd.s32 s7, v28;
	_ =	sdelay $0x1  }
0x7e3: {  	v4 =	vmul.f32 v4, v47;
	_ =	sdelay $0x1  }
0x7e4: {  	[tilespmem:v3+s3+$0x0] =	vst.idx.add.f32.msk $0xffff, v4  }
0x7e5: {  	v4 =	vld.idx.msk [tilespmem:v5+s1+$0x0], $0xffff;
	_ =	sdelay $0x4  }
0x7e6: {  	v6 =	vshrl.u32 v4, $0x3  }
0x7e7: {  	v6 =	vmul.u32 $0xC00, v6  }
0x7e8: {  	v4 =	vshll.u32 v4, $0x7  }
0x7e9: {  	v4 =	vand.u32 $0x380, v4;
	v6 =	vadd.s32 v0, v6  }
0x7ea: {  	v4 =	vor.u32 v4, v6  }
0x7eb: {  	v4 =	vor.u32 v63, v4;
	_ =	sdelay $0x4  }
0x7ec: {  	[tilespmem:v4+s3+$0x0] =	vst.idx.add.f32.msk $0xffff, v48  }
0x7ed: {  	v4 =	vld.idx.msk [tilespmem:v5+s29+$0x0], $0xffff;
	_ =	sdelay $0x4  }
0x7ee: {  	v4 =	vadd.s32 $0x6, v4  }
0x7ef: {  	v6 =	vshrl.u32 v4, $0x3  }
0x7f0: {  	v6 =	vmul.u32 $0xC00, v6  }
0x7f1: {  	v4 =	vshll.u32 v4, $0x7  }
0x7f2: {  	v4 =	vand.u32 $0x380, v4;
	v6 =	vadd.s32 v0, v6  }
0x7f3: {  	v4 =	vor.u32 v4, v6  }
0x7f4: {  	v4 =	vor.u32 v63, v4;
	_ =	sdelay $0x4  }
0x7f5: {  	[tilespmem:v4+s3+$0x0] =	vst.idx.add.f32.msk $0xffff, v48  }
0x7f6: {  	v4 =	vld.idx.msk [tilespmem:v5+s30+$0x0], $0xffff;
	_ =	sdelay $0x4  }
0x7f7: {  	v4 =	vadd.s32 $0xB, v4  }
0x7f8: {  	v6 =	vshrl.u32 v4, $0x3  }
0x7f9: {  	v6 =	vmul.u32 $0xC00, v6  }
0x7fa: {  	v4 =	vshll.u32 v4, $0x7  }
0x7fb: {  	v4 =	vand.u32 $0x380, v4;
	v6 =	vadd.s32 v0, v6  }
0x7fc: {  	v4 =	vor.u32 v4, v6  }
0x7fd: {  	v4 =	vor.u32 v63, v4;
	_ =	sdelay $0x4  }
0x7fe: {  	[tilespmem:v4+s3+$0x0] =	vst.idx.add.f32.msk $0xffff, v48  }
0x7ff: {  	v4 =	vld.idx.msk [tilespmem:v5+s31+$0x0], $0xffff;
	_ =	sdelay $0x4  }
0x800: {  	vm13 =	veq.s32 v4, $0x0  }
0x801: {  	v4 =	vsel vm13, $0x0, v23  }
0x802: {  	v4 =	vor.u32 v4, v63  }
0x803: {  	v4 =	vor.u32 v1, v4;
	_ =	sdelay $0x4  }
0x804: {  	[tilespmem:v4+s3+$0x0] =	vst.idx.add.f32.msk $0xffff, v48  }
0x805: {  	v4 =	vld.idx.msk [tilespmem:v5+s0+$0x0], $0xffff;
	_ =	sdelay $0x4  }
0x806: {  	v4 =	vmul.f32 v4, v48;
	_ =	sdelay $0x1  }
0x807: {  	[tilespmem:v2+s3+$0x0] =	vst.idx.add.f32.msk $0xffff, v4  }
0x808: {  	v4 =	vld.idx.msk [tilespmem:v5+s2+$0x0], $0xffff;
	_ =	sdelay $0x2  }
0x809: {  	v5 =	vadd.s32 s7, v29;
	_ =	sdelay $0x1  }
0x80a: {  	v4 =	vmul.f32 v4, v48;
	_ =	sdelay $0x1  }
0x80b: {  	[tilespmem:v3+s3+$0x0] =	vst.idx.add.f32.msk $0xffff, v4  }
0x80c: {  	v4 =	vld.idx.msk [tilespmem:v5+s1+$0x0], $0xffff;
	_ =	sdelay $0x4  }
0x80d: {  	v6 =	vshrl.u32 v4, $0x3  }
0x80e: {  	v6 =	vmul.u32 $0xC00, v6  }
0x80f: {  	v4 =	vshll.u32 v4, $0x7  }
0x810: {  	v4 =	vand.u32 $0x380, v4;
	v6 =	vadd.s32 v0, v6  }
0x811: {  	v4 =	vor.u32 v4, v6  }
0x812: {  	v4 =	vor.u32 v63, v4;
	_ =	sdelay $0x4  }
0x813: {  	[tilespmem:v4+s3+$0x0] =	vst.idx.add.f32.msk $0xffff, v49  }
0x814: {  	v4 =	vld.idx.msk [tilespmem:v5+s29+$0x0], $0xffff;
	_ =	sdelay $0x4  }
0x815: {  	v4 =	vadd.s32 $0x6, v4  }
0x816: {  	v6 =	vshrl.u32 v4, $0x3  }
0x817: {  	v6 =	vmul.u32 $0xC00, v6  }
0x818: {  	v4 =	vshll.u32 v4, $0x7  }
0x819: {  	v4 =	vand.u32 $0x380, v4;
	v6 =	vadd.s32 v0, v6  }
0x81a: {  	v4 =	vor.u32 v4, v6  }
0x81b: {  	v4 =	vor.u32 v63, v4;
	_ =	sdelay $0x4  }
0x81c: {  	[tilespmem:v4+s3+$0x0] =	vst.idx.add.f32.msk $0xffff, v49  }
0x81d: {  	v4 =	vld.idx.msk [tilespmem:v5+s30+$0x0], $0xffff;
	_ =	sdelay $0x4  }
0x81e: {  	v4 =	vadd.s32 $0xB, v4  }
0x81f: {  	v6 =	vshrl.u32 v4, $0x3  }
0x820: {  	v6 =	vmul.u32 $0xC00, v6  }
0x821: {  	v4 =	vshll.u32 v4, $0x7  }
0x822: {  	v4 =	vand.u32 $0x380, v4;
	v6 =	vadd.s32 v0, v6  }
0x823: {  	v4 =	vor.u32 v4, v6  }
0x824: {  	v4 =	vor.u32 v63, v4;
	_ =	sdelay $0x4  }
0x825: {  	[tilespmem:v4+s3+$0x0] =	vst.idx.add.f32.msk $0xffff, v49  }
0x826: {  	v4 =	vld.idx.msk [tilespmem:v5+s31+$0x0], $0xffff;
	_ =	sdelay $0x4  }
0x827: {  	vm14 =	veq.s32 v4, $0x0  }
0x828: {  	v4 =	vsel vm14, $0x0, v23  }
0x829: {  	v4 =	vor.u32 v4, v63  }
0x82a: {  	v4 =	vor.u32 v1, v4;
	_ =	sdelay $0x4  }
0x82b: {  	[tilespmem:v4+s3+$0x0] =	vst.idx.add.f32.msk $0xffff, v49  }
0x82c: {  	v4 =	vld.idx.msk [tilespmem:v5+s0+$0x0], $0xffff;
	_ =	sdelay $0x4  }
0x82d: {  	v4 =	vmul.f32 v4, v49;
	_ =	sdelay $0x1  }
0x82e: {  	[tilespmem:v2+s3+$0x0] =	vst.idx.add.f32.msk $0xffff, v4  }
0x82f: {  	v4 =	vld.idx.msk [tilespmem:v5+s2+$0x0], $0xffff;
	_ =	sdelay $0x2  }
0x830: {  	v5 =	vadd.s32 s7, v30;
	_ =	sdelay $0x1  }
0x831: {  	v4 =	vmul.f32 v4, v49;
	_ =	sdelay $0x1  }
0x832: {  	[tilespmem:v3+s3+$0x0] =	vst.idx.add.f32.msk $0xffff, v4  }
0x833: {  	v4 =	vld.idx.msk [tilespmem:v5+s1+$0x0], $0xffff;
	_ =	sdelay $0x4  }
0x834: {  	v6 =	vshrl.u32 v4, $0x3  }
0x835: {  	v6 =	vmul.u32 $0xC00, v6  }
0x836: {  	v4 =	vshll.u32 v4, $0x7  }
0x837: {  	v4 =	vand.u32 $0x380, v4;
	v6 =	vadd.s32 v0, v6  }
0x838: {  	v4 =	vor.u32 v4, v6  }
0x839: {  	v4 =	vor.u32 v63, v4;
	_ =	sdelay $0x4  }
0x83a: {  	[tilespmem:v4+s3+$0x0] =	vst.idx.add.f32.msk $0xffff, v50  }
0x83b: {  	v4 =	vld.idx.msk [tilespmem:v5+s29+$0x0], $0xffff;
	_ =	sdelay $0x4  }
0x83c: {  	v4 =	vadd.s32 $0x6, v4  }
0x83d: {  	v6 =	vshrl.u32 v4, $0x3  }
0x83e: {  	v6 =	vmul.u32 $0xC00, v6  }
0x83f: {  	v4 =	vshll.u32 v4, $0x7  }
0x840: {  	v4 =	vand.u32 $0x380, v4;
	v6 =	vadd.s32 v0, v6  }
0x841: {  	v4 =	vor.u32 v4, v6  }
0x842: {  	v4 =	vor.u32 v63, v4;
	_ =	sdelay $0x4  }
0x843: {  	[tilespmem:v4+s3+$0x0] =	vst.idx.add.f32.msk $0xffff, v50  }
0x844: {  	v4 =	vld.idx.msk [tilespmem:v5+s30+$0x0], $0xffff;
	_ =	sdelay $0x4  }
0x845: {  	v4 =	vadd.s32 $0xB, v4  }
0x846: {  	v6 =	vshrl.u32 v4, $0x3  }
0x847: {  	v6 =	vmul.u32 $0xC00, v6  }
0x848: {  	v4 =	vshll.u32 v4, $0x7  }
0x849: {  	v4 =	vand.u32 $0x380, v4;
	v6 =	vadd.s32 v0, v6  }
0x84a: {  	v4 =	vor.u32 v4, v6  }
0x84b: {  	v4 =	vor.u32 v63, v4;
	_ =	sdelay $0x4  }
0x84c: {  	[tilespmem:v4+s3+$0x0] =	vst.idx.add.f32.msk $0xffff, v50  }
0x84d: {  	v4 =	vld.idx.msk [tilespmem:v5+s31+$0x0], $0xffff;
	_ =	sdelay $0x4  }
0x84e: {  	vm15 =	veq.s32 v4, $0x0  }
0x84f: {  	v4 =	vsel vm15, $0x0, v23  }
0x850: {  	v4 =	vor.u32 v4, v63  }
0x851: {  	v4 =	vor.u32 v1, v4;
	_ =	sdelay $0x4  }
0x852: {  	[tilespmem:v4+s3+$0x0] =	vst.idx.add.f32.msk $0xffff, v50  }
0x853: {  	v4 =	vld.idx.msk [tilespmem:v5+s0+$0x0], $0xffff;
	_ =	sdelay $0x4  }
0x854: {  	v4 =	vmul.f32 v4, v50;
	_ =	sdelay $0x1  }
0x855: {  	[tilespmem:v2+s3+$0x0] =	vst.idx.add.f32.msk $0xffff, v4  }
0x856: {  	v4 =	vld.idx.msk [tilespmem:v5+s2+$0x0], $0xffff;
	_ =	sdelay $0x2  }
0x857: {  	v5 =	vadd.s32 s7, v31;
	_ =	sdelay $0x1  }
0x858: {  	v4 =	vmul.f32 v4, v50;
	_ =	sdelay $0x1  }
0x859: {  	[tilespmem:v3+s3+$0x0] =	vst.idx.add.f32.msk $0xffff, v4  }
0x85a: {  	v4 =	vld.idx.msk [tilespmem:v5+s1+$0x0], $0xffff;
	_ =	sdelay $0x4  }
0x85b: {  	v6 =	vshrl.u32 v4, $0x3  }
0x85c: {  	v6 =	vmul.u32 $0xC00, v6  }
0x85d: {  	v4 =	vshll.u32 v4, $0x7  }
0x85e: {  	v4 =	vand.u32 $0x380, v4;
	v6 =	vadd.s32 v0, v6  }
0x85f: {  	v4 =	vor.u32 v4, v6  }
0x860: {  	v4 =	vor.u32 v63, v4;
	_ =	sdelay $0x4  }
0x861: {  	[tilespmem:v4+s3+$0x0] =	vst.idx.add.f32.msk $0xffff, v51  }
0x862: {  	v4 =	vld.idx.msk [tilespmem:v5+s29+$0x0], $0xffff;
	_ =	sdelay $0x4  }
0x863: {  	v4 =	vadd.s32 $0x6, v4  }
0x864: {  	v6 =	vshrl.u32 v4, $0x3  }
0x865: {  	v6 =	vmul.u32 $0xC00, v6  }
0x866: {  	v4 =	vshll.u32 v4, $0x7  }
0x867: {  	v4 =	vand.u32 $0x380, v4;
	v6 =	vadd.s32 v0, v6  }
0x868: {  	v4 =	vor.u32 v4, v6  }
0x869: {  	v4 =	vor.u32 v63, v4;
	_ =	sdelay $0x4  }
0x86a: {  	[tilespmem:v4+s3+$0x0] =	vst.idx.add.f32.msk $0xffff, v51  }
0x86b: {  	v4 =	vld.idx.msk [tilespmem:v5+s30+$0x0], $0xffff;
	_ =	sdelay $0x4  }
0x86c: {  	v4 =	vadd.s32 $0xB, v4  }
0x86d: {  	v6 =	vshrl.u32 v4, $0x3  }
0x86e: {  	v6 =	vmul.u32 $0xC00, v6  }
0x86f: {  	v4 =	vshll.u32 v4, $0x7  }
0x870: {  	v4 =	vand.u32 $0x380, v4;
	v6 =	vadd.s32 v0, v6  }
0x871: {  	v4 =	vor.u32 v4, v6  }
0x872: {  	v4 =	vor.u32 v63, v4;
	_ =	sdelay $0x4  }
0x873: {  	[tilespmem:v4+s3+$0x0] =	vst.idx.add.f32.msk $0xffff, v51  }
0x874: {  	v4 =	vld.idx.msk [tilespmem:v5+s31+$0x0], $0xffff;
	_ =	sdelay $0x4  }
0x875: {  	vm4 =	veq.s32 v4, $0x0  }
0x876: {  	v4 =	vsel vm4, $0x0, v23  }
0x877: {  	v4 =	vor.u32 v4, v63  }
0x878: {  	v4 =	vor.u32 v1, v4;
	_ =	sdelay $0x4  }
0x879: {  	[tilespmem:v4+s3+$0x0] =	vst.idx.add.f32.msk $0xffff, v51  }
0x87a: {  	v4 =	vld.idx.msk [tilespmem:v5+s0+$0x0], $0xffff;
	_ =	sdelay $0x4  }
0x87b: {  	v4 =	vmul.f32 v4, v51;
	_ =	sdelay $0x1  }
0x87c: {  	[tilespmem:v2+s3+$0x0] =	vst.idx.add.f32.msk $0xffff, v4  }
0x87d: {  	v4 =	vld.idx.msk [tilespmem:v5+s2+$0x0], $0xffff;
	_ =	sdelay $0x2  }
0x87e: {  	v5 =	vadd.s32 s7, v32;
	_ =	sdelay $0x1  }
0x87f: {  	v4 =	vmul.f32 v4, v51;
	_ =	sdelay $0x1  }
0x880: {  	[tilespmem:v3+s3+$0x0] =	vst.idx.add.f32.msk $0xffff, v4  }
0x881: {  	v4 =	vld.idx.msk [tilespmem:v5+s1+$0x0], $0xffff;
	_ =	sdelay $0x4  }
0x882: {  	v6 =	vshrl.u32 v4, $0x3  }
0x883: {  	v6 =	vmul.u32 $0xC00, v6  }
0x884: {  	v4 =	vshll.u32 v4, $0x7  }
0x885: {  	v4 =	vand.u32 $0x380, v4;
	v6 =	vadd.s32 v0, v6  }
0x886: {  	v4 =	vor.u32 v4, v6  }
0x887: {  	v4 =	vor.u32 v63, v4;
	_ =	sdelay $0x4  }
0x888: {  	[tilespmem:v4+s3+$0x0] =	vst.idx.add.f32.msk $0xffff, v52  }
0x889: {  	v4 =	vld.idx.msk [tilespmem:v5+s29+$0x0], $0xffff;
	_ =	sdelay $0x4  }
0x88a: {  	v4 =	vadd.s32 $0x6, v4  }
0x88b: {  	v6 =	vshrl.u32 v4, $0x3  }
0x88c: {  	v6 =	vmul.u32 $0xC00, v6  }
0x88d: {  	v4 =	vshll.u32 v4, $0x7  }
0x88e: {  	v4 =	vand.u32 $0x380, v4;
	v6 =	vadd.s32 v0, v6  }
0x88f: {  	v4 =	vor.u32 v4, v6  }
0x890: {  	v4 =	vor.u32 v63, v4;
	_ =	sdelay $0x4  }
0x891: {  	[tilespmem:v4+s3+$0x0] =	vst.idx.add.f32.msk $0xffff, v52  }
0x892: {  	v4 =	vld.idx.msk [tilespmem:v5+s30+$0x0], $0xffff;
	_ =	sdelay $0x4  }
0x893: {  	v4 =	vadd.s32 $0xB, v4  }
0x894: {  	v6 =	vshrl.u32 v4, $0x3  }
0x895: {  	v6 =	vmul.u32 $0xC00, v6  }
0x896: {  	v4 =	vshll.u32 v4, $0x7  }
0x897: {  	v4 =	vand.u32 $0x380, v4;
	v6 =	vadd.s32 v0, v6  }
0x898: {  	v4 =	vor.u32 v4, v6  }
0x899: {  	v4 =	vor.u32 v63, v4;
	_ =	sdelay $0x4  }
0x89a: {  	[tilespmem:v4+s3+$0x0] =	vst.idx.add.f32.msk $0xffff, v52  }
0x89b: {  	v4 =	vld.idx.msk [tilespmem:v5+s31+$0x0], $0xffff;
	_ =	sdelay $0x4  }
0x89c: {  	vm5 =	veq.s32 v4, $0x0  }
0x89d: {  	v4 =	vsel vm5, $0x0, v23  }
0x89e: {  	v4 =	vor.u32 v4, v63  }
0x89f: {  	v4 =	vor.u32 v1, v4;
	_ =	sdelay $0x4  }
0x8a0: {  	[tilespmem:v4+s3+$0x0] =	vst.idx.add.f32.msk $0xffff, v52  }
0x8a1: {  	v4 =	vld.idx.msk [tilespmem:v5+s0+$0x0], $0xffff;
	_ =	sdelay $0x4  }
0x8a2: {  	v4 =	vmul.f32 v4, v52;
	_ =	sdelay $0x1  }
0x8a3: {  	[tilespmem:v2+s3+$0x0] =	vst.idx.add.f32.msk $0xffff, v4  }
0x8a4: {  	v4 =	vld.idx.msk [tilespmem:v5+s2+$0x0], $0xffff;
	_ =	sdelay $0x2  }
0x8a5: {  	v5 =	vadd.s32 s7, v33;
	_ =	sdelay $0x1  }
0x8a6: {  	v4 =	vmul.f32 v4, v52;
	_ =	sdelay $0x1  }
0x8a7: {  	[tilespmem:v3+s3+$0x0] =	vst.idx.add.f32.msk $0xffff, v4  }
0x8a8: {  	v4 =	vld.idx.msk [tilespmem:v5+s1+$0x0], $0xffff;
	_ =	sdelay $0x4  }
0x8a9: {  	v6 =	vshrl.u32 v4, $0x3  }
0x8aa: {  	v6 =	vmul.u32 $0xC00, v6  }
0x8ab: {  	v4 =	vshll.u32 v4, $0x7  }
0x8ac: {  	v4 =	vand.u32 $0x380, v4;
	v6 =	vadd.s32 v0, v6  }
0x8ad: {  	v4 =	vor.u32 v4, v6  }
0x8ae: {  	v4 =	vor.u32 v63, v4;
	_ =	sdelay $0x4  }
0x8af: {  	[tilespmem:v4+s3+$0x0] =	vst.idx.add.f32.msk $0xffff, v53  }
0x8b0: {  	v4 =	vld.idx.msk [tilespmem:v5+s29+$0x0], $0xffff;
	_ =	sdelay $0x4  }
0x8b1: {  	v4 =	vadd.s32 $0x6, v4  }
0x8b2: {  	v6 =	vshrl.u32 v4, $0x3  }
0x8b3: {  	v6 =	vmul.u32 $0xC00, v6  }
0x8b4: {  	v4 =	vshll.u32 v4, $0x7  }
0x8b5: {  	v4 =	vand.u32 $0x380, v4;
	v6 =	vadd.s32 v0, v6  }
0x8b6: {  	v4 =	vor.u32 v4, v6  }
0x8b7: {  	v4 =	vor.u32 v63, v4;
	_ =	sdelay $0x4  }
0x8b8: {  	[tilespmem:v4+s3+$0x0] =	vst.idx.add.f32.msk $0xffff, v53  }
0x8b9: {  	v4 =	vld.idx.msk [tilespmem:v5+s30+$0x0], $0xffff;
	_ =	sdelay $0x4  }
0x8ba: {  	v4 =	vadd.s32 $0xB, v4  }
0x8bb: {  	v6 =	vshrl.u32 v4, $0x3  }
0x8bc: {  	v6 =	vmul.u32 $0xC00, v6  }
0x8bd: {  	v4 =	vshll.u32 v4, $0x7  }
0x8be: {  	v4 =	vand.u32 $0x380, v4;
	v6 =	vadd.s32 v0, v6  }
0x8bf: {  	v4 =	vor.u32 v4, v6  }
0x8c0: {  	v4 =	vor.u32 v63, v4;
	_ =	sdelay $0x4  }
0x8c1: {  	[tilespmem:v4+s3+$0x0] =	vst.idx.add.f32.msk $0xffff, v53  }
0x8c2: {  	v4 =	vld.idx.msk [tilespmem:v5+s31+$0x0], $0xffff;
	_ =	sdelay $0x4  }
0x8c3: {  	vm6 =	veq.s32 v4, $0x0  }
0x8c4: {  	v4 =	vsel vm6, $0x0, v23  }
0x8c5: {  	v4 =	vor.u32 v4, v63  }
0x8c6: {  	v4 =	vor.u32 v1, v4;
	_ =	sdelay $0x4  }
0x8c7: {  	[tilespmem:v4+s3+$0x0] =	vst.idx.add.f32.msk $0xffff, v53  }
0x8c8: {  	v4 =	vld.idx.msk [tilespmem:v5+s0+$0x0], $0xffff;
	_ =	sdelay $0x4  }
0x8c9: {  	v4 =	vmul.f32 v4, v53;
	_ =	sdelay $0x1  }
0x8ca: {  	[tilespmem:v2+s3+$0x0] =	vst.idx.add.f32.msk $0xffff, v4  }
0x8cb: {  	v4 =	vld.idx.msk [tilespmem:v5+s2+$0x0], $0xffff;
	_ =	sdelay $0x2  }
0x8cc: {  	v5 =	vadd.s32 s7, v34;
	_ =	sdelay $0x1  }
0x8cd: {  	v4 =	vmul.f32 v4, v53;
	_ =	sdelay $0x1  }
0x8ce: {  	[tilespmem:v3+s3+$0x0] =	vst.idx.add.f32.msk $0xffff, v4  }
0x8cf: {  	v4 =	vld.idx.msk [tilespmem:v5+s1+$0x0], $0xffff;
	_ =	sdelay $0x4  }
0x8d0: {  	v6 =	vshrl.u32 v4, $0x3  }
0x8d1: {  	v6 =	vmul.u32 $0xC00, v6  }
0x8d2: {  	v4 =	vshll.u32 v4, $0x7  }
0x8d3: {  	v4 =	vand.u32 $0x380, v4;
	v6 =	vadd.s32 v0, v6  }
0x8d4: {  	v4 =	vor.u32 v4, v6  }
0x8d5: {  	v4 =	vor.u32 v63, v4;
	_ =	sdelay $0x4  }
0x8d6: {  	[tilespmem:v4+s3+$0x0] =	vst.idx.add.f32.msk $0xffff, v54  }
0x8d7: {  	v4 =	vld.idx.msk [tilespmem:v5+s29+$0x0], $0xffff;
	_ =	sdelay $0x4  }
0x8d8: {  	v4 =	vadd.s32 $0x6, v4  }
0x8d9: {  	v6 =	vshrl.u32 v4, $0x3  }
0x8da: {  	v6 =	vmul.u32 $0xC00, v6  }
0x8db: {  	v4 =	vshll.u32 v4, $0x7  }
0x8dc: {  	v4 =	vand.u32 $0x380, v4;
	v6 =	vadd.s32 v0, v6  }
0x8dd: {  	v4 =	vor.u32 v4, v6  }
0x8de: {  	v4 =	vor.u32 v63, v4;
	_ =	sdelay $0x4  }
0x8df: {  	[tilespmem:v4+s3+$0x0] =	vst.idx.add.f32.msk $0xffff, v54  }
0x8e0: {  	v4 =	vld.idx.msk [tilespmem:v5+s30+$0x0], $0xffff;
	_ =	sdelay $0x4  }
0x8e1: {  	v4 =	vadd.s32 $0xB, v4  }
0x8e2: {  	v6 =	vshrl.u32 v4, $0x3  }
0x8e3: {  	v6 =	vmul.u32 $0xC00, v6  }
0x8e4: {  	v4 =	vshll.u32 v4, $0x7  }
0x8e5: {  	v4 =	vand.u32 $0x380, v4;
	v6 =	vadd.s32 v0, v6  }
0x8e6: {  	v4 =	vor.u32 v4, v6  }
0x8e7: {  	v4 =	vor.u32 v63, v4;
	_ =	sdelay $0x4  }
0x8e8: {  	[tilespmem:v4+s3+$0x0] =	vst.idx.add.f32.msk $0xffff, v54  }
0x8e9: {  	v4 =	vld.idx.msk [tilespmem:v5+s31+$0x0], $0xffff;
	_ =	sdelay $0x4  }
0x8ea: {  	vm7 =	veq.s32 v4, $0x0  }
0x8eb: {  	v4 =	vsel vm7, $0x0, v23  }
0x8ec: {  	v4 =	vor.u32 v4, v63  }
0x8ed: {  	v4 =	vor.u32 v1, v4;
	_ =	sdelay $0x4  }
0x8ee: {  	[tilespmem:v4+s3+$0x0] =	vst.idx.add.f32.msk $0xffff, v54  }
0x8ef: {  	v4 =	vld.idx.msk [tilespmem:v5+s0+$0x0], $0xffff;
	_ =	sdelay $0x4  }
0x8f0: {  	v4 =	vmul.f32 v4, v54;
	_ =	sdelay $0x1  }
0x8f1: {  	[tilespmem:v2+s3+$0x0] =	vst.idx.add.f32.msk $0xffff, v4  }
0x8f2: {  	v4 =	vld.idx.msk [tilespmem:v5+s2+$0x0], $0xffff;
	_ =	sdelay $0x2  }
0x8f3: {  	v5 =	vadd.s32 s7, v35;
	_ =	sdelay $0x1  }
0x8f4: {  	v4 =	vmul.f32 v4, v54;
	_ =	sdelay $0x1  }
0x8f5: {  	[tilespmem:v3+s3+$0x0] =	vst.idx.add.f32.msk $0xffff, v4  }
0x8f6: {  	v4 =	vld.idx.msk [tilespmem:v5+s1+$0x0], $0xffff;
	_ =	sdelay $0x4  }
0x8f7: {  	v6 =	vshrl.u32 v4, $0x3  }
0x8f8: {  	v6 =	vmul.u32 $0xC00, v6  }
0x8f9: {  	v4 =	vshll.u32 v4, $0x7  }
0x8fa: {  	v4 =	vand.u32 $0x380, v4;
	v6 =	vadd.s32 v0, v6  }
0x8fb: {  	v4 =	vor.u32 v4, v6  }
0x8fc: {  	v4 =	vor.u32 v63, v4;
	_ =	sdelay $0x4  }
0x8fd: {  	[tilespmem:v4+s3+$0x0] =	vst.idx.add.f32.msk $0xffff, v55  }
0x8fe: {  	v4 =	vld.idx.msk [tilespmem:v5+s29+$0x0], $0xffff;
	_ =	sdelay $0x4  }
0x8ff: {  	v4 =	vadd.s32 $0x6, v4  }
0x900: {  	v6 =	vshrl.u32 v4, $0x3  }
0x901: {  	v6 =	vmul.u32 $0xC00, v6  }
0x902: {  	v4 =	vshll.u32 v4, $0x7  }
0x903: {  	v4 =	vand.u32 $0x380, v4;
	v6 =	vadd.s32 v0, v6  }
0x904: {  	v4 =	vor.u32 v4, v6  }
0x905: {  	v4 =	vor.u32 v63, v4;
	_ =	sdelay $0x4  }
0x906: {  	[tilespmem:v4+s3+$0x0] =	vst.idx.add.f32.msk $0xffff, v55  }
0x907: {  	v4 =	vld.idx.msk [tilespmem:v5+s30+$0x0], $0xffff;
	_ =	sdelay $0x4  }
0x908: {  	v4 =	vadd.s32 $0xB, v4  }
0x909: {  	v6 =	vshrl.u32 v4, $0x3  }
0x90a: {  	v6 =	vmul.u32 $0xC00, v6  }
0x90b: {  	v4 =	vshll.u32 v4, $0x7  }
0x90c: {  	v4 =	vand.u32 $0x380, v4;
	v6 =	vadd.s32 v0, v6  }
0x90d: {  	v4 =	vor.u32 v4, v6  }
0x90e: {  	v4 =	vor.u32 v63, v4;
	_ =	sdelay $0x4  }
0x90f: {  	[tilespmem:v4+s3+$0x0] =	vst.idx.add.f32.msk $0xffff, v55  }
0x910: {  	v4 =	vld.idx.msk [tilespmem:v5+s31+$0x0], $0xffff;
	_ =	sdelay $0x4  }
0x911: {  	vm8 =	veq.s32 v4, $0x0  }
0x912: {  	v4 =	vsel vm8, $0x0, v23  }
0x913: {  	v4 =	vor.u32 v4, v63  }
0x914: {  	v4 =	vor.u32 v1, v4;
	_ =	sdelay $0x4  }
0x915: {  	[tilespmem:v4+s3+$0x0] =	vst.idx.add.f32.msk $0xffff, v55  }
0x916: {  	v4 =	vld.idx.msk [tilespmem:v5+s0+$0x0], $0xffff;
	_ =	sdelay $0x4  }
0x917: {  	v4 =	vmul.f32 v4, v55;
	_ =	sdelay $0x1  }
0x918: {  	[tilespmem:v2+s3+$0x0] =	vst.idx.add.f32.msk $0xffff, v4  }
0x919: {  	v4 =	vld.idx.msk [tilespmem:v5+s2+$0x0], $0xffff;
	_ =	sdelay $0x2  }
0x91a: {  	v5 =	vadd.s32 s7, v36;
	_ =	sdelay $0x1  }
0x91b: {  	v4 =	vmul.f32 v4, v55;
	_ =	sdelay $0x1  }
0x91c: {  	[tilespmem:v3+s3+$0x0] =	vst.idx.add.f32.msk $0xffff, v4  }
0x91d: {  	v4 =	vld.idx.msk [tilespmem:v5+s1+$0x0], $0xffff;
	_ =	sdelay $0x4  }
0x91e: {  	v6 =	vshrl.u32 v4, $0x3  }
0x91f: {  	v6 =	vmul.u32 $0xC00, v6  }
0x920: {  	v4 =	vshll.u32 v4, $0x7  }
0x921: {  	v4 =	vand.u32 $0x380, v4;
	v6 =	vadd.s32 v0, v6  }
0x922: {  	v4 =	vor.u32 v4, v6  }
0x923: {  	v4 =	vor.u32 v63, v4;
	_ =	sdelay $0x4  }
0x924: {  	[tilespmem:v4+s3+$0x0] =	vst.idx.add.f32.msk $0xffff, v56  }
0x925: {  	v4 =	vld.idx.msk [tilespmem:v5+s29+$0x0], $0xffff;
	_ =	sdelay $0x4  }
0x926: {  	v4 =	vadd.s32 $0x6, v4  }
0x927: {  	v6 =	vshrl.u32 v4, $0x3  }
0x928: {  	v6 =	vmul.u32 $0xC00, v6  }
0x929: {  	v4 =	vshll.u32 v4, $0x7  }
0x92a: {  	v4 =	vand.u32 $0x380, v4;
	v6 =	vadd.s32 v0, v6  }
0x92b: {  	v4 =	vor.u32 v4, v6  }
0x92c: {  	v4 =	vor.u32 v63, v4;
	_ =	sdelay $0x4  }
0x92d: {  	[tilespmem:v4+s3+$0x0] =	vst.idx.add.f32.msk $0xffff, v56  }
0x92e: {  	v4 =	vld.idx.msk [tilespmem:v5+s30+$0x0], $0xffff;
	_ =	sdelay $0x4  }
0x92f: {  	v4 =	vadd.s32 $0xB, v4  }
0x930: {  	v6 =	vshrl.u32 v4, $0x3  }
0x931: {  	v6 =	vmul.u32 $0xC00, v6  }
0x932: {  	v4 =	vshll.u32 v4, $0x7  }
0x933: {  	v4 =	vand.u32 $0x380, v4;
	v6 =	vadd.s32 v0, v6  }
0x934: {  	v4 =	vor.u32 v4, v6  }
0x935: {  	v4 =	vor.u32 v63, v4;
	_ =	sdelay $0x4  }
0x936: {  	[tilespmem:v4+s3+$0x0] =	vst.idx.add.f32.msk $0xffff, v56  }
0x937: {  	v4 =	vld.idx.msk [tilespmem:v5+s31+$0x0], $0xffff;
	_ =	sdelay $0x4  }
0x938: {  	vm9 =	veq.s32 v4, $0x0  }
0x939: {  	v4 =	vsel vm9, $0x0, v23  }
0x93a: {  	v4 =	vor.u32 v4, v63  }
0x93b: {  	v4 =	vor.u32 v1, v4;
	_ =	sdelay $0x4  }
0x93c: {  	[tilespmem:v4+s3+$0x0] =	vst.idx.add.f32.msk $0xffff, v56  }
0x93d: {  	v4 =	vld.idx.msk [tilespmem:v5+s0+$0x0], $0xffff;
	_ =	sdelay $0x4  }
0x93e: {  	v4 =	vmul.f32 v4, v56;
	_ =	sdelay $0x1  }
0x93f: {  	[tilespmem:v2+s3+$0x0] =	vst.idx.add.f32.msk $0xffff, v4  }
0x940: {  	v4 =	vld.idx.msk [tilespmem:v5+s2+$0x0], $0xffff;
	_ =	sdelay $0x2  }
0x941: {  	v5 =	vadd.s32 s7, v37;
	_ =	sdelay $0x1  }
0x942: {  	v4 =	vmul.f32 v4, v56;
	_ =	sdelay $0x1  }
0x943: {  	[tilespmem:v3+s3+$0x0] =	vst.idx.add.f32.msk $0xffff, v4  }
0x944: {  	v4 =	vld.idx.msk [tilespmem:v5+s1+$0x0], $0xffff;
	_ =	sdelay $0x4  }
0x945: {  	v6 =	vshrl.u32 v4, $0x3  }
0x946: {  	v6 =	vmul.u32 $0xC00, v6  }
0x947: {  	v4 =	vshll.u32 v4, $0x7  }
0x948: {  	v4 =	vand.u32 $0x380, v4;
	v6 =	vadd.s32 v0, v6  }
0x949: {  	v4 =	vor.u32 v4, v6  }
0x94a: {  	v4 =	vor.u32 v63, v4;
	_ =	sdelay $0x4  }
0x94b: {  	[tilespmem:v4+s3+$0x0] =	vst.idx.add.f32.msk $0xffff, v57  }
0x94c: {  	v4 =	vld.idx.msk [tilespmem:v5+s29+$0x0], $0xffff;
	_ =	sdelay $0x4  }
0x94d: {  	v4 =	vadd.s32 $0x6, v4  }
0x94e: {  	v6 =	vshrl.u32 v4, $0x3  }
0x94f: {  	v6 =	vmul.u32 $0xC00, v6  }
0x950: {  	v4 =	vshll.u32 v4, $0x7  }
0x951: {  	v4 =	vand.u32 $0x380, v4;
	v6 =	vadd.s32 v0, v6  }
0x952: {  	v4 =	vor.u32 v4, v6  }
0x953: {  	v4 =	vor.u32 v63, v4;
	_ =	sdelay $0x4  }
0x954: {  	[tilespmem:v4+s3+$0x0] =	vst.idx.add.f32.msk $0xffff, v57  }
0x955: {  	v4 =	vld.idx.msk [tilespmem:v5+s30+$0x0], $0xffff;
	_ =	sdelay $0x4  }
0x956: {  	v4 =	vadd.s32 $0xB, v4  }
0x957: {  	v6 =	vshrl.u32 v4, $0x3  }
0x958: {  	v6 =	vmul.u32 $0xC00, v6  }
0x959: {  	v4 =	vshll.u32 v4, $0x7  }
0x95a: {  	v4 =	vand.u32 $0x380, v4;
	v6 =	vadd.s32 v0, v6  }
0x95b: {  	v4 =	vor.u32 v4, v6  }
0x95c: {  	v4 =	vor.u32 v63, v4;
	_ =	sdelay $0x4  }
0x95d: {  	[tilespmem:v4+s3+$0x0] =	vst.idx.add.f32.msk $0xffff, v57  }
0x95e: {  	v4 =	vld.idx.msk [tilespmem:v5+s31+$0x0], $0xffff;
	_ =	sdelay $0x4  }
0x95f: {  	vm10 =	veq.s32 v4, $0x0  }
0x960: {  	v4 =	vsel vm10, $0x0, v23  }
0x961: {  	v4 =	vor.u32 v4, v63  }
0x962: {  	v4 =	vor.u32 v1, v4;
	_ =	sdelay $0x4  }
0x963: {  	[tilespmem:v4+s3+$0x0] =	vst.idx.add.f32.msk $0xffff, v57  }
0x964: {  	v4 =	vld.idx.msk [tilespmem:v5+s0+$0x0], $0xffff;
	_ =	sdelay $0x4  }
0x965: {  	v4 =	vmul.f32 v4, v57;
	_ =	sdelay $0x1  }
0x966: {  	[tilespmem:v2+s3+$0x0] =	vst.idx.add.f32.msk $0xffff, v4  }
0x967: {  	v4 =	vld.idx.msk [tilespmem:v5+s2+$0x0], $0xffff;
	_ =	sdelay $0x2  }
0x968: {  	v5 =	vadd.s32 s7, v38;
	_ =	sdelay $0x1  }
0x969: {  	v4 =	vmul.f32 v4, v57;
	_ =	sdelay $0x1  }
0x96a: {  	[tilespmem:v3+s3+$0x0] =	vst.idx.add.f32.msk $0xffff, v4  }
0x96b: {  	v4 =	vld.idx.msk [tilespmem:v5+s1+$0x0], $0xffff;
	_ =	sdelay $0x4  }
0x96c: {  	v6 =	vshrl.u32 v4, $0x3  }
0x96d: {  	v6 =	vmul.u32 $0xC00, v6  }
0x96e: {  	v4 =	vshll.u32 v4, $0x7  }
0x96f: {  	v4 =	vand.u32 $0x380, v4;
	v6 =	vadd.s32 v0, v6  }
0x970: {  	v4 =	vor.u32 v4, v6  }
0x971: {  	v4 =	vor.u32 v63, v4;
	_ =	sdelay $0x4  }
0x972: {  	[tilespmem:v4+s3+$0x0] =	vst.idx.add.f32.msk $0xffff, v58  }
0x973: {  	v4 =	vld.idx.msk [tilespmem:v5+s29+$0x0], $0xffff;
	_ =	sdelay $0x4  }
0x974: {  	v4 =	vadd.s32 $0x6, v4  }
0x975: {  	v6 =	vshrl.u32 v4, $0x3  }
0x976: {  	v6 =	vmul.u32 $0xC00, v6  }
0x977: {  	v4 =	vshll.u32 v4, $0x7  }
0x978: {  	v4 =	vand.u32 $0x380, v4;
	v6 =	vadd.s32 v0, v6  }
0x979: {  	v4 =	vor.u32 v4, v6  }
0x97a: {  	v4 =	vor.u32 v63, v4;
	_ =	sdelay $0x4  }
0x97b: {  	[tilespmem:v4+s3+$0x0] =	vst.idx.add.f32.msk $0xffff, v58  }
0x97c: {  	v4 =	vld.idx.msk [tilespmem:v5+s30+$0x0], $0xffff;
	_ =	sdelay $0x4  }
0x97d: {  	v4 =	vadd.s32 $0xB, v4  }
0x97e: {  	v6 =	vshrl.u32 v4, $0x3  }
0x97f: {  	v6 =	vmul.u32 $0xC00, v6  }
0x980: {  	v4 =	vshll.u32 v4, $0x7  }
0x981: {  	v4 =	vand.u32 $0x380, v4;
	v6 =	vadd.s32 v0, v6  }
0x982: {  	v4 =	vor.u32 v4, v6  }
0x983: {  	v4 =	vor.u32 v63, v4;
	_ =	sdelay $0x4  }
0x984: {  	[tilespmem:v4+s3+$0x0] =	vst.idx.add.f32.msk $0xffff, v58  }
0x985: {  	v4 =	vld.idx.msk [tilespmem:v5+s31+$0x0], $0xffff;
	_ =	sdelay $0x4  }
0x986: {  	vm11 =	veq.s32 v4, $0x0  }
0x987: {  	v4 =	vsel vm11, $0x0, v23  }
0x988: {  	v4 =	vor.u32 v4, v63  }
0x989: {  	v4 =	vor.u32 v1, v4;
	_ =	sdelay $0x4  }
0x98a: {  	[tilespmem:v4+s3+$0x0] =	vst.idx.add.f32.msk $0xffff, v58  }
0x98b: {  	v4 =	vld.idx.msk [tilespmem:v5+s0+$0x0], $0xffff;
	_ =	sdelay $0x4  }
0x98c: {  	v4 =	vmul.f32 v4, v58;
	_ =	sdelay $0x1  }
0x98d: {  	[tilespmem:v2+s3+$0x0] =	vst.idx.add.f32.msk $0xffff, v4  }
0x98e: {  	v4 =	vld.idx.msk [tilespmem:v5+s2+$0x0], $0xffff;
	_ =	sdelay $0x2  }
0x98f: {  	v5 =	vadd.s32 s7, v39;
	_ =	sdelay $0x1  }
0x990: {  	v4 =	vmul.f32 v4, v58;
	_ =	sdelay $0x1  }
0x991: {  	[tilespmem:v3+s3+$0x0] =	vst.idx.add.f32.msk $0xffff, v4  }
0x992: {  	v4 =	vld.idx.msk [tilespmem:v5+s1+$0x0], $0xffff;
	_ =	sdelay $0x4  }
0x993: {  	v6 =	vshrl.u32 v4, $0x3  }
0x994: {  	v6 =	vmul.u32 $0xC00, v6  }
0x995: {  	v4 =	vshll.u32 v4, $0x7  }
0x996: {  	v4 =	vand.u32 $0x380, v4;
	v6 =	vadd.s32 v0, v6  }
0x997: {  	v4 =	vor.u32 v4, v6  }
0x998: {  	v4 =	vor.u32 v63, v4;
	_ =	sdelay $0x4  }
0x999: {  	[tilespmem:v4+s3+$0x0] =	vst.idx.add.f32.msk $0xffff, v59  }
0x99a: {  	v4 =	vld.idx.msk [tilespmem:v5+s29+$0x0], $0xffff;
	_ =	sdelay $0x4  }
0x99b: {  	v4 =	vadd.s32 $0x6, v4  }
0x99c: {  	v6 =	vshrl.u32 v4, $0x3  }
0x99d: {  	v6 =	vmul.u32 $0xC00, v6  }
0x99e: {  	v4 =	vshll.u32 v4, $0x7  }
0x99f: {  	v4 =	vand.u32 $0x380, v4;
	v6 =	vadd.s32 v0, v6  }
0x9a0: {  	v4 =	vor.u32 v4, v6  }
0x9a1: {  	v4 =	vor.u32 v63, v4;
	_ =	sdelay $0x4  }
0x9a2: {  	[tilespmem:v4+s3+$0x0] =	vst.idx.add.f32.msk $0xffff, v59  }
0x9a3: {  	v4 =	vld.idx.msk [tilespmem:v5+s30+$0x0], $0xffff;
	_ =	sdelay $0x4  }
0x9a4: {  	v4 =	vadd.s32 $0xB, v4  }
0x9a5: {  	v6 =	vshrl.u32 v4, $0x3  }
0x9a6: {  	v6 =	vmul.u32 $0xC00, v6  }
0x9a7: {  	v4 =	vshll.u32 v4, $0x7  }
0x9a8: {  	v4 =	vand.u32 $0x380, v4;
	v6 =	vadd.s32 v0, v6  }
0x9a9: {  	v4 =	vor.u32 v4, v6  }
0x9aa: {  	v4 =	vor.u32 v63, v4;
	_ =	sdelay $0x4  }
0x9ab: {  	[tilespmem:v4+s3+$0x0] =	vst.idx.add.f32.msk $0xffff, v59  }
0x9ac: {  	v4 =	vld.idx.msk [tilespmem:v5+s31+$0x0], $0xffff;
	_ =	sdelay $0x4  }
0x9ad: {  	vm12 =	veq.s32 v4, $0x0  }
0x9ae: {  	v4 =	vsel vm12, $0x0, v23  }
0x9af: {  	v4 =	vor.u32 v4, v63  }
0x9b0: {  	v4 =	vor.u32 v1, v4;
	_ =	sdelay $0x4  }
0x9b1: {  	[tilespmem:v4+s3+$0x0] =	vst.idx.add.f32.msk $0xffff, v59  }
0x9b2: {  	v4 =	vld.idx.msk [tilespmem:v5+s0+$0x0], $0xffff;
	_ =	sdelay $0x4  }
0x9b3: {  	v4 =	vmul.f32 v4, v59;
	_ =	sdelay $0x1  }
0x9b4: {  	[tilespmem:v2+s3+$0x0] =	vst.idx.add.f32.msk $0xffff, v4  }
0x9b5: {  	v4 =	vld.idx.msk [tilespmem:v5+s2+$0x0], $0xffff;
	_ =	sdelay $0x2  }
0x9b6: {  	v5 =	vadd.s32 s7, v40;
	_ =	sdelay $0x1  }
0x9b7: {  	v4 =	vmul.f32 v4, v59;
	_ =	sdelay $0x1  }
0x9b8: {  	[tilespmem:v3+s3+$0x0] =	vst.idx.add.f32.msk $0xffff, v4  }
0x9b9: {  	v4 =	vld.idx.msk [tilespmem:v5+s1+$0x0], $0xffff;
	_ =	sdelay $0x4  }
0x9ba: {  	v6 =	vshrl.u32 v4, $0x3  }
0x9bb: {  	v6 =	vmul.u32 $0xC00, v6  }
0x9bc: {  	v4 =	vshll.u32 v4, $0x7  }
0x9bd: {  	v4 =	vand.u32 $0x380, v4;
	v6 =	vadd.s32 v0, v6  }
0x9be: {  	v4 =	vor.u32 v4, v6  }
0x9bf: {  	v4 =	vor.u32 v63, v4;
	_ =	sdelay $0x4  }
0x9c0: {  	[tilespmem:v4+s3+$0x0] =	vst.idx.add.f32.msk $0xffff, v60  }
0x9c1: {  	v4 =	vld.idx.msk [tilespmem:v5+s29+$0x0], $0xffff;
	_ =	sdelay $0x4  }
0x9c2: {  	v4 =	vadd.s32 $0x6, v4  }
0x9c3: {  	v6 =	vshrl.u32 v4, $0x3  }
0x9c4: {  	v6 =	vmul.u32 $0xC00, v6  }
0x9c5: {  	v4 =	vshll.u32 v4, $0x7  }
0x9c6: {  	v4 =	vand.u32 $0x380, v4;
	v6 =	vadd.s32 v0, v6  }
0x9c7: {  	v4 =	vor.u32 v4, v6  }
0x9c8: {  	v4 =	vor.u32 v63, v4;
	_ =	sdelay $0x4  }
0x9c9: {  	[tilespmem:v4+s3+$0x0] =	vst.idx.add.f32.msk $0xffff, v60  }
0x9ca: {  	v4 =	vld.idx.msk [tilespmem:v5+s30+$0x0], $0xffff;
	_ =	sdelay $0x4  }
0x9cb: {  	v4 =	vadd.s32 $0xB, v4  }
0x9cc: {  	v6 =	vshrl.u32 v4, $0x3  }
0x9cd: {  	v6 =	vmul.u32 $0xC00, v6  }
0x9ce: {  	v4 =	vshll.u32 v4, $0x7  }
0x9cf: {  	v4 =	vand.u32 $0x380, v4;
	v6 =	vadd.s32 v0, v6  }
0x9d0: {  	v4 =	vor.u32 v4, v6  }
0x9d1: {  	v4 =	vor.u32 v63, v4;
	_ =	sdelay $0x4  }
0x9d2: {  	[tilespmem:v4+s3+$0x0] =	vst.idx.add.f32.msk $0xffff, v60  }
0x9d3: {  	v4 =	vld.idx.msk [tilespmem:v5+s31+$0x0], $0xffff;
	_ =	sdelay $0x4  }
0x9d4: {  	vm13 =	veq.s32 v4, $0x0  }
0x9d5: {  	v4 =	vsel vm13, $0x0, v23  }
0x9d6: {  	v4 =	vor.u32 v4, v63  }
0x9d7: {  	v4 =	vor.u32 v1, v4;
	_ =	sdelay $0x4  }
0x9d8: {  	[tilespmem:v4+s3+$0x0] =	vst.idx.add.f32.msk $0xffff, v60  }
0x9d9: {  	v4 =	vld.idx.msk [tilespmem:v5+s0+$0x0], $0xffff;
	_ =	sdelay $0x4  }
0x9da: {  	v4 =	vmul.f32 v4, v60;
	_ =	sdelay $0x1  }
0x9db: {  	[tilespmem:v2+s3+$0x0] =	vst.idx.add.f32.msk $0xffff, v4  }
0x9dc: {  	v4 =	vld.idx.msk [tilespmem:v5+s2+$0x0], $0xffff;
	_ =	sdelay $0x2  }
0x9dd: {  	v5 =	vadd.s32 s7, v41;
	_ =	sdelay $0x1  }
0x9de: {  	v4 =	vmul.f32 v4, v60;
	_ =	sdelay $0x1  }
0x9df: {  	[tilespmem:v3+s3+$0x0] =	vst.idx.add.f32.msk $0xffff, v4  }
0x9e0: {  	v4 =	vld.idx.msk [tilespmem:v5+s1+$0x0], $0xffff;
	_ =	sdelay $0x4  }
0x9e1: {  	v6 =	vshrl.u32 v4, $0x3  }
0x9e2: {  	v6 =	vmul.u32 $0xC00, v6  }
0x9e3: {  	v4 =	vshll.u32 v4, $0x7  }
0x9e4: {  	v4 =	vand.u32 $0x380, v4;
	v6 =	vadd.s32 v0, v6  }
0x9e5: {  	v4 =	vor.u32 v4, v6  }
0x9e6: {  	v4 =	vor.u32 v63, v4;
	_ =	sdelay $0x4  }
0x9e7: {  	[tilespmem:v4+s3+$0x0] =	vst.idx.add.f32.msk $0xffff, v61  }
0x9e8: {  	v4 =	vld.idx.msk [tilespmem:v5+s29+$0x0], $0xffff;
	_ =	sdelay $0x4  }
0x9e9: {  	v4 =	vadd.s32 $0x6, v4  }
0x9ea: {  	v6 =	vshrl.u32 v4, $0x3  }
0x9eb: {  	v6 =	vmul.u32 $0xC00, v6  }
0x9ec: {  	v4 =	vshll.u32 v4, $0x7  }
0x9ed: {  	v4 =	vand.u32 $0x380, v4;
	v6 =	vadd.s32 v0, v6  }
0x9ee: {  	v4 =	vor.u32 v4, v6  }
0x9ef: {  	v4 =	vor.u32 v63, v4;
	_ =	sdelay $0x4  }
0x9f0: {  	[tilespmem:v4+s3+$0x0] =	vst.idx.add.f32.msk $0xffff, v61  }
0x9f1: {  	v4 =	vld.idx.msk [tilespmem:v5+s30+$0x0], $0xffff;
	_ =	sdelay $0x4  }
0x9f2: {  	v4 =	vadd.s32 $0xB, v4  }
0x9f3: {  	v6 =	vshrl.u32 v4, $0x3  }
0x9f4: {  	v6 =	vmul.u32 $0xC00, v6  }
0x9f5: {  	v4 =	vshll.u32 v4, $0x7  }
0x9f6: {  	v4 =	vand.u32 $0x380, v4;
	v6 =	vadd.s32 v0, v6  }
0x9f7: {  	v4 =	vor.u32 v4, v6  }
0x9f8: {  	v4 =	vor.u32 v63, v4;
	_ =	sdelay $0x4  }
0x9f9: {  	[tilespmem:v4+s3+$0x0] =	vst.idx.add.f32.msk $0xffff, v61  }
0x9fa: {  	v4 =	vld.idx.msk [tilespmem:v5+s31+$0x0], $0xffff;
	_ =	sdelay $0x4  }
0x9fb: {  	vm14 =	veq.s32 v4, $0x0  }
0x9fc: {  	v4 =	vsel vm14, $0x0, v23  }
0x9fd: {  	v4 =	vor.u32 v4, v63  }
0x9fe: {  	v4 =	vor.u32 v1, v4;
	_ =	sdelay $0x4  }
0x9ff: {  	[tilespmem:v4+s3+$0x0] =	vst.idx.add.f32.msk $0xffff, v61  }
0xa00: {  	v4 =	vld.idx.msk [tilespmem:v5+s0+$0x0], $0xffff;
	_ =	sdelay $0x4  }
0xa01: {  	v4 =	vmul.f32 v4, v61;
	_ =	sdelay $0x1  }
0xa02: {  	[tilespmem:v2+s3+$0x0] =	vst.idx.add.f32.msk $0xffff, v4  }
0xa03: {  	v4 =	vld.idx.msk [tilespmem:v5+s2+$0x0], $0xffff;
	_ =	sdelay $0x2  }
0xa04: {  	v5 =	vadd.s32 s7, v42;
	_ =	sdelay $0x1  }
0xa05: {  	v4 =	vmul.f32 v4, v61;
	_ =	sdelay $0x1  }
0xa06: {  	[tilespmem:v3+s3+$0x0] =	vst.idx.add.f32.msk $0xffff, v4  }
0xa07: {  	v4 =	vld.idx.msk [tilespmem:v5+s1+$0x0], $0xffff;
	_ =	sdelay $0x4  }
0xa08: {  	v6 =	vshrl.u32 v4, $0x3  }
0xa09: {  	v6 =	vmul.u32 $0xC00, v6  }
0xa0a: {  	v4 =	vshll.u32 v4, $0x7  }
0xa0b: {  	v4 =	vand.u32 $0x380, v4;
	v6 =	vadd.s32 v0, v6  }
0xa0c: {  	v4 =	vor.u32 v4, v6  }
0xa0d: {  	v4 =	vor.u32 v63, v4;
	_ =	sdelay $0x4  }
0xa0e: {  	[tilespmem:v4+s3+$0x0] =	vst.idx.add.f32.msk $0xffff, v62  }
0xa0f: {  	v4 =	vld.idx.msk [tilespmem:v5+s29+$0x0], $0xffff;
	_ =	sdelay $0x4  }
0xa10: {  	v4 =	vadd.s32 $0x6, v4  }
0xa11: {  	v6 =	vshrl.u32 v4, $0x3  }
0xa12: {  	v6 =	vmul.u32 $0xC00, v6  }
0xa13: {  	v4 =	vshll.u32 v4, $0x7  }
0xa14: {  	v4 =	vand.u32 $0x380, v4;
	v6 =	vadd.s32 v0, v6  }
0xa15: {  	v4 =	vor.u32 v4, v6  }
0xa16: {  	v4 =	vor.u32 v63, v4;
	_ =	sdelay $0x4  }
0xa17: {  	[tilespmem:v4+s3+$0x0] =	vst.idx.add.f32.msk $0xffff, v62  }
0xa18: {  	v4 =	vld.idx.msk [tilespmem:v5+s30+$0x0], $0xffff;
	_ =	sdelay $0x4  }
0xa19: {  	v4 =	vadd.s32 $0xB, v4  }
0xa1a: {  	v6 =	vshrl.u32 v4, $0x3  }
0xa1b: {  	v6 =	vmul.u32 $0xC00, v6  }
0xa1c: {  	v4 =	vshll.u32 v4, $0x7  }
0xa1d: {  	v4 =	vand.u32 $0x380, v4;
	v0 =	vadd.s32 v0, v6  }
0xa1e: {  	v0 =	vor.u32 v4, v0  }
0xa1f: {  	v0 =	vor.u32 v63, v0;
	_ =	sdelay $0x4  }
0xa20: {  	[tilespmem:v0+s3+$0x0] =	vst.idx.add.f32.msk $0xffff, v62  }
0xa21: {  	v0 =	vld.idx.msk [tilespmem:v5+s31+$0x0], $0xffff;
	_ =	sdelay $0x4  }
0xa22: {  	vm15 =	veq.s32 v0, $0x0  }
0xa23: {  	v0 =	vsel vm15, $0x0, v23  }
0xa24: {  	v0 =	vor.u32 v0, v63  }
0xa25: {  	v0 =	vor.u32 v1, v0;
	_ =	sdelay $0x4  }
0xa26: {  	[tilespmem:v0+s3+$0x0] =	vst.idx.add.f32.msk $0xffff, v62  }
0xa27: {  	v0 =	vld.idx.msk [tilespmem:v5+s0+$0x0], $0xffff;
	_ =	sdelay $0x4  }
0xa28: {  	v0 =	vmul.f32 v0, v62;
	_ =	sdelay $0x1  }
0xa29: {  	[tilespmem:v2+s3+$0x0] =	vst.idx.add.f32.msk $0xffff, v0  }
0xa2a: {  	v0 =	vld.idx.msk [tilespmem:v5+s2+$0x0], $0xffff;
	_ =	sdelay $0x1  }
0xa2b: {  	p0 =	sne.s32 s8, $0x170  }
.Ltmp5:
0xa2c: {  	_ = 	snop;
	(pc) =	sbr.rel @p0 .LBB2_12-.Ltmp5, $3  }
0xa2d: {  	_ = 	snop  }
0xa2e: {  	v0 =	vmul.f32 v0, v62;
	_ =	sdelay $0x1  }
0xa2f: {  	s8 =	sadd.s32 $0x10, s8;
	s7 =	sadd.s32 $0x140, s7;
	[tilespmem:v3+s3+$0x0] =	vst.idx.add.f32.msk $0xffff, v0  }
0xa30: {  	s6 =	sadd.s32 $0x1, s6  }
0xa31: {  	p0 =	sne.s32 s6, s25  }
.Ltmp6:
0xa32: {  	_ = 	snop;
	(pc) =	sbr.rel @p0 .LBB2_1-.Ltmp6, $4  }
0xa33: {  	[hbm4b:s24+s4] =	stream.strided.scatter [tilespmem:s3], [sflag:$0x1], $0x2400, s5, s4, $0x38;
	[tilespmem:$0xD880] =	vst v63  }
0xa34: {  	_ =	swait.ge [sflag:s28], $0x2400  }
0xa35: {  	[sflag:s28] =	ssyncset.done $0x0  }
0xa36: {  	[sflag:s28] =	ssyncadd.s32 $0xFFFFDC00  }
0xa37: {  	_ =	sfence.sel $0x180000  }
0xa38: {  	[bflag:$0x0] =	sbarrier.arrive $0xFFFF  }
0xa39: {  	_ =	strace $0x90000047  }
0xa3a: {  	s0 =	stileid.u32;
	[bflag:$0x2] =	sbarrier.arrive $0xFFFF  }
0xa3b: {  	p0 =	sne.s32 s0, $0x0;
	s0 =	rddreg [dreg:$0x2]  }
0xa3c: {  	s0 =	sadd.s32 @!p0 $0x100000, s0  }
0xa3d: {  	[sflag:s0] =	ssyncadd.tile.s32 @!p0 $0x1;
	_ =	shalt  }
.Lfunc_end2:
_tile_overlayer_lowered:
.L_overlay_start_2:
0xa3e: {  	(tag) =	ssettag $0x2  }
0xa3f: {  	s0 =	rddreg [dreg:$0x0];
	s2 =	stileid.u32  }
0xa40: {  	s1 =	rddreg [dreg:$0x1];
	p0 =	sne.s32 s2, $0x0  }
0xa41: {  	s3 =	rddreg [dreg:$0x2];
	[bflag:$0x3] =	sbarrier.arrive $0xFFFF;
	s2 =	simm.s32 @!p0 $0x1C01  }
0xa42: {  	[timem:s3], [sflag:s2] =	dma.local @!p0 [hbm:s0], s1  }
0xa43: {  	s0 =	simm.s32 @!p0 $0x1  }
0xa44: {  	_ =	swait.ge @!p0 [sflag:s0], s1  }
0xa45: {  	s1 =	ssub.s32 @!p0 $0x0, s1;
	[sflag:s0] =	ssyncset.done @!p0 $0x0  }
0xa46: {  	[sflag:s0] =	ssyncadd.s32 @!p0 s1  }
0xa47: {  	[bflag:$0x3] =	sbarrier.arrive $0xFFFF  }
0xa48: {  	_ =	shalt  }

</sc_bundles>
